<compile_context>
chip_gen: v7x
topology: tpu7x:2x2x1
jax: 0.10.2.dev20260603
libtpu: 0.0.44.dev20260713+nightly
codegen_flags: <defaults>
</compile_context>

<pallas_src>
import functools

import jax
import jax.numpy as jnp
from jax import lax
from jax.experimental import pallas as pl
from jax.experimental.pallas import tpu as pltpu
from jax.experimental.pallas import tpu_sc as plsc

V_DIM = 100000
EMB_DIM = 64
BATCH = 4096
CTX = 50

NUM_CORES = 2
NUM_SUBCORES = 16
NW = NUM_CORES * NUM_SUBCORES
BPW = BATCH // NW
CHUNK = 16
NCHUNK = BPW // CHUNK
ROWS = CHUNK * CTX
LANES = 16
NVREG = EMB_DIM // LANES
UNROLL = 10
SCALE = 1.0 / CTX

_mesh = plsc.VectorSubcoreMesh(core_axis_name="c", subcore_axis_name="s")


@functools.partial(
    pl.kernel,
    out_type=jax.ShapeDtypeStruct((BATCH, EMB_DIM), jnp.float32),
    mesh=_mesh,
    compiler_params=pltpu.CompilerParams(use_tc_tiling_on_sc=False),
    scratch_types=[
        pltpu.VMEM((NCHUNK, ROWS), jnp.int32),
        pltpu.VMEM((2, ROWS, EMB_DIM), jnp.float32),
        pltpu.VMEM((BPW, EMB_DIM), jnp.float32),
        pltpu.SemaphoreType.DMA,
        pltpu.SemaphoreType.DMA,
    ],
)
def _cbow_sc(idx_hbm, table_hbm, out_hbm, idx_v, rows_v, out_v, sem0, sem1):
    wid = lax.axis_index("s") * NUM_CORES + lax.axis_index("c")
    sems = (sem0, sem1)

    pltpu.sync_copy(idx_hbm.at[wid], idx_v)

    def start_gather(ch):
        buf = ch % 2
        return pltpu.async_copy(
            table_hbm.at[idx_v.at[ch]], rows_v.at[buf], sems[buf])

    handles = [start_gather(0)]
    for ch in range(NCHUNK):
        if ch + 1 < NCHUNK:
            handles.append(start_gather(ch + 1))
        handles[ch].wait()
        buf = ch % 2
        rv = rows_v.at[buf]

        def row_body(r, _, ch=ch, rv=rv):
            base = r * CTX

            def body(t, acc):
                row0 = base + t * UNROLL
                acc = list(acc)
                for u in range(UNROLL):
                    for k in range(NVREG):
                        bank = (u % 2) * NVREG + k
                        acc[bank] = acc[bank] + rv[
                            row0 + u, pl.ds(k * LANES, LANES)]
                return tuple(acc)

            acc0 = tuple(
                jnp.zeros((LANES,), jnp.float32) for _ in range(2 * NVREG))
            acc = lax.fori_loop(0, CTX // UNROLL, body, acc0)
            orow = ch * CHUNK + r
            for k in range(NVREG):
                out_v[orow, pl.ds(k * LANES, LANES)] = (
                    acc[k] + acc[NVREG + k]) * SCALE
            return 0

        lax.fori_loop(0, CHUNK, row_body, 0)

    pltpu.sync_copy(out_v, out_hbm.at[pl.ds(wid * BPW, BPW)])


def kernel(x, embeddings):
    idx = x.astype(jnp.int32).reshape(NW, NCHUNK, ROWS)
    return _cbow_sc(idx, embeddings)

# --- scband reference (transcript-rebuilt; emitter-appended) ---
"""Pipeline reference for scband-cbow-16973710754357 (READ-ONLY COPY).

The authoritative reference and input builder live on the scoring server;
editing this copy changes nothing except your own understanding.
"""

import jax, jax.numpy as jnp
import numpy as np

V_DIM = 100000
EMB_DIM = 64
BATCH = 4096
CTX = 50

def setup_inputs(seed: int = 0) -> dict:
    key = jax.random.key(seed)
    k1, k2 = jax.random.split(key)
    x = jax.random.randint(k1, (BATCH, CTX), 0, V_DIM, dtype=jnp.int64)
    # embeddings.weight.data.normal_(0, 0.1)
    embeddings = jax.random.normal(k2, (V_DIM, EMB_DIM), dtype=jnp.float32) * 0.1
    return {"x": x, "embeddings": embeddings}

def reference(x, embeddings):
    # o = self.embeddings(x)  -> gather rows
    o = jnp.take(embeddings, x, axis=0)  # [B, L, D]
    # o = torch.mean(o, dim=1)
    o = jnp.mean(o, axis=1)  # [B, D]
    return o

if __name__ == "__main__":
    import jax
    _d = setup_inputs()
    print(jax.jit(kernel)(*tuple(_d.values())))

</pallas_src>

<mosaic_0001>
#map = affine_map<(d0, d1) -> (0, 0, 0)>
#map1 = affine_map<(d0, d1) -> (0, 0)>
module attributes {stable_mosaic.version = 14 : i64} {
  func.func @_cbow_sc(%arg0: i32, %arg1: i32, %arg2: memref<32x8x800xi32, #tpu.memory_space<hbm>>, %arg3: memref<100000x64xf32, #tpu.memory_space<hbm>>, %arg4: memref<4096x64xf32, #tpu.memory_space<hbm>>, %arg5: memref<8x800xi32, #tpu.memory_space<vmem>>, %arg6: memref<2x800x64xf32, #tpu.memory_space<vmem>>, %arg7: memref<128x64xf32, #tpu.memory_space<vmem>>, %arg8: memref<!tpu.dma_semaphore, #tpu.memory_space<semaphore_mem>>, %arg9: memref<!tpu.dma_semaphore, #tpu.memory_space<semaphore_mem>>) attributes {dimension_semantics = [#tpu.dimension_semantics<core_parallel>, #tpu.dimension_semantics<subcore_parallel>], iteration_bounds = array<i64: 2, 16>, scalar_prefetch = 0 : i64, scratch_operands = 5 : i64, tpu.core_type = #tpu.core_type<sc_vector_subcore>, window_params = [{transform_indices = #map}, {transform_indices = #map1}, {transform_indices = #map1}]} {
    %mul3A = arith.constant 2 : i32
    %mul3A_0 = arith.muli %arg1, %mul3A : i32
    %add3A = arith.addi %mul3A_0, %arg0 : i32
    "tpu.region"() ({
      %run_scoped3A = tpu.sem_alloc : memref<!tpu.dma_semaphore, #tpu.memory_space<semaphore_mem>>
      %dma_start3A_256 = arith.constant 0 : i32
      %dma_start3A_257 = arith.constant 0 : i32
      %dma_start3A_258 = tpu.memref_slice %arg2[%add3A, %dma_start3A_256, %dma_start3A_257] : memref<32x8x800xi32, #tpu.memory_space<hbm>> -> memref<1x8x800xi32, #tpu.memory_space<hbm>>
      %dma_start3A_259 = tpu.memref_squeeze %dma_start3A_258 : memref<1x8x800xi32, #tpu.memory_space<hbm>> -> memref<8x800xi32, #tpu.memory_space<hbm>>
      %dma_start3A_260 = arith.constant 0 : i32
      %dma_start3A_261 = arith.constant 0 : i32
      %dma_start3A_262 = tpu.memref_slice %arg2[%add3A, %dma_start3A_260, %dma_start3A_261] : memref<32x8x800xi32, #tpu.memory_space<hbm>> -> memref<1x8x800xi32, #tpu.memory_space<hbm>>
      %dma_start3A_263 = tpu.memref_squeeze %dma_start3A_262 : memref<1x8x800xi32, #tpu.memory_space<hbm>> -> memref<8x800xi32, #tpu.memory_space<hbm>>
      tpu.enqueue_dma source(%dma_start3A_263 : memref<8x800xi32, #tpu.memory_space<hbm>>) target(%arg5 : memref<8x800xi32, #tpu.memory_space<vmem>>) target_semaphore(%run_scoped3A : memref<!tpu.dma_semaphore, #tpu.memory_space<semaphore_mem>>)
      %dma_wait3A_264 = arith.constant 0 : i32
      %dma_wait3A_265 = arith.constant 0 : i32
      %dma_wait3A_266 = tpu.memref_slice %arg2[%add3A, %dma_wait3A_264, %dma_wait3A_265] : memref<32x8x800xi32, #tpu.memory_space<hbm>> -> memref<1x8x800xi32, #tpu.memory_space<hbm>>
      %dma_wait3A_267 = tpu.memref_squeeze %dma_wait3A_266 : memref<1x8x800xi32, #tpu.memory_space<hbm>> -> memref<8x800xi32, #tpu.memory_space<hbm>>
      %dma_wait3A_268 = arith.constant 0 : i32
      %dma_wait3A_269 = arith.constant 0 : i32
      %dma_wait3A_270 = tpu.memref_slice %arg2[%add3A, %dma_wait3A_268, %dma_wait3A_269] : memref<32x8x800xi32, #tpu.memory_space<hbm>> -> memref<1x8x800xi32, #tpu.memory_space<hbm>>
      %dma_wait3A_271 = tpu.memref_squeeze %dma_wait3A_270 : memref<1x8x800xi32, #tpu.memory_space<hbm>> -> memref<8x800xi32, #tpu.memory_space<hbm>>
      tpu.wait_dma2 semaphore(%run_scoped3A : memref<!tpu.dma_semaphore, #tpu.memory_space<semaphore_mem>>) src(%dma_wait3A_271 : memref<8x800xi32, #tpu.memory_space<hbm>>) dst(%arg5 : memref<8x800xi32, #tpu.memory_space<vmem>>)
      tpu.yield
    }) : () -> ()
    %dma_start3A = arith.constant 0 : i32
    %dma_start3A_1 = arith.constant 0 : i32
    %dma_start3A_2 = arith.constant 0 : i32
    %dma_start3A_3 = arith.constant 0 : i32
    %dma_start3A_4 = tpu.memref_slice %arg6[%dma_start3A_1, %dma_start3A_2, %dma_start3A_3] : memref<2x800x64xf32, #tpu.memory_space<vmem>> -> memref<1x800x64xf32, #tpu.memory_space<vmem>>
    %dma_start3A_5 = tpu.memref_squeeze %dma_start3A_4 : memref<1x800x64xf32, #tpu.memory_space<vmem>> -> memref<800x64xf32, #tpu.memory_space<vmem>>
    %dma_start3A_6 = arith.constant 0 : i32
    %dma_start3A_7 = tpu.memref_slice %arg5[%dma_start3A, %dma_start3A_6] : memref<8x800xi32, #tpu.memory_space<vmem>> -> memref<1x800xi32, #tpu.memory_space<vmem>>
    %dma_start3A_8 = tpu.memref_squeeze %dma_start3A_7 : memref<1x800xi32, #tpu.memory_space<vmem>> -> memref<800xi32, #tpu.memory_space<vmem>>
    %dma_start3A_9 = arith.constant 0 : i32
    %dma_start3A_10 = arith.constant 0 : i32
    %dma_start3A_11 = tpu.memref_slice %arg3[%dma_start3A_9, %dma_start3A_10] : memref<100000x64xf32, #tpu.memory_space<hbm>> -> memref<100000x64xf32, #tpu.memory_space<hbm>>
    tpu.enqueue_indirect_dma source(%dma_start3A_11 : memref<100000x64xf32, #tpu.memory_space<hbm>>) target(%dma_start3A_5 : memref<800x64xf32, #tpu.memory_space<vmem>>) offsets(%dma_start3A_8 : memref<800xi32, #tpu.memory_space<vmem>>) semaphore(%arg8 : memref<!tpu.dma_semaphore, #tpu.memory_space<semaphore_mem>>)
    %dma_start3A_12 = arith.constant 1 : i32
    %dma_start3A_13 = arith.constant 1 : i32
    %dma_start3A_14 = arith.constant 0 : i32
    %dma_start3A_15 = arith.constant 0 : i32
    %dma_start3A_16 = tpu.memref_slice %arg6[%dma_start3A_13, %dma_start3A_14, %dma_start3A_15] : memref<2x800x64xf32, #tpu.memory_space<vmem>> -> memref<1x800x64xf32, #tpu.memory_space<vmem>>
    %dma_start3A_17 = tpu.memref_squeeze %dma_start3A_16 : memref<1x800x64xf32, #tpu.memory_space<vmem>> -> memref<800x64xf32, #tpu.memory_space<vmem>>
    %dma_start3A_18 = arith.constant 0 : i32
    %dma_start3A_19 = tpu.memref_slice %arg5[%dma_start3A_12, %dma_start3A_18] : memref<8x800xi32, #tpu.memory_space<vmem>> -> memref<1x800xi32, #tpu.memory_space<vmem>>
    %dma_start3A_20 = tpu.memref_squeeze %dma_start3A_19 : memref<1x800xi32, #tpu.memory_space<vmem>> -> memref<800xi32, #tpu.memory_space<vmem>>
    %dma_start3A_21 = arith.constant 0 : i32
    %dma_start3A_22 = arith.constant 0 : i32
    %dma_start3A_23 = tpu.memref_slice %arg3[%dma_start3A_21, %dma_start3A_22] : memref<100000x64xf32, #tpu.memory_space<hbm>> -> memref<100000x64xf32, #tpu.memory_space<hbm>>
    tpu.enqueue_indirect_dma source(%dma_start3A_23 : memref<100000x64xf32, #tpu.memory_space<hbm>>) target(%dma_start3A_17 : memref<800x64xf32, #tpu.memory_space<vmem>>) offsets(%dma_start3A_20 : memref<800xi32, #tpu.memory_space<vmem>>) semaphore(%arg9 : memref<!tpu.dma_semaphore, #tpu.memory_space<semaphore_mem>>)
    %dma_wait3A = arith.constant 0 : i32
    %dma_wait3A_24 = arith.constant 0 : i32
    %dma_wait3A_25 = arith.constant 0 : i32
    %dma_wait3A_26 = arith.constant 0 : i32
    %dma_wait3A_27 = tpu.memref_slice %arg6[%dma_wait3A_24, %dma_wait3A_25, %dma_wait3A_26] : memref<2x800x64xf32, #tpu.memory_space<vmem>> -> memref<1x800x64xf32, #tpu.memory_space<vmem>>
    %dma_wait3A_28 = tpu.memref_squeeze %dma_wait3A_27 : memref<1x800x64xf32, #tpu.memory_space<vmem>> -> memref<800x64xf32, #tpu.memory_space<vmem>>
    %dma_wait3A_29 = arith.constant 0 : i32
    %dma_wait3A_30 = tpu.memref_slice %arg5[%dma_wait3A, %dma_wait3A_29] : memref<8x800xi32, #tpu.memory_space<vmem>> -> memref<1x800xi32, #tpu.memory_space<vmem>>
    %dma_wait3A_31 = tpu.memref_squeeze %dma_wait3A_30 : memref<1x800xi32, #tpu.memory_space<vmem>> -> memref<800xi32, #tpu.memory_space<vmem>>
    %dma_wait3A_32 = arith.constant 0 : i32
    %dma_wait3A_33 = arith.constant 0 : i32
    %dma_wait3A_34 = tpu.memref_slice %arg3[%dma_wait3A_32, %dma_wait3A_33] : memref<100000x64xf32, #tpu.memory_space<hbm>> -> memref<100000x64xf32, #tpu.memory_space<hbm>>
    tpu.wait_indirect_dma semaphore(%arg8 : memref<!tpu.dma_semaphore, #tpu.memory_space<semaphore_mem>>) src(%dma_wait3A_34 : memref<100000x64xf32, #tpu.memory_space<hbm>>) dst(%dma_wait3A_28 : memref<800x64xf32, #tpu.memory_space<vmem>>)
    %scan3A = arith.constant 0 : i32
    %scan3A_35 = arith.constant 0 : i32
    %scan3A_36 = arith.constant 0 : i32
    %scan3A_37 = arith.constant 16 : i32
    %scan3A_38 = arith.addi %scan3A_36, %scan3A_37 : i32
    %scan3A_39 = arith.constant 1 : i32
    %scan3A_40 = scf.for %scan3A_256 = %scan3A_36 to %scan3A_38 step %scan3A_39 iter_args(%scan3A_257 = %scan3A_35) -> (i32)  : i32 {
      %mul3A_258 = arith.constant 50 : i32
      %mul3A_259 = arith.muli %scan3A_256, %mul3A_258 : i32
      %broadcast_in_dim3A = arith.constant 0.000000e+00 : f32
      %broadcast_in_dim3A_260 = vector.broadcast %broadcast_in_dim3A : f32 to vector<16xf32>
      %broadcast_in_dim3A_261 = arith.constant 0.000000e+00 : f32
      %broadcast_in_dim3A_262 = vector.broadcast %broadcast_in_dim3A_261 : f32 to vector<16xf32>
      %broadcast_in_dim3A_263 = arith.constant 0.000000e+00 : f32
      %broadcast_in_dim3A_264 = vector.broadcast %broadcast_in_dim3A_263 : f32 to vector<16xf32>
      %broadcast_in_dim3A_265 = arith.constant 0.000000e+00 : f32
      %broadcast_in_dim3A_266 = vector.broadcast %broadcast_in_dim3A_265 : f32 to vector<16xf32>
      %broadcast_in_dim3A_267 = arith.constant 0.000000e+00 : f32
      %broadcast_in_dim3A_268 = vector.broadcast %broadcast_in_dim3A_267 : f32 to vector<16xf32>
      %broadcast_in_dim3A_269 = arith.constant 0.000000e+00 : f32
      %broadcast_in_dim3A_270 = vector.broadcast %broadcast_in_dim3A_269 : f32 to vector<16xf32>
      %broadcast_in_dim3A_271 = arith.constant 0.000000e+00 : f32
      %broadcast_in_dim3A_272 = vector.broadcast %broadcast_in_dim3A_271 : f32 to vector<16xf32>
      %broadcast_in_dim3A_273 = arith.constant 0.000000e+00 : f32
      %broadcast_in_dim3A_274 = vector.broadcast %broadcast_in_dim3A_273 : f32 to vector<16xf32>
      %scan3A_275 = arith.constant 0 : i32
      %scan3A_276 = arith.constant 5 : i32
      %scan3A_277 = arith.addi %scan3A_275, %scan3A_276 : i32
      %scan3A_278 = arith.constant 1 : i32
      %scan3A_279:8 = scf.for %scan3A_319 = %scan3A_275 to %scan3A_277 step %scan3A_278 iter_args(%scan3A_320 = %broadcast_in_dim3A_260, %scan3A_321 = %broadcast_in_dim3A_262, %scan3A_322 = %broadcast_in_dim3A_264, %scan3A_323 = %broadcast_in_dim3A_266, %scan3A_324 = %broadcast_in_dim3A_268, %scan3A_325 = %broadcast_in_dim3A_270, %scan3A_326 = %broadcast_in_dim3A_272, %scan3A_327 = %broadcast_in_dim3A_274) -> (vector<16xf32>, vector<16xf32>, vector<16xf32>, vector<16xf32>, vector<16xf32>, vector<16xf32>, vector<16xf32>, vector<16xf32>)  : i32 {
        %mul3A_328 = arith.constant 10 : i32
        %mul3A_329 = arith.muli %scan3A_319, %mul3A_328 : i32
        %add3A_330 = arith.addi %mul3A_259, %mul3A_329 : i32
        %add3A_331 = arith.constant 0 : i32
        %add3A_332 = arith.addi %add3A_330, %add3A_331 : i32
        %get3A = arith.constant 0 : i32
        %get3A_333 = arith.constant 0 : i32
        %get3A_334 = tpu.memref_slice %arg6[%scan3A, %get3A, %get3A_333] : memref<2x800x64xf32, #tpu.memory_space<vmem>> -> memref<1x800x64xf32, #tpu.memory_space<vmem>>
        %get3A_335 = tpu.memref_squeeze %get3A_334 : memref<1x800x64xf32, #tpu.memory_space<vmem>> -> memref<800x64xf32, #tpu.memory_space<vmem>>
        %get3A_336 = arith.index_cast %add3A_332 : i32 to index
        %get3A_337 = arith.constant 0 : index
        %get3A_338 = tpu.vector_load %get3A_335[%get3A_336, %get3A_337] {strides = array<i32>} : memref<800x64xf32, #tpu.memory_space<vmem>>, vector<1x16xf32>,
        %get3A_339 = vector.shape_cast %get3A_338 : vector<1x16xf32> to vector<16xf32>
        %add3A_340 = arith.addf %scan3A_320, %get3A_339 : vector<16xf32>
        %add3A_341 = arith.constant 0 : i32
        %add3A_342 = arith.addi %add3A_330, %add3A_341 : i32
        %get3A_343 = arith.constant 0 : i32
        %get3A_344 = arith.constant 0 : i32
        %get3A_345 = tpu.memref_slice %arg6[%scan3A, %get3A_343, %get3A_344] : memref<2x800x64xf32, #tpu.memory_space<vmem>> -> memref<1x800x64xf32, #tpu.memory_space<vmem>>
        %get3A_346 = tpu.memref_squeeze %get3A_345 : memref<1x800x64xf32, #tpu.memory_space<vmem>> -> memref<800x64xf32, #tpu.memory_space<vmem>>
        %get3A_347 = arith.index_cast %add3A_342 : i32 to index
        %get3A_348 = arith.constant 16 : index
        %get3A_349 = tpu.vector_load %get3A_346[%get3A_347, %get3A_348] {strides = array<i32>} : memref<800x64xf32, #tpu.memory_space<vmem>>, vector<1x16xf32>,
        %get3A_350 = vector.shape_cast %get3A_349 : vector<1x16xf32> to vector<16xf32>
        %add3A_351 = arith.addf %scan3A_321, %get3A_350 : vector<16xf32>
        %add3A_352 = arith.constant 0 : i32
        %add3A_353 = arith.addi %add3A_330, %add3A_352 : i32
        %get3A_354 = arith.constant 0 : i32
        %get3A_355 = arith.constant 0 : i32
        %get3A_356 = tpu.memref_slice %arg6[%scan3A, %get3A_354, %get3A_355] : memref<2x800x64xf32, #tpu.memory_space<vmem>> -> memref<1x800x64xf32, #tpu.memory_space<vmem>>
        %get3A_357 = tpu.memref_squeeze %get3A_356 : memref<1x800x64xf32, #tpu.memory_space<vmem>> -> memref<800x64xf32, #tpu.memory_space<vmem>>
        %get3A_358 = arith.index_cast %add3A_353 : i32 to index
        %get3A_359 = arith.constant 32 : index
        %get3A_360 = tpu.vector_load %get3A_357[%get3A_358, %get3A_359] {strides = array<i32>} : memref<800x64xf32, #tpu.memory_space<vmem>>, vector<1x16xf32>,
        %get3A_361 = vector.shape_cast %get3A_360 : vector<1x16xf32> to vector<16xf32>
        %add3A_362 = arith.addf %scan3A_322, %get3A_361 : vector<16xf32>
        %add3A_363 = arith.constant 0 : i32
        %add3A_364 = arith.addi %add3A_330, %add3A_363 : i32
        %get3A_365 = arith.constant 0 : i32
        %get3A_366 = arith.constant 0 : i32
        %get3A_367 = tpu.memref_slice %arg6[%scan3A, %get3A_365, %get3A_366] : memref<2x800x64xf32, #tpu.memory_space<vmem>> -> memref<1x800x64xf32, #tpu.memory_space<vmem>>
        %get3A_368 = tpu.memref_squeeze %get3A_367 : memref<1x800x64xf32, #tpu.memory_space<vmem>> -> memref<800x64xf32, #tpu.memory_space<vmem>>
        %get3A_369 = arith.index_cast %add3A_364 : i32 to index
        %get3A_370 = arith.constant 48 : index
        %get3A_371 = tpu.vector_load %get3A_368[%get3A_369, %get3A_370] {strides = array<i32>} : memref<800x64xf32, #tpu.memory_space<vmem>>, vector<1x16xf32>,
        %get3A_372 = vector.shape_cast %get3A_371 : vector<1x16xf32> to vector<16xf32>
        %add3A_373 = arith.addf %scan3A_323, %get3A_372 : vector<16xf32>
        %add3A_374 = arith.constant 1 : i32
        %add3A_375 = arith.addi %add3A_330, %add3A_374 : i32
        %get3A_376 = arith.constant 0 : i32
        %get3A_377 = arith.constant 0 : i32
        %get3A_378 = tpu.memref_slice %arg6[%scan3A, %get3A_376, %get3A_377] : memref<2x800x64xf32, #tpu.memory_space<vmem>> -> memref<1x800x64xf32, #tpu.memory_space<vmem>>
        %get3A_379 = tpu.memref_squeeze %get3A_378 : memref<1x800x64xf32, #tpu.memory_space<vmem>> -> memref<800x64xf32, #tpu.memory_space<vmem>>
        %get3A_380 = arith.index_cast %add3A_375 : i32 to index
        %get3A_381 = arith.constant 0 : index
        %get3A_382 = tpu.vector_load %get3A_379[%get3A_380, %get3A_381] {strides = array<i32>} : memref<800x64xf32, #tpu.memory_space<vmem>>, vector<1x16xf32>,
        %get3A_383 = vector.shape_cast %get3A_382 : vector<1x16xf32> to vector<16xf32>
        %add3A_384 = arith.addf %scan3A_324, %get3A_383 : vector<16xf32>
        %add3A_385 = arith.constant 1 : i32
        %add3A_386 = arith.addi %add3A_330, %add3A_385 : i32
        %get3A_387 = arith.constant 0 : i32
        %get3A_388 = arith.constant 0 : i32
        %get3A_389 = tpu.memref_slice %arg6[%scan3A, %get3A_387, %get3A_388] : memref<2x800x64xf32, #tpu.memory_space<vmem>> -> memref<1x800x64xf32, #tpu.memory_space<vmem>>
        %get3A_390 = tpu.memref_squeeze %get3A_389 : memref<1x800x64xf32, #tpu.memory_space<vmem>> -> memref<800x64xf32, #tpu.memory_space<vmem>>
        %get3A_391 = arith.index_cast %add3A_386 : i32 to index
        %get3A_392 = arith.constant 16 : index
        %get3A_393 = tpu.vector_load %get3A_390[%get3A_391, %get3A_392] {strides = array<i32>} : memref<800x64xf32, #tpu.memory_space<vmem>>, vector<1x16xf32>,
        %get3A_394 = vector.shape_cast %get3A_393 : vector<1x16xf32> to vector<16xf32>
        %add3A_395 = arith.addf %scan3A_325, %get3A_394 : vector<16xf32>
        %add3A_396 = arith.constant 1 : i32
        %add3A_397 = arith.addi %add3A_330, %add3A_396 : i32
        %get3A_398 = arith.constant 0 : i32
        %get3A_399 = arith.constant 0 : i32
        %get3A_400 = tpu.memref_slice %arg6[%scan3A, %get3A_398, %get3A_399] : memref<2x800x64xf32, #tpu.memory_space<vmem>> -> memref<1x800x64xf32, #tpu.memory_space<vmem>>
        %get3A_401 = tpu.memref_squeeze %get3A_400 : memref<1x800x64xf32, #tpu.memory_space<vmem>> -> memref<800x64xf32, #tpu.memory_space<vmem>>
        %get3A_402 = arith.index_cast %add3A_397 : i32 to index
        %get3A_403 = arith.constant 32 : index
        %get3A_404 = tpu.vector_load %get3A_401[%get3A_402, %get3A_403] {strides = array<i32>} : memref<800x64xf32, #tpu.memory_space<vmem>>, vector<1x16xf32>,
        %get3A_405 = vector.shape_cast %get3A_404 : vector<1x16xf32> to vector<16xf32>
        %add3A_406 = arith.addf %scan3A_326, %get3A_405 : vector<16xf32>
        %add3A_407 = arith.constant 1 : i32
        %add3A_408 = arith.addi %add3A_330, %add3A_407 : i32
        %get3A_409 = arith.constant 0 : i32
        %get3A_410 = arith.constant 0 : i32
        %get3A_411 = tpu.memref_slice %arg6[%scan3A, %get3A_409, %get3A_410] : memref<2x800x64xf32, #tpu.memory_space<vmem>> -> memref<1x800x64xf32, #tpu.memory_space<vmem>>
        %get3A_412 = tpu.memref_squeeze %get3A_411 : memref<1x800x64xf32, #tpu.memory_space<vmem>> -> memref<800x64xf32, #tpu.memory_space<vmem>>
        %get3A_413 = arith.index_cast %add3A_408 : i32 to index
        %get3A_414 = arith.constant 48 : index
        %get3A_415 = tpu.vector_load %get3A_412[%get3A_413, %get3A_414] {strides = array<i32>} : memref<800x64xf32, #tpu.memory_space<vmem>>, vector<1x16xf32>,
        %get3A_416 = vector.shape_cast %get3A_415 : vector<1x16xf32> to vector<16xf32>
        %add3A_417 = arith.addf %scan3A_327, %get3A_416 : vector<16xf32>
        %add3A_418 = arith.constant 2 : i32
        %add3A_419 = arith.addi %add3A_330, %add3A_418 : i32
        %get3A_420 = arith.constant 0 : i32
        %get3A_421 = arith.constant 0 : i32
        %get3A_422 = tpu.memref_slice %arg6[%scan3A, %get3A_420, %get3A_421] : memref<2x800x64xf32, #tpu.memory_space<vmem>> -> memref<1x800x64xf32, #tpu.memory_space<vmem>>
        %get3A_423 = tpu.memref_squeeze %get3A_422 : memref<1x800x64xf32, #tpu.memory_space<vmem>> -> memref<800x64xf32, #tpu.memory_space<vmem>>
        %get3A_424 = arith.index_cast %add3A_419 : i32 to index
        %get3A_425 = arith.constant 0 : index
        %get3A_426 = tpu.vector_load %get3A_423[%get3A_424, %get3A_425] {strides = array<i32>} : memref<800x64xf32, #tpu.memory_space<vmem>>, vector<1x16xf32>,
        %get3A_427 = vector.shape_cast %get3A_426 : vector<1x16xf32> to vector<16xf32>
        %add3A_428 = arith.addf %add3A_340, %get3A_427 : vector<16xf32>
        %add3A_429 = arith.constant 2 : i32
        %add3A_430 = arith.addi %add3A_330, %add3A_429 : i32
        %get3A_431 = arith.constant 0 : i32
        %get3A_432 = arith.constant 0 : i32
        %get3A_433 = tpu.memref_slice %arg6[%scan3A, %get3A_431, %get3A_432] : memref<2x800x64xf32, #tpu.memory_space<vmem>> -> memref<1x800x64xf32, #tpu.memory_space<vmem>>
        %get3A_434 = tpu.memref_squeeze %get3A_433 : memref<1x800x64xf32, #tpu.memory_space<vmem>> -> memref<800x64xf32, #tpu.memory_space<vmem>>
        %get3A_435 = arith.index_cast %add3A_430 : i32 to index
        %get3A_436 = arith.constant 16 : index
        %get3A_437 = tpu.vector_load %get3A_434[%get3A_435, %get3A_436] {strides = array<i32>} : memref<800x64xf32, #tpu.memory_space<vmem>>, vector<1x16xf32>,
        %get3A_438 = vector.shape_cast %get3A_437 : vector<1x16xf32> to vector<16xf32>
        %add3A_439 = arith.addf %add3A_351, %get3A_438 : vector<16xf32>
        %add3A_440 = arith.constant 2 : i32
        %add3A_441 = arith.addi %add3A_330, %add3A_440 : i32
        %get3A_442 = arith.constant 0 : i32
        %get3A_443 = arith.constant 0 : i32
        %get3A_444 = tpu.memref_slice %arg6[%scan3A, %get3A_442, %get3A_443] : memref<2x800x64xf32, #tpu.memory_space<vmem>> -> memref<1x800x64xf32, #tpu.memory_space<vmem>>
        %get3A_445 = tpu.memref_squeeze %get3A_444 : memref<1x800x64xf32, #tpu.memory_space<vmem>> -> memref<800x64xf32, #tpu.memory_space<vmem>>
        %get3A_446 = arith.index_cast %add3A_441 : i32 to index
        %get3A_447 = arith.constant 32 : index
        %get3A_448 = tpu.vector_load %get3A_445[%get3A_446, %get3A_447] {strides = array<i32>} : memref<800x64xf32, #tpu.memory_space<vmem>>, vector<1x16xf32>,
        %get3A_449 = vector.shape_cast %get3A_448 : vector<1x16xf32> to vector<16xf32>
        %add3A_450 = arith.addf %add3A_362, %get3A_449 : vector<16xf32>
        %add3A_451 = arith.constant 2 : i32
        %add3A_452 = arith.addi %add3A_330, %add3A_451 : i32
        %get3A_453 = arith.constant 0 : i32
        %get3A_454 = arith.constant 0 : i32
        %get3A_455 = tpu.memref_slice %arg6[%scan3A, %get3A_453, %get3A_454] : memref<2x800x64xf32, #tpu.memory_space<vmem>> -> memref<1x800x64xf32, #tpu.memory_space<vmem>>
        %get3A_456 = tpu.memref_squeeze %get3A_455 : memref<1x800x64xf32, #tpu.memory_space<vmem>> -> memref<800x64xf32, #tpu.memory_space<vmem>>
        %get3A_457 = arith.index_cast %add3A_452 : i32 to index
        %get3A_458 = arith.constant 48 : index
        %get3A_459 = tpu.vector_load %get3A_456[%get3A_457, %get3A_458] {strides = array<i32>} : memref<800x64xf32, #tpu.memory_space<vmem>>, vector<1x16xf32>,
        %get3A_460 = vector.shape_cast %get3A_459 : vector<1x16xf32> to vector<16xf32>
        %add3A_461 = arith.addf %add3A_373, %get3A_460 : vector<16xf32>
        %add3A_462 = arith.constant 3 : i32
        %add3A_463 = arith.addi %add3A_330, %add3A_462 : i32
        %get3A_464 = arith.constant 0 : i32
        %get3A_465 = arith.constant 0 : i32
        %get3A_466 = tpu.memref_slice %arg6[%scan3A, %get3A_464, %get3A_465] : memref<2x800x64xf32, #tpu.memory_space<vmem>> -> memref<1x800x64xf32, #tpu.memory_space<vmem>>
        %get3A_467 = tpu.memref_squeeze %get3A_466 : memref<1x800x64xf32, #tpu.memory_space<vmem>> -> memref<800x64xf32, #tpu.memory_space<vmem>>
        %get3A_468 = arith.index_cast %add3A_463 : i32 to index
        %get3A_469 = arith.constant 0 : index
        %get3A_470 = tpu.vector_load %get3A_467[%get3A_468, %get3A_469] {strides = array<i32>} : memref<800x64xf32, #tpu.memory_space<vmem>>, vector<1x16xf32>,
        %get3A_471 = vector.shape_cast %get3A_470 : vector<1x16xf32> to vector<16xf32>
        %add3A_472 = arith.addf %add3A_384, %get3A_471 : vector<16xf32>
        %add3A_473 = arith.constant 3 : i32
        %add3A_474 = arith.addi %add3A_330, %add3A_473 : i32
        %get3A_475 = arith.constant 0 : i32
        %get3A_476 = arith.constant 0 : i32
        %get3A_477 = tpu.memref_slice %arg6[%scan3A, %get3A_475, %get3A_476] : memref<2x800x64xf32, #tpu.memory_space<vmem>> -> memref<1x800x64xf32, #tpu.memory_space<vmem>>
        %get3A_478 = tpu.memref_squeeze %get3A_477 : memref<1x800x64xf32, #tpu.memory_space<vmem>> -> memref<800x64xf32, #tpu.memory_space<vmem>>
        %get3A_479 = arith.index_cast %add3A_474 : i32 to index
        %get3A_480 = arith.constant 16 : index
        %get3A_481 = tpu.vector_load %get3A_478[%get3A_479, %get3A_480] {strides = array<i32>} : memref<800x64xf32, #tpu.memory_space<vmem>>, vector<1x16xf32>,
        %get3A_482 = vector.shape_cast %get3A_481 : vector<1x16xf32> to vector<16xf32>
        %add3A_483 = arith.addf %add3A_395, %get3A_482 : vector<16xf32>
        %add3A_484 = arith.constant 3 : i32
        %add3A_485 = arith.addi %add3A_330, %add3A_484 : i32
        %get3A_486 = arith.constant 0 : i32
        %get3A_487 = arith.constant 0 : i32
        %get3A_488 = tpu.memref_slice %arg6[%scan3A, %get3A_486, %get3A_487] : memref<2x800x64xf32, #tpu.memory_space<vmem>> -> memref<1x800x64xf32, #tpu.memory_space<vmem>>
        %get3A_489 = tpu.memref_squeeze %get3A_488 : memref<1x800x64xf32, #tpu.memory_space<vmem>> -> memref<800x64xf32, #tpu.memory_space<vmem>>
        %get3A_490 = arith.index_cast %add3A_485 : i32 to index
        %get3A_491 = arith.constant 32 : index
        %get3A_492 = tpu.vector_load %get3A_489[%get3A_490, %get3A_491] {strides = array<i32>} : memref<800x64xf32, #tpu.memory_space<vmem>>, vector<1x16xf32>,
        %get3A_493 = vector.shape_cast %get3A_492 : vector<1x16xf32> to vector<16xf32>
        %add3A_494 = arith.addf %add3A_406, %get3A_493 : vector<16xf32>
        %add3A_495 = arith.constant 3 : i32
        %add3A_496 = arith.addi %add3A_330, %add3A_495 : i32
        %get3A_497 = arith.constant 0 : i32
        %get3A_498 = arith.constant 0 : i32
        %get3A_499 = tpu.memref_slice %arg6[%scan3A, %get3A_497, %get3A_498] : memref<2x800x64xf32, #tpu.memory_space<vmem>> -> memref<1x800x64xf32, #tpu.memory_space<vmem>>
        %get3A_500 = tpu.memref_squeeze %get3A_499 : memref<1x800x64xf32, #tpu.memory_space<vmem>> -> memref<800x64xf32, #tpu.memory_space<vmem>>
        %get3A_501 = arith.index_cast %add3A_496 : i32 to index
        %get3A_502 = arith.constant 48 : index
        %get3A_503 = tpu.vector_load %get3A_500[%get3A_501, %get3A_502] {strides = array<i32>} : memref<800x64xf32, #tpu.memory_space<vmem>>, vector<1x16xf32>,
        %get3A_504 = vector.shape_cast %get3A_503 : vector<1x16xf32> to vector<16xf32>
        %add3A_505 = arith.addf %add3A_417, %get3A_504 : vector<16xf32>
        %add3A_506 = arith.constant 4 : i32
        %add3A_507 = arith.addi %add3A_330, %add3A_506 : i32
        %get3A_508 = arith.constant 0 : i32
        %get3A_509 = arith.constant 0 : i32
        %get3A_510 = tpu.memref_slice %arg6[%scan3A, %get3A_508, %get3A_509] : memref<2x800x64xf32, #tpu.memory_space<vmem>> -> memref<1x800x64xf32, #tpu.memory_space<vmem>>
        %get3A_511 = tpu.memref_squeeze %get3A_510 : memref<1x800x64xf32, #tpu.memory_space<vmem>> -> memref<800x64xf32, #tpu.memory_space<vmem>>
        %get3A_512 = arith.index_cast %add3A_507 : i32 to index
        %get3A_513 = arith.constant 0 : index
        %get3A_514 = tpu.vector_load %get3A_511[%get3A_512, %get3A_513] {strides = array<i32>} : memref<800x64xf32, #tpu.memory_space<vmem>>, vector<1x16xf32>,
        %get3A_515 = vector.shape_cast %get3A_514 : vector<1x16xf32> to vector<16xf32>
        %add3A_516 = arith.addf %add3A_428, %get3A_515 : vector<16xf32>
        %add3A_517 = arith.constant 4 : i32
        %add3A_518 = arith.addi %add3A_330, %add3A_517 : i32
        %get3A_519 = arith.constant 0 : i32
        %get3A_520 = arith.constant 0 : i32
        %get3A_521 = tpu.memref_slice %arg6[%scan3A, %get3A_519, %get3A_520] : memref<2x800x64xf32, #tpu.memory_space<vmem>> -> memref<1x800x64xf32, #tpu.memory_space<vmem>>
        %get3A_522 = tpu.memref_squeeze %get3A_521 : memref<1x800x64xf32, #tpu.memory_space<vmem>> -> memref<800x64xf32, #tpu.memory_space<vmem>>
        %get3A_523 = arith.index_cast %add3A_518 : i32 to index
        %get3A_524 = arith.constant 16 : index
        %get3A_525 = tpu.vector_load %get3A_522[%get3A_523, %get3A_524] {strides = array<i32>} : memref<800x64xf32, #tpu.memory_space<vmem>>, vector<1x16xf32>,
        %get3A_526 = vector.shape_cast %get3A_525 : vector<1x16xf32> to vector<16xf32>
        %add3A_527 = arith.addf %add3A_439, %get3A_526 : vector<16xf32>
        %add3A_528 = arith.constant 4 : i32
        %add3A_529 = arith.addi %add3A_330, %add3A_528 : i32
        %get3A_530 = arith.constant 0 : i32
        %get3A_531 = arith.constant 0 : i32
        %get3A_532 = tpu.memref_slice %arg6[%scan3A, %get3A_530, %get3A_531] : memref<2x800x64xf32, #tpu.memory_space<vmem>> -> memref<1x800x64xf32, #tpu.memory_space<vmem>>
        %get3A_533 = tpu.memref_squeeze %get3A_532 : memref<1x800x64xf32, #tpu.memory_space<vmem>> -> memref<800x64xf32, #tpu.memory_space<vmem>>
        %get3A_534 = arith.index_cast %add3A_529 : i32 to index
        %get3A_535 = arith.constant 32 : index
        %get3A_536 = tpu.vector_load %get3A_533[%get3A_534, %get3A_535] {strides = array<i32>} : memref<800x64xf32, #tpu.memory_space<vmem>>, vector<1x16xf32>,
        %get3A_537 = vector.shape_cast %get3A_536 : vector<1x16xf32> to vector<16xf32>
        %add3A_538 = arith.addf %add3A_450, %get3A_537 : vector<16xf32>
        %add3A_539 = arith.constant 4 : i32
        %add3A_540 = arith.addi %add3A_330, %add3A_539 : i32
        %get3A_541 = arith.constant 0 : i32
        %get3A_542 = arith.constant 0 : i32
        %get3A_543 = tpu.memref_slice %arg6[%scan3A, %get3A_541, %get3A_542] : memref<2x800x64xf32, #tpu.memory_space<vmem>> -> memref<1x800x64xf32, #tpu.memory_space<vmem>>
        %get3A_544 = tpu.memref_squeeze %get3A_543 : memref<1x800x64xf32, #tpu.memory_space<vmem>> -> memref<800x64xf32, #tpu.memory_space<vmem>>
        %get3A_545 = arith.index_cast %add3A_540 : i32 to index
        %get3A_546 = arith.constant 48 : index
        %get3A_547 = tpu.vector_load %get3A_544[%get3A_545, %get3A_546] {strides = array<i32>} : memref<800x64xf32, #tpu.memory_space<vmem>>, vector<1x16xf32>,
        %get3A_548 = vector.shape_cast %get3A_547 : vector<1x16xf32> to vector<16xf32>
        %add3A_549 = arith.addf %add3A_461, %get3A_548 : vector<16xf32>
        %add3A_550 = arith.constant 5 : i32
        %add3A_551 = arith.addi %add3A_330, %add3A_550 : i32
        %get3A_552 = arith.constant 0 : i32
        %get3A_553 = arith.constant 0 : i32
        %get3A_554 = tpu.memref_slice %arg6[%scan3A, %get3A_552, %get3A_553] : memref<2x800x64xf32, #tpu.memory_space<vmem>> -> memref<1x800x64xf32, #tpu.memory_space<vmem>>
        %get3A_555 = tpu.memref_squeeze %get3A_554 : memref<1x800x64xf32, #tpu.memory_space<vmem>> -> memref<800x64xf32, #tpu.memory_space<vmem>>
        %get3A_556 = arith.index_cast %add3A_551 : i32 to index
        %get3A_557 = arith.constant 0 : index
        %get3A_558 = tpu.vector_load %get3A_555[%get3A_556, %get3A_557] {strides = array<i32>} : memref<800x64xf32, #tpu.memory_space<vmem>>, vector<1x16xf32>,
        %get3A_559 = vector.shape_cast %get3A_558 : vector<1x16xf32> to vector<16xf32>
        %add3A_560 = arith.addf %add3A_472, %get3A_559 : vector<16xf32>
        %add3A_561 = arith.constant 5 : i32
        %add3A_562 = arith.addi %add3A_330, %add3A_561 : i32
        %get3A_563 = arith.constant 0 : i32
        %get3A_564 = arith.constant 0 : i32
        %get3A_565 = tpu.memref_slice %arg6[%scan3A, %get3A_563, %get3A_564] : memref<2x800x64xf32, #tpu.memory_space<vmem>> -> memref<1x800x64xf32, #tpu.memory_space<vmem>>
        %get3A_566 = tpu.memref_squeeze %get3A_565 : memref<1x800x64xf32, #tpu.memory_space<vmem>> -> memref<800x64xf32, #tpu.memory_space<vmem>>
        %get3A_567 = arith.index_cast %add3A_562 : i32 to index
        %get3A_568 = arith.constant 16 : index
        %get3A_569 = tpu.vector_load %get3A_566[%get3A_567, %get3A_568] {strides = array<i32>} : memref<800x64xf32, #tpu.memory_space<vmem>>, vector<1x16xf32>,
        %get3A_570 = vector.shape_cast %get3A_569 : vector<1x16xf32> to vector<16xf32>
        %add3A_571 = arith.addf %add3A_483, %get3A_570 : vector<16xf32>
        %add3A_572 = arith.constant 5 : i32
        %add3A_573 = arith.addi %add3A_330, %add3A_572 : i32
        %get3A_574 = arith.constant 0 : i32
        %get3A_575 = arith.constant 0 : i32
        %get3A_576 = tpu.memref_slice %arg6[%scan3A, %get3A_574, %get3A_575] : memref<2x800x64xf32, #tpu.memory_space<vmem>> -> memref<1x800x64xf32, #tpu.memory_space<vmem>>
        %get3A_577 = tpu.memref_squeeze %get3A_576 : memref<1x800x64xf32, #tpu.memory_space<vmem>> -> memref<800x64xf32, #tpu.memory_space<vmem>>
        %get3A_578 = arith.index_cast %add3A_573 : i32 to index
        %get3A_579 = arith.constant 32 : index
        %get3A_580 = tpu.vector_load %get3A_577[%get3A_578, %get3A_579] {strides = array<i32>} : memref<800x64xf32, #tpu.memory_space<vmem>>, vector<1x16xf32>,
        %get3A_581 = vector.shape_cast %get3A_580 : vector<1x16xf32> to vector<16xf32>
        %add3A_582 = arith.addf %add3A_494, %get3A_581 : vector<16xf32>
        %add3A_583 = arith.constant 5 : i32
        %add3A_584 = arith.addi %add3A_330, %add3A_583 : i32
        %get3A_585 = arith.constant 0 : i32
        %get3A_586 = arith.constant 0 : i32
        %get3A_587 = tpu.memref_slice %arg6[%scan3A, %get3A_585, %get3A_586] : memref<2x800x64xf32, #tpu.memory_space<vmem>> -> memref<1x800x64xf32, #tpu.memory_space<vmem>>
        %get3A_588 = tpu.memref_squeeze %get3A_587 : memref<1x800x64xf32, #tpu.memory_space<vmem>> -> memref<800x64xf32, #tpu.memory_space<vmem>>
        %get3A_589 = arith.index_cast %add3A_584 : i32 to index
        %get3A_590 = arith.constant 48 : index
        %get3A_591 = tpu.vector_load %get3A_588[%get3A_589, %get3A_590] {strides = array<i32>} : memref<800x64xf32, #tpu.memory_space<vmem>>, vector<1x16xf32>,
        %get3A_592 = vector.shape_cast %get3A_591 : vector<1x16xf32> to vector<16xf32>
        %add3A_593 = arith.addf %add3A_505, %get3A_592 : vector<16xf32>
        %add3A_594 = arith.constant 6 : i32
        %add3A_595 = arith.addi %add3A_330, %add3A_594 : i32
        %get3A_596 = arith.constant 0 : i32
        %get3A_597 = arith.constant 0 : i32
        %get3A_598 = tpu.memref_slice %arg6[%scan3A, %get3A_596, %get3A_597] : memref<2x800x64xf32, #tpu.memory_space<vmem>> -> memref<1x800x64xf32, #tpu.memory_space<vmem>>
        %get3A_599 = tpu.memref_squeeze %get3A_598 : memref<1x800x64xf32, #tpu.memory_space<vmem>> -> memref<800x64xf32, #tpu.memory_space<vmem>>
        %get3A_600 = arith.index_cast %add3A_595 : i32 to index
        %get3A_601 = arith.constant 0 : index
        %get3A_602 = tpu.vector_load %get3A_599[%get3A_600, %get3A_601] {strides = array<i32>} : memref<800x64xf32, #tpu.memory_space<vmem>>, vector<1x16xf32>,
        %get3A_603 = vector.shape_cast %get3A_602 : vector<1x16xf32> to vector<16xf32>
        %add3A_604 = arith.addf %add3A_516, %get3A_603 : vector<16xf32>
        %add3A_605 = arith.constant 6 : i32
        %add3A_606 = arith.addi %add3A_330, %add3A_605 : i32
        %get3A_607 = arith.constant 0 : i32
        %get3A_608 = arith.constant 0 : i32
        %get3A_609 = tpu.memref_slice %arg6[%scan3A, %get3A_607, %get3A_608] : memref<2x800x64xf32, #tpu.memory_space<vmem>> -> memref<1x800x64xf32, #tpu.memory_space<vmem>>
        %get3A_610 = tpu.memref_squeeze %get3A_609 : memref<1x800x64xf32, #tpu.memory_space<vmem>> -> memref<800x64xf32, #tpu.memory_space<vmem>>
        %get3A_611 = arith.index_cast %add3A_606 : i32 to index
        %get3A_612 = arith.constant 16 : index
        %get3A_613 = tpu.vector_load %get3A_610[%get3A_611, %get3A_612] {strides = array<i32>} : memref<800x64xf32, #tpu.memory_space<vmem>>, vector<1x16xf32>,
        %get3A_614 = vector.shape_cast %get3A_613 : vector<1x16xf32> to vector<16xf32>
        %add3A_615 = arith.addf %add3A_527, %get3A_614 : vector<16xf32>
        %add3A_616 = arith.constant 6 : i32
        %add3A_617 = arith.addi %add3A_330, %add3A_616 : i32
        %get3A_618 = arith.constant 0 : i32
        %get3A_619 = arith.constant 0 : i32
        %get3A_620 = tpu.memref_slice %arg6[%scan3A, %get3A_618, %get3A_619] : memref<2x800x64xf32, #tpu.memory_space<vmem>> -> memref<1x800x64xf32, #tpu.memory_space<vmem>>
        %get3A_621 = tpu.memref_squeeze %get3A_620 : memref<1x800x64xf32, #tpu.memory_space<vmem>> -> memref<800x64xf32, #tpu.memory_space<vmem>>
        %get3A_622 = arith.index_cast %add3A_617 : i32 to index
        %get3A_623 = arith.constant 32 : index
        %get3A_624 = tpu.vector_load %get3A_621[%get3A_622, %get3A_623] {strides = array<i32>} : memref<800x64xf32, #tpu.memory_space<vmem>>, vector<1x16xf32>,
        %get3A_625 = vector.shape_cast %get3A_624 : vector<1x16xf32> to vector<16xf32>
        %add3A_626 = arith.addf %add3A_538, %get3A_625 : vector<16xf32>
        %add3A_627 = arith.constant 6 : i32
        %add3A_628 = arith.addi %add3A_330, %add3A_627 : i32
        %get3A_629 = arith.constant 0 : i32
        %get3A_630 = arith.constant 0 : i32
        %get3A_631 = tpu.memref_slice %arg6[%scan3A, %get3A_629, %get3A_630] : memref<2x800x64xf32, #tpu.memory_space<vmem>> -> memref<1x800x64xf32, #tpu.memory_space<vmem>>
        %get3A_632 = tpu.memref_squeeze %get3A_631 : memref<1x800x64xf32, #tpu.memory_space<vmem>> -> memref<800x64xf32, #tpu.memory_space<vmem>>
        %get3A_633 = arith.index_cast %add3A_628 : i32 to index
        %get3A_634 = arith.constant 48 : index
        %get3A_635 = tpu.vector_load %get3A_632[%get3A_633, %get3A_634] {strides = array<i32>} : memref<800x64xf32, #tpu.memory_space<vmem>>, vector<1x16xf32>,
        %get3A_636 = vector.shape_cast %get3A_635 : vector<1x16xf32> to vector<16xf32>
        %add3A_637 = arith.addf %add3A_549, %get3A_636 : vector<16xf32>
        %add3A_638 = arith.constant 7 : i32
        %add3A_639 = arith.addi %add3A_330, %add3A_638 : i32
        %get3A_640 = arith.constant 0 : i32
        %get3A_641 = arith.constant 0 : i32
        %get3A_642 = tpu.memref_slice %arg6[%scan3A, %get3A_640, %get3A_641] : memref<2x800x64xf32, #tpu.memory_space<vmem>> -> memref<1x800x64xf32, #tpu.memory_space<vmem>>
        %get3A_643 = tpu.memref_squeeze %get3A_642 : memref<1x800x64xf32, #tpu.memory_space<vmem>> -> memref<800x64xf32, #tpu.memory_space<vmem>>
        %get3A_644 = arith.index_cast %add3A_639 : i32 to index
        %get3A_645 = arith.constant 0 : index
        %get3A_646 = tpu.vector_load %get3A_643[%get3A_644, %get3A_645] {strides = array<i32>} : memref<800x64xf32, #tpu.memory_space<vmem>>, vector<1x16xf32>,
        %get3A_647 = vector.shape_cast %get3A_646 : vector<1x16xf32> to vector<16xf32>
        %add3A_648 = arith.addf %add3A_560, %get3A_647 : vector<16xf32>
        %add3A_649 = arith.constant 7 : i32
        %add3A_650 = arith.addi %add3A_330, %add3A_649 : i32
        %get3A_651 = arith.constant 0 : i32
        %get3A_652 = arith.constant 0 : i32
        %get3A_653 = tpu.memref_slice %arg6[%scan3A, %get3A_651, %get3A_652] : memref<2x800x64xf32, #tpu.memory_space<vmem>> -> memref<1x800x64xf32, #tpu.memory_space<vmem>>
        %get3A_654 = tpu.memref_squeeze %get3A_653 : memref<1x800x64xf32, #tpu.memory_space<vmem>> -> memref<800x64xf32, #tpu.memory_space<vmem>>
        %get3A_655 = arith.index_cast %add3A_650 : i32 to index
        %get3A_656 = arith.constant 16 : index
        %get3A_657 = tpu.vector_load %get3A_654[%get3A_655, %get3A_656] {strides = array<i32>} : memref<800x64xf32, #tpu.memory_space<vmem>>, vector<1x16xf32>,
        %get3A_658 = vector.shape_cast %get3A_657 : vector<1x16xf32> to vector<16xf32>
        %add3A_659 = arith.addf %add3A_571, %get3A_658 : vector<16xf32>
        %add3A_660 = arith.constant 7 : i32
        %add3A_661 = arith.addi %add3A_330, %add3A_660 : i32
        %get3A_662 = arith.constant 0 : i32
        %get3A_663 = arith.constant 0 : i32
        %get3A_664 = tpu.memref_slice %arg6[%scan3A, %get3A_662, %get3A_663] : memref<2x800x64xf32, #tpu.memory_space<vmem>> -> memref<1x800x64xf32, #tpu.memory_space<vmem>>
        %get3A_665 = tpu.memref_squeeze %get3A_664 : memref<1x800x64xf32, #tpu.memory_space<vmem>> -> memref<800x64xf32, #tpu.memory_space<vmem>>
        %get3A_666 = arith.index_cast %add3A_661 : i32 to index
        %get3A_667 = arith.constant 32 : index
        %get3A_668 = tpu.vector_load %get3A_665[%get3A_666, %get3A_667] {strides = array<i32>} : memref<800x64xf32, #tpu.memory_space<vmem>>, vector<1x16xf32>,
        %get3A_669 = vector.shape_cast %get3A_668 : vector<1x16xf32> to vector<16xf32>
        %add3A_670 = arith.addf %add3A_582, %get3A_669 : vector<16xf32>
        %add3A_671 = arith.constant 7 : i32
        %add3A_672 = arith.addi %add3A_330, %add3A_671 : i32
        %get3A_673 = arith.constant 0 : i32
        %get3A_674 = arith.constant 0 : i32
        %get3A_675 = tpu.memref_slice %arg6[%scan3A, %get3A_673, %get3A_674] : memref<2x800x64xf32, #tpu.memory_space<vmem>> -> memref<1x800x64xf32, #tpu.memory_space<vmem>>
        %get3A_676 = tpu.memref_squeeze %get3A_675 : memref<1x800x64xf32, #tpu.memory_space<vmem>> -> memref<800x64xf32, #tpu.memory_space<vmem>>
        %get3A_677 = arith.index_cast %add3A_672 : i32 to index
        %get3A_678 = arith.constant 48 : index
        %get3A_679 = tpu.vector_load %get3A_676[%get3A_677, %get3A_678] {strides = array<i32>} : memref<800x64xf32, #tpu.memory_space<vmem>>, vector<1x16xf32>,
        %get3A_680 = vector.shape_cast %get3A_679 : vector<1x16xf32> to vector<16xf32>
        %add3A_681 = arith.addf %add3A_593, %get3A_680 : vector<16xf32>
        %add3A_682 = arith.constant 8 : i32
        %add3A_683 = arith.addi %add3A_330, %add3A_682 : i32
        %get3A_684 = arith.constant 0 : i32
        %get3A_685 = arith.constant 0 : i32
        %get3A_686 = tpu.memref_slice %arg6[%scan3A, %get3A_684, %get3A_685] : memref<2x800x64xf32, #tpu.memory_space<vmem>> -> memref<1x800x64xf32, #tpu.memory_space<vmem>>
        %get3A_687 = tpu.memref_squeeze %get3A_686 : memref<1x800x64xf32, #tpu.memory_space<vmem>> -> memref<800x64xf32, #tpu.memory_space<vmem>>
        %get3A_688 = arith.index_cast %add3A_683 : i32 to index
        %get3A_689 = arith.constant 0 : index
        %get3A_690 = tpu.vector_load %get3A_687[%get3A_688, %get3A_689] {strides = array<i32>} : memref<800x64xf32, #tpu.memory_space<vmem>>, vector<1x16xf32>,
        %get3A_691 = vector.shape_cast %get3A_690 : vector<1x16xf32> to vector<16xf32>
        %add3A_692 = arith.addf %add3A_604, %get3A_691 : vector<16xf32>
        %add3A_693 = arith.constant 8 : i32
        %add3A_694 = arith.addi %add3A_330, %add3A_693 : i32
        %get3A_695 = arith.constant 0 : i32
        %get3A_696 = arith.constant 0 : i32
        %get3A_697 = tpu.memref_slice %arg6[%scan3A, %get3A_695, %get3A_696] : memref<2x800x64xf32, #tpu.memory_space<vmem>> -> memref<1x800x64xf32, #tpu.memory_space<vmem>>
        %get3A_698 = tpu.memref_squeeze %get3A_697 : memref<1x800x64xf32, #tpu.memory_space<vmem>> -> memref<800x64xf32, #tpu.memory_space<vmem>>
        %get3A_699 = arith.index_cast %add3A_694 : i32 to index
        %get3A_700 = arith.constant 16 : index
        %get3A_701 = tpu.vector_load %get3A_698[%get3A_699, %get3A_700] {strides = array<i32>} : memref<800x64xf32, #tpu.memory_space<vmem>>, vector<1x16xf32>,
        %get3A_702 = vector.shape_cast %get3A_701 : vector<1x16xf32> to vector<16xf32>
        %add3A_703 = arith.addf %add3A_615, %get3A_702 : vector<16xf32>
        %add3A_704 = arith.constant 8 : i32
        %add3A_705 = arith.addi %add3A_330, %add3A_704 : i32
        %get3A_706 = arith.constant 0 : i32
        %get3A_707 = arith.constant 0 : i32
        %get3A_708 = tpu.memref_slice %arg6[%scan3A, %get3A_706, %get3A_707] : memref<2x800x64xf32, #tpu.memory_space<vmem>> -> memref<1x800x64xf32, #tpu.memory_space<vmem>>
        %get3A_709 = tpu.memref_squeeze %get3A_708 : memref<1x800x64xf32, #tpu.memory_space<vmem>> -> memref<800x64xf32, #tpu.memory_space<vmem>>
        %get3A_710 = arith.index_cast %add3A_705 : i32 to index
        %get3A_711 = arith.constant 32 : index
        %get3A_712 = tpu.vector_load %get3A_709[%get3A_710, %get3A_711] {strides = array<i32>} : memref<800x64xf32, #tpu.memory_space<vmem>>, vector<1x16xf32>,
        %get3A_713 = vector.shape_cast %get3A_712 : vector<1x16xf32> to vector<16xf32>
        %add3A_714 = arith.addf %add3A_626, %get3A_713 : vector<16xf32>
        %add3A_715 = arith.constant 8 : i32
        %add3A_716 = arith.addi %add3A_330, %add3A_715 : i32
        %get3A_717 = arith.constant 0 : i32
        %get3A_718 = arith.constant 0 : i32
        %get3A_719 = tpu.memref_slice %arg6[%scan3A, %get3A_717, %get3A_718] : memref<2x800x64xf32, #tpu.memory_space<vmem>> -> memref<1x800x64xf32, #tpu.memory_space<vmem>>
        %get3A_720 = tpu.memref_squeeze %get3A_719 : memref<1x800x64xf32, #tpu.memory_space<vmem>> -> memref<800x64xf32, #tpu.memory_space<vmem>>
        %get3A_721 = arith.index_cast %add3A_716 : i32 to index
        %get3A_722 = arith.constant 48 : index
        %get3A_723 = tpu.vector_load %get3A_720[%get3A_721, %get3A_722] {strides = array<i32>} : memref<800x64xf32, #tpu.memory_space<vmem>>, vector<1x16xf32>,
        %get3A_724 = vector.shape_cast %get3A_723 : vector<1x16xf32> to vector<16xf32>
        %add3A_725 = arith.addf %add3A_637, %get3A_724 : vector<16xf32>
        %add3A_726 = arith.constant 9 : i32
        %add3A_727 = arith.addi %add3A_330, %add3A_726 : i32
        %get3A_728 = arith.constant 0 : i32
        %get3A_729 = arith.constant 0 : i32
        %get3A_730 = tpu.memref_slice %arg6[%scan3A, %get3A_728, %get3A_729] : memref<2x800x64xf32, #tpu.memory_space<vmem>> -> memref<1x800x64xf32, #tpu.memory_space<vmem>>
        %get3A_731 = tpu.memref_squeeze %get3A_730 : memref<1x800x64xf32, #tpu.memory_space<vmem>> -> memref<800x64xf32, #tpu.memory_space<vmem>>
        %get3A_732 = arith.index_cast %add3A_727 : i32 to index
        %get3A_733 = arith.constant 0 : index
        %get3A_734 = tpu.vector_load %get3A_731[%get3A_732, %get3A_733] {strides = array<i32>} : memref<800x64xf32, #tpu.memory_space<vmem>>, vector<1x16xf32>,
        %get3A_735 = vector.shape_cast %get3A_734 : vector<1x16xf32> to vector<16xf32>
        %add3A_736 = arith.addf %add3A_648, %get3A_735 : vector<16xf32>
        %add3A_737 = arith.constant 9 : i32
        %add3A_738 = arith.addi %add3A_330, %add3A_737 : i32
        %get3A_739 = arith.constant 0 : i32
        %get3A_740 = arith.constant 0 : i32
        %get3A_741 = tpu.memref_slice %arg6[%scan3A, %get3A_739, %get3A_740] : memref<2x800x64xf32, #tpu.memory_space<vmem>> -> memref<1x800x64xf32, #tpu.memory_space<vmem>>
        %get3A_742 = tpu.memref_squeeze %get3A_741 : memref<1x800x64xf32, #tpu.memory_space<vmem>> -> memref<800x64xf32, #tpu.memory_space<vmem>>
        %get3A_743 = arith.index_cast %add3A_738 : i32 to index
        %get3A_744 = arith.constant 16 : index
        %get3A_745 = tpu.vector_load %get3A_742[%get3A_743, %get3A_744] {strides = array<i32>} : memref<800x64xf32, #tpu.memory_space<vmem>>, vector<1x16xf32>,
        %get3A_746 = vector.shape_cast %get3A_745 : vector<1x16xf32> to vector<16xf32>
        %add3A_747 = arith.addf %add3A_659, %get3A_746 : vector<16xf32>
        %add3A_748 = arith.constant 9 : i32
        %add3A_749 = arith.addi %add3A_330, %add3A_748 : i32
        %get3A_750 = arith.constant 0 : i32
        %get3A_751 = arith.constant 0 : i32
        %get3A_752 = tpu.memref_slice %arg6[%scan3A, %get3A_750, %get3A_751] : memref<2x800x64xf32, #tpu.memory_space<vmem>> -> memref<1x800x64xf32, #tpu.memory_space<vmem>>
        %get3A_753 = tpu.memref_squeeze %get3A_752 : memref<1x800x64xf32, #tpu.memory_space<vmem>> -> memref<800x64xf32, #tpu.memory_space<vmem>>
        %get3A_754 = arith.index_cast %add3A_749 : i32 to index
        %get3A_755 = arith.constant 32 : index
        %get3A_756 = tpu.vector_load %get3A_753[%get3A_754, %get3A_755] {strides = array<i32>} : memref<800x64xf32, #tpu.memory_space<vmem>>, vector<1x16xf32>,
        %get3A_757 = vector.shape_cast %get3A_756 : vector<1x16xf32> to vector<16xf32>
        %add3A_758 = arith.addf %add3A_670, %get3A_757 : vector<16xf32>
        %add3A_759 = arith.constant 9 : i32
        %add3A_760 = arith.addi %add3A_330, %add3A_759 : i32
        %get3A_761 = arith.constant 0 : i32
        %get3A_762 = arith.constant 0 : i32
        %get3A_763 = tpu.memref_slice %arg6[%scan3A, %get3A_761, %get3A_762] : memref<2x800x64xf32, #tpu.memory_space<vmem>> -> memref<1x800x64xf32, #tpu.memory_space<vmem>>
        %get3A_764 = tpu.memref_squeeze %get3A_763 : memref<1x800x64xf32, #tpu.memory_space<vmem>> -> memref<800x64xf32, #tpu.memory_space<vmem>>
        %get3A_765 = arith.index_cast %add3A_760 : i32 to index
        %get3A_766 = arith.constant 48 : index
        %get3A_767 = tpu.vector_load %get3A_764[%get3A_765, %get3A_766] {strides = array<i32>} : memref<800x64xf32, #tpu.memory_space<vmem>>, vector<1x16xf32>,
        %get3A_768 = vector.shape_cast %get3A_767 : vector<1x16xf32> to vector<16xf32>
        %add3A_769 = arith.addf %add3A_681, %get3A_768 : vector<16xf32>
        scf.yield %add3A_692, %add3A_703, %add3A_714, %add3A_725, %add3A_736, %add3A_747, %add3A_758, %add3A_769 : vector<16xf32>, vector<16xf32>, vector<16xf32>, vector<16xf32>, vector<16xf32>, vector<16xf32>, vector<16xf32>, vector<16xf32>
      }
      %scan3A_280 = arith.constant 5 : i32
      %add3A_281 = arith.constant 0 : i32
      %add3A_282 = arith.addi %add3A_281, %scan3A_256 : i32
      %add3A_283 = arith.addf %scan3A_279#0, %scan3A_279#4 : vector<16xf32>
      %mul3A_284 = arith.constant 2.000000e-02 : f32
      %mul3A_285 = vector.broadcast %mul3A_284 : f32 to vector<16xf32>
      %mul3A_286 = arith.mulf %add3A_283, %mul3A_285 : vector<16xf32>
      %swap3A = arith.index_cast %add3A_282 : i32 to index
      %swap3A_287 = arith.constant 0 : index
      %swap3A_288 = tpu.vector_load %arg7[%swap3A, %swap3A_287] {strides = array<i32>} : memref<128x64xf32, #tpu.memory_space<vmem>>, vector<1x16xf32>,
      %swap3A_289 = vector.shape_cast %swap3A_288 : vector<1x16xf32> to vector<16xf32>
      %swap3A_290 = vector.shape_cast %mul3A_286 : vector<16xf32> to vector<1x16xf32>
      tpu.vector_store %arg7[%swap3A, %swap3A_287], %swap3A_290 {strides = array<i32>} : memref<128x64xf32, #tpu.memory_space<vmem>>, vector<1x16xf32>,
      %add3A_291 = arith.addf %scan3A_279#1, %scan3A_279#5 : vector<16xf32>
      %mul3A_292 = arith.constant 2.000000e-02 : f32
      %mul3A_293 = vector.broadcast %mul3A_292 : f32 to vector<16xf32>
      %mul3A_294 = arith.mulf %add3A_291, %mul3A_293 : vector<16xf32>
      %swap3A_295 = arith.index_cast %add3A_282 : i32 to index
      %swap3A_296 = arith.constant 16 : index
      %swap3A_297 = tpu.vector_load %arg7[%swap3A_295, %swap3A_296] {strides = array<i32>} : memref<128x64xf32, #tpu.memory_space<vmem>>, vector<1x16xf32>,
      %swap3A_298 = vector.shape_cast %swap3A_297 : vector<1x16xf32> to vector<16xf32>
      %swap3A_299 = vector.shape_cast %mul3A_294 : vector<16xf32> to vector<1x16xf32>
      tpu.vector_store %arg7[%swap3A_295, %swap3A_296], %swap3A_299 {strides = array<i32>} : memref<128x64xf32, #tpu.memory_space<vmem>>, vector<1x16xf32>,
      %add3A_300 = arith.addf %scan3A_279#2, %scan3A_279#6 : vector<16xf32>
      %mul3A_301 = arith.constant 2.000000e-02 : f32
      %mul3A_302 = vector.broadcast %mul3A_301 : f32 to vector<16xf32>
      %mul3A_303 = arith.mulf %add3A_300, %mul3A_302 : vector<16xf32>
      %swap3A_304 = arith.index_cast %add3A_282 : i32 to index
      %swap3A_305 = arith.constant 32 : index
      %swap3A_306 = tpu.vector_load %arg7[%swap3A_304, %swap3A_305] {strides = array<i32>} : memref<128x64xf32, #tpu.memory_space<vmem>>, vector<1x16xf32>,
      %swap3A_307 = vector.shape_cast %swap3A_306 : vector<1x16xf32> to vector<16xf32>
      %swap3A_308 = vector.shape_cast %mul3A_303 : vector<16xf32> to vector<1x16xf32>
      tpu.vector_store %arg7[%swap3A_304, %swap3A_305], %swap3A_308 {strides = array<i32>} : memref<128x64xf32, #tpu.memory_space<vmem>>, vector<1x16xf32>,
      %add3A_309 = arith.addf %scan3A_279#3, %scan3A_279#7 : vector<16xf32>
      %mul3A_310 = arith.constant 2.000000e-02 : f32
      %mul3A_311 = vector.broadcast %mul3A_310 : f32 to vector<16xf32>
      %mul3A_312 = arith.mulf %add3A_309, %mul3A_311 : vector<16xf32>
      %swap3A_313 = arith.index_cast %add3A_282 : i32 to index
      %swap3A_314 = arith.constant 48 : index
      %swap3A_315 = tpu.vector_load %arg7[%swap3A_313, %swap3A_314] {strides = array<i32>} : memref<128x64xf32, #tpu.memory_space<vmem>>, vector<1x16xf32>,
      %swap3A_316 = vector.shape_cast %swap3A_315 : vector<1x16xf32> to vector<16xf32>
      %swap3A_317 = vector.shape_cast %mul3A_312 : vector<16xf32> to vector<1x16xf32>
      tpu.vector_store %arg7[%swap3A_313, %swap3A_314], %swap3A_317 {strides = array<i32>} : memref<128x64xf32, #tpu.memory_space<vmem>>, vector<1x16xf32>,
      %scan3A_318 = arith.constant 0 : i32
      scf.yield %scan3A_318 : i32
    }
    %scan3A_41 = arith.constant 16 : i32
    %dma_start3A_42 = arith.constant 2 : i32
    %dma_start3A_43 = arith.constant 0 : i32
    %dma_start3A_44 = arith.constant 0 : i32
    %dma_start3A_45 = arith.constant 0 : i32
    %dma_start3A_46 = tpu.memref_slice %arg6[%dma_start3A_43, %dma_start3A_44, %dma_start3A_45] : memref<2x800x64xf32, #tpu.memory_space<vmem>> -> memref<1x800x64xf32, #tpu.memory_space<vmem>>
    %dma_start3A_47 = tpu.memref_squeeze %dma_start3A_46 : memref<1x800x64xf32, #tpu.memory_space<vmem>> -> memref<800x64xf32, #tpu.memory_space<vmem>>
    %dma_start3A_48 = arith.constant 0 : i32
    %dma_start3A_49 = tpu.memref_slice %arg5[%dma_start3A_42, %dma_start3A_48] : memref<8x800xi32, #tpu.memory_space<vmem>> -> memref<1x800xi32, #tpu.memory_space<vmem>>
    %dma_start3A_50 = tpu.memref_squeeze %dma_start3A_49 : memref<1x800xi32, #tpu.memory_space<vmem>> -> memref<800xi32, #tpu.memory_space<vmem>>
    %dma_start3A_51 = arith.constant 0 : i32
    %dma_start3A_52 = arith.constant 0 : i32
    %dma_start3A_53 = tpu.memref_slice %arg3[%dma_start3A_51, %dma_start3A_52] : memref<100000x64xf32, #tpu.memory_space<hbm>> -> memref<100000x64xf32, #tpu.memory_space<hbm>>
    tpu.enqueue_indirect_dma source(%dma_start3A_53 : memref<100000x64xf32, #tpu.memory_space<hbm>>) target(%dma_start3A_47 : memref<800x64xf32, #tpu.memory_space<vmem>>) offsets(%dma_start3A_50 : memref<800xi32, #tpu.memory_space<vmem>>) semaphore(%arg8 : memref<!tpu.dma_semaphore, #tpu.memory_space<semaphore_mem>>)
    %dma_wait3A_54 = arith.constant 1 : i32
    %dma_wait3A_55 = arith.constant 1 : i32
    %dma_wait3A_56 = arith.constant 0 : i32
    %dma_wait3A_57 = arith.constant 0 : i32
    %dma_wait3A_58 = tpu.memref_slice %arg6[%dma_wait3A_55, %dma_wait3A_56, %dma_wait3A_57] : memref<2x800x64xf32, #tpu.memory_space<vmem>> -> memref<1x800x64xf32, #tpu.memory_space<vmem>>
    %dma_wait3A_59 = tpu.memref_squeeze %dma_wait3A_58 : memref<1x800x64xf32, #tpu.memory_space<vmem>> -> memref<800x64xf32, #tpu.memory_space<vmem>>
    %dma_wait3A_60 = arith.constant 0 : i32
    %dma_wait3A_61 = tpu.memref_slice %arg5[%dma_wait3A_54, %dma_wait3A_60] : memref<8x800xi32, #tpu.memory_space<vmem>> -> memref<1x800xi32, #tpu.memory_space<vmem>>
    %dma_wait3A_62 = tpu.memref_squeeze %dma_wait3A_61 : memref<1x800xi32, #tpu.memory_space<vmem>> -> memref<800xi32, #tpu.memory_space<vmem>>
    %dma_wait3A_63 = arith.constant 0 : i32
    %dma_wait3A_64 = arith.constant 0 : i32
    %dma_wait3A_65 = tpu.memref_slice %arg3[%dma_wait3A_63, %dma_wait3A_64] : memref<100000x64xf32, #tpu.memory_space<hbm>> -> memref<100000x64xf32, #tpu.memory_space<hbm>>
    tpu.wait_indirect_dma semaphore(%arg9 : memref<!tpu.dma_semaphore, #tpu.memory_space<semaphore_mem>>) src(%dma_wait3A_65 : memref<100000x64xf32, #tpu.memory_space<hbm>>) dst(%dma_wait3A_59 : memref<800x64xf32, #tpu.memory_space<vmem>>)
    %scan3A_66 = arith.constant 1 : i32
    %scan3A_67 = arith.constant 0 : i32
    %scan3A_68 = arith.constant 0 : i32
    %scan3A_69 = arith.constant 16 : i32
    %scan3A_70 = arith.addi %scan3A_68, %scan3A_69 : i32
    %scan3A_71 = arith.constant 1 : i32
    %scan3A_72 = scf.for %scan3A_256 = %scan3A_68 to %scan3A_70 step %scan3A_71 iter_args(%scan3A_257 = %scan3A_67) -> (i32)  : i32 {
      %mul3A_258 = arith.constant 50 : i32
      %mul3A_259 = arith.muli %scan3A_256, %mul3A_258 : i32
      %broadcast_in_dim3A = arith.constant 0.000000e+00 : f32
      %broadcast_in_dim3A_260 = vector.broadcast %broadcast_in_dim3A : f32 to vector<16xf32>
      %broadcast_in_dim3A_261 = arith.constant 0.000000e+00 : f32
      %broadcast_in_dim3A_262 = vector.broadcast %broadcast_in_dim3A_261 : f32 to vector<16xf32>
      %broadcast_in_dim3A_263 = arith.constant 0.000000e+00 : f32
      %broadcast_in_dim3A_264 = vector.broadcast %broadcast_in_dim3A_263 : f32 to vector<16xf32>
      %broadcast_in_dim3A_265 = arith.constant 0.000000e+00 : f32
      %broadcast_in_dim3A_266 = vector.broadcast %broadcast_in_dim3A_265 : f32 to vector<16xf32>
      %broadcast_in_dim3A_267 = arith.constant 0.000000e+00 : f32
      %broadcast_in_dim3A_268 = vector.broadcast %broadcast_in_dim3A_267 : f32 to vector<16xf32>
      %broadcast_in_dim3A_269 = arith.constant 0.000000e+00 : f32
      %broadcast_in_dim3A_270 = vector.broadcast %broadcast_in_dim3A_269 : f32 to vector<16xf32>
      %broadcast_in_dim3A_271 = arith.constant 0.000000e+00 : f32
      %broadcast_in_dim3A_272 = vector.broadcast %broadcast_in_dim3A_271 : f32 to vector<16xf32>
      %broadcast_in_dim3A_273 = arith.constant 0.000000e+00 : f32
      %broadcast_in_dim3A_274 = vector.broadcast %broadcast_in_dim3A_273 : f32 to vector<16xf32>
      %scan3A_275 = arith.constant 0 : i32
      %scan3A_276 = arith.constant 5 : i32
      %scan3A_277 = arith.addi %scan3A_275, %scan3A_276 : i32
      %scan3A_278 = arith.constant 1 : i32
      %scan3A_279:8 = scf.for %scan3A_319 = %scan3A_275 to %scan3A_277 step %scan3A_278 iter_args(%scan3A_320 = %broadcast_in_dim3A_260, %scan3A_321 = %broadcast_in_dim3A_262, %scan3A_322 = %broadcast_in_dim3A_264, %scan3A_323 = %broadcast_in_dim3A_266, %scan3A_324 = %broadcast_in_dim3A_268, %scan3A_325 = %broadcast_in_dim3A_270, %scan3A_326 = %broadcast_in_dim3A_272, %scan3A_327 = %broadcast_in_dim3A_274) -> (vector<16xf32>, vector<16xf32>, vector<16xf32>, vector<16xf32>, vector<16xf32>, vector<16xf32>, vector<16xf32>, vector<16xf32>)  : i32 {
        %mul3A_328 = arith.constant 10 : i32
        %mul3A_329 = arith.muli %scan3A_319, %mul3A_328 : i32
        %add3A_330 = arith.addi %mul3A_259, %mul3A_329 : i32
        %add3A_331 = arith.constant 0 : i32
        %add3A_332 = arith.addi %add3A_330, %add3A_331 : i32
        %get3A = arith.constant 0 : i32
        %get3A_333 = arith.constant 0 : i32
        %get3A_334 = tpu.memref_slice %arg6[%scan3A_66, %get3A, %get3A_333] : memref<2x800x64xf32, #tpu.memory_space<vmem>> -> memref<1x800x64xf32, #tpu.memory_space<vmem>>
        %get3A_335 = tpu.memref_squeeze %get3A_334 : memref<1x800x64xf32, #tpu.memory_space<vmem>> -> memref<800x64xf32, #tpu.memory_space<vmem>>
        %get3A_336 = arith.index_cast %add3A_332 : i32 to index
        %get3A_337 = arith.constant 0 : index
        %get3A_338 = tpu.vector_load %get3A_335[%get3A_336, %get3A_337] {strides = array<i32>} : memref<800x64xf32, #tpu.memory_space<vmem>>, vector<1x16xf32>,
        %get3A_339 = vector.shape_cast %get3A_338 : vector<1x16xf32> to vector<16xf32>
        %add3A_340 = arith.addf %scan3A_320, %get3A_339 : vector<16xf32>
        %add3A_341 = arith.constant 0 : i32
        %add3A_342 = arith.addi %add3A_330, %add3A_341 : i32
        %get3A_343 = arith.constant 0 : i32
        %get3A_344 = arith.constant 0 : i32
        %get3A_345 = tpu.memref_slice %arg6[%scan3A_66, %get3A_343, %get3A_344] : memref<2x800x64xf32, #tpu.memory_space<vmem>> -> memref<1x800x64xf32, #tpu.memory_space<vmem>>
        %get3A_346 = tpu.memref_squeeze %get3A_345 : memref<1x800x64xf32, #tpu.memory_space<vmem>> -> memref<800x64xf32, #tpu.memory_space<vmem>>
        %get3A_347 = arith.index_cast %add3A_342 : i32 to index
        %get3A_348 = arith.constant 16 : index
        %get3A_349 = tpu.vector_load %get3A_346[%get3A_347, %get3A_348] {strides = array<i32>} : memref<800x64xf32, #tpu.memory_space<vmem>>, vector<1x16xf32>,
        %get3A_350 = vector.shape_cast %get3A_349 : vector<1x16xf32> to vector<16xf32>
        %add3A_351 = arith.addf %scan3A_321, %get3A_350 : vector<16xf32>
        %add3A_352 = arith.constant 0 : i32
        %add3A_353 = arith.addi %add3A_330, %add3A_352 : i32
        %get3A_354 = arith.constant 0 : i32
        %get3A_355 = arith.constant 0 : i32
        %get3A_356 = tpu.memref_slice %arg6[%scan3A_66, %get3A_354, %get3A_355] : memref<2x800x64xf32, #tpu.memory_space<vmem>> -> memref<1x800x64xf32, #tpu.memory_space<vmem>>
        %get3A_357 = tpu.memref_squeeze %get3A_356 : memref<1x800x64xf32, #tpu.memory_space<vmem>> -> memref<800x64xf32, #tpu.memory_space<vmem>>
        %get3A_358 = arith.index_cast %add3A_353 : i32 to index
        %get3A_359 = arith.constant 32 : index
        %get3A_360 = tpu.vector_load %get3A_357[%get3A_358, %get3A_359] {strides = array<i32>} : memref<800x64xf32, #tpu.memory_space<vmem>>, vector<1x16xf32>,
        %get3A_361 = vector.shape_cast %get3A_360 : vector<1x16xf32> to vector<16xf32>
        %add3A_362 = arith.addf %scan3A_322, %get3A_361 : vector<16xf32>
        %add3A_363 = arith.constant 0 : i32
        %add3A_364 = arith.addi %add3A_330, %add3A_363 : i32
        %get3A_365 = arith.constant 0 : i32
        %get3A_366 = arith.constant 0 : i32
        %get3A_367 = tpu.memref_slice %arg6[%scan3A_66, %get3A_365, %get3A_366] : memref<2x800x64xf32, #tpu.memory_space<vmem>> -> memref<1x800x64xf32, #tpu.memory_space<vmem>>
        %get3A_368 = tpu.memref_squeeze %get3A_367 : memref<1x800x64xf32, #tpu.memory_space<vmem>> -> memref<800x64xf32, #tpu.memory_space<vmem>>
        %get3A_369 = arith.index_cast %add3A_364 : i32 to index
        %get3A_370 = arith.constant 48 : index
        %get3A_371 = tpu.vector_load %get3A_368[%get3A_369, %get3A_370] {strides = array<i32>} : memref<800x64xf32, #tpu.memory_space<vmem>>, vector<1x16xf32>,
        %get3A_372 = vector.shape_cast %get3A_371 : vector<1x16xf32> to vector<16xf32>
        %add3A_373 = arith.addf %scan3A_323, %get3A_372 : vector<16xf32>
        %add3A_374 = arith.constant 1 : i32
        %add3A_375 = arith.addi %add3A_330, %add3A_374 : i32
        %get3A_376 = arith.constant 0 : i32
        %get3A_377 = arith.constant 0 : i32
        %get3A_378 = tpu.memref_slice %arg6[%scan3A_66, %get3A_376, %get3A_377] : memref<2x800x64xf32, #tpu.memory_space<vmem>> -> memref<1x800x64xf32, #tpu.memory_space<vmem>>
        %get3A_379 = tpu.memref_squeeze %get3A_378 : memref<1x800x64xf32, #tpu.memory_space<vmem>> -> memref<800x64xf32, #tpu.memory_space<vmem>>
        %get3A_380 = arith.index_cast %add3A_375 : i32 to index
        %get3A_381 = arith.constant 0 : index
        %get3A_382 = tpu.vector_load %get3A_379[%get3A_380, %get3A_381] {strides = array<i32>} : memref<800x64xf32, #tpu.memory_space<vmem>>, vector<1x16xf32>,
        %get3A_383 = vector.shape_cast %get3A_382 : vector<1x16xf32> to vector<16xf32>
        %add3A_384 = arith.addf %scan3A_324, %get3A_383 : vector<16xf32>
        %add3A_385 = arith.constant 1 : i32
        %add3A_386 = arith.addi %add3A_330, %add3A_385 : i32
        %get3A_387 = arith.constant 0 : i32
        %get3A_388 = arith.constant 0 : i32
        %get3A_389 = tpu.memref_slice %arg6[%scan3A_66, %get3A_387, %get3A_388] : memref<2x800x64xf32, #tpu.memory_space<vmem>> -> memref<1x800x64xf32, #tpu.memory_space<vmem>>
        %get3A_390 = tpu.memref_squeeze %get3A_389 : memref<1x800x64xf32, #tpu.memory_space<vmem>> -> memref<800x64xf32, #tpu.memory_space<vmem>>
        %get3A_391 = arith.index_cast %add3A_386 : i32 to index
        %get3A_392 = arith.constant 16 : index
        %get3A_393 = tpu.vector_load %get3A_390[%get3A_391, %get3A_392] {strides = array<i32>} : memref<800x64xf32, #tpu.memory_space<vmem>>, vector<1x16xf32>,
        %get3A_394 = vector.shape_cast %get3A_393 : vector<1x16xf32> to vector<16xf32>
        %add3A_395 = arith.addf %scan3A_325, %get3A_394 : vector<16xf32>
        %add3A_396 = arith.constant 1 : i32
        %add3A_397 = arith.addi %add3A_330, %add3A_396 : i32
        %get3A_398 = arith.constant 0 : i32
        %get3A_399 = arith.constant 0 : i32
        %get3A_400 = tpu.memref_slice %arg6[%scan3A_66, %get3A_398, %get3A_399] : memref<2x800x64xf32, #tpu.memory_space<vmem>> -> memref<1x800x64xf32, #tpu.memory_space<vmem>>
        %get3A_401 = tpu.memref_squeeze %get3A_400 : memref<1x800x64xf32, #tpu.memory_space<vmem>> -> memref<800x64xf32, #tpu.memory_space<vmem>>
        %get3A_402 = arith.index_cast %add3A_397 : i32 to index
        %get3A_403 = arith.constant 32 : index
        %get3A_404 = tpu.vector_load %get3A_401[%get3A_402, %get3A_403] {strides = array<i32>} : memref<800x64xf32, #tpu.memory_space<vmem>>, vector<1x16xf32>,
        %get3A_405 = vector.shape_cast %get3A_404 : vector<1x16xf32> to vector<16xf32>
        %add3A_406 = arith.addf %scan3A_326, %get3A_405 : vector<16xf32>
        %add3A_407 = arith.constant 1 : i32
        %add3A_408 = arith.addi %add3A_330, %add3A_407 : i32
        %get3A_409 = arith.constant 0 : i32
        %get3A_410 = arith.constant 0 : i32
        %get3A_411 = tpu.memref_slice %arg6[%scan3A_66, %get3A_409, %get3A_410] : memref<2x800x64xf32, #tpu.memory_space<vmem>> -> memref<1x800x64xf32, #tpu.memory_space<vmem>>
        %get3A_412 = tpu.memref_squeeze %get3A_411 : memref<1x800x64xf32, #tpu.memory_space<vmem>> -> memref<800x64xf32, #tpu.memory_space<vmem>>
        %get3A_413 = arith.index_cast %add3A_408 : i32 to index
        %get3A_414 = arith.constant 48 : index
        %get3A_415 = tpu.vector_load %get3A_412[%get3A_413, %get3A_414] {strides = array<i32>} : memref<800x64xf32, #tpu.memory_space<vmem>>, vector<1x16xf32>,
        %get3A_416 = vector.shape_cast %get3A_415 : vector<1x16xf32> to vector<16xf32>
        %add3A_417 = arith.addf %scan3A_327, %get3A_416 : vector<16xf32>
        %add3A_418 = arith.constant 2 : i32
        %add3A_419 = arith.addi %add3A_330, %add3A_418 : i32
        %get3A_420 = arith.constant 0 : i32
        %get3A_421 = arith.constant 0 : i32
        %get3A_422 = tpu.memref_slice %arg6[%scan3A_66, %get3A_420, %get3A_421] : memref<2x800x64xf32, #tpu.memory_space<vmem>> -> memref<1x800x64xf32, #tpu.memory_space<vmem>>
        %get3A_423 = tpu.memref_squeeze %get3A_422 : memref<1x800x64xf32, #tpu.memory_space<vmem>> -> memref<800x64xf32, #tpu.memory_space<vmem>>
        %get3A_424 = arith.index_cast %add3A_419 : i32 to index
        %get3A_425 = arith.constant 0 : index
        %get3A_426 = tpu.vector_load %get3A_423[%get3A_424, %get3A_425] {strides = array<i32>} : memref<800x64xf32, #tpu.memory_space<vmem>>, vector<1x16xf32>,
        %get3A_427 = vector.shape_cast %get3A_426 : vector<1x16xf32> to vector<16xf32>
        %add3A_428 = arith.addf %add3A_340, %get3A_427 : vector<16xf32>
        %add3A_429 = arith.constant 2 : i32
        %add3A_430 = arith.addi %add3A_330, %add3A_429 : i32
        %get3A_431 = arith.constant 0 : i32
        %get3A_432 = arith.constant 0 : i32
        %get3A_433 = tpu.memref_slice %arg6[%scan3A_66, %get3A_431, %get3A_432] : memref<2x800x64xf32, #tpu.memory_space<vmem>> -> memref<1x800x64xf32, #tpu.memory_space<vmem>>
        %get3A_434 = tpu.memref_squeeze %get3A_433 : memref<1x800x64xf32, #tpu.memory_space<vmem>> -> memref<800x64xf32, #tpu.memory_space<vmem>>
        %get3A_435 = arith.index_cast %add3A_430 : i32 to index
        %get3A_436 = arith.constant 16 : index
        %get3A_437 = tpu.vector_load %get3A_434[%get3A_435, %get3A_436] {strides = array<i32>} : memref<800x64xf32, #tpu.memory_space<vmem>>, vector<1x16xf32>,
        %get3A_438 = vector.shape_cast %get3A_437 : vector<1x16xf32> to vector<16xf32>
        %add3A_439 = arith.addf %add3A_351, %get3A_438 : vector<16xf32>
        %add3A_440 = arith.constant 2 : i32
        %add3A_441 = arith.addi %add3A_330, %add3A_440 : i32
        %get3A_442 = arith.constant 0 : i32
        %get3A_443 = arith.constant 0 : i32
        %get3A_444 = tpu.memref_slice %arg6[%scan3A_66, %get3A_442, %get3A_443] : memref<2x800x64xf32, #tpu.memory_space<vmem>> -> memref<1x800x64xf32, #tpu.memory_space<vmem>>
        %get3A_445 = tpu.memref_squeeze %get3A_444 : memref<1x800x64xf32, #tpu.memory_space<vmem>> -> memref<800x64xf32, #tpu.memory_space<vmem>>
        %get3A_446 = arith.index_cast %add3A_441 : i32 to index
        %get3A_447 = arith.constant 32 : index
        %get3A_448 = tpu.vector_load %get3A_445[%get3A_446, %get3A_447] {strides = array<i32>} : memref<800x64xf32, #tpu.memory_space<vmem>>, vector<1x16xf32>,
        %get3A_449 = vector.shape_cast %get3A_448 : vector<1x16xf32> to vector<16xf32>
        %add3A_450 = arith.addf %add3A_362, %get3A_449 : vector<16xf32>
        %add3A_451 = arith.constant 2 : i32
        %add3A_452 = arith.addi %add3A_330, %add3A_451 : i32
        %get3A_453 = arith.constant 0 : i32
        %get3A_454 = arith.constant 0 : i32
        %get3A_455 = tpu.memref_slice %arg6[%scan3A_66, %get3A_453, %get3A_454] : memref<2x800x64xf32, #tpu.memory_space<vmem>> -> memref<1x800x64xf32, #tpu.memory_space<vmem>>
        %get3A_456 = tpu.memref_squeeze %get3A_455 : memref<1x800x64xf32, #tpu.memory_space<vmem>> -> memref<800x64xf32, #tpu.memory_space<vmem>>
        %get3A_457 = arith.index_cast %add3A_452 : i32 to index
        %get3A_458 = arith.constant 48 : index
        %get3A_459 = tpu.vector_load %get3A_456[%get3A_457, %get3A_458] {strides = array<i32>} : memref<800x64xf32, #tpu.memory_space<vmem>>, vector<1x16xf32>,
        %get3A_460 = vector.shape_cast %get3A_459 : vector<1x16xf32> to vector<16xf32>
        %add3A_461 = arith.addf %add3A_373, %get3A_460 : vector<16xf32>
        %add3A_462 = arith.constant 3 : i32
        %add3A_463 = arith.addi %add3A_330, %add3A_462 : i32
        %get3A_464 = arith.constant 0 : i32
        %get3A_465 = arith.constant 0 : i32
        %get3A_466 = tpu.memref_slice %arg6[%scan3A_66, %get3A_464, %get3A_465] : memref<2x800x64xf32, #tpu.memory_space<vmem>> -> memref<1x800x64xf32, #tpu.memory_space<vmem>>
        %get3A_467 = tpu.memref_squeeze %get3A_466 : memref<1x800x64xf32, #tpu.memory_space<vmem>> -> memref<800x64xf32, #tpu.memory_space<vmem>>
        %get3A_468 = arith.index_cast %add3A_463 : i32 to index
        %get3A_469 = arith.constant 0 : index
        %get3A_470 = tpu.vector_load %get3A_467[%get3A_468, %get3A_469] {strides = array<i32>} : memref<800x64xf32, #tpu.memory_space<vmem>>, vector<1x16xf32>,
        %get3A_471 = vector.shape_cast %get3A_470 : vector<1x16xf32> to vector<16xf32>
        %add3A_472 = arith.addf %add3A_384, %get3A_471 : vector<16xf32>
        %add3A_473 = arith.constant 3 : i32
        %add3A_474 = arith.addi %add3A_330, %add3A_473 : i32
        %get3A_475 = arith.constant 0 : i32
        %get3A_476 = arith.constant 0 : i32
        %get3A_477 = tpu.memref_slice %arg6[%scan3A_66, %get3A_475, %get3A_476] : memref<2x800x64xf32, #tpu.memory_space<vmem>> -> memref<1x800x64xf32, #tpu.memory_space<vmem>>
        %get3A_478 = tpu.memref_squeeze %get3A_477 : memref<1x800x64xf32, #tpu.memory_space<vmem>> -> memref<800x64xf32, #tpu.memory_space<vmem>>
        %get3A_479 = arith.index_cast %add3A_474 : i32 to index
        %get3A_480 = arith.constant 16 : index
        %get3A_481 = tpu.vector_load %get3A_478[%get3A_479, %get3A_480] {strides = array<i32>} : memref<800x64xf32, #tpu.memory_space<vmem>>, vector<1x16xf32>,
        %get3A_482 = vector.shape_cast %get3A_481 : vector<1x16xf32> to vector<16xf32>
        %add3A_483 = arith.addf %add3A_395, %get3A_482 : vector<16xf32>
        %add3A_484 = arith.constant 3 : i32
        %add3A_485 = arith.addi %add3A_330, %add3A_484 : i32
        %get3A_486 = arith.constant 0 : i32
        %get3A_487 = arith.constant 0 : i32
        %get3A_488 = tpu.memref_slice %arg6[%scan3A_66, %get3A_486, %get3A_487] : memref<2x800x64xf32, #tpu.memory_space<vmem>> -> memref<1x800x64xf32, #tpu.memory_space<vmem>>
        %get3A_489 = tpu.memref_squeeze %get3A_488 : memref<1x800x64xf32, #tpu.memory_space<vmem>> -> memref<800x64xf32, #tpu.memory_space<vmem>>
        %get3A_490 = arith.index_cast %add3A_485 : i32 to index
        %get3A_491 = arith.constant 32 : index
        %get3A_492 = tpu.vector_load %get3A_489[%get3A_490, %get3A_491] {strides = array<i32>} : memref<800x64xf32, #tpu.memory_space<vmem>>, vector<1x16xf32>,
        %get3A_493 = vector.shape_cast %get3A_492 : vector<1x16xf32> to vector<16xf32>
        %add3A_494 = arith.addf %add3A_406, %get3A_493 : vector<16xf32>
        %add3A_495 = arith.constant 3 : i32
        %add3A_496 = arith.addi %add3A_330, %add3A_495 : i32
        %get3A_497 = arith.constant 0 : i32
        %get3A_498 = arith.constant 0 : i32
        %get3A_499 = tpu.memref_slice %arg6[%scan3A_66, %get3A_497, %get3A_498] : memref<2x800x64xf32, #tpu.memory_space<vmem>> -> memref<1x800x64xf32, #tpu.memory_space<vmem>>
        %get3A_500 = tpu.memref_squeeze %get3A_499 : memref<1x800x64xf32, #tpu.memory_space<vmem>> -> memref<800x64xf32, #tpu.memory_space<vmem>>
        %get3A_501 = arith.index_cast %add3A_496 : i32 to index
        %get3A_502 = arith.constant 48 : index
        %get3A_503 = tpu.vector_load %get3A_500[%get3A_501, %get3A_502] {strides = array<i32>} : memref<800x64xf32, #tpu.memory_space<vmem>>, vector<1x16xf32>,
        %get3A_504 = vector.shape_cast %get3A_503 : vector<1x16xf32> to vector<16xf32>
        %add3A_505 = arith.addf %add3A_417, %get3A_504 : vector<16xf32>
        %add3A_506 = arith.constant 4 : i32
        %add3A_507 = arith.addi %add3A_330, %add3A_506 : i32
        %get3A_508 = arith.constant 0 : i32
        %get3A_509 = arith.constant 0 : i32
        %get3A_510 = tpu.memref_slice %arg6[%scan3A_66, %get3A_508, %get3A_509] : memref<2x800x64xf32, #tpu.memory_space<vmem>> -> memref<1x800x64xf32, #tpu.memory_space<vmem>>
        %get3A_511 = tpu.memref_squeeze %get3A_510 : memref<1x800x64xf32, #tpu.memory_space<vmem>> -> memref<800x64xf32, #tpu.memory_space<vmem>>
        %get3A_512 = arith.index_cast %add3A_507 : i32 to index
        %get3A_513 = arith.constant 0 : index
        %get3A_514 = tpu.vector_load %get3A_511[%get3A_512, %get3A_513] {strides = array<i32>} : memref<800x64xf32, #tpu.memory_space<vmem>>, vector<1x16xf32>,
        %get3A_515 = vector.shape_cast %get3A_514 : vector<1x16xf32> to vector<16xf32>
        %add3A_516 = arith.addf %add3A_428, %get3A_515 : vector<16xf32>
        %add3A_517 = arith.constant 4 : i32
        %add3A_518 = arith.addi %add3A_330, %add3A_517 : i32
        %get3A_519 = arith.constant 0 : i32
        %get3A_520 = arith.constant 0 : i32
        %get3A_521 = tpu.memref_slice %arg6[%scan3A_66, %get3A_519, %get3A_520] : memref<2x800x64xf32, #tpu.memory_space<vmem>> -> memref<1x800x64xf32, #tpu.memory_space<vmem>>
        %get3A_522 = tpu.memref_squeeze %get3A_521 : memref<1x800x64xf32, #tpu.memory_space<vmem>> -> memref<800x64xf32, #tpu.memory_space<vmem>>
        %get3A_523 = arith.index_cast %add3A_518 : i32 to index
        %get3A_524 = arith.constant 16 : index
        %get3A_525 = tpu.vector_load %get3A_522[%get3A_523, %get3A_524] {strides = array<i32>} : memref<800x64xf32, #tpu.memory_space<vmem>>, vector<1x16xf32>,
        %get3A_526 = vector.shape_cast %get3A_525 : vector<1x16xf32> to vector<16xf32>
        %add3A_527 = arith.addf %add3A_439, %get3A_526 : vector<16xf32>
        %add3A_528 = arith.constant 4 : i32
        %add3A_529 = arith.addi %add3A_330, %add3A_528 : i32
        %get3A_530 = arith.constant 0 : i32
        %get3A_531 = arith.constant 0 : i32
        %get3A_532 = tpu.memref_slice %arg6[%scan3A_66, %get3A_530, %get3A_531] : memref<2x800x64xf32, #tpu.memory_space<vmem>> -> memref<1x800x64xf32, #tpu.memory_space<vmem>>
        %get3A_533 = tpu.memref_squeeze %get3A_532 : memref<1x800x64xf32, #tpu.memory_space<vmem>> -> memref<800x64xf32, #tpu.memory_space<vmem>>
        %get3A_534 = arith.index_cast %add3A_529 : i32 to index
        %get3A_535 = arith.constant 32 : index
        %get3A_536 = tpu.vector_load %get3A_533[%get3A_534, %get3A_535] {strides = array<i32>} : memref<800x64xf32, #tpu.memory_space<vmem>>, vector<1x16xf32>,
        %get3A_537 = vector.shape_cast %get3A_536 : vector<1x16xf32> to vector<16xf32>
        %add3A_538 = arith.addf %add3A_450, %get3A_537 : vector<16xf32>
        %add3A_539 = arith.constant 4 : i32
        %add3A_540 = arith.addi %add3A_330, %add3A_539 : i32
        %get3A_541 = arith.constant 0 : i32
        %get3A_542 = arith.constant 0 : i32
        %get3A_543 = tpu.memref_slice %arg6[%scan3A_66, %get3A_541, %get3A_542] : memref<2x800x64xf32, #tpu.memory_space<vmem>> -> memref<1x800x64xf32, #tpu.memory_space<vmem>>
        %get3A_544 = tpu.memref_squeeze %get3A_543 : memref<1x800x64xf32, #tpu.memory_space<vmem>> -> memref<800x64xf32, #tpu.memory_space<vmem>>
        %get3A_545 = arith.index_cast %add3A_540 : i32 to index
        %get3A_546 = arith.constant 48 : index
        %get3A_547 = tpu.vector_load %get3A_544[%get3A_545, %get3A_546] {strides = array<i32>} : memref<800x64xf32, #tpu.memory_space<vmem>>, vector<1x16xf32>,
        %get3A_548 = vector.shape_cast %get3A_547 : vector<1x16xf32> to vector<16xf32>
        %add3A_549 = arith.addf %add3A_461, %get3A_548 : vector<16xf32>
        %add3A_550 = arith.constant 5 : i32
        %add3A_551 = arith.addi %add3A_330, %add3A_550 : i32
        %get3A_552 = arith.constant 0 : i32
        %get3A_553 = arith.constant 0 : i32
        %get3A_554 = tpu.memref_slice %arg6[%scan3A_66, %get3A_552, %get3A_553] : memref<2x800x64xf32, #tpu.memory_space<vmem>> -> memref<1x800x64xf32, #tpu.memory_space<vmem>>
        %get3A_555 = tpu.memref_squeeze %get3A_554 : memref<1x800x64xf32, #tpu.memory_space<vmem>> -> memref<800x64xf32, #tpu.memory_space<vmem>>
        %get3A_556 = arith.index_cast %add3A_551 : i32 to index
        %get3A_557 = arith.constant 0 : index
        %get3A_558 = tpu.vector_load %get3A_555[%get3A_556, %get3A_557] {strides = array<i32>} : memref<800x64xf32, #tpu.memory_space<vmem>>, vector<1x16xf32>,
        %get3A_559 = vector.shape_cast %get3A_558 : vector<1x16xf32> to vector<16xf32>
        %add3A_560 = arith.addf %add3A_472, %get3A_559 : vector<16xf32>
        %add3A_561 = arith.constant 5 : i32
        %add3A_562 = arith.addi %add3A_330, %add3A_561 : i32
        %get3A_563 = arith.constant 0 : i32
        %get3A_564 = arith.constant 0 : i32
        %get3A_565 = tpu.memref_slice %arg6[%scan3A_66, %get3A_563, %get3A_564] : memref<2x800x64xf32, #tpu.memory_space<vmem>> -> memref<1x800x64xf32, #tpu.memory_space<vmem>>
        %get3A_566 = tpu.memref_squeeze %get3A_565 : memref<1x800x64xf32, #tpu.memory_space<vmem>> -> memref<800x64xf32, #tpu.memory_space<vmem>>
        %get3A_567 = arith.index_cast %add3A_562 : i32 to index
        %get3A_568 = arith.constant 16 : index
        %get3A_569 = tpu.vector_load %get3A_566[%get3A_567, %get3A_568] {strides = array<i32>} : memref<800x64xf32, #tpu.memory_space<vmem>>, vector<1x16xf32>,
        %get3A_570 = vector.shape_cast %get3A_569 : vector<1x16xf32> to vector<16xf32>
        %add3A_571 = arith.addf %add3A_483, %get3A_570 : vector<16xf32>
        %add3A_572 = arith.constant 5 : i32
        %add3A_573 = arith.addi %add3A_330, %add3A_572 : i32
        %get3A_574 = arith.constant 0 : i32
        %get3A_575 = arith.constant 0 : i32
        %get3A_576 = tpu.memref_slice %arg6[%scan3A_66, %get3A_574, %get3A_575] : memref<2x800x64xf32, #tpu.memory_space<vmem>> -> memref<1x800x64xf32, #tpu.memory_space<vmem>>
        %get3A_577 = tpu.memref_squeeze %get3A_576 : memref<1x800x64xf32, #tpu.memory_space<vmem>> -> memref<800x64xf32, #tpu.memory_space<vmem>>
        %get3A_578 = arith.index_cast %add3A_573 : i32 to index
        %get3A_579 = arith.constant 32 : index
        %get3A_580 = tpu.vector_load %get3A_577[%get3A_578, %get3A_579] {strides = array<i32>} : memref<800x64xf32, #tpu.memory_space<vmem>>, vector<1x16xf32>,
        %get3A_581 = vector.shape_cast %get3A_580 : vector<1x16xf32> to vector<16xf32>
        %add3A_582 = arith.addf %add3A_494, %get3A_581 : vector<16xf32>
        %add3A_583 = arith.constant 5 : i32
        %add3A_584 = arith.addi %add3A_330, %add3A_583 : i32
        %get3A_585 = arith.constant 0 : i32
        %get3A_586 = arith.constant 0 : i32
        %get3A_587 = tpu.memref_slice %arg6[%scan3A_66, %get3A_585, %get3A_586] : memref<2x800x64xf32, #tpu.memory_space<vmem>> -> memref<1x800x64xf32, #tpu.memory_space<vmem>>
        %get3A_588 = tpu.memref_squeeze %get3A_587 : memref<1x800x64xf32, #tpu.memory_space<vmem>> -> memref<800x64xf32, #tpu.memory_space<vmem>>
        %get3A_589 = arith.index_cast %add3A_584 : i32 to index
        %get3A_590 = arith.constant 48 : index
        %get3A_591 = tpu.vector_load %get3A_588[%get3A_589, %get3A_590] {strides = array<i32>} : memref<800x64xf32, #tpu.memory_space<vmem>>, vector<1x16xf32>,
        %get3A_592 = vector.shape_cast %get3A_591 : vector<1x16xf32> to vector<16xf32>
        %add3A_593 = arith.addf %add3A_505, %get3A_592 : vector<16xf32>
        %add3A_594 = arith.constant 6 : i32
        %add3A_595 = arith.addi %add3A_330, %add3A_594 : i32
        %get3A_596 = arith.constant 0 : i32
        %get3A_597 = arith.constant 0 : i32
        %get3A_598 = tpu.memref_slice %arg6[%scan3A_66, %get3A_596, %get3A_597] : memref<2x800x64xf32, #tpu.memory_space<vmem>> -> memref<1x800x64xf32, #tpu.memory_space<vmem>>
        %get3A_599 = tpu.memref_squeeze %get3A_598 : memref<1x800x64xf32, #tpu.memory_space<vmem>> -> memref<800x64xf32, #tpu.memory_space<vmem>>
        %get3A_600 = arith.index_cast %add3A_595 : i32 to index
        %get3A_601 = arith.constant 0 : index
        %get3A_602 = tpu.vector_load %get3A_599[%get3A_600, %get3A_601] {strides = array<i32>} : memref<800x64xf32, #tpu.memory_space<vmem>>, vector<1x16xf32>,
        %get3A_603 = vector.shape_cast %get3A_602 : vector<1x16xf32> to vector<16xf32>
        %add3A_604 = arith.addf %add3A_516, %get3A_603 : vector<16xf32>
        %add3A_605 = arith.constant 6 : i32
        %add3A_606 = arith.addi %add3A_330, %add3A_605 : i32
        %get3A_607 = arith.constant 0 : i32
        %get3A_608 = arith.constant 0 : i32
        %get3A_609 = tpu.memref_slice %arg6[%scan3A_66, %get3A_607, %get3A_608] : memref<2x800x64xf32, #tpu.memory_space<vmem>> -> memref<1x800x64xf32, #tpu.memory_space<vmem>>
        %get3A_610 = tpu.memref_squeeze %get3A_609 : memref<1x800x64xf32, #tpu.memory_space<vmem>> -> memref<800x64xf32, #tpu.memory_space<vmem>>
        %get3A_611 = arith.index_cast %add3A_606 : i32 to index
        %get3A_612 = arith.constant 16 : index
        %get3A_613 = tpu.vector_load %get3A_610[%get3A_611, %get3A_612] {strides = array<i32>} : memref<800x64xf32, #tpu.memory_space<vmem>>, vector<1x16xf32>,
        %get3A_614 = vector.shape_cast %get3A_613 : vector<1x16xf32> to vector<16xf32>
        %add3A_615 = arith.addf %add3A_527, %get3A_614 : vector<16xf32>
        %add3A_616 = arith.constant 6 : i32
        %add3A_617 = arith.addi %add3A_330, %add3A_616 : i32
        %get3A_618 = arith.constant 0 : i32
        %get3A_619 = arith.constant 0 : i32
        %get3A_620 = tpu.memref_slice %arg6[%scan3A_66, %get3A_618, %get3A_619] : memref<2x800x64xf32, #tpu.memory_space<vmem>> -> memref<1x800x64xf32, #tpu.memory_space<vmem>>
        %get3A_621 = tpu.memref_squeeze %get3A_620 : memref<1x800x64xf32, #tpu.memory_space<vmem>> -> memref<800x64xf32, #tpu.memory_space<vmem>>
        %get3A_622 = arith.index_cast %add3A_617 : i32 to index
        %get3A_623 = arith.constant 32 : index
        %get3A_624 = tpu.vector_load %get3A_621[%get3A_622, %get3A_623] {strides = array<i32>} : memref<800x64xf32, #tpu.memory_space<vmem>>, vector<1x16xf32>,
        %get3A_625 = vector.shape_cast %get3A_624 : vector<1x16xf32> to vector<16xf32>
        %add3A_626 = arith.addf %add3A_538, %get3A_625 : vector<16xf32>
        %add3A_627 = arith.constant 6 : i32
        %add3A_628 = arith.addi %add3A_330, %add3A_627 : i32
        %get3A_629 = arith.constant 0 : i32
        %get3A_630 = arith.constant 0 : i32
        %get3A_631 = tpu.memref_slice %arg6[%scan3A_66, %get3A_629, %get3A_630] : memref<2x800x64xf32, #tpu.memory_space<vmem>> -> memref<1x800x64xf32, #tpu.memory_space<vmem>>
        %get3A_632 = tpu.memref_squeeze %get3A_631 : memref<1x800x64xf32, #tpu.memory_space<vmem>> -> memref<800x64xf32, #tpu.memory_space<vmem>>
        %get3A_633 = arith.index_cast %add3A_628 : i32 to index
        %get3A_634 = arith.constant 48 : index
        %get3A_635 = tpu.vector_load %get3A_632[%get3A_633, %get3A_634] {strides = array<i32>} : memref<800x64xf32, #tpu.memory_space<vmem>>, vector<1x16xf32>,
        %get3A_636 = vector.shape_cast %get3A_635 : vector<1x16xf32> to vector<16xf32>
        %add3A_637 = arith.addf %add3A_549, %get3A_636 : vector<16xf32>
        %add3A_638 = arith.constant 7 : i32
        %add3A_639 = arith.addi %add3A_330, %add3A_638 : i32
        %get3A_640 = arith.constant 0 : i32
        %get3A_641 = arith.constant 0 : i32
        %get3A_642 = tpu.memref_slice %arg6[%scan3A_66, %get3A_640, %get3A_641] : memref<2x800x64xf32, #tpu.memory_space<vmem>> -> memref<1x800x64xf32, #tpu.memory_space<vmem>>
        %get3A_643 = tpu.memref_squeeze %get3A_642 : memref<1x800x64xf32, #tpu.memory_space<vmem>> -> memref<800x64xf32, #tpu.memory_space<vmem>>
        %get3A_644 = arith.index_cast %add3A_639 : i32 to index
        %get3A_645 = arith.constant 0 : index
        %get3A_646 = tpu.vector_load %get3A_643[%get3A_644, %get3A_645] {strides = array<i32>} : memref<800x64xf32, #tpu.memory_space<vmem>>, vector<1x16xf32>,
        %get3A_647 = vector.shape_cast %get3A_646 : vector<1x16xf32> to vector<16xf32>
        %add3A_648 = arith.addf %add3A_560, %get3A_647 : vector<16xf32>
        %add3A_649 = arith.constant 7 : i32
        %add3A_650 = arith.addi %add3A_330, %add3A_649 : i32
        %get3A_651 = arith.constant 0 : i32
        %get3A_652 = arith.constant 0 : i32
        %get3A_653 = tpu.memref_slice %arg6[%scan3A_66, %get3A_651, %get3A_652] : memref<2x800x64xf32, #tpu.memory_space<vmem>> -> memref<1x800x64xf32, #tpu.memory_space<vmem>>
        %get3A_654 = tpu.memref_squeeze %get3A_653 : memref<1x800x64xf32, #tpu.memory_space<vmem>> -> memref<800x64xf32, #tpu.memory_space<vmem>>
        %get3A_655 = arith.index_cast %add3A_650 : i32 to index
        %get3A_656 = arith.constant 16 : index
        %get3A_657 = tpu.vector_load %get3A_654[%get3A_655, %get3A_656] {strides = array<i32>} : memref<800x64xf32, #tpu.memory_space<vmem>>, vector<1x16xf32>,
        %get3A_658 = vector.shape_cast %get3A_657 : vector<1x16xf32> to vector<16xf32>
        %add3A_659 = arith.addf %add3A_571, %get3A_658 : vector<16xf32>
        %add3A_660 = arith.constant 7 : i32
        %add3A_661 = arith.addi %add3A_330, %add3A_660 : i32
        %get3A_662 = arith.constant 0 : i32
        %get3A_663 = arith.constant 0 : i32
        %get3A_664 = tpu.memref_slice %arg6[%scan3A_66, %get3A_662, %get3A_663] : memref<2x800x64xf32, #tpu.memory_space<vmem>> -> memref<1x800x64xf32, #tpu.memory_space<vmem>>
        %get3A_665 = tpu.memref_squeeze %get3A_664 : memref<1x800x64xf32, #tpu.memory_space<vmem>> -> memref<800x64xf32, #tpu.memory_space<vmem>>
        %get3A_666 = arith.index_cast %add3A_661 : i32 to index
        %get3A_667 = arith.constant 32 : index
        %get3A_668 = tpu.vector_load %get3A_665[%get3A_666, %get3A_667] {strides = array<i32>} : memref<800x64xf32, #tpu.memory_space<vmem>>, vector<1x16xf32>,
        %get3A_669 = vector.shape_cast %get3A_668 : vector<1x16xf32> to vector<16xf32>
        %add3A_670 = arith.addf %add3A_582, %get3A_669 : vector<16xf32>
        %add3A_671 = arith.constant 7 : i32
        %add3A_672 = arith.addi %add3A_330, %add3A_671 : i32
        %get3A_673 = arith.constant 0 : i32
        %get3A_674 = arith.constant 0 : i32
        %get3A_675 = tpu.memref_slice %arg6[%scan3A_66, %get3A_673, %get3A_674] : memref<2x800x64xf32, #tpu.memory_space<vmem>> -> memref<1x800x64xf32, #tpu.memory_space<vmem>>
        %get3A_676 = tpu.memref_squeeze %get3A_675 : memref<1x800x64xf32, #tpu.memory_space<vmem>> -> memref<800x64xf32, #tpu.memory_space<vmem>>
        %get3A_677 = arith.index_cast %add3A_672 : i32 to index
        %get3A_678 = arith.constant 48 : index
        %get3A_679 = tpu.vector_load %get3A_676[%get3A_677, %get3A_678] {strides = array<i32>} : memref<800x64xf32, #tpu.memory_space<vmem>>, vector<1x16xf32>,
        %get3A_680 = vector.shape_cast %get3A_679 : vector<1x16xf32> to vector<16xf32>
        %add3A_681 = arith.addf %add3A_593, %get3A_680 : vector<16xf32>
        %add3A_682 = arith.constant 8 : i32
        %add3A_683 = arith.addi %add3A_330, %add3A_682 : i32
        %get3A_684 = arith.constant 0 : i32
        %get3A_685 = arith.constant 0 : i32
        %get3A_686 = tpu.memref_slice %arg6[%scan3A_66, %get3A_684, %get3A_685] : memref<2x800x64xf32, #tpu.memory_space<vmem>> -> memref<1x800x64xf32, #tpu.memory_space<vmem>>
        %get3A_687 = tpu.memref_squeeze %get3A_686 : memref<1x800x64xf32, #tpu.memory_space<vmem>> -> memref<800x64xf32, #tpu.memory_space<vmem>>
        %get3A_688 = arith.index_cast %add3A_683 : i32 to index
        %get3A_689 = arith.constant 0 : index
        %get3A_690 = tpu.vector_load %get3A_687[%get3A_688, %get3A_689] {strides = array<i32>} : memref<800x64xf32, #tpu.memory_space<vmem>>, vector<1x16xf32>,
        %get3A_691 = vector.shape_cast %get3A_690 : vector<1x16xf32> to vector<16xf32>
        %add3A_692 = arith.addf %add3A_604, %get3A_691 : vector<16xf32>
        %add3A_693 = arith.constant 8 : i32
        %add3A_694 = arith.addi %add3A_330, %add3A_693 : i32
        %get3A_695 = arith.constant 0 : i32
        %get3A_696 = arith.constant 0 : i32
        %get3A_697 = tpu.memref_slice %arg6[%scan3A_66, %get3A_695, %get3A_696] : memref<2x800x64xf32, #tpu.memory_space<vmem>> -> memref<1x800x64xf32, #tpu.memory_space<vmem>>
        %get3A_698 = tpu.memref_squeeze %get3A_697 : memref<1x800x64xf32, #tpu.memory_space<vmem>> -> memref<800x64xf32, #tpu.memory_space<vmem>>
        %get3A_699 = arith.index_cast %add3A_694 : i32 to index
        %get3A_700 = arith.constant 16 : index
        %get3A_701 = tpu.vector_load %get3A_698[%get3A_699, %get3A_700] {strides = array<i32>} : memref<800x64xf32, #tpu.memory_space<vmem>>, vector<1x16xf32>,
        %get3A_702 = vector.shape_cast %get3A_701 : vector<1x16xf32> to vector<16xf32>
        %add3A_703 = arith.addf %add3A_615, %get3A_702 : vector<16xf32>
        %add3A_704 = arith.constant 8 : i32
        %add3A_705 = arith.addi %add3A_330, %add3A_704 : i32
        %get3A_706 = arith.constant 0 : i32
        %get3A_707 = arith.constant 0 : i32
        %get3A_708 = tpu.memref_slice %arg6[%scan3A_66, %get3A_706, %get3A_707] : memref<2x800x64xf32, #tpu.memory_space<vmem>> -> memref<1x800x64xf32, #tpu.memory_space<vmem>>
        %get3A_709 = tpu.memref_squeeze %get3A_708 : memref<1x800x64xf32, #tpu.memory_space<vmem>> -> memref<800x64xf32, #tpu.memory_space<vmem>>
        %get3A_710 = arith.index_cast %add3A_705 : i32 to index
        %get3A_711 = arith.constant 32 : index
        %get3A_712 = tpu.vector_load %get3A_709[%get3A_710, %get3A_711] {strides = array<i32>} : memref<800x64xf32, #tpu.memory_space<vmem>>, vector<1x16xf32>,
        %get3A_713 = vector.shape_cast %get3A_712 : vector<1x16xf32> to vector<16xf32>
        %add3A_714 = arith.addf %add3A_626, %get3A_713 : vector<16xf32>
        %add3A_715 = arith.constant 8 : i32
        %add3A_716 = arith.addi %add3A_330, %add3A_715 : i32
        %get3A_717 = arith.constant 0 : i32
        %get3A_718 = arith.constant 0 : i32
        %get3A_719 = tpu.memref_slice %arg6[%scan3A_66, %get3A_717, %get3A_718] : memref<2x800x64xf32, #tpu.memory_space<vmem>> -> memref<1x800x64xf32, #tpu.memory_space<vmem>>
        %get3A_720 = tpu.memref_squeeze %get3A_719 : memref<1x800x64xf32, #tpu.memory_space<vmem>> -> memref<800x64xf32, #tpu.memory_space<vmem>>
        %get3A_721 = arith.index_cast %add3A_716 : i32 to index
        %get3A_722 = arith.constant 48 : index
        %get3A_723 = tpu.vector_load %get3A_720[%get3A_721, %get3A_722] {strides = array<i32>} : memref<800x64xf32, #tpu.memory_space<vmem>>, vector<1x16xf32>,
        %get3A_724 = vector.shape_cast %get3A_723 : vector<1x16xf32> to vector<16xf32>
        %add3A_725 = arith.addf %add3A_637, %get3A_724 : vector<16xf32>
        %add3A_726 = arith.constant 9 : i32
        %add3A_727 = arith.addi %add3A_330, %add3A_726 : i32
        %get3A_728 = arith.constant 0 : i32
        %get3A_729 = arith.constant 0 : i32
        %get3A_730 = tpu.memref_slice %arg6[%scan3A_66, %get3A_728, %get3A_729] : memref<2x800x64xf32, #tpu.memory_space<vmem>> -> memref<1x800x64xf32, #tpu.memory_space<vmem>>
        %get3A_731 = tpu.memref_squeeze %get3A_730 : memref<1x800x64xf32, #tpu.memory_space<vmem>> -> memref<800x64xf32, #tpu.memory_space<vmem>>
        %get3A_732 = arith.index_cast %add3A_727 : i32 to index
        %get3A_733 = arith.constant 0 : index
        %get3A_734 = tpu.vector_load %get3A_731[%get3A_732, %get3A_733] {strides = array<i32>} : memref<800x64xf32, #tpu.memory_space<vmem>>, vector<1x16xf32>,
        %get3A_735 = vector.shape_cast %get3A_734 : vector<1x16xf32> to vector<16xf32>
        %add3A_736 = arith.addf %add3A_648, %get3A_735 : vector<16xf32>
        %add3A_737 = arith.constant 9 : i32
        %add3A_738 = arith.addi %add3A_330, %add3A_737 : i32
        %get3A_739 = arith.constant 0 : i32
        %get3A_740 = arith.constant 0 : i32
        %get3A_741 = tpu.memref_slice %arg6[%scan3A_66, %get3A_739, %get3A_740] : memref<2x800x64xf32, #tpu.memory_space<vmem>> -> memref<1x800x64xf32, #tpu.memory_space<vmem>>
        %get3A_742 = tpu.memref_squeeze %get3A_741 : memref<1x800x64xf32, #tpu.memory_space<vmem>> -> memref<800x64xf32, #tpu.memory_space<vmem>>
        %get3A_743 = arith.index_cast %add3A_738 : i32 to index
        %get3A_744 = arith.constant 16 : index
        %get3A_745 = tpu.vector_load %get3A_742[%get3A_743, %get3A_744] {strides = array<i32>} : memref<800x64xf32, #tpu.memory_space<vmem>>, vector<1x16xf32>,
        %get3A_746 = vector.shape_cast %get3A_745 : vector<1x16xf32> to vector<16xf32>
        %add3A_747 = arith.addf %add3A_659, %get3A_746 : vector<16xf32>
        %add3A_748 = arith.constant 9 : i32
        %add3A_749 = arith.addi %add3A_330, %add3A_748 : i32
        %get3A_750 = arith.constant 0 : i32
        %get3A_751 = arith.constant 0 : i32
        %get3A_752 = tpu.memref_slice %arg6[%scan3A_66, %get3A_750, %get3A_751] : memref<2x800x64xf32, #tpu.memory_space<vmem>> -> memref<1x800x64xf32, #tpu.memory_space<vmem>>
        %get3A_753 = tpu.memref_squeeze %get3A_752 : memref<1x800x64xf32, #tpu.memory_space<vmem>> -> memref<800x64xf32, #tpu.memory_space<vmem>>
        %get3A_754 = arith.index_cast %add3A_749 : i32 to index
        %get3A_755 = arith.constant 32 : index
        %get3A_756 = tpu.vector_load %get3A_753[%get3A_754, %get3A_755] {strides = array<i32>} : memref<800x64xf32, #tpu.memory_space<vmem>>, vector<1x16xf32>,
        %get3A_757 = vector.shape_cast %get3A_756 : vector<1x16xf32> to vector<16xf32>
        %add3A_758 = arith.addf %add3A_670, %get3A_757 : vector<16xf32>
        %add3A_759 = arith.constant 9 : i32
        %add3A_760 = arith.addi %add3A_330, %add3A_759 : i32
        %get3A_761 = arith.constant 0 : i32
        %get3A_762 = arith.constant 0 : i32
        %get3A_763 = tpu.memref_slice %arg6[%scan3A_66, %get3A_761, %get3A_762] : memref<2x800x64xf32, #tpu.memory_space<vmem>> -> memref<1x800x64xf32, #tpu.memory_space<vmem>>
        %get3A_764 = tpu.memref_squeeze %get3A_763 : memref<1x800x64xf32, #tpu.memory_space<vmem>> -> memref<800x64xf32, #tpu.memory_space<vmem>>
        %get3A_765 = arith.index_cast %add3A_760 : i32 to index
        %get3A_766 = arith.constant 48 : index
        %get3A_767 = tpu.vector_load %get3A_764[%get3A_765, %get3A_766] {strides = array<i32>} : memref<800x64xf32, #tpu.memory_space<vmem>>, vector<1x16xf32>,
        %get3A_768 = vector.shape_cast %get3A_767 : vector<1x16xf32> to vector<16xf32>
        %add3A_769 = arith.addf %add3A_681, %get3A_768 : vector<16xf32>
        scf.yield %add3A_692, %add3A_703, %add3A_714, %add3A_725, %add3A_736, %add3A_747, %add3A_758, %add3A_769 : vector<16xf32>, vector<16xf32>, vector<16xf32>, vector<16xf32>, vector<16xf32>, vector<16xf32>, vector<16xf32>, vector<16xf32>
      }
      %scan3A_280 = arith.constant 5 : i32
      %add3A_281 = arith.constant 16 : i32
      %add3A_282 = arith.addi %add3A_281, %scan3A_256 : i32
      %add3A_283 = arith.addf %scan3A_279#0, %scan3A_279#4 : vector<16xf32>
      %mul3A_284 = arith.constant 2.000000e-02 : f32
      %mul3A_285 = vector.broadcast %mul3A_284 : f32 to vector<16xf32>
      %mul3A_286 = arith.mulf %add3A_283, %mul3A_285 : vector<16xf32>
      %swap3A = arith.index_cast %add3A_282 : i32 to index
      %swap3A_287 = arith.constant 0 : index
      %swap3A_288 = tpu.vector_load %arg7[%swap3A, %swap3A_287] {strides = array<i32>} : memref<128x64xf32, #tpu.memory_space<vmem>>, vector<1x16xf32>,
      %swap3A_289 = vector.shape_cast %swap3A_288 : vector<1x16xf32> to vector<16xf32>
      %swap3A_290 = vector.shape_cast %mul3A_286 : vector<16xf32> to vector<1x16xf32>
      tpu.vector_store %arg7[%swap3A, %swap3A_287], %swap3A_290 {strides = array<i32>} : memref<128x64xf32, #tpu.memory_space<vmem>>, vector<1x16xf32>,
      %add3A_291 = arith.addf %scan3A_279#1, %scan3A_279#5 : vector<16xf32>
      %mul3A_292 = arith.constant 2.000000e-02 : f32
      %mul3A_293 = vector.broadcast %mul3A_292 : f32 to vector<16xf32>
      %mul3A_294 = arith.mulf %add3A_291, %mul3A_293 : vector<16xf32>
      %swap3A_295 = arith.index_cast %add3A_282 : i32 to index
      %swap3A_296 = arith.constant 16 : index
      %swap3A_297 = tpu.vector_load %arg7[%swap3A_295, %swap3A_296] {strides = array<i32>} : memref<128x64xf32, #tpu.memory_space<vmem>>, vector<1x16xf32>,
      %swap3A_298 = vector.shape_cast %swap3A_297 : vector<1x16xf32> to vector<16xf32>
      %swap3A_299 = vector.shape_cast %mul3A_294 : vector<16xf32> to vector<1x16xf32>
      tpu.vector_store %arg7[%swap3A_295, %swap3A_296], %swap3A_299 {strides = array<i32>} : memref<128x64xf32, #tpu.memory_space<vmem>>, vector<1x16xf32>,
      %add3A_300 = arith.addf %scan3A_279#2, %scan3A_279#6 : vector<16xf32>
      %mul3A_301 = arith.constant 2.000000e-02 : f32
      %mul3A_302 = vector.broadcast %mul3A_301 : f32 to vector<16xf32>
      %mul3A_303 = arith.mulf %add3A_300, %mul3A_302 : vector<16xf32>
      %swap3A_304 = arith.index_cast %add3A_282 : i32 to index
      %swap3A_305 = arith.constant 32 : index
      %swap3A_306 = tpu.vector_load %arg7[%swap3A_304, %swap3A_305] {strides = array<i32>} : memref<128x64xf32, #tpu.memory_space<vmem>>, vector<1x16xf32>,
      %swap3A_307 = vector.shape_cast %swap3A_306 : vector<1x16xf32> to vector<16xf32>
      %swap3A_308 = vector.shape_cast %mul3A_303 : vector<16xf32> to vector<1x16xf32>
      tpu.vector_store %arg7[%swap3A_304, %swap3A_305], %swap3A_308 {strides = array<i32>} : memref<128x64xf32, #tpu.memory_space<vmem>>, vector<1x16xf32>,
      %add3A_309 = arith.addf %scan3A_279#3, %scan3A_279#7 : vector<16xf32>
      %mul3A_310 = arith.constant 2.000000e-02 : f32
      %mul3A_311 = vector.broadcast %mul3A_310 : f32 to vector<16xf32>
      %mul3A_312 = arith.mulf %add3A_309, %mul3A_311 : vector<16xf32>
      %swap3A_313 = arith.index_cast %add3A_282 : i32 to index
      %swap3A_314 = arith.constant 48 : index
      %swap3A_315 = tpu.vector_load %arg7[%swap3A_313, %swap3A_314] {strides = array<i32>} : memref<128x64xf32, #tpu.memory_space<vmem>>, vector<1x16xf32>,
      %swap3A_316 = vector.shape_cast %swap3A_315 : vector<1x16xf32> to vector<16xf32>
      %swap3A_317 = vector.shape_cast %mul3A_312 : vector<16xf32> to vector<1x16xf32>
      tpu.vector_store %arg7[%swap3A_313, %swap3A_314], %swap3A_317 {strides = array<i32>} : memref<128x64xf32, #tpu.memory_space<vmem>>, vector<1x16xf32>,
      %scan3A_318 = arith.constant 0 : i32
      scf.yield %scan3A_318 : i32
    }
    %scan3A_73 = arith.constant 16 : i32
    %dma_start3A_74 = arith.constant 3 : i32
    %dma_start3A_75 = arith.constant 1 : i32
    %dma_start3A_76 = arith.constant 0 : i32
    %dma_start3A_77 = arith.constant 0 : i32
    %dma_start3A_78 = tpu.memref_slice %arg6[%dma_start3A_75, %dma_start3A_76, %dma_start3A_77] : memref<2x800x64xf32, #tpu.memory_space<vmem>> -> memref<1x800x64xf32, #tpu.memory_space<vmem>>
    %dma_start3A_79 = tpu.memref_squeeze %dma_start3A_78 : memref<1x800x64xf32, #tpu.memory_space<vmem>> -> memref<800x64xf32, #tpu.memory_space<vmem>>
    %dma_start3A_80 = arith.constant 0 : i32
    %dma_start3A_81 = tpu.memref_slice %arg5[%dma_start3A_74, %dma_start3A_80] : memref<8x800xi32, #tpu.memory_space<vmem>> -> memref<1x800xi32, #tpu.memory_space<vmem>>
    %dma_start3A_82 = tpu.memref_squeeze %dma_start3A_81 : memref<1x800xi32, #tpu.memory_space<vmem>> -> memref<800xi32, #tpu.memory_space<vmem>>
    %dma_start3A_83 = arith.constant 0 : i32
    %dma_start3A_84 = arith.constant 0 : i32
    %dma_start3A_85 = tpu.memref_slice %arg3[%dma_start3A_83, %dma_start3A_84] : memref<100000x64xf32, #tpu.memory_space<hbm>> -> memref<100000x64xf32, #tpu.memory_space<hbm>>
    tpu.enqueue_indirect_dma source(%dma_start3A_85 : memref<100000x64xf32, #tpu.memory_space<hbm>>) target(%dma_start3A_79 : memref<800x64xf32, #tpu.memory_space<vmem>>) offsets(%dma_start3A_82 : memref<800xi32, #tpu.memory_space<vmem>>) semaphore(%arg9 : memref<!tpu.dma_semaphore, #tpu.memory_space<semaphore_mem>>)
    %dma_wait3A_86 = arith.constant 2 : i32
    %dma_wait3A_87 = arith.constant 0 : i32
    %dma_wait3A_88 = arith.constant 0 : i32
    %dma_wait3A_89 = arith.constant 0 : i32
    %dma_wait3A_90 = tpu.memref_slice %arg6[%dma_wait3A_87, %dma_wait3A_88, %dma_wait3A_89] : memref<2x800x64xf32, #tpu.memory_space<vmem>> -> memref<1x800x64xf32, #tpu.memory_space<vmem>>
    %dma_wait3A_91 = tpu.memref_squeeze %dma_wait3A_90 : memref<1x800x64xf32, #tpu.memory_space<vmem>> -> memref<800x64xf32, #tpu.memory_space<vmem>>
    %dma_wait3A_92 = arith.constant 0 : i32
    %dma_wait3A_93 = tpu.memref_slice %arg5[%dma_wait3A_86, %dma_wait3A_92] : memref<8x800xi32, #tpu.memory_space<vmem>> -> memref<1x800xi32, #tpu.memory_space<vmem>>
    %dma_wait3A_94 = tpu.memref_squeeze %dma_wait3A_93 : memref<1x800xi32, #tpu.memory_space<vmem>> -> memref<800xi32, #tpu.memory_space<vmem>>
    %dma_wait3A_95 = arith.constant 0 : i32
    %dma_wait3A_96 = arith.constant 0 : i32
    %dma_wait3A_97 = tpu.memref_slice %arg3[%dma_wait3A_95, %dma_wait3A_96] : memref<100000x64xf32, #tpu.memory_space<hbm>> -> memref<100000x64xf32, #tpu.memory_space<hbm>>
    tpu.wait_indirect_dma semaphore(%arg8 : memref<!tpu.dma_semaphore, #tpu.memory_space<semaphore_mem>>) src(%dma_wait3A_97 : memref<100000x64xf32, #tpu.memory_space<hbm>>) dst(%dma_wait3A_91 : memref<800x64xf32, #tpu.memory_space<vmem>>)
    %scan3A_98 = arith.constant 0 : i32
    %scan3A_99 = arith.constant 0 : i32
    %scan3A_100 = arith.constant 0 : i32
    %scan3A_101 = arith.constant 16 : i32
    %scan3A_102 = arith.addi %scan3A_100, %scan3A_101 : i32
    %scan3A_103 = arith.constant 1 : i32
    %scan3A_104 = scf.for %scan3A_256 = %scan3A_100 to %scan3A_102 step %scan3A_103 iter_args(%scan3A_257 = %scan3A_99) -> (i32)  : i32 {
      %mul3A_258 = arith.constant 50 : i32
      %mul3A_259 = arith.muli %scan3A_256, %mul3A_258 : i32
      %broadcast_in_dim3A = arith.constant 0.000000e+00 : f32
      %broadcast_in_dim3A_260 = vector.broadcast %broadcast_in_dim3A : f32 to vector<16xf32>
      %broadcast_in_dim3A_261 = arith.constant 0.000000e+00 : f32
      %broadcast_in_dim3A_262 = vector.broadcast %broadcast_in_dim3A_261 : f32 to vector<16xf32>
      %broadcast_in_dim3A_263 = arith.constant 0.000000e+00 : f32
      %broadcast_in_dim3A_264 = vector.broadcast %broadcast_in_dim3A_263 : f32 to vector<16xf32>
      %broadcast_in_dim3A_265 = arith.constant 0.000000e+00 : f32
      %broadcast_in_dim3A_266 = vector.broadcast %broadcast_in_dim3A_265 : f32 to vector<16xf32>
      %broadcast_in_dim3A_267 = arith.constant 0.000000e+00 : f32
      %broadcast_in_dim3A_268 = vector.broadcast %broadcast_in_dim3A_267 : f32 to vector<16xf32>
      %broadcast_in_dim3A_269 = arith.constant 0.000000e+00 : f32
      %broadcast_in_dim3A_270 = vector.broadcast %broadcast_in_dim3A_269 : f32 to vector<16xf32>
      %broadcast_in_dim3A_271 = arith.constant 0.000000e+00 : f32
      %broadcast_in_dim3A_272 = vector.broadcast %broadcast_in_dim3A_271 : f32 to vector<16xf32>
      %broadcast_in_dim3A_273 = arith.constant 0.000000e+00 : f32
      %broadcast_in_dim3A_274 = vector.broadcast %broadcast_in_dim3A_273 : f32 to vector<16xf32>
      %scan3A_275 = arith.constant 0 : i32
      %scan3A_276 = arith.constant 5 : i32
      %scan3A_277 = arith.addi %scan3A_275, %scan3A_276 : i32
      %scan3A_278 = arith.constant 1 : i32
      %scan3A_279:8 = scf.for %scan3A_319 = %scan3A_275 to %scan3A_277 step %scan3A_278 iter_args(%scan3A_320 = %broadcast_in_dim3A_260, %scan3A_321 = %broadcast_in_dim3A_262, %scan3A_322 = %broadcast_in_dim3A_264, %scan3A_323 = %broadcast_in_dim3A_266, %scan3A_324 = %broadcast_in_dim3A_268, %scan3A_325 = %broadcast_in_dim3A_270, %scan3A_326 = %broadcast_in_dim3A_272, %scan3A_327 = %broadcast_in_dim3A_274) -> (vector<16xf32>, vector<16xf32>, vector<16xf32>, vector<16xf32>, vector<16xf32>, vector<16xf32>, vector<16xf32>, vector<16xf32>)  : i32 {
        %mul3A_328 = arith.constant 10 : i32
        %mul3A_329 = arith.muli %scan3A_319, %mul3A_328 : i32
        %add3A_330 = arith.addi %mul3A_259, %mul3A_329 : i32
        %add3A_331 = arith.constant 0 : i32
        %add3A_332 = arith.addi %add3A_330, %add3A_331 : i32
        %get3A = arith.constant 0 : i32
        %get3A_333 = arith.constant 0 : i32
        %get3A_334 = tpu.memref_slice %arg6[%scan3A_98, %get3A, %get3A_333] : memref<2x800x64xf32, #tpu.memory_space<vmem>> -> memref<1x800x64xf32, #tpu.memory_space<vmem>>
        %get3A_335 = tpu.memref_squeeze %get3A_334 : memref<1x800x64xf32, #tpu.memory_space<vmem>> -> memref<800x64xf32, #tpu.memory_space<vmem>>
        %get3A_336 = arith.index_cast %add3A_332 : i32 to index
        %get3A_337 = arith.constant 0 : index
        %get3A_338 = tpu.vector_load %get3A_335[%get3A_336, %get3A_337] {strides = array<i32>} : memref<800x64xf32, #tpu.memory_space<vmem>>, vector<1x16xf32>,
        %get3A_339 = vector.shape_cast %get3A_338 : vector<1x16xf32> to vector<16xf32>
        %add3A_340 = arith.addf %scan3A_320, %get3A_339 : vector<16xf32>
        %add3A_341 = arith.constant 0 : i32
        %add3A_342 = arith.addi %add3A_330, %add3A_341 : i32
        %get3A_343 = arith.constant 0 : i32
        %get3A_344 = arith.constant 0 : i32
        %get3A_345 = tpu.memref_slice %arg6[%scan3A_98, %get3A_343, %get3A_344] : memref<2x800x64xf32, #tpu.memory_space<vmem>> -> memref<1x800x64xf32, #tpu.memory_space<vmem>>
        %get3A_346 = tpu.memref_squeeze %get3A_345 : memref<1x800x64xf32, #tpu.memory_space<vmem>> -> memref<800x64xf32, #tpu.memory_space<vmem>>
        %get3A_347 = arith.index_cast %add3A_342 : i32 to index
        %get3A_348 = arith.constant 16 : index
        %get3A_349 = tpu.vector_load %get3A_346[%get3A_347, %get3A_348] {strides = array<i32>} : memref<800x64xf32, #tpu.memory_space<vmem>>, vector<1x16xf32>,
        %get3A_350 = vector.shape_cast %get3A_349 : vector<1x16xf32> to vector<16xf32>
        %add3A_351 = arith.addf %scan3A_321, %get3A_350 : vector<16xf32>
        %add3A_352 = arith.constant 0 : i32
        %add3A_353 = arith.addi %add3A_330, %add3A_352 : i32
        %get3A_354 = arith.constant 0 : i32
        %get3A_355 = arith.constant 0 : i32
        %get3A_356 = tpu.memref_slice %arg6[%scan3A_98, %get3A_354, %get3A_355] : memref<2x800x64xf32, #tpu.memory_space<vmem>> -> memref<1x800x64xf32, #tpu.memory_space<vmem>>
        %get3A_357 = tpu.memref_squeeze %get3A_356 : memref<1x800x64xf32, #tpu.memory_space<vmem>> -> memref<800x64xf32, #tpu.memory_space<vmem>>
        %get3A_358 = arith.index_cast %add3A_353 : i32 to index
        %get3A_359 = arith.constant 32 : index
        %get3A_360 = tpu.vector_load %get3A_357[%get3A_358, %get3A_359] {strides = array<i32>} : memref<800x64xf32, #tpu.memory_space<vmem>>, vector<1x16xf32>,
        %get3A_361 = vector.shape_cast %get3A_360 : vector<1x16xf32> to vector<16xf32>
        %add3A_362 = arith.addf %scan3A_322, %get3A_361 : vector<16xf32>
        %add3A_363 = arith.constant 0 : i32
        %add3A_364 = arith.addi %add3A_330, %add3A_363 : i32
        %get3A_365 = arith.constant 0 : i32
        %get3A_366 = arith.constant 0 : i32
        %get3A_367 = tpu.memref_slice %arg6[%scan3A_98, %get3A_365, %get3A_366] : memref<2x800x64xf32, #tpu.memory_space<vmem>> -> memref<1x800x64xf32, #tpu.memory_space<vmem>>
        %get3A_368 = tpu.memref_squeeze %get3A_367 : memref<1x800x64xf32, #tpu.memory_space<vmem>> -> memref<800x64xf32, #tpu.memory_space<vmem>>
        %get3A_369 = arith.index_cast %add3A_364 : i32 to index
        %get3A_370 = arith.constant 48 : index
        %get3A_371 = tpu.vector_load %get3A_368[%get3A_369, %get3A_370] {strides = array<i32>} : memref<800x64xf32, #tpu.memory_space<vmem>>, vector<1x16xf32>,
        %get3A_372 = vector.shape_cast %get3A_371 : vector<1x16xf32> to vector<16xf32>
        %add3A_373 = arith.addf %scan3A_323, %get3A_372 : vector<16xf32>
        %add3A_374 = arith.constant 1 : i32
        %add3A_375 = arith.addi %add3A_330, %add3A_374 : i32
        %get3A_376 = arith.constant 0 : i32
        %get3A_377 = arith.constant 0 : i32
        %get3A_378 = tpu.memref_slice %arg6[%scan3A_98, %get3A_376, %get3A_377] : memref<2x800x64xf32, #tpu.memory_space<vmem>> -> memref<1x800x64xf32, #tpu.memory_space<vmem>>
        %get3A_379 = tpu.memref_squeeze %get3A_378 : memref<1x800x64xf32, #tpu.memory_space<vmem>> -> memref<800x64xf32, #tpu.memory_space<vmem>>
        %get3A_380 = arith.index_cast %add3A_375 : i32 to index
        %get3A_381 = arith.constant 0 : index
        %get3A_382 = tpu.vector_load %get3A_379[%get3A_380, %get3A_381] {strides = array<i32>} : memref<800x64xf32, #tpu.memory_space<vmem>>, vector<1x16xf32>,
        %get3A_383 = vector.shape_cast %get3A_382 : vector<1x16xf32> to vector<16xf32>
        %add3A_384 = arith.addf %scan3A_324, %get3A_383 : vector<16xf32>
        %add3A_385 = arith.constant 1 : i32
        %add3A_386 = arith.addi %add3A_330, %add3A_385 : i32
        %get3A_387 = arith.constant 0 : i32
        %get3A_388 = arith.constant 0 : i32
        %get3A_389 = tpu.memref_slice %arg6[%scan3A_98, %get3A_387, %get3A_388] : memref<2x800x64xf32, #tpu.memory_space<vmem>> -> memref<1x800x64xf32, #tpu.memory_space<vmem>>
        %get3A_390 = tpu.memref_squeeze %get3A_389 : memref<1x800x64xf32, #tpu.memory_space<vmem>> -> memref<800x64xf32, #tpu.memory_space<vmem>>
        %get3A_391 = arith.index_cast %add3A_386 : i32 to index
        %get3A_392 = arith.constant 16 : index
        %get3A_393 = tpu.vector_load %get3A_390[%get3A_391, %get3A_392] {strides = array<i32>} : memref<800x64xf32, #tpu.memory_space<vmem>>, vector<1x16xf32>,
        %get3A_394 = vector.shape_cast %get3A_393 : vector<1x16xf32> to vector<16xf32>
        %add3A_395 = arith.addf %scan3A_325, %get3A_394 : vector<16xf32>
        %add3A_396 = arith.constant 1 : i32
        %add3A_397 = arith.addi %add3A_330, %add3A_396 : i32
        %get3A_398 = arith.constant 0 : i32
        %get3A_399 = arith.constant 0 : i32
        %get3A_400 = tpu.memref_slice %arg6[%scan3A_98, %get3A_398, %get3A_399] : memref<2x800x64xf32, #tpu.memory_space<vmem>> -> memref<1x800x64xf32, #tpu.memory_space<vmem>>
        %get3A_401 = tpu.memref_squeeze %get3A_400 : memref<1x800x64xf32, #tpu.memory_space<vmem>> -> memref<800x64xf32, #tpu.memory_space<vmem>>
        %get3A_402 = arith.index_cast %add3A_397 : i32 to index
        %get3A_403 = arith.constant 32 : index
        %get3A_404 = tpu.vector_load %get3A_401[%get3A_402, %get3A_403] {strides = array<i32>} : memref<800x64xf32, #tpu.memory_space<vmem>>, vector<1x16xf32>,
        %get3A_405 = vector.shape_cast %get3A_404 : vector<1x16xf32> to vector<16xf32>
        %add3A_406 = arith.addf %scan3A_326, %get3A_405 : vector<16xf32>
        %add3A_407 = arith.constant 1 : i32
        %add3A_408 = arith.addi %add3A_330, %add3A_407 : i32
        %get3A_409 = arith.constant 0 : i32
        %get3A_410 = arith.constant 0 : i32
        %get3A_411 = tpu.memref_slice %arg6[%scan3A_98, %get3A_409, %get3A_410] : memref<2x800x64xf32, #tpu.memory_space<vmem>> -> memref<1x800x64xf32, #tpu.memory_space<vmem>>
        %get3A_412 = tpu.memref_squeeze %get3A_411 : memref<1x800x64xf32, #tpu.memory_space<vmem>> -> memref<800x64xf32, #tpu.memory_space<vmem>>
        %get3A_413 = arith.index_cast %add3A_408 : i32 to index
        %get3A_414 = arith.constant 48 : index
        %get3A_415 = tpu.vector_load %get3A_412[%get3A_413, %get3A_414] {strides = array<i32>} : memref<800x64xf32, #tpu.memory_space<vmem>>, vector<1x16xf32>,
        %get3A_416 = vector.shape_cast %get3A_415 : vector<1x16xf32> to vector<16xf32>
        %add3A_417 = arith.addf %scan3A_327, %get3A_416 : vector<16xf32>
        %add3A_418 = arith.constant 2 : i32
        %add3A_419 = arith.addi %add3A_330, %add3A_418 : i32
        %get3A_420 = arith.constant 0 : i32
        %get3A_421 = arith.constant 0 : i32
        %get3A_422 = tpu.memref_slice %arg6[%scan3A_98, %get3A_420, %get3A_421] : memref<2x800x64xf32, #tpu.memory_space<vmem>> -> memref<1x800x64xf32, #tpu.memory_space<vmem>>
        %get3A_423 = tpu.memref_squeeze %get3A_422 : memref<1x800x64xf32, #tpu.memory_space<vmem>> -> memref<800x64xf32, #tpu.memory_space<vmem>>
        %get3A_424 = arith.index_cast %add3A_419 : i32 to index
        %get3A_425 = arith.constant 0 : index
        %get3A_426 = tpu.vector_load %get3A_423[%get3A_424, %get3A_425] {strides = array<i32>} : memref<800x64xf32, #tpu.memory_space<vmem>>, vector<1x16xf32>,
        %get3A_427 = vector.shape_cast %get3A_426 : vector<1x16xf32> to vector<16xf32>
        %add3A_428 = arith.addf %add3A_340, %get3A_427 : vector<16xf32>
        %add3A_429 = arith.constant 2 : i32
        %add3A_430 = arith.addi %add3A_330, %add3A_429 : i32
        %get3A_431 = arith.constant 0 : i32
        %get3A_432 = arith.constant 0 : i32
        %get3A_433 = tpu.memref_slice %arg6[%scan3A_98, %get3A_431, %get3A_432] : memref<2x800x64xf32, #tpu.memory_space<vmem>> -> memref<1x800x64xf32, #tpu.memory_space<vmem>>
        %get3A_434 = tpu.memref_squeeze %get3A_433 : memref<1x800x64xf32, #tpu.memory_space<vmem>> -> memref<800x64xf32, #tpu.memory_space<vmem>>
        %get3A_435 = arith.index_cast %add3A_430 : i32 to index
        %get3A_436 = arith.constant 16 : index
        %get3A_437 = tpu.vector_load %get3A_434[%get3A_435, %get3A_436] {strides = array<i32>} : memref<800x64xf32, #tpu.memory_space<vmem>>, vector<1x16xf32>,
        %get3A_438 = vector.shape_cast %get3A_437 : vector<1x16xf32> to vector<16xf32>
        %add3A_439 = arith.addf %add3A_351, %get3A_438 : vector<16xf32>
        %add3A_440 = arith.constant 2 : i32
        %add3A_441 = arith.addi %add3A_330, %add3A_440 : i32
        %get3A_442 = arith.constant 0 : i32
        %get3A_443 = arith.constant 0 : i32
        %get3A_444 = tpu.memref_slice %arg6[%scan3A_98, %get3A_442, %get3A_443] : memref<2x800x64xf32, #tpu.memory_space<vmem>> -> memref<1x800x64xf32, #tpu.memory_space<vmem>>
        %get3A_445 = tpu.memref_squeeze %get3A_444 : memref<1x800x64xf32, #tpu.memory_space<vmem>> -> memref<800x64xf32, #tpu.memory_space<vmem>>
        %get3A_446 = arith.index_cast %add3A_441 : i32 to index
        %get3A_447 = arith.constant 32 : index
        %get3A_448 = tpu.vector_load %get3A_445[%get3A_446, %get3A_447] {strides = array<i32>} : memref<800x64xf32, #tpu.memory_space<vmem>>, vector<1x16xf32>,
        %get3A_449 = vector.shape_cast %get3A_448 : vector<1x16xf32> to vector<16xf32>
        %add3A_450 = arith.addf %add3A_362, %get3A_449 : vector<16xf32>
        %add3A_451 = arith.constant 2 : i32
        %add3A_452 = arith.addi %add3A_330, %add3A_451 : i32
        %get3A_453 = arith.constant 0 : i32
        %get3A_454 = arith.constant 0 : i32
        %get3A_455 = tpu.memref_slice %arg6[%scan3A_98, %get3A_453, %get3A_454] : memref<2x800x64xf32, #tpu.memory_space<vmem>> -> memref<1x800x64xf32, #tpu.memory_space<vmem>>
        %get3A_456 = tpu.memref_squeeze %get3A_455 : memref<1x800x64xf32, #tpu.memory_space<vmem>> -> memref<800x64xf32, #tpu.memory_space<vmem>>
        %get3A_457 = arith.index_cast %add3A_452 : i32 to index
        %get3A_458 = arith.constant 48 : index
        %get3A_459 = tpu.vector_load %get3A_456[%get3A_457, %get3A_458] {strides = array<i32>} : memref<800x64xf32, #tpu.memory_space<vmem>>, vector<1x16xf32>,
        %get3A_460 = vector.shape_cast %get3A_459 : vector<1x16xf32> to vector<16xf32>
        %add3A_461 = arith.addf %add3A_373, %get3A_460 : vector<16xf32>
        %add3A_462 = arith.constant 3 : i32
        %add3A_463 = arith.addi %add3A_330, %add3A_462 : i32
        %get3A_464 = arith.constant 0 : i32
        %get3A_465 = arith.constant 0 : i32
        %get3A_466 = tpu.memref_slice %arg6[%scan3A_98, %get3A_464, %get3A_465] : memref<2x800x64xf32, #tpu.memory_space<vmem>> -> memref<1x800x64xf32, #tpu.memory_space<vmem>>
        %get3A_467 = tpu.memref_squeeze %get3A_466 : memref<1x800x64xf32, #tpu.memory_space<vmem>> -> memref<800x64xf32, #tpu.memory_space<vmem>>
        %get3A_468 = arith.index_cast %add3A_463 : i32 to index
        %get3A_469 = arith.constant 0 : index
        %get3A_470 = tpu.vector_load %get3A_467[%get3A_468, %get3A_469] {strides = array<i32>} : memref<800x64xf32, #tpu.memory_space<vmem>>, vector<1x16xf32>,
        %get3A_471 = vector.shape_cast %get3A_470 : vector<1x16xf32> to vector<16xf32>
        %add3A_472 = arith.addf %add3A_384, %get3A_471 : vector<16xf32>
        %add3A_473 = arith.constant 3 : i32
        %add3A_474 = arith.addi %add3A_330, %add3A_473 : i32
        %get3A_475 = arith.constant 0 : i32
        %get3A_476 = arith.constant 0 : i32
        %get3A_477 = tpu.memref_slice %arg6[%scan3A_98, %get3A_475, %get3A_476] : memref<2x800x64xf32, #tpu.memory_space<vmem>> -> memref<1x800x64xf32, #tpu.memory_space<vmem>>
        %get3A_478 = tpu.memref_squeeze %get3A_477 : memref<1x800x64xf32, #tpu.memory_space<vmem>> -> memref<800x64xf32, #tpu.memory_space<vmem>>
        %get3A_479 = arith.index_cast %add3A_474 : i32 to index
        %get3A_480 = arith.constant 16 : index
        %get3A_481 = tpu.vector_load %get3A_478[%get3A_479, %get3A_480] {strides = array<i32>} : memref<800x64xf32, #tpu.memory_space<vmem>>, vector<1x16xf32>,
        %get3A_482 = vector.shape_cast %get3A_481 : vector<1x16xf32> to vector<16xf32>
        %add3A_483 = arith.addf %add3A_395, %get3A_482 : vector<16xf32>
        %add3A_484 = arith.constant 3 : i32
        %add3A_485 = arith.addi %add3A_330, %add3A_484 : i32
        %get3A_486 = arith.constant 0 : i32
        %get3A_487 = arith.constant 0 : i32
        %get3A_488 = tpu.memref_slice %arg6[%scan3A_98, %get3A_486, %get3A_487] : memref<2x800x64xf32, #tpu.memory_space<vmem>> -> memref<1x800x64xf32, #tpu.memory_space<vmem>>
        %get3A_489 = tpu.memref_squeeze %get3A_488 : memref<1x800x64xf32, #tpu.memory_space<vmem>> -> memref<800x64xf32, #tpu.memory_space<vmem>>
        %get3A_490 = arith.index_cast %add3A_485 : i32 to index
        %get3A_491 = arith.constant 32 : index
        %get3A_492 = tpu.vector_load %get3A_489[%get3A_490, %get3A_491] {strides = array<i32>} : memref<800x64xf32, #tpu.memory_space<vmem>>, vector<1x16xf32>,
        %get3A_493 = vector.shape_cast %get3A_492 : vector<1x16xf32> to vector<16xf32>
        %add3A_494 = arith.addf %add3A_406, %get3A_493 : vector<16xf32>
        %add3A_495 = arith.constant 3 : i32
        %add3A_496 = arith.addi %add3A_330, %add3A_495 : i32
        %get3A_497 = arith.constant 0 : i32
        %get3A_498 = arith.constant 0 : i32
        %get3A_499 = tpu.memref_slice %arg6[%scan3A_98, %get3A_497, %get3A_498] : memref<2x800x64xf32, #tpu.memory_space<vmem>> -> memref<1x800x64xf32, #tpu.memory_space<vmem>>
        %get3A_500 = tpu.memref_squeeze %get3A_499 : memref<1x800x64xf32, #tpu.memory_space<vmem>> -> memref<800x64xf32, #tpu.memory_space<vmem>>
        %get3A_501 = arith.index_cast %add3A_496 : i32 to index
        %get3A_502 = arith.constant 48 : index
        %get3A_503 = tpu.vector_load %get3A_500[%get3A_501, %get3A_502] {strides = array<i32>} : memref<800x64xf32, #tpu.memory_space<vmem>>, vector<1x16xf32>,
        %get3A_504 = vector.shape_cast %get3A_503 : vector<1x16xf32> to vector<16xf32>
        %add3A_505 = arith.addf %add3A_417, %get3A_504 : vector<16xf32>
        %add3A_506 = arith.constant 4 : i32
        %add3A_507 = arith.addi %add3A_330, %add3A_506 : i32
        %get3A_508 = arith.constant 0 : i32
        %get3A_509 = arith.constant 0 : i32
        %get3A_510 = tpu.memref_slice %arg6[%scan3A_98, %get3A_508, %get3A_509] : memref<2x800x64xf32, #tpu.memory_space<vmem>> -> memref<1x800x64xf32, #tpu.memory_space<vmem>>
        %get3A_511 = tpu.memref_squeeze %get3A_510 : memref<1x800x64xf32, #tpu.memory_space<vmem>> -> memref<800x64xf32, #tpu.memory_space<vmem>>
        %get3A_512 = arith.index_cast %add3A_507 : i32 to index
        %get3A_513 = arith.constant 0 : index
        %get3A_514 = tpu.vector_load %get3A_511[%get3A_512, %get3A_513] {strides = array<i32>} : memref<800x64xf32, #tpu.memory_space<vmem>>, vector<1x16xf32>,
        %get3A_515 = vector.shape_cast %get3A_514 : vector<1x16xf32> to vector<16xf32>
        %add3A_516 = arith.addf %add3A_428, %get3A_515 : vector<16xf32>
        %add3A_517 = arith.constant 4 : i32
        %add3A_518 = arith.addi %add3A_330, %add3A_517 : i32
        %get3A_519 = arith.constant 0 : i32
        %get3A_520 = arith.constant 0 : i32
        %get3A_521 = tpu.memref_slice %arg6[%scan3A_98, %get3A_519, %get3A_520] : memref<2x800x64xf32, #tpu.memory_space<vmem>> -> memref<1x800x64xf32, #tpu.memory_space<vmem>>
        %get3A_522 = tpu.memref_squeeze %get3A_521 : memref<1x800x64xf32, #tpu.memory_space<vmem>> -> memref<800x64xf32, #tpu.memory_space<vmem>>
        %get3A_523 = arith.index_cast %add3A_518 : i32 to index
        %get3A_524 = arith.constant 16 : index
        %get3A_525 = tpu.vector_load %get3A_522[%get3A_523, %get3A_524] {strides = array<i32>} : memref<800x64xf32, #tpu.memory_space<vmem>>, vector<1x16xf32>,
        %get3A_526 = vector.shape_cast %get3A_525 : vector<1x16xf32> to vector<16xf32>
        %add3A_527 = arith.addf %add3A_439, %get3A_526 : vector<16xf32>
        %add3A_528 = arith.constant 4 : i32
        %add3A_529 = arith.addi %add3A_330, %add3A_528 : i32
        %get3A_530 = arith.constant 0 : i32
        %get3A_531 = arith.constant 0 : i32
        %get3A_532 = tpu.memref_slice %arg6[%scan3A_98, %get3A_530, %get3A_531] : memref<2x800x64xf32, #tpu.memory_space<vmem>> -> memref<1x800x64xf32, #tpu.memory_space<vmem>>
        %get3A_533 = tpu.memref_squeeze %get3A_532 : memref<1x800x64xf32, #tpu.memory_space<vmem>> -> memref<800x64xf32, #tpu.memory_space<vmem>>
        %get3A_534 = arith.index_cast %add3A_529 : i32 to index
        %get3A_535 = arith.constant 32 : index
        %get3A_536 = tpu.vector_load %get3A_533[%get3A_534, %get3A_535] {strides = array<i32>} : memref<800x64xf32, #tpu.memory_space<vmem>>, vector<1x16xf32>,
        %get3A_537 = vector.shape_cast %get3A_536 : vector<1x16xf32> to vector<16xf32>
        %add3A_538 = arith.addf %add3A_450, %get3A_537 : vector<16xf32>
        %add3A_539 = arith.constant 4 : i32
        %add3A_540 = arith.addi %add3A_330, %add3A_539 : i32
        %get3A_541 = arith.constant 0 : i32
        %get3A_542 = arith.constant 0 : i32
        %get3A_543 = tpu.memref_slice %arg6[%scan3A_98, %get3A_541, %get3A_542] : memref<2x800x64xf32, #tpu.memory_space<vmem>> -> memref<1x800x64xf32, #tpu.memory_space<vmem>>
        %get3A_544 = tpu.memref_squeeze %get3A_543 : memref<1x800x64xf32, #tpu.memory_space<vmem>> -> memref<800x64xf32, #tpu.memory_space<vmem>>
        %get3A_545 = arith.index_cast %add3A_540 : i32 to index
        %get3A_546 = arith.constant 48 : index
        %get3A_547 = tpu.vector_load %get3A_544[%get3A_545, %get3A_546] {strides = array<i32>} : memref<800x64xf32, #tpu.memory_space<vmem>>, vector<1x16xf32>,
        %get3A_548 = vector.shape_cast %get3A_547 : vector<1x16xf32> to vector<16xf32>
        %add3A_549 = arith.addf %add3A_461, %get3A_548 : vector<16xf32>
        %add3A_550 = arith.constant 5 : i32
        %add3A_551 = arith.addi %add3A_330, %add3A_550 : i32
        %get3A_552 = arith.constant 0 : i32
        %get3A_553 = arith.constant 0 : i32
        %get3A_554 = tpu.memref_slice %arg6[%scan3A_98, %get3A_552, %get3A_553] : memref<2x800x64xf32, #tpu.memory_space<vmem>> -> memref<1x800x64xf32, #tpu.memory_space<vmem>>
        %get3A_555 = tpu.memref_squeeze %get3A_554 : memref<1x800x64xf32, #tpu.memory_space<vmem>> -> memref<800x64xf32, #tpu.memory_space<vmem>>
        %get3A_556 = arith.index_cast %add3A_551 : i32 to index
        %get3A_557 = arith.constant 0 : index
        %get3A_558 = tpu.vector_load %get3A_555[%get3A_556, %get3A_557] {strides = array<i32>} : memref<800x64xf32, #tpu.memory_space<vmem>>, vector<1x16xf32>,
        %get3A_559 = vector.shape_cast %get3A_558 : vector<1x16xf32> to vector<16xf32>
        %add3A_560 = arith.addf %add3A_472, %get3A_559 : vector<16xf32>
        %add3A_561 = arith.constant 5 : i32
        %add3A_562 = arith.addi %add3A_330, %add3A_561 : i32
        %get3A_563 = arith.constant 0 : i32
        %get3A_564 = arith.constant 0 : i32
        %get3A_565 = tpu.memref_slice %arg6[%scan3A_98, %get3A_563, %get3A_564] : memref<2x800x64xf32, #tpu.memory_space<vmem>> -> memref<1x800x64xf32, #tpu.memory_space<vmem>>
        %get3A_566 = tpu.memref_squeeze %get3A_565 : memref<1x800x64xf32, #tpu.memory_space<vmem>> -> memref<800x64xf32, #tpu.memory_space<vmem>>
        %get3A_567 = arith.index_cast %add3A_562 : i32 to index
        %get3A_568 = arith.constant 16 : index
        %get3A_569 = tpu.vector_load %get3A_566[%get3A_567, %get3A_568] {strides = array<i32>} : memref<800x64xf32, #tpu.memory_space<vmem>>, vector<1x16xf32>,
        %get3A_570 = vector.shape_cast %get3A_569 : vector<1x16xf32> to vector<16xf32>
        %add3A_571 = arith.addf %add3A_483, %get3A_570 : vector<16xf32>
        %add3A_572 = arith.constant 5 : i32
        %add3A_573 = arith.addi %add3A_330, %add3A_572 : i32
        %get3A_574 = arith.constant 0 : i32
        %get3A_575 = arith.constant 0 : i32
        %get3A_576 = tpu.memref_slice %arg6[%scan3A_98, %get3A_574, %get3A_575] : memref<2x800x64xf32, #tpu.memory_space<vmem>> -> memref<1x800x64xf32, #tpu.memory_space<vmem>>
        %get3A_577 = tpu.memref_squeeze %get3A_576 : memref<1x800x64xf32, #tpu.memory_space<vmem>> -> memref<800x64xf32, #tpu.memory_space<vmem>>
        %get3A_578 = arith.index_cast %add3A_573 : i32 to index
        %get3A_579 = arith.constant 32 : index
        %get3A_580 = tpu.vector_load %get3A_577[%get3A_578, %get3A_579] {strides = array<i32>} : memref<800x64xf32, #tpu.memory_space<vmem>>, vector<1x16xf32>,
        %get3A_581 = vector.shape_cast %get3A_580 : vector<1x16xf32> to vector<16xf32>
        %add3A_582 = arith.addf %add3A_494, %get3A_581 : vector<16xf32>
        %add3A_583 = arith.constant 5 : i32
        %add3A_584 = arith.addi %add3A_330, %add3A_583 : i32
        %get3A_585 = arith.constant 0 : i32
        %get3A_586 = arith.constant 0 : i32
        %get3A_587 = tpu.memref_slice %arg6[%scan3A_98, %get3A_585, %get3A_586] : memref<2x800x64xf32, #tpu.memory_space<vmem>> -> memref<1x800x64xf32, #tpu.memory_space<vmem>>
        %get3A_588 = tpu.memref_squeeze %get3A_587 : memref<1x800x64xf32, #tpu.memory_space<vmem>> -> memref<800x64xf32, #tpu.memory_space<vmem>>
        %get3A_589 = arith.index_cast %add3A_584 : i32 to index
        %get3A_590 = arith.constant 48 : index
        %get3A_591 = tpu.vector_load %get3A_588[%get3A_589, %get3A_590] {strides = array<i32>} : memref<800x64xf32, #tpu.memory_space<vmem>>, vector<1x16xf32>,
        %get3A_592 = vector.shape_cast %get3A_591 : vector<1x16xf32> to vector<16xf32>
        %add3A_593 = arith.addf %add3A_505, %get3A_592 : vector<16xf32>
        %add3A_594 = arith.constant 6 : i32
        %add3A_595 = arith.addi %add3A_330, %add3A_594 : i32
        %get3A_596 = arith.constant 0 : i32
        %get3A_597 = arith.constant 0 : i32
        %get3A_598 = tpu.memref_slice %arg6[%scan3A_98, %get3A_596, %get3A_597] : memref<2x800x64xf32, #tpu.memory_space<vmem>> -> memref<1x800x64xf32, #tpu.memory_space<vmem>>
        %get3A_599 = tpu.memref_squeeze %get3A_598 : memref<1x800x64xf32, #tpu.memory_space<vmem>> -> memref<800x64xf32, #tpu.memory_space<vmem>>
        %get3A_600 = arith.index_cast %add3A_595 : i32 to index
        %get3A_601 = arith.constant 0 : index
        %get3A_602 = tpu.vector_load %get3A_599[%get3A_600, %get3A_601] {strides = array<i32>} : memref<800x64xf32, #tpu.memory_space<vmem>>, vector<1x16xf32>,
        %get3A_603 = vector.shape_cast %get3A_602 : vector<1x16xf32> to vector<16xf32>
        %add3A_604 = arith.addf %add3A_516, %get3A_603 : vector<16xf32>
        %add3A_605 = arith.constant 6 : i32
        %add3A_606 = arith.addi %add3A_330, %add3A_605 : i32
        %get3A_607 = arith.constant 0 : i32
        %get3A_608 = arith.constant 0 : i32
        %get3A_609 = tpu.memref_slice %arg6[%scan3A_98, %get3A_607, %get3A_608] : memref<2x800x64xf32, #tpu.memory_space<vmem>> -> memref<1x800x64xf32, #tpu.memory_space<vmem>>
        %get3A_610 = tpu.memref_squeeze %get3A_609 : memref<1x800x64xf32, #tpu.memory_space<vmem>> -> memref<800x64xf32, #tpu.memory_space<vmem>>
        %get3A_611 = arith.index_cast %add3A_606 : i32 to index
        %get3A_612 = arith.constant 16 : index
        %get3A_613 = tpu.vector_load %get3A_610[%get3A_611, %get3A_612] {strides = array<i32>} : memref<800x64xf32, #tpu.memory_space<vmem>>, vector<1x16xf32>,
        %get3A_614 = vector.shape_cast %get3A_613 : vector<1x16xf32> to vector<16xf32>
        %add3A_615 = arith.addf %add3A_527, %get3A_614 : vector<16xf32>
        %add3A_616 = arith.constant 6 : i32
        %add3A_617 = arith.addi %add3A_330, %add3A_616 : i32
        %get3A_618 = arith.constant 0 : i32
        %get3A_619 = arith.constant 0 : i32
        %get3A_620 = tpu.memref_slice %arg6[%scan3A_98, %get3A_618, %get3A_619] : memref<2x800x64xf32, #tpu.memory_space<vmem>> -> memref<1x800x64xf32, #tpu.memory_space<vmem>>
        %get3A_621 = tpu.memref_squeeze %get3A_620 : memref<1x800x64xf32, #tpu.memory_space<vmem>> -> memref<800x64xf32, #tpu.memory_space<vmem>>
        %get3A_622 = arith.index_cast %add3A_617 : i32 to index
        %get3A_623 = arith.constant 32 : index
        %get3A_624 = tpu.vector_load %get3A_621[%get3A_622, %get3A_623] {strides = array<i32>} : memref<800x64xf32, #tpu.memory_space<vmem>>, vector<1x16xf32>,
        %get3A_625 = vector.shape_cast %get3A_624 : vector<1x16xf32> to vector<16xf32>
        %add3A_626 = arith.addf %add3A_538, %get3A_625 : vector<16xf32>
        %add3A_627 = arith.constant 6 : i32
        %add3A_628 = arith.addi %add3A_330, %add3A_627 : i32
        %get3A_629 = arith.constant 0 : i32
        %get3A_630 = arith.constant 0 : i32
        %get3A_631 = tpu.memref_slice %arg6[%scan3A_98, %get3A_629, %get3A_630] : memref<2x800x64xf32, #tpu.memory_space<vmem>> -> memref<1x800x64xf32, #tpu.memory_space<vmem>>
        %get3A_632 = tpu.memref_squeeze %get3A_631 : memref<1x800x64xf32, #tpu.memory_space<vmem>> -> memref<800x64xf32, #tpu.memory_space<vmem>>
        %get3A_633 = arith.index_cast %add3A_628 : i32 to index
        %get3A_634 = arith.constant 48 : index
        %get3A_635 = tpu.vector_load %get3A_632[%get3A_633, %get3A_634] {strides = array<i32>} : memref<800x64xf32, #tpu.memory_space<vmem>>, vector<1x16xf32>,
        %get3A_636 = vector.shape_cast %get3A_635 : vector<1x16xf32> to vector<16xf32>
        %add3A_637 = arith.addf %add3A_549, %get3A_636 : vector<16xf32>
        %add3A_638 = arith.constant 7 : i32
        %add3A_639 = arith.addi %add3A_330, %add3A_638 : i32
        %get3A_640 = arith.constant 0 : i32
        %get3A_641 = arith.constant 0 : i32
        %get3A_642 = tpu.memref_slice %arg6[%scan3A_98, %get3A_640, %get3A_641] : memref<2x800x64xf32, #tpu.memory_space<vmem>> -> memref<1x800x64xf32, #tpu.memory_space<vmem>>
        %get3A_643 = tpu.memref_squeeze %get3A_642 : memref<1x800x64xf32, #tpu.memory_space<vmem>> -> memref<800x64xf32, #tpu.memory_space<vmem>>
        %get3A_644 = arith.index_cast %add3A_639 : i32 to index
        %get3A_645 = arith.constant 0 : index
        %get3A_646 = tpu.vector_load %get3A_643[%get3A_644, %get3A_645] {strides = array<i32>} : memref<800x64xf32, #tpu.memory_space<vmem>>, vector<1x16xf32>,
        %get3A_647 = vector.shape_cast %get3A_646 : vector<1x16xf32> to vector<16xf32>
        %add3A_648 = arith.addf %add3A_560, %get3A_647 : vector<16xf32>
        %add3A_649 = arith.constant 7 : i32
        %add3A_650 = arith.addi %add3A_330, %add3A_649 : i32
        %get3A_651 = arith.constant 0 : i32
        %get3A_652 = arith.constant 0 : i32
        %get3A_653 = tpu.memref_slice %arg6[%scan3A_98, %get3A_651, %get3A_652] : memref<2x800x64xf32, #tpu.memory_space<vmem>> -> memref<1x800x64xf32, #tpu.memory_space<vmem>>
        %get3A_654 = tpu.memref_squeeze %get3A_653 : memref<1x800x64xf32, #tpu.memory_space<vmem>> -> memref<800x64xf32, #tpu.memory_space<vmem>>
        %get3A_655 = arith.index_cast %add3A_650 : i32 to index
        %get3A_656 = arith.constant 16 : index
        %get3A_657 = tpu.vector_load %get3A_654[%get3A_655, %get3A_656] {strides = array<i32>} : memref<800x64xf32, #tpu.memory_space<vmem>>, vector<1x16xf32>,
        %get3A_658 = vector.shape_cast %get3A_657 : vector<1x16xf32> to vector<16xf32>
        %add3A_659 = arith.addf %add3A_571, %get3A_658 : vector<16xf32>
        %add3A_660 = arith.constant 7 : i32
        %add3A_661 = arith.addi %add3A_330, %add3A_660 : i32
        %get3A_662 = arith.constant 0 : i32
        %get3A_663 = arith.constant 0 : i32
        %get3A_664 = tpu.memref_slice %arg6[%scan3A_98, %get3A_662, %get3A_663] : memref<2x800x64xf32, #tpu.memory_space<vmem>> -> memref<1x800x64xf32, #tpu.memory_space<vmem>>
        %get3A_665 = tpu.memref_squeeze %get3A_664 : memref<1x800x64xf32, #tpu.memory_space<vmem>> -> memref<800x64xf32, #tpu.memory_space<vmem>>
        %get3A_666 = arith.index_cast %add3A_661 : i32 to index
        %get3A_667 = arith.constant 32 : index
        %get3A_668 = tpu.vector_load %get3A_665[%get3A_666, %get3A_667] {strides = array<i32>} : memref<800x64xf32, #tpu.memory_space<vmem>>, vector<1x16xf32>,
        %get3A_669 = vector.shape_cast %get3A_668 : vector<1x16xf32> to vector<16xf32>
        %add3A_670 = arith.addf %add3A_582, %get3A_669 : vector<16xf32>
        %add3A_671 = arith.constant 7 : i32
        %add3A_672 = arith.addi %add3A_330, %add3A_671 : i32
        %get3A_673 = arith.constant 0 : i32
        %get3A_674 = arith.constant 0 : i32
        %get3A_675 = tpu.memref_slice %arg6[%scan3A_98, %get3A_673, %get3A_674] : memref<2x800x64xf32, #tpu.memory_space<vmem>> -> memref<1x800x64xf32, #tpu.memory_space<vmem>>
        %get3A_676 = tpu.memref_squeeze %get3A_675 : memref<1x800x64xf32, #tpu.memory_space<vmem>> -> memref<800x64xf32, #tpu.memory_space<vmem>>
        %get3A_677 = arith.index_cast %add3A_672 : i32 to index
        %get3A_678 = arith.constant 48 : index
        %get3A_679 = tpu.vector_load %get3A_676[%get3A_677, %get3A_678] {strides = array<i32>} : memref<800x64xf32, #tpu.memory_space<vmem>>, vector<1x16xf32>,
        %get3A_680 = vector.shape_cast %get3A_679 : vector<1x16xf32> to vector<16xf32>
        %add3A_681 = arith.addf %add3A_593, %get3A_680 : vector<16xf32>
        %add3A_682 = arith.constant 8 : i32
        %add3A_683 = arith.addi %add3A_330, %add3A_682 : i32
        %get3A_684 = arith.constant 0 : i32
        %get3A_685 = arith.constant 0 : i32
        %get3A_686 = tpu.memref_slice %arg6[%scan3A_98, %get3A_684, %get3A_685] : memref<2x800x64xf32, #tpu.memory_space<vmem>> -> memref<1x800x64xf32, #tpu.memory_space<vmem>>
        %get3A_687 = tpu.memref_squeeze %get3A_686 : memref<1x800x64xf32, #tpu.memory_space<vmem>> -> memref<800x64xf32, #tpu.memory_space<vmem>>
        %get3A_688 = arith.index_cast %add3A_683 : i32 to index
        %get3A_689 = arith.constant 0 : index
        %get3A_690 = tpu.vector_load %get3A_687[%get3A_688, %get3A_689] {strides = array<i32>} : memref<800x64xf32, #tpu.memory_space<vmem>>, vector<1x16xf32>,
        %get3A_691 = vector.shape_cast %get3A_690 : vector<1x16xf32> to vector<16xf32>
        %add3A_692 = arith.addf %add3A_604, %get3A_691 : vector<16xf32>
        %add3A_693 = arith.constant 8 : i32
        %add3A_694 = arith.addi %add3A_330, %add3A_693 : i32
        %get3A_695 = arith.constant 0 : i32
        %get3A_696 = arith.constant 0 : i32
        %get3A_697 = tpu.memref_slice %arg6[%scan3A_98, %get3A_695, %get3A_696] : memref<2x800x64xf32, #tpu.memory_space<vmem>> -> memref<1x800x64xf32, #tpu.memory_space<vmem>>
        %get3A_698 = tpu.memref_squeeze %get3A_697 : memref<1x800x64xf32, #tpu.memory_space<vmem>> -> memref<800x64xf32, #tpu.memory_space<vmem>>
        %get3A_699 = arith.index_cast %add3A_694 : i32 to index
        %get3A_700 = arith.constant 16 : index
        %get3A_701 = tpu.vector_load %get3A_698[%get3A_699, %get3A_700] {strides = array<i32>} : memref<800x64xf32, #tpu.memory_space<vmem>>, vector<1x16xf32>,
        %get3A_702 = vector.shape_cast %get3A_701 : vector<1x16xf32> to vector<16xf32>
        %add3A_703 = arith.addf %add3A_615, %get3A_702 : vector<16xf32>
        %add3A_704 = arith.constant 8 : i32
        %add3A_705 = arith.addi %add3A_330, %add3A_704 : i32
        %get3A_706 = arith.constant 0 : i32
        %get3A_707 = arith.constant 0 : i32
        %get3A_708 = tpu.memref_slice %arg6[%scan3A_98, %get3A_706, %get3A_707] : memref<2x800x64xf32, #tpu.memory_space<vmem>> -> memref<1x800x64xf32, #tpu.memory_space<vmem>>
        %get3A_709 = tpu.memref_squeeze %get3A_708 : memref<1x800x64xf32, #tpu.memory_space<vmem>> -> memref<800x64xf32, #tpu.memory_space<vmem>>
        %get3A_710 = arith.index_cast %add3A_705 : i32 to index
        %get3A_711 = arith.constant 32 : index
        %get3A_712 = tpu.vector_load %get3A_709[%get3A_710, %get3A_711] {strides = array<i32>} : memref<800x64xf32, #tpu.memory_space<vmem>>, vector<1x16xf32>,
        %get3A_713 = vector.shape_cast %get3A_712 : vector<1x16xf32> to vector<16xf32>
        %add3A_714 = arith.addf %add3A_626, %get3A_713 : vector<16xf32>
        %add3A_715 = arith.constant 8 : i32
        %add3A_716 = arith.addi %add3A_330, %add3A_715 : i32
        %get3A_717 = arith.constant 0 : i32
        %get3A_718 = arith.constant 0 : i32
        %get3A_719 = tpu.memref_slice %arg6[%scan3A_98, %get3A_717, %get3A_718] : memref<2x800x64xf32, #tpu.memory_space<vmem>> -> memref<1x800x64xf32, #tpu.memory_space<vmem>>
        %get3A_720 = tpu.memref_squeeze %get3A_719 : memref<1x800x64xf32, #tpu.memory_space<vmem>> -> memref<800x64xf32, #tpu.memory_space<vmem>>
        %get3A_721 = arith.index_cast %add3A_716 : i32 to index
        %get3A_722 = arith.constant 48 : index
        %get3A_723 = tpu.vector_load %get3A_720[%get3A_721, %get3A_722] {strides = array<i32>} : memref<800x64xf32, #tpu.memory_space<vmem>>, vector<1x16xf32>,
        %get3A_724 = vector.shape_cast %get3A_723 : vector<1x16xf32> to vector<16xf32>
        %add3A_725 = arith.addf %add3A_637, %get3A_724 : vector<16xf32>
        %add3A_726 = arith.constant 9 : i32
        %add3A_727 = arith.addi %add3A_330, %add3A_726 : i32
        %get3A_728 = arith.constant 0 : i32
        %get3A_729 = arith.constant 0 : i32
        %get3A_730 = tpu.memref_slice %arg6[%scan3A_98, %get3A_728, %get3A_729] : memref<2x800x64xf32, #tpu.memory_space<vmem>> -> memref<1x800x64xf32, #tpu.memory_space<vmem>>
        %get3A_731 = tpu.memref_squeeze %get3A_730 : memref<1x800x64xf32, #tpu.memory_space<vmem>> -> memref<800x64xf32, #tpu.memory_space<vmem>>
        %get3A_732 = arith.index_cast %add3A_727 : i32 to index
        %get3A_733 = arith.constant 0 : index
        %get3A_734 = tpu.vector_load %get3A_731[%get3A_732, %get3A_733] {strides = array<i32>} : memref<800x64xf32, #tpu.memory_space<vmem>>, vector<1x16xf32>,
        %get3A_735 = vector.shape_cast %get3A_734 : vector<1x16xf32> to vector<16xf32>
        %add3A_736 = arith.addf %add3A_648, %get3A_735 : vector<16xf32>
        %add3A_737 = arith.constant 9 : i32
        %add3A_738 = arith.addi %add3A_330, %add3A_737 : i32
        %get3A_739 = arith.constant 0 : i32
        %get3A_740 = arith.constant 0 : i32
        %get3A_741 = tpu.memref_slice %arg6[%scan3A_98, %get3A_739, %get3A_740] : memref<2x800x64xf32, #tpu.memory_space<vmem>> -> memref<1x800x64xf32, #tpu.memory_space<vmem>>
        %get3A_742 = tpu.memref_squeeze %get3A_741 : memref<1x800x64xf32, #tpu.memory_space<vmem>> -> memref<800x64xf32, #tpu.memory_space<vmem>>
        %get3A_743 = arith.index_cast %add3A_738 : i32 to index
        %get3A_744 = arith.constant 16 : index
        %get3A_745 = tpu.vector_load %get3A_742[%get3A_743, %get3A_744] {strides = array<i32>} : memref<800x64xf32, #tpu.memory_space<vmem>>, vector<1x16xf32>,
        %get3A_746 = vector.shape_cast %get3A_745 : vector<1x16xf32> to vector<16xf32>
        %add3A_747 = arith.addf %add3A_659, %get3A_746 : vector<16xf32>
        %add3A_748 = arith.constant 9 : i32
        %add3A_749 = arith.addi %add3A_330, %add3A_748 : i32
        %get3A_750 = arith.constant 0 : i32
        %get3A_751 = arith.constant 0 : i32
        %get3A_752 = tpu.memref_slice %arg6[%scan3A_98, %get3A_750, %get3A_751] : memref<2x800x64xf32, #tpu.memory_space<vmem>> -> memref<1x800x64xf32, #tpu.memory_space<vmem>>
        %get3A_753 = tpu.memref_squeeze %get3A_752 : memref<1x800x64xf32, #tpu.memory_space<vmem>> -> memref<800x64xf32, #tpu.memory_space<vmem>>
        %get3A_754 = arith.index_cast %add3A_749 : i32 to index
        %get3A_755 = arith.constant 32 : index
        %get3A_756 = tpu.vector_load %get3A_753[%get3A_754, %get3A_755] {strides = array<i32>} : memref<800x64xf32, #tpu.memory_space<vmem>>, vector<1x16xf32>,
        %get3A_757 = vector.shape_cast %get3A_756 : vector<1x16xf32> to vector<16xf32>
        %add3A_758 = arith.addf %add3A_670, %get3A_757 : vector<16xf32>
        %add3A_759 = arith.constant 9 : i32
        %add3A_760 = arith.addi %add3A_330, %add3A_759 : i32
        %get3A_761 = arith.constant 0 : i32
        %get3A_762 = arith.constant 0 : i32
        %get3A_763 = tpu.memref_slice %arg6[%scan3A_98, %get3A_761, %get3A_762] : memref<2x800x64xf32, #tpu.memory_space<vmem>> -> memref<1x800x64xf32, #tpu.memory_space<vmem>>
        %get3A_764 = tpu.memref_squeeze %get3A_763 : memref<1x800x64xf32, #tpu.memory_space<vmem>> -> memref<800x64xf32, #tpu.memory_space<vmem>>
        %get3A_765 = arith.index_cast %add3A_760 : i32 to index
        %get3A_766 = arith.constant 48 : index
        %get3A_767 = tpu.vector_load %get3A_764[%get3A_765, %get3A_766] {strides = array<i32>} : memref<800x64xf32, #tpu.memory_space<vmem>>, vector<1x16xf32>,
        %get3A_768 = vector.shape_cast %get3A_767 : vector<1x16xf32> to vector<16xf32>
        %add3A_769 = arith.addf %add3A_681, %get3A_768 : vector<16xf32>
        scf.yield %add3A_692, %add3A_703, %add3A_714, %add3A_725, %add3A_736, %add3A_747, %add3A_758, %add3A_769 : vector<16xf32>, vector<16xf32>, vector<16xf32>, vector<16xf32>, vector<16xf32>, vector<16xf32>, vector<16xf32>, vector<16xf32>
      }
      %scan3A_280 = arith.constant 5 : i32
      %add3A_281 = arith.constant 32 : i32
      %add3A_282 = arith.addi %add3A_281, %scan3A_256 : i32
      %add3A_283 = arith.addf %scan3A_279#0, %scan3A_279#4 : vector<16xf32>
      %mul3A_284 = arith.constant 2.000000e-02 : f32
      %mul3A_285 = vector.broadcast %mul3A_284 : f32 to vector<16xf32>
      %mul3A_286 = arith.mulf %add3A_283, %mul3A_285 : vector<16xf32>
      %swap3A = arith.index_cast %add3A_282 : i32 to index
      %swap3A_287 = arith.constant 0 : index
      %swap3A_288 = tpu.vector_load %arg7[%swap3A, %swap3A_287] {strides = array<i32>} : memref<128x64xf32, #tpu.memory_space<vmem>>, vector<1x16xf32>,
      %swap3A_289 = vector.shape_cast %swap3A_288 : vector<1x16xf32> to vector<16xf32>
      %swap3A_290 = vector.shape_cast %mul3A_286 : vector<16xf32> to vector<1x16xf32>
      tpu.vector_store %arg7[%swap3A, %swap3A_287], %swap3A_290 {strides = array<i32>} : memref<128x64xf32, #tpu.memory_space<vmem>>, vector<1x16xf32>,
      %add3A_291 = arith.addf %scan3A_279#1, %scan3A_279#5 : vector<16xf32>
      %mul3A_292 = arith.constant 2.000000e-02 : f32
      %mul3A_293 = vector.broadcast %mul3A_292 : f32 to vector<16xf32>
      %mul3A_294 = arith.mulf %add3A_291, %mul3A_293 : vector<16xf32>
      %swap3A_295 = arith.index_cast %add3A_282 : i32 to index
      %swap3A_296 = arith.constant 16 : index
      %swap3A_297 = tpu.vector_load %arg7[%swap3A_295, %swap3A_296] {strides = array<i32>} : memref<128x64xf32, #tpu.memory_space<vmem>>, vector<1x16xf32>,
      %swap3A_298 = vector.shape_cast %swap3A_297 : vector<1x16xf32> to vector<16xf32>
      %swap3A_299 = vector.shape_cast %mul3A_294 : vector<16xf32> to vector<1x16xf32>
      tpu.vector_store %arg7[%swap3A_295, %swap3A_296], %swap3A_299 {strides = array<i32>} : memref<128x64xf32, #tpu.memory_space<vmem>>, vector<1x16xf32>,
      %add3A_300 = arith.addf %scan3A_279#2, %scan3A_279#6 : vector<16xf32>
      %mul3A_301 = arith.constant 2.000000e-02 : f32
      %mul3A_302 = vector.broadcast %mul3A_301 : f32 to vector<16xf32>
      %mul3A_303 = arith.mulf %add3A_300, %mul3A_302 : vector<16xf32>
      %swap3A_304 = arith.index_cast %add3A_282 : i32 to index
      %swap3A_305 = arith.constant 32 : index
      %swap3A_306 = tpu.vector_load %arg7[%swap3A_304, %swap3A_305] {strides = array<i32>} : memref<128x64xf32, #tpu.memory_space<vmem>>, vector<1x16xf32>,
      %swap3A_307 = vector.shape_cast %swap3A_306 : vector<1x16xf32> to vector<16xf32>
      %swap3A_308 = vector.shape_cast %mul3A_303 : vector<16xf32> to vector<1x16xf32>
      tpu.vector_store %arg7[%swap3A_304, %swap3A_305], %swap3A_308 {strides = array<i32>} : memref<128x64xf32, #tpu.memory_space<vmem>>, vector<1x16xf32>,
      %add3A_309 = arith.addf %scan3A_279#3, %scan3A_279#7 : vector<16xf32>
      %mul3A_310 = arith.constant 2.000000e-02 : f32
      %mul3A_311 = vector.broadcast %mul3A_310 : f32 to vector<16xf32>
      %mul3A_312 = arith.mulf %add3A_309, %mul3A_311 : vector<16xf32>
      %swap3A_313 = arith.index_cast %add3A_282 : i32 to index
      %swap3A_314 = arith.constant 48 : index
      %swap3A_315 = tpu.vector_load %arg7[%swap3A_313, %swap3A_314] {strides = array<i32>} : memref<128x64xf32, #tpu.memory_space<vmem>>, vector<1x16xf32>,
      %swap3A_316 = vector.shape_cast %swap3A_315 : vector<1x16xf32> to vector<16xf32>
      %swap3A_317 = vector.shape_cast %mul3A_312 : vector<16xf32> to vector<1x16xf32>
      tpu.vector_store %arg7[%swap3A_313, %swap3A_314], %swap3A_317 {strides = array<i32>} : memref<128x64xf32, #tpu.memory_space<vmem>>, vector<1x16xf32>,
      %scan3A_318 = arith.constant 0 : i32
      scf.yield %scan3A_318 : i32
    }
    %scan3A_105 = arith.constant 16 : i32
    %dma_start3A_106 = arith.constant 4 : i32
    %dma_start3A_107 = arith.constant 0 : i32
    %dma_start3A_108 = arith.constant 0 : i32
    %dma_start3A_109 = arith.constant 0 : i32
    %dma_start3A_110 = tpu.memref_slice %arg6[%dma_start3A_107, %dma_start3A_108, %dma_start3A_109] : memref<2x800x64xf32, #tpu.memory_space<vmem>> -> memref<1x800x64xf32, #tpu.memory_space<vmem>>
    %dma_start3A_111 = tpu.memref_squeeze %dma_start3A_110 : memref<1x800x64xf32, #tpu.memory_space<vmem>> -> memref<800x64xf32, #tpu.memory_space<vmem>>
    %dma_start3A_112 = arith.constant 0 : i32
    %dma_start3A_113 = tpu.memref_slice %arg5[%dma_start3A_106, %dma_start3A_112] : memref<8x800xi32, #tpu.memory_space<vmem>> -> memref<1x800xi32, #tpu.memory_space<vmem>>
    %dma_start3A_114 = tpu.memref_squeeze %dma_start3A_113 : memref<1x800xi32, #tpu.memory_space<vmem>> -> memref<800xi32, #tpu.memory_space<vmem>>
    %dma_start3A_115 = arith.constant 0 : i32
    %dma_start3A_116 = arith.constant 0 : i32
    %dma_start3A_117 = tpu.memref_slice %arg3[%dma_start3A_115, %dma_start3A_116] : memref<100000x64xf32, #tpu.memory_space<hbm>> -> memref<100000x64xf32, #tpu.memory_space<hbm>>
    tpu.enqueue_indirect_dma source(%dma_start3A_117 : memref<100000x64xf32, #tpu.memory_space<hbm>>) target(%dma_start3A_111 : memref<800x64xf32, #tpu.memory_space<vmem>>) offsets(%dma_start3A_114 : memref<800xi32, #tpu.memory_space<vmem>>) semaphore(%arg8 : memref<!tpu.dma_semaphore, #tpu.memory_space<semaphore_mem>>)
    %dma_wait3A_118 = arith.constant 3 : i32
    %dma_wait3A_119 = arith.constant 1 : i32
    %dma_wait3A_120 = arith.constant 0 : i32
    %dma_wait3A_121 = arith.constant 0 : i32
    %dma_wait3A_122 = tpu.memref_slice %arg6[%dma_wait3A_119, %dma_wait3A_120, %dma_wait3A_121] : memref<2x800x64xf32, #tpu.memory_space<vmem>> -> memref<1x800x64xf32, #tpu.memory_space<vmem>>
    %dma_wait3A_123 = tpu.memref_squeeze %dma_wait3A_122 : memref<1x800x64xf32, #tpu.memory_space<vmem>> -> memref<800x64xf32, #tpu.memory_space<vmem>>
    %dma_wait3A_124 = arith.constant 0 : i32
    %dma_wait3A_125 = tpu.memref_slice %arg5[%dma_wait3A_118, %dma_wait3A_124] : memref<8x800xi32, #tpu.memory_space<vmem>> -> memref<1x800xi32, #tpu.memory_space<vmem>>
    %dma_wait3A_126 = tpu.memref_squeeze %dma_wait3A_125 : memref<1x800xi32, #tpu.memory_space<vmem>> -> memref<800xi32, #tpu.memory_space<vmem>>
    %dma_wait3A_127 = arith.constant 0 : i32
    %dma_wait3A_128 = arith.constant 0 : i32
    %dma_wait3A_129 = tpu.memref_slice %arg3[%dma_wait3A_127, %dma_wait3A_128] : memref<100000x64xf32, #tpu.memory_space<hbm>> -> memref<100000x64xf32, #tpu.memory_space<hbm>>
    tpu.wait_indirect_dma semaphore(%arg9 : memref<!tpu.dma_semaphore, #tpu.memory_space<semaphore_mem>>) src(%dma_wait3A_129 : memref<100000x64xf32, #tpu.memory_space<hbm>>) dst(%dma_wait3A_123 : memref<800x64xf32, #tpu.memory_space<vmem>>)
    %scan3A_130 = arith.constant 1 : i32
    %scan3A_131 = arith.constant 0 : i32
    %scan3A_132 = arith.constant 0 : i32
    %scan3A_133 = arith.constant 16 : i32
    %scan3A_134 = arith.addi %scan3A_132, %scan3A_133 : i32
    %scan3A_135 = arith.constant 1 : i32
    %scan3A_136 = scf.for %scan3A_256 = %scan3A_132 to %scan3A_134 step %scan3A_135 iter_args(%scan3A_257 = %scan3A_131) -> (i32)  : i32 {
      %mul3A_258 = arith.constant 50 : i32
      %mul3A_259 = arith.muli %scan3A_256, %mul3A_258 : i32
      %broadcast_in_dim3A = arith.constant 0.000000e+00 : f32
      %broadcast_in_dim3A_260 = vector.broadcast %broadcast_in_dim3A : f32 to vector<16xf32>
      %broadcast_in_dim3A_261 = arith.constant 0.000000e+00 : f32
      %broadcast_in_dim3A_262 = vector.broadcast %broadcast_in_dim3A_261 : f32 to vector<16xf32>
      %broadcast_in_dim3A_263 = arith.constant 0.000000e+00 : f32
      %broadcast_in_dim3A_264 = vector.broadcast %broadcast_in_dim3A_263 : f32 to vector<16xf32>
      %broadcast_in_dim3A_265 = arith.constant 0.000000e+00 : f32
      %broadcast_in_dim3A_266 = vector.broadcast %broadcast_in_dim3A_265 : f32 to vector<16xf32>
      %broadcast_in_dim3A_267 = arith.constant 0.000000e+00 : f32
      %broadcast_in_dim3A_268 = vector.broadcast %broadcast_in_dim3A_267 : f32 to vector<16xf32>
      %broadcast_in_dim3A_269 = arith.constant 0.000000e+00 : f32
      %broadcast_in_dim3A_270 = vector.broadcast %broadcast_in_dim3A_269 : f32 to vector<16xf32>
      %broadcast_in_dim3A_271 = arith.constant 0.000000e+00 : f32
      %broadcast_in_dim3A_272 = vector.broadcast %broadcast_in_dim3A_271 : f32 to vector<16xf32>
      %broadcast_in_dim3A_273 = arith.constant 0.000000e+00 : f32
      %broadcast_in_dim3A_274 = vector.broadcast %broadcast_in_dim3A_273 : f32 to vector<16xf32>
      %scan3A_275 = arith.constant 0 : i32
      %scan3A_276 = arith.constant 5 : i32
      %scan3A_277 = arith.addi %scan3A_275, %scan3A_276 : i32
      %scan3A_278 = arith.constant 1 : i32
      %scan3A_279:8 = scf.for %scan3A_319 = %scan3A_275 to %scan3A_277 step %scan3A_278 iter_args(%scan3A_320 = %broadcast_in_dim3A_260, %scan3A_321 = %broadcast_in_dim3A_262, %scan3A_322 = %broadcast_in_dim3A_264, %scan3A_323 = %broadcast_in_dim3A_266, %scan3A_324 = %broadcast_in_dim3A_268, %scan3A_325 = %broadcast_in_dim3A_270, %scan3A_326 = %broadcast_in_dim3A_272, %scan3A_327 = %broadcast_in_dim3A_274) -> (vector<16xf32>, vector<16xf32>, vector<16xf32>, vector<16xf32>, vector<16xf32>, vector<16xf32>, vector<16xf32>, vector<16xf32>)  : i32 {
        %mul3A_328 = arith.constant 10 : i32
        %mul3A_329 = arith.muli %scan3A_319, %mul3A_328 : i32
        %add3A_330 = arith.addi %mul3A_259, %mul3A_329 : i32
        %add3A_331 = arith.constant 0 : i32
        %add3A_332 = arith.addi %add3A_330, %add3A_331 : i32
        %get3A = arith.constant 0 : i32
        %get3A_333 = arith.constant 0 : i32
        %get3A_334 = tpu.memref_slice %arg6[%scan3A_130, %get3A, %get3A_333] : memref<2x800x64xf32, #tpu.memory_space<vmem>> -> memref<1x800x64xf32, #tpu.memory_space<vmem>>
        %get3A_335 = tpu.memref_squeeze %get3A_334 : memref<1x800x64xf32, #tpu.memory_space<vmem>> -> memref<800x64xf32, #tpu.memory_space<vmem>>
        %get3A_336 = arith.index_cast %add3A_332 : i32 to index
        %get3A_337 = arith.constant 0 : index
        %get3A_338 = tpu.vector_load %get3A_335[%get3A_336, %get3A_337] {strides = array<i32>} : memref<800x64xf32, #tpu.memory_space<vmem>>, vector<1x16xf32>,
        %get3A_339 = vector.shape_cast %get3A_338 : vector<1x16xf32> to vector<16xf32>
        %add3A_340 = arith.addf %scan3A_320, %get3A_339 : vector<16xf32>
        %add3A_341 = arith.constant 0 : i32
        %add3A_342 = arith.addi %add3A_330, %add3A_341 : i32
        %get3A_343 = arith.constant 0 : i32
        %get3A_344 = arith.constant 0 : i32
        %get3A_345 = tpu.memref_slice %arg6[%scan3A_130, %get3A_343, %get3A_344] : memref<2x800x64xf32, #tpu.memory_space<vmem>> -> memref<1x800x64xf32, #tpu.memory_space<vmem>>
        %get3A_346 = tpu.memref_squeeze %get3A_345 : memref<1x800x64xf32, #tpu.memory_space<vmem>> -> memref<800x64xf32, #tpu.memory_space<vmem>>
        %get3A_347 = arith.index_cast %add3A_342 : i32 to index
        %get3A_348 = arith.constant 16 : index
        %get3A_349 = tpu.vector_load %get3A_346[%get3A_347, %get3A_348] {strides = array<i32>} : memref<800x64xf32, #tpu.memory_space<vmem>>, vector<1x16xf32>,
        %get3A_350 = vector.shape_cast %get3A_349 : vector<1x16xf32> to vector<16xf32>
        %add3A_351 = arith.addf %scan3A_321, %get3A_350 : vector<16xf32>
        %add3A_352 = arith.constant 0 : i32
        %add3A_353 = arith.addi %add3A_330, %add3A_352 : i32
        %get3A_354 = arith.constant 0 : i32
        %get3A_355 = arith.constant 0 : i32
        %get3A_356 = tpu.memref_slice %arg6[%scan3A_130, %get3A_354, %get3A_355] : memref<2x800x64xf32, #tpu.memory_space<vmem>> -> memref<1x800x64xf32, #tpu.memory_space<vmem>>
        %get3A_357 = tpu.memref_squeeze %get3A_356 : memref<1x800x64xf32, #tpu.memory_space<vmem>> -> memref<800x64xf32, #tpu.memory_space<vmem>>
        %get3A_358 = arith.index_cast %add3A_353 : i32 to index
        %get3A_359 = arith.constant 32 : index
        %get3A_360 = tpu.vector_load %get3A_357[%get3A_358, %get3A_359] {strides = array<i32>} : memref<800x64xf32, #tpu.memory_space<vmem>>, vector<1x16xf32>,
        %get3A_361 = vector.shape_cast %get3A_360 : vector<1x16xf32> to vector<16xf32>
        %add3A_362 = arith.addf %scan3A_322, %get3A_361 : vector<16xf32>
        %add3A_363 = arith.constant 0 : i32
        %add3A_364 = arith.addi %add3A_330, %add3A_363 : i32
        %get3A_365 = arith.constant 0 : i32
        %get3A_366 = arith.constant 0 : i32
        %get3A_367 = tpu.memref_slice %arg6[%scan3A_130, %get3A_365, %get3A_366] : memref<2x800x64xf32, #tpu.memory_space<vmem>> -> memref<1x800x64xf32, #tpu.memory_space<vmem>>
        %get3A_368 = tpu.memref_squeeze %get3A_367 : memref<1x800x64xf32, #tpu.memory_space<vmem>> -> memref<800x64xf32, #tpu.memory_space<vmem>>
        %get3A_369 = arith.index_cast %add3A_364 : i32 to index
        %get3A_370 = arith.constant 48 : index
        %get3A_371 = tpu.vector_load %get3A_368[%get3A_369, %get3A_370] {strides = array<i32>} : memref<800x64xf32, #tpu.memory_space<vmem>>, vector<1x16xf32>,
        %get3A_372 = vector.shape_cast %get3A_371 : vector<1x16xf32> to vector<16xf32>
        %add3A_373 = arith.addf %scan3A_323, %get3A_372 : vector<16xf32>
        %add3A_374 = arith.constant 1 : i32
        %add3A_375 = arith.addi %add3A_330, %add3A_374 : i32
        %get3A_376 = arith.constant 0 : i32
        %get3A_377 = arith.constant 0 : i32
        %get3A_378 = tpu.memref_slice %arg6[%scan3A_130, %get3A_376, %get3A_377] : memref<2x800x64xf32, #tpu.memory_space<vmem>> -> memref<1x800x64xf32, #tpu.memory_space<vmem>>
        %get3A_379 = tpu.memref_squeeze %get3A_378 : memref<1x800x64xf32, #tpu.memory_space<vmem>> -> memref<800x64xf32, #tpu.memory_space<vmem>>
        %get3A_380 = arith.index_cast %add3A_375 : i32 to index
        %get3A_381 = arith.constant 0 : index
        %get3A_382 = tpu.vector_load %get3A_379[%get3A_380, %get3A_381] {strides = array<i32>} : memref<800x64xf32, #tpu.memory_space<vmem>>, vector<1x16xf32>,
        %get3A_383 = vector.shape_cast %get3A_382 : vector<1x16xf32> to vector<16xf32>
        %add3A_384 = arith.addf %scan3A_324, %get3A_383 : vector<16xf32>
        %add3A_385 = arith.constant 1 : i32
        %add3A_386 = arith.addi %add3A_330, %add3A_385 : i32
        %get3A_387 = arith.constant 0 : i32
        %get3A_388 = arith.constant 0 : i32
        %get3A_389 = tpu.memref_slice %arg6[%scan3A_130, %get3A_387, %get3A_388] : memref<2x800x64xf32, #tpu.memory_space<vmem>> -> memref<1x800x64xf32, #tpu.memory_space<vmem>>
        %get3A_390 = tpu.memref_squeeze %get3A_389 : memref<1x800x64xf32, #tpu.memory_space<vmem>> -> memref<800x64xf32, #tpu.memory_space<vmem>>
        %get3A_391 = arith.index_cast %add3A_386 : i32 to index
        %get3A_392 = arith.constant 16 : index
        %get3A_393 = tpu.vector_load %get3A_390[%get3A_391, %get3A_392] {strides = array<i32>} : memref<800x64xf32, #tpu.memory_space<vmem>>, vector<1x16xf32>,
        %get3A_394 = vector.shape_cast %get3A_393 : vector<1x16xf32> to vector<16xf32>
        %add3A_395 = arith.addf %scan3A_325, %get3A_394 : vector<16xf32>
        %add3A_396 = arith.constant 1 : i32
        %add3A_397 = arith.addi %add3A_330, %add3A_396 : i32
        %get3A_398 = arith.constant 0 : i32
        %get3A_399 = arith.constant 0 : i32
        %get3A_400 = tpu.memref_slice %arg6[%scan3A_130, %get3A_398, %get3A_399] : memref<2x800x64xf32, #tpu.memory_space<vmem>> -> memref<1x800x64xf32, #tpu.memory_space<vmem>>
        %get3A_401 = tpu.memref_squeeze %get3A_400 : memref<1x800x64xf32, #tpu.memory_space<vmem>> -> memref<800x64xf32, #tpu.memory_space<vmem>>
        %get3A_402 = arith.index_cast %add3A_397 : i32 to index
        %get3A_403 = arith.constant 32 : index
        %get3A_404 = tpu.vector_load %get3A_401[%get3A_402, %get3A_403] {strides = array<i32>} : memref<800x64xf32, #tpu.memory_space<vmem>>, vector<1x16xf32>,
        %get3A_405 = vector.shape_cast %get3A_404 : vector<1x16xf32> to vector<16xf32>
        %add3A_406 = arith.addf %scan3A_326, %get3A_405 : vector<16xf32>
        %add3A_407 = arith.constant 1 : i32
        %add3A_408 = arith.addi %add3A_330, %add3A_407 : i32
        %get3A_409 = arith.constant 0 : i32
        %get3A_410 = arith.constant 0 : i32
        %get3A_411 = tpu.memref_slice %arg6[%scan3A_130, %get3A_409, %get3A_410] : memref<2x800x64xf32, #tpu.memory_space<vmem>> -> memref<1x800x64xf32, #tpu.memory_space<vmem>>
        %get3A_412 = tpu.memref_squeeze %get3A_411 : memref<1x800x64xf32, #tpu.memory_space<vmem>> -> memref<800x64xf32, #tpu.memory_space<vmem>>
        %get3A_413 = arith.index_cast %add3A_408 : i32 to index
        %get3A_414 = arith.constant 48 : index
        %get3A_415 = tpu.vector_load %get3A_412[%get3A_413, %get3A_414] {strides = array<i32>} : memref<800x64xf32, #tpu.memory_space<vmem>>, vector<1x16xf32>,
        %get3A_416 = vector.shape_cast %get3A_415 : vector<1x16xf32> to vector<16xf32>
        %add3A_417 = arith.addf %scan3A_327, %get3A_416 : vector<16xf32>
        %add3A_418 = arith.constant 2 : i32
        %add3A_419 = arith.addi %add3A_330, %add3A_418 : i32
        %get3A_420 = arith.constant 0 : i32
        %get3A_421 = arith.constant 0 : i32
        %get3A_422 = tpu.memref_slice %arg6[%scan3A_130, %get3A_420, %get3A_421] : memref<2x800x64xf32, #tpu.memory_space<vmem>> -> memref<1x800x64xf32, #tpu.memory_space<vmem>>
        %get3A_423 = tpu.memref_squeeze %get3A_422 : memref<1x800x64xf32, #tpu.memory_space<vmem>> -> memref<800x64xf32, #tpu.memory_space<vmem>>
        %get3A_424 = arith.index_cast %add3A_419 : i32 to index
        %get3A_425 = arith.constant 0 : index
        %get3A_426 = tpu.vector_load %get3A_423[%get3A_424, %get3A_425] {strides = array<i32>} : memref<800x64xf32, #tpu.memory_space<vmem>>, vector<1x16xf32>,
        %get3A_427 = vector.shape_cast %get3A_426 : vector<1x16xf32> to vector<16xf32>
        %add3A_428 = arith.addf %add3A_340, %get3A_427 : vector<16xf32>
        %add3A_429 = arith.constant 2 : i32
        %add3A_430 = arith.addi %add3A_330, %add3A_429 : i32
        %get3A_431 = arith.constant 0 : i32
        %get3A_432 = arith.constant 0 : i32
        %get3A_433 = tpu.memref_slice %arg6[%scan3A_130, %get3A_431, %get3A_432] : memref<2x800x64xf32, #tpu.memory_space<vmem>> -> memref<1x800x64xf32, #tpu.memory_space<vmem>>
        %get3A_434 = tpu.memref_squeeze %get3A_433 : memref<1x800x64xf32, #tpu.memory_space<vmem>> -> memref<800x64xf32, #tpu.memory_space<vmem>>
        %get3A_435 = arith.index_cast %add3A_430 : i32 to index
        %get3A_436 = arith.constant 16 : index
        %get3A_437 = tpu.vector_load %get3A_434[%get3A_435, %get3A_436] {strides = array<i32>} : memref<800x64xf32, #tpu.memory_space<vmem>>, vector<1x16xf32>,
        %get3A_438 = vector.shape_cast %get3A_437 : vector<1x16xf32> to vector<16xf32>
        %add3A_439 = arith.addf %add3A_351, %get3A_438 : vector<16xf32>
        %add3A_440 = arith.constant 2 : i32
        %add3A_441 = arith.addi %add3A_330, %add3A_440 : i32
        %get3A_442 = arith.constant 0 : i32
        %get3A_443 = arith.constant 0 : i32
        %get3A_444 = tpu.memref_slice %arg6[%scan3A_130, %get3A_442, %get3A_443] : memref<2x800x64xf32, #tpu.memory_space<vmem>> -> memref<1x800x64xf32, #tpu.memory_space<vmem>>
        %get3A_445 = tpu.memref_squeeze %get3A_444 : memref<1x800x64xf32, #tpu.memory_space<vmem>> -> memref<800x64xf32, #tpu.memory_space<vmem>>
        %get3A_446 = arith.index_cast %add3A_441 : i32 to index
        %get3A_447 = arith.constant 32 : index
        %get3A_448 = tpu.vector_load %get3A_445[%get3A_446, %get3A_447] {strides = array<i32>} : memref<800x64xf32, #tpu.memory_space<vmem>>, vector<1x16xf32>,
        %get3A_449 = vector.shape_cast %get3A_448 : vector<1x16xf32> to vector<16xf32>
        %add3A_450 = arith.addf %add3A_362, %get3A_449 : vector<16xf32>
        %add3A_451 = arith.constant 2 : i32
        %add3A_452 = arith.addi %add3A_330, %add3A_451 : i32
        %get3A_453 = arith.constant 0 : i32
        %get3A_454 = arith.constant 0 : i32
        %get3A_455 = tpu.memref_slice %arg6[%scan3A_130, %get3A_453, %get3A_454] : memref<2x800x64xf32, #tpu.memory_space<vmem>> -> memref<1x800x64xf32, #tpu.memory_space<vmem>>
        %get3A_456 = tpu.memref_squeeze %get3A_455 : memref<1x800x64xf32, #tpu.memory_space<vmem>> -> memref<800x64xf32, #tpu.memory_space<vmem>>
        %get3A_457 = arith.index_cast %add3A_452 : i32 to index
        %get3A_458 = arith.constant 48 : index
        %get3A_459 = tpu.vector_load %get3A_456[%get3A_457, %get3A_458] {strides = array<i32>} : memref<800x64xf32, #tpu.memory_space<vmem>>, vector<1x16xf32>,
        %get3A_460 = vector.shape_cast %get3A_459 : vector<1x16xf32> to vector<16xf32>
        %add3A_461 = arith.addf %add3A_373, %get3A_460 : vector<16xf32>
        %add3A_462 = arith.constant 3 : i32
        %add3A_463 = arith.addi %add3A_330, %add3A_462 : i32
        %get3A_464 = arith.constant 0 : i32
        %get3A_465 = arith.constant 0 : i32
        %get3A_466 = tpu.memref_slice %arg6[%scan3A_130, %get3A_464, %get3A_465] : memref<2x800x64xf32, #tpu.memory_space<vmem>> -> memref<1x800x64xf32, #tpu.memory_space<vmem>>
        %get3A_467 = tpu.memref_squeeze %get3A_466 : memref<1x800x64xf32, #tpu.memory_space<vmem>> -> memref<800x64xf32, #tpu.memory_space<vmem>>
        %get3A_468 = arith.index_cast %add3A_463 : i32 to index
        %get3A_469 = arith.constant 0 : index
        %get3A_470 = tpu.vector_load %get3A_467[%get3A_468, %get3A_469] {strides = array<i32>} : memref<800x64xf32, #tpu.memory_space<vmem>>, vector<1x16xf32>,
        %get3A_471 = vector.shape_cast %get3A_470 : vector<1x16xf32> to vector<16xf32>
        %add3A_472 = arith.addf %add3A_384, %get3A_471 : vector<16xf32>
        %add3A_473 = arith.constant 3 : i32
        %add3A_474 = arith.addi %add3A_330, %add3A_473 : i32
        %get3A_475 = arith.constant 0 : i32
        %get3A_476 = arith.constant 0 : i32
        %get3A_477 = tpu.memref_slice %arg6[%scan3A_130, %get3A_475, %get3A_476] : memref<2x800x64xf32, #tpu.memory_space<vmem>> -> memref<1x800x64xf32, #tpu.memory_space<vmem>>
        %get3A_478 = tpu.memref_squeeze %get3A_477 : memref<1x800x64xf32, #tpu.memory_space<vmem>> -> memref<800x64xf32, #tpu.memory_space<vmem>>
        %get3A_479 = arith.index_cast %add3A_474 : i32 to index
        %get3A_480 = arith.constant 16 : index
        %get3A_481 = tpu.vector_load %get3A_478[%get3A_479, %get3A_480] {strides = array<i32>} : memref<800x64xf32, #tpu.memory_space<vmem>>, vector<1x16xf32>,
        %get3A_482 = vector.shape_cast %get3A_481 : vector<1x16xf32> to vector<16xf32>
        %add3A_483 = arith.addf %add3A_395, %get3A_482 : vector<16xf32>
        %add3A_484 = arith.constant 3 : i32
        %add3A_485 = arith.addi %add3A_330, %add3A_484 : i32
        %get3A_486 = arith.constant 0 : i32
        %get3A_487 = arith.constant 0 : i32
        %get3A_488 = tpu.memref_slice %arg6[%scan3A_130, %get3A_486, %get3A_487] : memref<2x800x64xf32, #tpu.memory_space<vmem>> -> memref<1x800x64xf32, #tpu.memory_space<vmem>>
        %get3A_489 = tpu.memref_squeeze %get3A_488 : memref<1x800x64xf32, #tpu.memory_space<vmem>> -> memref<800x64xf32, #tpu.memory_space<vmem>>
        %get3A_490 = arith.index_cast %add3A_485 : i32 to index
        %get3A_491 = arith.constant 32 : index
        %get3A_492 = tpu.vector_load %get3A_489[%get3A_490, %get3A_491] {strides = array<i32>} : memref<800x64xf32, #tpu.memory_space<vmem>>, vector<1x16xf32>,
        %get3A_493 = vector.shape_cast %get3A_492 : vector<1x16xf32> to vector<16xf32>
        %add3A_494 = arith.addf %add3A_406, %get3A_493 : vector<16xf32>
        %add3A_495 = arith.constant 3 : i32
        %add3A_496 = arith.addi %add3A_330, %add3A_495 : i32
        %get3A_497 = arith.constant 0 : i32
        %get3A_498 = arith.constant 0 : i32
        %get3A_499 = tpu.memref_slice %arg6[%scan3A_130, %get3A_497, %get3A_498] : memref<2x800x64xf32, #tpu.memory_space<vmem>> -> memref<1x800x64xf32, #tpu.memory_space<vmem>>
        %get3A_500 = tpu.memref_squeeze %get3A_499 : memref<1x800x64xf32, #tpu.memory_space<vmem>> -> memref<800x64xf32, #tpu.memory_space<vmem>>
        %get3A_501 = arith.index_cast %add3A_496 : i32 to index
        %get3A_502 = arith.constant 48 : index
        %get3A_503 = tpu.vector_load %get3A_500[%get3A_501, %get3A_502] {strides = array<i32>} : memref<800x64xf32, #tpu.memory_space<vmem>>, vector<1x16xf32>,
        %get3A_504 = vector.shape_cast %get3A_503 : vector<1x16xf32> to vector<16xf32>
        %add3A_505 = arith.addf %add3A_417, %get3A_504 : vector<16xf32>
        %add3A_506 = arith.constant 4 : i32
        %add3A_507 = arith.addi %add3A_330, %add3A_506 : i32
        %get3A_508 = arith.constant 0 : i32
        %get3A_509 = arith.constant 0 : i32
        %get3A_510 = tpu.memref_slice %arg6[%scan3A_130, %get3A_508, %get3A_509] : memref<2x800x64xf32, #tpu.memory_space<vmem>> -> memref<1x800x64xf32, #tpu.memory_space<vmem>>
        %get3A_511 = tpu.memref_squeeze %get3A_510 : memref<1x800x64xf32, #tpu.memory_space<vmem>> -> memref<800x64xf32, #tpu.memory_space<vmem>>
        %get3A_512 = arith.index_cast %add3A_507 : i32 to index
        %get3A_513 = arith.constant 0 : index
        %get3A_514 = tpu.vector_load %get3A_511[%get3A_512, %get3A_513] {strides = array<i32>} : memref<800x64xf32, #tpu.memory_space<vmem>>, vector<1x16xf32>,
        %get3A_515 = vector.shape_cast %get3A_514 : vector<1x16xf32> to vector<16xf32>
        %add3A_516 = arith.addf %add3A_428, %get3A_515 : vector<16xf32>
        %add3A_517 = arith.constant 4 : i32
        %add3A_518 = arith.addi %add3A_330, %add3A_517 : i32
        %get3A_519 = arith.constant 0 : i32
        %get3A_520 = arith.constant 0 : i32
        %get3A_521 = tpu.memref_slice %arg6[%scan3A_130, %get3A_519, %get3A_520] : memref<2x800x64xf32, #tpu.memory_space<vmem>> -> memref<1x800x64xf32, #tpu.memory_space<vmem>>
        %get3A_522 = tpu.memref_squeeze %get3A_521 : memref<1x800x64xf32, #tpu.memory_space<vmem>> -> memref<800x64xf32, #tpu.memory_space<vmem>>
        %get3A_523 = arith.index_cast %add3A_518 : i32 to index
        %get3A_524 = arith.constant 16 : index
        %get3A_525 = tpu.vector_load %get3A_522[%get3A_523, %get3A_524] {strides = array<i32>} : memref<800x64xf32, #tpu.memory_space<vmem>>, vector<1x16xf32>,
        %get3A_526 = vector.shape_cast %get3A_525 : vector<1x16xf32> to vector<16xf32>
        %add3A_527 = arith.addf %add3A_439, %get3A_526 : vector<16xf32>
        %add3A_528 = arith.constant 4 : i32
        %add3A_529 = arith.addi %add3A_330, %add3A_528 : i32
        %get3A_530 = arith.constant 0 : i32
        %get3A_531 = arith.constant 0 : i32
        %get3A_532 = tpu.memref_slice %arg6[%scan3A_130, %get3A_530, %get3A_531] : memref<2x800x64xf32, #tpu.memory_space<vmem>> -> memref<1x800x64xf32, #tpu.memory_space<vmem>>
        %get3A_533 = tpu.memref_squeeze %get3A_532 : memref<1x800x64xf32, #tpu.memory_space<vmem>> -> memref<800x64xf32, #tpu.memory_space<vmem>>
        %get3A_534 = arith.index_cast %add3A_529 : i32 to index
        %get3A_535 = arith.constant 32 : index
        %get3A_536 = tpu.vector_load %get3A_533[%get3A_534, %get3A_535] {strides = array<i32>} : memref<800x64xf32, #tpu.memory_space<vmem>>, vector<1x16xf32>,
        %get3A_537 = vector.shape_cast %get3A_536 : vector<1x16xf32> to vector<16xf32>
        %add3A_538 = arith.addf %add3A_450, %get3A_537 : vector<16xf32>
        %add3A_539 = arith.constant 4 : i32
        %add3A_540 = arith.addi %add3A_330, %add3A_539 : i32
        %get3A_541 = arith.constant 0 : i32
        %get3A_542 = arith.constant 0 : i32
        %get3A_543 = tpu.memref_slice %arg6[%scan3A_130, %get3A_541, %get3A_542] : memref<2x800x64xf32, #tpu.memory_space<vmem>> -> memref<1x800x64xf32, #tpu.memory_space<vmem>>
        %get3A_544 = tpu.memref_squeeze %get3A_543 : memref<1x800x64xf32, #tpu.memory_space<vmem>> -> memref<800x64xf32, #tpu.memory_space<vmem>>
        %get3A_545 = arith.index_cast %add3A_540 : i32 to index
        %get3A_546 = arith.constant 48 : index
        %get3A_547 = tpu.vector_load %get3A_544[%get3A_545, %get3A_546] {strides = array<i32>} : memref<800x64xf32, #tpu.memory_space<vmem>>, vector<1x16xf32>,
        %get3A_548 = vector.shape_cast %get3A_547 : vector<1x16xf32> to vector<16xf32>
        %add3A_549 = arith.addf %add3A_461, %get3A_548 : vector<16xf32>
        %add3A_550 = arith.constant 5 : i32
        %add3A_551 = arith.addi %add3A_330, %add3A_550 : i32
        %get3A_552 = arith.constant 0 : i32
        %get3A_553 = arith.constant 0 : i32
        %get3A_554 = tpu.memref_slice %arg6[%scan3A_130, %get3A_552, %get3A_553] : memref<2x800x64xf32, #tpu.memory_space<vmem>> -> memref<1x800x64xf32, #tpu.memory_space<vmem>>
        %get3A_555 = tpu.memref_squeeze %get3A_554 : memref<1x800x64xf32, #tpu.memory_space<vmem>> -> memref<800x64xf32, #tpu.memory_space<vmem>>
        %get3A_556 = arith.index_cast %add3A_551 : i32 to index
        %get3A_557 = arith.constant 0 : index
        %get3A_558 = tpu.vector_load %get3A_555[%get3A_556, %get3A_557] {strides = array<i32>} : memref<800x64xf32, #tpu.memory_space<vmem>>, vector<1x16xf32>,
        %get3A_559 = vector.shape_cast %get3A_558 : vector<1x16xf32> to vector<16xf32>
        %add3A_560 = arith.addf %add3A_472, %get3A_559 : vector<16xf32>
        %add3A_561 = arith.constant 5 : i32
        %add3A_562 = arith.addi %add3A_330, %add3A_561 : i32
        %get3A_563 = arith.constant 0 : i32
        %get3A_564 = arith.constant 0 : i32
        %get3A_565 = tpu.memref_slice %arg6[%scan3A_130, %get3A_563, %get3A_564] : memref<2x800x64xf32, #tpu.memory_space<vmem>> -> memref<1x800x64xf32, #tpu.memory_space<vmem>>
        %get3A_566 = tpu.memref_squeeze %get3A_565 : memref<1x800x64xf32, #tpu.memory_space<vmem>> -> memref<800x64xf32, #tpu.memory_space<vmem>>
        %get3A_567 = arith.index_cast %add3A_562 : i32 to index
        %get3A_568 = arith.constant 16 : index
        %get3A_569 = tpu.vector_load %get3A_566[%get3A_567, %get3A_568] {strides = array<i32>} : memref<800x64xf32, #tpu.memory_space<vmem>>, vector<1x16xf32>,
        %get3A_570 = vector.shape_cast %get3A_569 : vector<1x16xf32> to vector<16xf32>
        %add3A_571 = arith.addf %add3A_483, %get3A_570 : vector<16xf32>
        %add3A_572 = arith.constant 5 : i32
        %add3A_573 = arith.addi %add3A_330, %add3A_572 : i32
        %get3A_574 = arith.constant 0 : i32
        %get3A_575 = arith.constant 0 : i32
        %get3A_576 = tpu.memref_slice %arg6[%scan3A_130, %get3A_574, %get3A_575] : memref<2x800x64xf32, #tpu.memory_space<vmem>> -> memref<1x800x64xf32, #tpu.memory_space<vmem>>
        %get3A_577 = tpu.memref_squeeze %get3A_576 : memref<1x800x64xf32, #tpu.memory_space<vmem>> -> memref<800x64xf32, #tpu.memory_space<vmem>>
        %get3A_578 = arith.index_cast %add3A_573 : i32 to index
        %get3A_579 = arith.constant 32 : index
        %get3A_580 = tpu.vector_load %get3A_577[%get3A_578, %get3A_579] {strides = array<i32>} : memref<800x64xf32, #tpu.memory_space<vmem>>, vector<1x16xf32>,
        %get3A_581 = vector.shape_cast %get3A_580 : vector<1x16xf32> to vector<16xf32>
        %add3A_582 = arith.addf %add3A_494, %get3A_581 : vector<16xf32>
        %add3A_583 = arith.constant 5 : i32
        %add3A_584 = arith.addi %add3A_330, %add3A_583 : i32
        %get3A_585 = arith.constant 0 : i32
        %get3A_586 = arith.constant 0 : i32
        %get3A_587 = tpu.memref_slice %arg6[%scan3A_130, %get3A_585, %get3A_586] : memref<2x800x64xf32, #tpu.memory_space<vmem>> -> memref<1x800x64xf32, #tpu.memory_space<vmem>>
        %get3A_588 = tpu.memref_squeeze %get3A_587 : memref<1x800x64xf32, #tpu.memory_space<vmem>> -> memref<800x64xf32, #tpu.memory_space<vmem>>
        %get3A_589 = arith.index_cast %add3A_584 : i32 to index
        %get3A_590 = arith.constant 48 : index
        %get3A_591 = tpu.vector_load %get3A_588[%get3A_589, %get3A_590] {strides = array<i32>} : memref<800x64xf32, #tpu.memory_space<vmem>>, vector<1x16xf32>,
        %get3A_592 = vector.shape_cast %get3A_591 : vector<1x16xf32> to vector<16xf32>
        %add3A_593 = arith.addf %add3A_505, %get3A_592 : vector<16xf32>
        %add3A_594 = arith.constant 6 : i32
        %add3A_595 = arith.addi %add3A_330, %add3A_594 : i32
        %get3A_596 = arith.constant 0 : i32
        %get3A_597 = arith.constant 0 : i32
        %get3A_598 = tpu.memref_slice %arg6[%scan3A_130, %get3A_596, %get3A_597] : memref<2x800x64xf32, #tpu.memory_space<vmem>> -> memref<1x800x64xf32, #tpu.memory_space<vmem>>
        %get3A_599 = tpu.memref_squeeze %get3A_598 : memref<1x800x64xf32, #tpu.memory_space<vmem>> -> memref<800x64xf32, #tpu.memory_space<vmem>>
        %get3A_600 = arith.index_cast %add3A_595 : i32 to index
        %get3A_601 = arith.constant 0 : index
        %get3A_602 = tpu.vector_load %get3A_599[%get3A_600, %get3A_601] {strides = array<i32>} : memref<800x64xf32, #tpu.memory_space<vmem>>, vector<1x16xf32>,
        %get3A_603 = vector.shape_cast %get3A_602 : vector<1x16xf32> to vector<16xf32>
        %add3A_604 = arith.addf %add3A_516, %get3A_603 : vector<16xf32>
        %add3A_605 = arith.constant 6 : i32
        %add3A_606 = arith.addi %add3A_330, %add3A_605 : i32
        %get3A_607 = arith.constant 0 : i32
        %get3A_608 = arith.constant 0 : i32
        %get3A_609 = tpu.memref_slice %arg6[%scan3A_130, %get3A_607, %get3A_608] : memref<2x800x64xf32, #tpu.memory_space<vmem>> -> memref<1x800x64xf32, #tpu.memory_space<vmem>>
        %get3A_610 = tpu.memref_squeeze %get3A_609 : memref<1x800x64xf32, #tpu.memory_space<vmem>> -> memref<800x64xf32, #tpu.memory_space<vmem>>
        %get3A_611 = arith.index_cast %add3A_606 : i32 to index
        %get3A_612 = arith.constant 16 : index
        %get3A_613 = tpu.vector_load %get3A_610[%get3A_611, %get3A_612] {strides = array<i32>} : memref<800x64xf32, #tpu.memory_space<vmem>>, vector<1x16xf32>,
        %get3A_614 = vector.shape_cast %get3A_613 : vector<1x16xf32> to vector<16xf32>
        %add3A_615 = arith.addf %add3A_527, %get3A_614 : vector<16xf32>
        %add3A_616 = arith.constant 6 : i32
        %add3A_617 = arith.addi %add3A_330, %add3A_616 : i32
        %get3A_618 = arith.constant 0 : i32
        %get3A_619 = arith.constant 0 : i32
        %get3A_620 = tpu.memref_slice %arg6[%scan3A_130, %get3A_618, %get3A_619] : memref<2x800x64xf32, #tpu.memory_space<vmem>> -> memref<1x800x64xf32, #tpu.memory_space<vmem>>
        %get3A_621 = tpu.memref_squeeze %get3A_620 : memref<1x800x64xf32, #tpu.memory_space<vmem>> -> memref<800x64xf32, #tpu.memory_space<vmem>>
        %get3A_622 = arith.index_cast %add3A_617 : i32 to index
        %get3A_623 = arith.constant 32 : index
        %get3A_624 = tpu.vector_load %get3A_621[%get3A_622, %get3A_623] {strides = array<i32>} : memref<800x64xf32, #tpu.memory_space<vmem>>, vector<1x16xf32>,
        %get3A_625 = vector.shape_cast %get3A_624 : vector<1x16xf32> to vector<16xf32>
        %add3A_626 = arith.addf %add3A_538, %get3A_625 : vector<16xf32>
        %add3A_627 = arith.constant 6 : i32
        %add3A_628 = arith.addi %add3A_330, %add3A_627 : i32
        %get3A_629 = arith.constant 0 : i32
        %get3A_630 = arith.constant 0 : i32
        %get3A_631 = tpu.memref_slice %arg6[%scan3A_130, %get3A_629, %get3A_630] : memref<2x800x64xf32, #tpu.memory_space<vmem>> -> memref<1x800x64xf32, #tpu.memory_space<vmem>>
        %get3A_632 = tpu.memref_squeeze %get3A_631 : memref<1x800x64xf32, #tpu.memory_space<vmem>> -> memref<800x64xf32, #tpu.memory_space<vmem>>
        %get3A_633 = arith.index_cast %add3A_628 : i32 to index
        %get3A_634 = arith.constant 48 : index
        %get3A_635 = tpu.vector_load %get3A_632[%get3A_633, %get3A_634] {strides = array<i32>} : memref<800x64xf32, #tpu.memory_space<vmem>>, vector<1x16xf32>,
        %get3A_636 = vector.shape_cast %get3A_635 : vector<1x16xf32> to vector<16xf32>
        %add3A_637 = arith.addf %add3A_549, %get3A_636 : vector<16xf32>
        %add3A_638 = arith.constant 7 : i32
        %add3A_639 = arith.addi %add3A_330, %add3A_638 : i32
        %get3A_640 = arith.constant 0 : i32
        %get3A_641 = arith.constant 0 : i32
        %get3A_642 = tpu.memref_slice %arg6[%scan3A_130, %get3A_640, %get3A_641] : memref<2x800x64xf32, #tpu.memory_space<vmem>> -> memref<1x800x64xf32, #tpu.memory_space<vmem>>
        %get3A_643 = tpu.memref_squeeze %get3A_642 : memref<1x800x64xf32, #tpu.memory_space<vmem>> -> memref<800x64xf32, #tpu.memory_space<vmem>>
        %get3A_644 = arith.index_cast %add3A_639 : i32 to index
        %get3A_645 = arith.constant 0 : index
        %get3A_646 = tpu.vector_load %get3A_643[%get3A_644, %get3A_645] {strides = array<i32>} : memref<800x64xf32, #tpu.memory_space<vmem>>, vector<1x16xf32>,
        %get3A_647 = vector.shape_cast %get3A_646 : vector<1x16xf32> to vector<16xf32>
        %add3A_648 = arith.addf %add3A_560, %get3A_647 : vector<16xf32>
        %add3A_649 = arith.constant 7 : i32
        %add3A_650 = arith.addi %add3A_330, %add3A_649 : i32
        %get3A_651 = arith.constant 0 : i32
        %get3A_652 = arith.constant 0 : i32
        %get3A_653 = tpu.memref_slice %arg6[%scan3A_130, %get3A_651, %get3A_652] : memref<2x800x64xf32, #tpu.memory_space<vmem>> -> memref<1x800x64xf32, #tpu.memory_space<vmem>>
        %get3A_654 = tpu.memref_squeeze %get3A_653 : memref<1x800x64xf32, #tpu.memory_space<vmem>> -> memref<800x64xf32, #tpu.memory_space<vmem>>
        %get3A_655 = arith.index_cast %add3A_650 : i32 to index
        %get3A_656 = arith.constant 16 : index
        %get3A_657 = tpu.vector_load %get3A_654[%get3A_655, %get3A_656] {strides = array<i32>} : memref<800x64xf32, #tpu.memory_space<vmem>>, vector<1x16xf32>,
        %get3A_658 = vector.shape_cast %get3A_657 : vector<1x16xf32> to vector<16xf32>
        %add3A_659 = arith.addf %add3A_571, %get3A_658 : vector<16xf32>
        %add3A_660 = arith.constant 7 : i32
        %add3A_661 = arith.addi %add3A_330, %add3A_660 : i32
        %get3A_662 = arith.constant 0 : i32
        %get3A_663 = arith.constant 0 : i32
        %get3A_664 = tpu.memref_slice %arg6[%scan3A_130, %get3A_662, %get3A_663] : memref<2x800x64xf32, #tpu.memory_space<vmem>> -> memref<1x800x64xf32, #tpu.memory_space<vmem>>
        %get3A_665 = tpu.memref_squeeze %get3A_664 : memref<1x800x64xf32, #tpu.memory_space<vmem>> -> memref<800x64xf32, #tpu.memory_space<vmem>>
        %get3A_666 = arith.index_cast %add3A_661 : i32 to index
        %get3A_667 = arith.constant 32 : index
        %get3A_668 = tpu.vector_load %get3A_665[%get3A_666, %get3A_667] {strides = array<i32>} : memref<800x64xf32, #tpu.memory_space<vmem>>, vector<1x16xf32>,
        %get3A_669 = vector.shape_cast %get3A_668 : vector<1x16xf32> to vector<16xf32>
        %add3A_670 = arith.addf %add3A_582, %get3A_669 : vector<16xf32>
        %add3A_671 = arith.constant 7 : i32
        %add3A_672 = arith.addi %add3A_330, %add3A_671 : i32
        %get3A_673 = arith.constant 0 : i32
        %get3A_674 = arith.constant 0 : i32
        %get3A_675 = tpu.memref_slice %arg6[%scan3A_130, %get3A_673, %get3A_674] : memref<2x800x64xf32, #tpu.memory_space<vmem>> -> memref<1x800x64xf32, #tpu.memory_space<vmem>>
        %get3A_676 = tpu.memref_squeeze %get3A_675 : memref<1x800x64xf32, #tpu.memory_space<vmem>> -> memref<800x64xf32, #tpu.memory_space<vmem>>
        %get3A_677 = arith.index_cast %add3A_672 : i32 to index
        %get3A_678 = arith.constant 48 : index
        %get3A_679 = tpu.vector_load %get3A_676[%get3A_677, %get3A_678] {strides = array<i32>} : memref<800x64xf32, #tpu.memory_space<vmem>>, vector<1x16xf32>,
        %get3A_680 = vector.shape_cast %get3A_679 : vector<1x16xf32> to vector<16xf32>
        %add3A_681 = arith.addf %add3A_593, %get3A_680 : vector<16xf32>
        %add3A_682 = arith.constant 8 : i32
        %add3A_683 = arith.addi %add3A_330, %add3A_682 : i32
        %get3A_684 = arith.constant 0 : i32
        %get3A_685 = arith.constant 0 : i32
        %get3A_686 = tpu.memref_slice %arg6[%scan3A_130, %get3A_684, %get3A_685] : memref<2x800x64xf32, #tpu.memory_space<vmem>> -> memref<1x800x64xf32, #tpu.memory_space<vmem>>
        %get3A_687 = tpu.memref_squeeze %get3A_686 : memref<1x800x64xf32, #tpu.memory_space<vmem>> -> memref<800x64xf32, #tpu.memory_space<vmem>>
        %get3A_688 = arith.index_cast %add3A_683 : i32 to index
        %get3A_689 = arith.constant 0 : index
        %get3A_690 = tpu.vector_load %get3A_687[%get3A_688, %get3A_689] {strides = array<i32>} : memref<800x64xf32, #tpu.memory_space<vmem>>, vector<1x16xf32>,
        %get3A_691 = vector.shape_cast %get3A_690 : vector<1x16xf32> to vector<16xf32>
        %add3A_692 = arith.addf %add3A_604, %get3A_691 : vector<16xf32>
        %add3A_693 = arith.constant 8 : i32
        %add3A_694 = arith.addi %add3A_330, %add3A_693 : i32
        %get3A_695 = arith.constant 0 : i32
        %get3A_696 = arith.constant 0 : i32
        %get3A_697 = tpu.memref_slice %arg6[%scan3A_130, %get3A_695, %get3A_696] : memref<2x800x64xf32, #tpu.memory_space<vmem>> -> memref<1x800x64xf32, #tpu.memory_space<vmem>>
        %get3A_698 = tpu.memref_squeeze %get3A_697 : memref<1x800x64xf32, #tpu.memory_space<vmem>> -> memref<800x64xf32, #tpu.memory_space<vmem>>
        %get3A_699 = arith.index_cast %add3A_694 : i32 to index
        %get3A_700 = arith.constant 16 : index
        %get3A_701 = tpu.vector_load %get3A_698[%get3A_699, %get3A_700] {strides = array<i32>} : memref<800x64xf32, #tpu.memory_space<vmem>>, vector<1x16xf32>,
        %get3A_702 = vector.shape_cast %get3A_701 : vector<1x16xf32> to vector<16xf32>
        %add3A_703 = arith.addf %add3A_615, %get3A_702 : vector<16xf32>
        %add3A_704 = arith.constant 8 : i32
        %add3A_705 = arith.addi %add3A_330, %add3A_704 : i32
        %get3A_706 = arith.constant 0 : i32
        %get3A_707 = arith.constant 0 : i32
        %get3A_708 = tpu.memref_slice %arg6[%scan3A_130, %get3A_706, %get3A_707] : memref<2x800x64xf32, #tpu.memory_space<vmem>> -> memref<1x800x64xf32, #tpu.memory_space<vmem>>
        %get3A_709 = tpu.memref_squeeze %get3A_708 : memref<1x800x64xf32, #tpu.memory_space<vmem>> -> memref<800x64xf32, #tpu.memory_space<vmem>>
        %get3A_710 = arith.index_cast %add3A_705 : i32 to index
        %get3A_711 = arith.constant 32 : index
        %get3A_712 = tpu.vector_load %get3A_709[%get3A_710, %get3A_711] {strides = array<i32>} : memref<800x64xf32, #tpu.memory_space<vmem>>, vector<1x16xf32>,
        %get3A_713 = vector.shape_cast %get3A_712 : vector<1x16xf32> to vector<16xf32>
        %add3A_714 = arith.addf %add3A_626, %get3A_713 : vector<16xf32>
        %add3A_715 = arith.constant 8 : i32
        %add3A_716 = arith.addi %add3A_330, %add3A_715 : i32
        %get3A_717 = arith.constant 0 : i32
        %get3A_718 = arith.constant 0 : i32
        %get3A_719 = tpu.memref_slice %arg6[%scan3A_130, %get3A_717, %get3A_718] : memref<2x800x64xf32, #tpu.memory_space<vmem>> -> memref<1x800x64xf32, #tpu.memory_space<vmem>>
        %get3A_720 = tpu.memref_squeeze %get3A_719 : memref<1x800x64xf32, #tpu.memory_space<vmem>> -> memref<800x64xf32, #tpu.memory_space<vmem>>
        %get3A_721 = arith.index_cast %add3A_716 : i32 to index
        %get3A_722 = arith.constant 48 : index
        %get3A_723 = tpu.vector_load %get3A_720[%get3A_721, %get3A_722] {strides = array<i32>} : memref<800x64xf32, #tpu.memory_space<vmem>>, vector<1x16xf32>,
        %get3A_724 = vector.shape_cast %get3A_723 : vector<1x16xf32> to vector<16xf32>
        %add3A_725 = arith.addf %add3A_637, %get3A_724 : vector<16xf32>
        %add3A_726 = arith.constant 9 : i32
        %add3A_727 = arith.addi %add3A_330, %add3A_726 : i32
        %get3A_728 = arith.constant 0 : i32
        %get3A_729 = arith.constant 0 : i32
        %get3A_730 = tpu.memref_slice %arg6[%scan3A_130, %get3A_728, %get3A_729] : memref<2x800x64xf32, #tpu.memory_space<vmem>> -> memref<1x800x64xf32, #tpu.memory_space<vmem>>
        %get3A_731 = tpu.memref_squeeze %get3A_730 : memref<1x800x64xf32, #tpu.memory_space<vmem>> -> memref<800x64xf32, #tpu.memory_space<vmem>>
        %get3A_732 = arith.index_cast %add3A_727 : i32 to index
        %get3A_733 = arith.constant 0 : index
        %get3A_734 = tpu.vector_load %get3A_731[%get3A_732, %get3A_733] {strides = array<i32>} : memref<800x64xf32, #tpu.memory_space<vmem>>, vector<1x16xf32>,
        %get3A_735 = vector.shape_cast %get3A_734 : vector<1x16xf32> to vector<16xf32>
        %add3A_736 = arith.addf %add3A_648, %get3A_735 : vector<16xf32>
        %add3A_737 = arith.constant 9 : i32
        %add3A_738 = arith.addi %add3A_330, %add3A_737 : i32
        %get3A_739 = arith.constant 0 : i32
        %get3A_740 = arith.constant 0 : i32
        %get3A_741 = tpu.memref_slice %arg6[%scan3A_130, %get3A_739, %get3A_740] : memref<2x800x64xf32, #tpu.memory_space<vmem>> -> memref<1x800x64xf32, #tpu.memory_space<vmem>>
        %get3A_742 = tpu.memref_squeeze %get3A_741 : memref<1x800x64xf32, #tpu.memory_space<vmem>> -> memref<800x64xf32, #tpu.memory_space<vmem>>
        %get3A_743 = arith.index_cast %add3A_738 : i32 to index
        %get3A_744 = arith.constant 16 : index
        %get3A_745 = tpu.vector_load %get3A_742[%get3A_743, %get3A_744] {strides = array<i32>} : memref<800x64xf32, #tpu.memory_space<vmem>>, vector<1x16xf32>,
        %get3A_746 = vector.shape_cast %get3A_745 : vector<1x16xf32> to vector<16xf32>
        %add3A_747 = arith.addf %add3A_659, %get3A_746 : vector<16xf32>
        %add3A_748 = arith.constant 9 : i32
        %add3A_749 = arith.addi %add3A_330, %add3A_748 : i32
        %get3A_750 = arith.constant 0 : i32
        %get3A_751 = arith.constant 0 : i32
        %get3A_752 = tpu.memref_slice %arg6[%scan3A_130, %get3A_750, %get3A_751] : memref<2x800x64xf32, #tpu.memory_space<vmem>> -> memref<1x800x64xf32, #tpu.memory_space<vmem>>
        %get3A_753 = tpu.memref_squeeze %get3A_752 : memref<1x800x64xf32, #tpu.memory_space<vmem>> -> memref<800x64xf32, #tpu.memory_space<vmem>>
        %get3A_754 = arith.index_cast %add3A_749 : i32 to index
        %get3A_755 = arith.constant 32 : index
        %get3A_756 = tpu.vector_load %get3A_753[%get3A_754, %get3A_755] {strides = array<i32>} : memref<800x64xf32, #tpu.memory_space<vmem>>, vector<1x16xf32>,
        %get3A_757 = vector.shape_cast %get3A_756 : vector<1x16xf32> to vector<16xf32>
        %add3A_758 = arith.addf %add3A_670, %get3A_757 : vector<16xf32>
        %add3A_759 = arith.constant 9 : i32
        %add3A_760 = arith.addi %add3A_330, %add3A_759 : i32
        %get3A_761 = arith.constant 0 : i32
        %get3A_762 = arith.constant 0 : i32
        %get3A_763 = tpu.memref_slice %arg6[%scan3A_130, %get3A_761, %get3A_762] : memref<2x800x64xf32, #tpu.memory_space<vmem>> -> memref<1x800x64xf32, #tpu.memory_space<vmem>>
        %get3A_764 = tpu.memref_squeeze %get3A_763 : memref<1x800x64xf32, #tpu.memory_space<vmem>> -> memref<800x64xf32, #tpu.memory_space<vmem>>
        %get3A_765 = arith.index_cast %add3A_760 : i32 to index
        %get3A_766 = arith.constant 48 : index
        %get3A_767 = tpu.vector_load %get3A_764[%get3A_765, %get3A_766] {strides = array<i32>} : memref<800x64xf32, #tpu.memory_space<vmem>>, vector<1x16xf32>,
        %get3A_768 = vector.shape_cast %get3A_767 : vector<1x16xf32> to vector<16xf32>
        %add3A_769 = arith.addf %add3A_681, %get3A_768 : vector<16xf32>
        scf.yield %add3A_692, %add3A_703, %add3A_714, %add3A_725, %add3A_736, %add3A_747, %add3A_758, %add3A_769 : vector<16xf32>, vector<16xf32>, vector<16xf32>, vector<16xf32>, vector<16xf32>, vector<16xf32>, vector<16xf32>, vector<16xf32>
      }
      %scan3A_280 = arith.constant 5 : i32
      %add3A_281 = arith.constant 48 : i32
      %add3A_282 = arith.addi %add3A_281, %scan3A_256 : i32
      %add3A_283 = arith.addf %scan3A_279#0, %scan3A_279#4 : vector<16xf32>
      %mul3A_284 = arith.constant 2.000000e-02 : f32
      %mul3A_285 = vector.broadcast %mul3A_284 : f32 to vector<16xf32>
      %mul3A_286 = arith.mulf %add3A_283, %mul3A_285 : vector<16xf32>
      %swap3A = arith.index_cast %add3A_282 : i32 to index
      %swap3A_287 = arith.constant 0 : index
      %swap3A_288 = tpu.vector_load %arg7[%swap3A, %swap3A_287] {strides = array<i32>} : memref<128x64xf32, #tpu.memory_space<vmem>>, vector<1x16xf32>,
      %swap3A_289 = vector.shape_cast %swap3A_288 : vector<1x16xf32> to vector<16xf32>
      %swap3A_290 = vector.shape_cast %mul3A_286 : vector<16xf32> to vector<1x16xf32>
      tpu.vector_store %arg7[%swap3A, %swap3A_287], %swap3A_290 {strides = array<i32>} : memref<128x64xf32, #tpu.memory_space<vmem>>, vector<1x16xf32>,
      %add3A_291 = arith.addf %scan3A_279#1, %scan3A_279#5 : vector<16xf32>
      %mul3A_292 = arith.constant 2.000000e-02 : f32
      %mul3A_293 = vector.broadcast %mul3A_292 : f32 to vector<16xf32>
      %mul3A_294 = arith.mulf %add3A_291, %mul3A_293 : vector<16xf32>
      %swap3A_295 = arith.index_cast %add3A_282 : i32 to index
      %swap3A_296 = arith.constant 16 : index
      %swap3A_297 = tpu.vector_load %arg7[%swap3A_295, %swap3A_296] {strides = array<i32>} : memref<128x64xf32, #tpu.memory_space<vmem>>, vector<1x16xf32>,
      %swap3A_298 = vector.shape_cast %swap3A_297 : vector<1x16xf32> to vector<16xf32>
      %swap3A_299 = vector.shape_cast %mul3A_294 : vector<16xf32> to vector<1x16xf32>
      tpu.vector_store %arg7[%swap3A_295, %swap3A_296], %swap3A_299 {strides = array<i32>} : memref<128x64xf32, #tpu.memory_space<vmem>>, vector<1x16xf32>,
      %add3A_300 = arith.addf %scan3A_279#2, %scan3A_279#6 : vector<16xf32>
      %mul3A_301 = arith.constant 2.000000e-02 : f32
      %mul3A_302 = vector.broadcast %mul3A_301 : f32 to vector<16xf32>
      %mul3A_303 = arith.mulf %add3A_300, %mul3A_302 : vector<16xf32>
      %swap3A_304 = arith.index_cast %add3A_282 : i32 to index
      %swap3A_305 = arith.constant 32 : index
      %swap3A_306 = tpu.vector_load %arg7[%swap3A_304, %swap3A_305] {strides = array<i32>} : memref<128x64xf32, #tpu.memory_space<vmem>>, vector<1x16xf32>,
      %swap3A_307 = vector.shape_cast %swap3A_306 : vector<1x16xf32> to vector<16xf32>
      %swap3A_308 = vector.shape_cast %mul3A_303 : vector<16xf32> to vector<1x16xf32>
      tpu.vector_store %arg7[%swap3A_304, %swap3A_305], %swap3A_308 {strides = array<i32>} : memref<128x64xf32, #tpu.memory_space<vmem>>, vector<1x16xf32>,
      %add3A_309 = arith.addf %scan3A_279#3, %scan3A_279#7 : vector<16xf32>
      %mul3A_310 = arith.constant 2.000000e-02 : f32
      %mul3A_311 = vector.broadcast %mul3A_310 : f32 to vector<16xf32>
      %mul3A_312 = arith.mulf %add3A_309, %mul3A_311 : vector<16xf32>
      %swap3A_313 = arith.index_cast %add3A_282 : i32 to index
      %swap3A_314 = arith.constant 48 : index
      %swap3A_315 = tpu.vector_load %arg7[%swap3A_313, %swap3A_314] {strides = array<i32>} : memref<128x64xf32, #tpu.memory_space<vmem>>, vector<1x16xf32>,
      %swap3A_316 = vector.shape_cast %swap3A_315 : vector<1x16xf32> to vector<16xf32>
      %swap3A_317 = vector.shape_cast %mul3A_312 : vector<16xf32> to vector<1x16xf32>
      tpu.vector_store %arg7[%swap3A_313, %swap3A_314], %swap3A_317 {strides = array<i32>} : memref<128x64xf32, #tpu.memory_space<vmem>>, vector<1x16xf32>,
      %scan3A_318 = arith.constant 0 : i32
      scf.yield %scan3A_318 : i32
    }
    %scan3A_137 = arith.constant 16 : i32
    %dma_start3A_138 = arith.constant 5 : i32
    %dma_start3A_139 = arith.constant 1 : i32
    %dma_start3A_140 = arith.constant 0 : i32
    %dma_start3A_141 = arith.constant 0 : i32
    %dma_start3A_142 = tpu.memref_slice %arg6[%dma_start3A_139, %dma_start3A_140, %dma_start3A_141] : memref<2x800x64xf32, #tpu.memory_space<vmem>> -> memref<1x800x64xf32, #tpu.memory_space<vmem>>
    %dma_start3A_143 = tpu.memref_squeeze %dma_start3A_142 : memref<1x800x64xf32, #tpu.memory_space<vmem>> -> memref<800x64xf32, #tpu.memory_space<vmem>>
    %dma_start3A_144 = arith.constant 0 : i32
    %dma_start3A_145 = tpu.memref_slice %arg5[%dma_start3A_138, %dma_start3A_144] : memref<8x800xi32, #tpu.memory_space<vmem>> -> memref<1x800xi32, #tpu.memory_space<vmem>>
    %dma_start3A_146 = tpu.memref_squeeze %dma_start3A_145 : memref<1x800xi32, #tpu.memory_space<vmem>> -> memref<800xi32, #tpu.memory_space<vmem>>
    %dma_start3A_147 = arith.constant 0 : i32
    %dma_start3A_148 = arith.constant 0 : i32
    %dma_start3A_149 = tpu.memref_slice %arg3[%dma_start3A_147, %dma_start3A_148] : memref<100000x64xf32, #tpu.memory_space<hbm>> -> memref<100000x64xf32, #tpu.memory_space<hbm>>
    tpu.enqueue_indirect_dma source(%dma_start3A_149 : memref<100000x64xf32, #tpu.memory_space<hbm>>) target(%dma_start3A_143 : memref<800x64xf32, #tpu.memory_space<vmem>>) offsets(%dma_start3A_146 : memref<800xi32, #tpu.memory_space<vmem>>) semaphore(%arg9 : memref<!tpu.dma_semaphore, #tpu.memory_space<semaphore_mem>>)
    %dma_wait3A_150 = arith.constant 4 : i32
    %dma_wait3A_151 = arith.constant 0 : i32
    %dma_wait3A_152 = arith.constant 0 : i32
    %dma_wait3A_153 = arith.constant 0 : i32
    %dma_wait3A_154 = tpu.memref_slice %arg6[%dma_wait3A_151, %dma_wait3A_152, %dma_wait3A_153] : memref<2x800x64xf32, #tpu.memory_space<vmem>> -> memref<1x800x64xf32, #tpu.memory_space<vmem>>
    %dma_wait3A_155 = tpu.memref_squeeze %dma_wait3A_154 : memref<1x800x64xf32, #tpu.memory_space<vmem>> -> memref<800x64xf32, #tpu.memory_space<vmem>>
    %dma_wait3A_156 = arith.constant 0 : i32
    %dma_wait3A_157 = tpu.memref_slice %arg5[%dma_wait3A_150, %dma_wait3A_156] : memref<8x800xi32, #tpu.memory_space<vmem>> -> memref<1x800xi32, #tpu.memory_space<vmem>>
    %dma_wait3A_158 = tpu.memref_squeeze %dma_wait3A_157 : memref<1x800xi32, #tpu.memory_space<vmem>> -> memref<800xi32, #tpu.memory_space<vmem>>
    %dma_wait3A_159 = arith.constant 0 : i32
    %dma_wait3A_160 = arith.constant 0 : i32
    %dma_wait3A_161 = tpu.memref_slice %arg3[%dma_wait3A_159, %dma_wait3A_160] : memref<100000x64xf32, #tpu.memory_space<hbm>> -> memref<100000x64xf32, #tpu.memory_space<hbm>>
    tpu.wait_indirect_dma semaphore(%arg8 : memref<!tpu.dma_semaphore, #tpu.memory_space<semaphore_mem>>) src(%dma_wait3A_161 : memref<100000x64xf32, #tpu.memory_space<hbm>>) dst(%dma_wait3A_155 : memref<800x64xf32, #tpu.memory_space<vmem>>)
    %scan3A_162 = arith.constant 0 : i32
    %scan3A_163 = arith.constant 0 : i32
    %scan3A_164 = arith.constant 0 : i32
    %scan3A_165 = arith.constant 16 : i32
    %scan3A_166 = arith.addi %scan3A_164, %scan3A_165 : i32
    %scan3A_167 = arith.constant 1 : i32
    %scan3A_168 = scf.for %scan3A_256 = %scan3A_164 to %scan3A_166 step %scan3A_167 iter_args(%scan3A_257 = %scan3A_163) -> (i32)  : i32 {
      %mul3A_258 = arith.constant 50 : i32
      %mul3A_259 = arith.muli %scan3A_256, %mul3A_258 : i32
      %broadcast_in_dim3A = arith.constant 0.000000e+00 : f32
      %broadcast_in_dim3A_260 = vector.broadcast %broadcast_in_dim3A : f32 to vector<16xf32>
      %broadcast_in_dim3A_261 = arith.constant 0.000000e+00 : f32
      %broadcast_in_dim3A_262 = vector.broadcast %broadcast_in_dim3A_261 : f32 to vector<16xf32>
      %broadcast_in_dim3A_263 = arith.constant 0.000000e+00 : f32
      %broadcast_in_dim3A_264 = vector.broadcast %broadcast_in_dim3A_263 : f32 to vector<16xf32>
      %broadcast_in_dim3A_265 = arith.constant 0.000000e+00 : f32
      %broadcast_in_dim3A_266 = vector.broadcast %broadcast_in_dim3A_265 : f32 to vector<16xf32>
      %broadcast_in_dim3A_267 = arith.constant 0.000000e+00 : f32
      %broadcast_in_dim3A_268 = vector.broadcast %broadcast_in_dim3A_267 : f32 to vector<16xf32>
      %broadcast_in_dim3A_269 = arith.constant 0.000000e+00 : f32
      %broadcast_in_dim3A_270 = vector.broadcast %broadcast_in_dim3A_269 : f32 to vector<16xf32>
      %broadcast_in_dim3A_271 = arith.constant 0.000000e+00 : f32
      %broadcast_in_dim3A_272 = vector.broadcast %broadcast_in_dim3A_271 : f32 to vector<16xf32>
      %broadcast_in_dim3A_273 = arith.constant 0.000000e+00 : f32
      %broadcast_in_dim3A_274 = vector.broadcast %broadcast_in_dim3A_273 : f32 to vector<16xf32>
      %scan3A_275 = arith.constant 0 : i32
      %scan3A_276 = arith.constant 5 : i32
      %scan3A_277 = arith.addi %scan3A_275, %scan3A_276 : i32
      %scan3A_278 = arith.constant 1 : i32
      %scan3A_279:8 = scf.for %scan3A_319 = %scan3A_275 to %scan3A_277 step %scan3A_278 iter_args(%scan3A_320 = %broadcast_in_dim3A_260, %scan3A_321 = %broadcast_in_dim3A_262, %scan3A_322 = %broadcast_in_dim3A_264, %scan3A_323 = %broadcast_in_dim3A_266, %scan3A_324 = %broadcast_in_dim3A_268, %scan3A_325 = %broadcast_in_dim3A_270, %scan3A_326 = %broadcast_in_dim3A_272, %scan3A_327 = %broadcast_in_dim3A_274) -> (vector<16xf32>, vector<16xf32>, vector<16xf32>, vector<16xf32>, vector<16xf32>, vector<16xf32>, vector<16xf32>, vector<16xf32>)  : i32 {
        %mul3A_328 = arith.constant 10 : i32
        %mul3A_329 = arith.muli %scan3A_319, %mul3A_328 : i32
        %add3A_330 = arith.addi %mul3A_259, %mul3A_329 : i32
        %add3A_331 = arith.constant 0 : i32
        %add3A_332 = arith.addi %add3A_330, %add3A_331 : i32
        %get3A = arith.constant 0 : i32
        %get3A_333 = arith.constant 0 : i32
        %get3A_334 = tpu.memref_slice %arg6[%scan3A_162, %get3A, %get3A_333] : memref<2x800x64xf32, #tpu.memory_space<vmem>> -> memref<1x800x64xf32, #tpu.memory_space<vmem>>
        %get3A_335 = tpu.memref_squeeze %get3A_334 : memref<1x800x64xf32, #tpu.memory_space<vmem>> -> memref<800x64xf32, #tpu.memory_space<vmem>>
        %get3A_336 = arith.index_cast %add3A_332 : i32 to index
        %get3A_337 = arith.constant 0 : index
        %get3A_338 = tpu.vector_load %get3A_335[%get3A_336, %get3A_337] {strides = array<i32>} : memref<800x64xf32, #tpu.memory_space<vmem>>, vector<1x16xf32>,
        %get3A_339 = vector.shape_cast %get3A_338 : vector<1x16xf32> to vector<16xf32>
        %add3A_340 = arith.addf %scan3A_320, %get3A_339 : vector<16xf32>
        %add3A_341 = arith.constant 0 : i32
        %add3A_342 = arith.addi %add3A_330, %add3A_341 : i32
        %get3A_343 = arith.constant 0 : i32
        %get3A_344 = arith.constant 0 : i32
        %get3A_345 = tpu.memref_slice %arg6[%scan3A_162, %get3A_343, %get3A_344] : memref<2x800x64xf32, #tpu.memory_space<vmem>> -> memref<1x800x64xf32, #tpu.memory_space<vmem>>
        %get3A_346 = tpu.memref_squeeze %get3A_345 : memref<1x800x64xf32, #tpu.memory_space<vmem>> -> memref<800x64xf32, #tpu.memory_space<vmem>>
        %get3A_347 = arith.index_cast %add3A_342 : i32 to index
        %get3A_348 = arith.constant 16 : index
        %get3A_349 = tpu.vector_load %get3A_346[%get3A_347, %get3A_348] {strides = array<i32>} : memref<800x64xf32, #tpu.memory_space<vmem>>, vector<1x16xf32>,
        %get3A_350 = vector.shape_cast %get3A_349 : vector<1x16xf32> to vector<16xf32>
        %add3A_351 = arith.addf %scan3A_321, %get3A_350 : vector<16xf32>
        %add3A_352 = arith.constant 0 : i32
        %add3A_353 = arith.addi %add3A_330, %add3A_352 : i32
        %get3A_354 = arith.constant 0 : i32
        %get3A_355 = arith.constant 0 : i32
        %get3A_356 = tpu.memref_slice %arg6[%scan3A_162, %get3A_354, %get3A_355] : memref<2x800x64xf32, #tpu.memory_space<vmem>> -> memref<1x800x64xf32, #tpu.memory_space<vmem>>
        %get3A_357 = tpu.memref_squeeze %get3A_356 : memref<1x800x64xf32, #tpu.memory_space<vmem>> -> memref<800x64xf32, #tpu.memory_space<vmem>>
        %get3A_358 = arith.index_cast %add3A_353 : i32 to index
        %get3A_359 = arith.constant 32 : index
        %get3A_360 = tpu.vector_load %get3A_357[%get3A_358, %get3A_359] {strides = array<i32>} : memref<800x64xf32, #tpu.memory_space<vmem>>, vector<1x16xf32>,
        %get3A_361 = vector.shape_cast %get3A_360 : vector<1x16xf32> to vector<16xf32>
        %add3A_362 = arith.addf %scan3A_322, %get3A_361 : vector<16xf32>
        %add3A_363 = arith.constant 0 : i32
        %add3A_364 = arith.addi %add3A_330, %add3A_363 : i32
        %get3A_365 = arith.constant 0 : i32
        %get3A_366 = arith.constant 0 : i32
        %get3A_367 = tpu.memref_slice %arg6[%scan3A_162, %get3A_365, %get3A_366] : memref<2x800x64xf32, #tpu.memory_space<vmem>> -> memref<1x800x64xf32, #tpu.memory_space<vmem>>
        %get3A_368 = tpu.memref_squeeze %get3A_367 : memref<1x800x64xf32, #tpu.memory_space<vmem>> -> memref<800x64xf32, #tpu.memory_space<vmem>>
        %get3A_369 = arith.index_cast %add3A_364 : i32 to index
        %get3A_370 = arith.constant 48 : index
        %get3A_371 = tpu.vector_load %get3A_368[%get3A_369, %get3A_370] {strides = array<i32>} : memref<800x64xf32, #tpu.memory_space<vmem>>, vector<1x16xf32>,
        %get3A_372 = vector.shape_cast %get3A_371 : vector<1x16xf32> to vector<16xf32>
        %add3A_373 = arith.addf %scan3A_323, %get3A_372 : vector<16xf32>
        %add3A_374 = arith.constant 1 : i32
        %add3A_375 = arith.addi %add3A_330, %add3A_374 : i32
        %get3A_376 = arith.constant 0 : i32
        %get3A_377 = arith.constant 0 : i32
        %get3A_378 = tpu.memref_slice %arg6[%scan3A_162, %get3A_376, %get3A_377] : memref<2x800x64xf32, #tpu.memory_space<vmem>> -> memref<1x800x64xf32, #tpu.memory_space<vmem>>
        %get3A_379 = tpu.memref_squeeze %get3A_378 : memref<1x800x64xf32, #tpu.memory_space<vmem>> -> memref<800x64xf32, #tpu.memory_space<vmem>>
        %get3A_380 = arith.index_cast %add3A_375 : i32 to index
        %get3A_381 = arith.constant 0 : index
        %get3A_382 = tpu.vector_load %get3A_379[%get3A_380, %get3A_381] {strides = array<i32>} : memref<800x64xf32, #tpu.memory_space<vmem>>, vector<1x16xf32>,
        %get3A_383 = vector.shape_cast %get3A_382 : vector<1x16xf32> to vector<16xf32>
        %add3A_384 = arith.addf %scan3A_324, %get3A_383 : vector<16xf32>
        %add3A_385 = arith.constant 1 : i32
        %add3A_386 = arith.addi %add3A_330, %add3A_385 : i32
        %get3A_387 = arith.constant 0 : i32
        %get3A_388 = arith.constant 0 : i32
        %get3A_389 = tpu.memref_slice %arg6[%scan3A_162, %get3A_387, %get3A_388] : memref<2x800x64xf32, #tpu.memory_space<vmem>> -> memref<1x800x64xf32, #tpu.memory_space<vmem>>
        %get3A_390 = tpu.memref_squeeze %get3A_389 : memref<1x800x64xf32, #tpu.memory_space<vmem>> -> memref<800x64xf32, #tpu.memory_space<vmem>>
        %get3A_391 = arith.index_cast %add3A_386 : i32 to index
        %get3A_392 = arith.constant 16 : index
        %get3A_393 = tpu.vector_load %get3A_390[%get3A_391, %get3A_392] {strides = array<i32>} : memref<800x64xf32, #tpu.memory_space<vmem>>, vector<1x16xf32>,
        %get3A_394 = vector.shape_cast %get3A_393 : vector<1x16xf32> to vector<16xf32>
        %add3A_395 = arith.addf %scan3A_325, %get3A_394 : vector<16xf32>
        %add3A_396 = arith.constant 1 : i32
        %add3A_397 = arith.addi %add3A_330, %add3A_396 : i32
        %get3A_398 = arith.constant 0 : i32
        %get3A_399 = arith.constant 0 : i32
        %get3A_400 = tpu.memref_slice %arg6[%scan3A_162, %get3A_398, %get3A_399] : memref<2x800x64xf32, #tpu.memory_space<vmem>> -> memref<1x800x64xf32, #tpu.memory_space<vmem>>
        %get3A_401 = tpu.memref_squeeze %get3A_400 : memref<1x800x64xf32, #tpu.memory_space<vmem>> -> memref<800x64xf32, #tpu.memory_space<vmem>>
        %get3A_402 = arith.index_cast %add3A_397 : i32 to index
        %get3A_403 = arith.constant 32 : index
        %get3A_404 = tpu.vector_load %get3A_401[%get3A_402, %get3A_403] {strides = array<i32>} : memref<800x64xf32, #tpu.memory_space<vmem>>, vector<1x16xf32>,
        %get3A_405 = vector.shape_cast %get3A_404 : vector<1x16xf32> to vector<16xf32>
        %add3A_406 = arith.addf %scan3A_326, %get3A_405 : vector<16xf32>
        %add3A_407 = arith.constant 1 : i32
        %add3A_408 = arith.addi %add3A_330, %add3A_407 : i32
        %get3A_409 = arith.constant 0 : i32
        %get3A_410 = arith.constant 0 : i32
        %get3A_411 = tpu.memref_slice %arg6[%scan3A_162, %get3A_409, %get3A_410] : memref<2x800x64xf32, #tpu.memory_space<vmem>> -> memref<1x800x64xf32, #tpu.memory_space<vmem>>
        %get3A_412 = tpu.memref_squeeze %get3A_411 : memref<1x800x64xf32, #tpu.memory_space<vmem>> -> memref<800x64xf32, #tpu.memory_space<vmem>>
        %get3A_413 = arith.index_cast %add3A_408 : i32 to index
        %get3A_414 = arith.constant 48 : index
        %get3A_415 = tpu.vector_load %get3A_412[%get3A_413, %get3A_414] {strides = array<i32>} : memref<800x64xf32, #tpu.memory_space<vmem>>, vector<1x16xf32>,
        %get3A_416 = vector.shape_cast %get3A_415 : vector<1x16xf32> to vector<16xf32>
        %add3A_417 = arith.addf %scan3A_327, %get3A_416 : vector<16xf32>
        %add3A_418 = arith.constant 2 : i32
        %add3A_419 = arith.addi %add3A_330, %add3A_418 : i32
        %get3A_420 = arith.constant 0 : i32
        %get3A_421 = arith.constant 0 : i32
        %get3A_422 = tpu.memref_slice %arg6[%scan3A_162, %get3A_420, %get3A_421] : memref<2x800x64xf32, #tpu.memory_space<vmem>> -> memref<1x800x64xf32, #tpu.memory_space<vmem>>
        %get3A_423 = tpu.memref_squeeze %get3A_422 : memref<1x800x64xf32, #tpu.memory_space<vmem>> -> memref<800x64xf32, #tpu.memory_space<vmem>>
        %get3A_424 = arith.index_cast %add3A_419 : i32 to index
        %get3A_425 = arith.constant 0 : index
        %get3A_426 = tpu.vector_load %get3A_423[%get3A_424, %get3A_425] {strides = array<i32>} : memref<800x64xf32, #tpu.memory_space<vmem>>, vector<1x16xf32>,
        %get3A_427 = vector.shape_cast %get3A_426 : vector<1x16xf32> to vector<16xf32>
        %add3A_428 = arith.addf %add3A_340, %get3A_427 : vector<16xf32>
        %add3A_429 = arith.constant 2 : i32
        %add3A_430 = arith.addi %add3A_330, %add3A_429 : i32
        %get3A_431 = arith.constant 0 : i32
        %get3A_432 = arith.constant 0 : i32
        %get3A_433 = tpu.memref_slice %arg6[%scan3A_162, %get3A_431, %get3A_432] : memref<2x800x64xf32, #tpu.memory_space<vmem>> -> memref<1x800x64xf32, #tpu.memory_space<vmem>>
        %get3A_434 = tpu.memref_squeeze %get3A_433 : memref<1x800x64xf32, #tpu.memory_space<vmem>> -> memref<800x64xf32, #tpu.memory_space<vmem>>
        %get3A_435 = arith.index_cast %add3A_430 : i32 to index
        %get3A_436 = arith.constant 16 : index
        %get3A_437 = tpu.vector_load %get3A_434[%get3A_435, %get3A_436] {strides = array<i32>} : memref<800x64xf32, #tpu.memory_space<vmem>>, vector<1x16xf32>,
        %get3A_438 = vector.shape_cast %get3A_437 : vector<1x16xf32> to vector<16xf32>
        %add3A_439 = arith.addf %add3A_351, %get3A_438 : vector<16xf32>
        %add3A_440 = arith.constant 2 : i32
        %add3A_441 = arith.addi %add3A_330, %add3A_440 : i32
        %get3A_442 = arith.constant 0 : i32
        %get3A_443 = arith.constant 0 : i32
        %get3A_444 = tpu.memref_slice %arg6[%scan3A_162, %get3A_442, %get3A_443] : memref<2x800x64xf32, #tpu.memory_space<vmem>> -> memref<1x800x64xf32, #tpu.memory_space<vmem>>
        %get3A_445 = tpu.memref_squeeze %get3A_444 : memref<1x800x64xf32, #tpu.memory_space<vmem>> -> memref<800x64xf32, #tpu.memory_space<vmem>>
        %get3A_446 = arith.index_cast %add3A_441 : i32 to index
        %get3A_447 = arith.constant 32 : index
        %get3A_448 = tpu.vector_load %get3A_445[%get3A_446, %get3A_447] {strides = array<i32>} : memref<800x64xf32, #tpu.memory_space<vmem>>, vector<1x16xf32>,
        %get3A_449 = vector.shape_cast %get3A_448 : vector<1x16xf32> to vector<16xf32>
        %add3A_450 = arith.addf %add3A_362, %get3A_449 : vector<16xf32>
        %add3A_451 = arith.constant 2 : i32
        %add3A_452 = arith.addi %add3A_330, %add3A_451 : i32
        %get3A_453 = arith.constant 0 : i32
        %get3A_454 = arith.constant 0 : i32
        %get3A_455 = tpu.memref_slice %arg6[%scan3A_162, %get3A_453, %get3A_454] : memref<2x800x64xf32, #tpu.memory_space<vmem>> -> memref<1x800x64xf32, #tpu.memory_space<vmem>>
        %get3A_456 = tpu.memref_squeeze %get3A_455 : memref<1x800x64xf32, #tpu.memory_space<vmem>> -> memref<800x64xf32, #tpu.memory_space<vmem>>
        %get3A_457 = arith.index_cast %add3A_452 : i32 to index
        %get3A_458 = arith.constant 48 : index
        %get3A_459 = tpu.vector_load %get3A_456[%get3A_457, %get3A_458] {strides = array<i32>} : memref<800x64xf32, #tpu.memory_space<vmem>>, vector<1x16xf32>,
        %get3A_460 = vector.shape_cast %get3A_459 : vector<1x16xf32> to vector<16xf32>
        %add3A_461 = arith.addf %add3A_373, %get3A_460 : vector<16xf32>
        %add3A_462 = arith.constant 3 : i32
        %add3A_463 = arith.addi %add3A_330, %add3A_462 : i32
        %get3A_464 = arith.constant 0 : i32
        %get3A_465 = arith.constant 0 : i32
        %get3A_466 = tpu.memref_slice %arg6[%scan3A_162, %get3A_464, %get3A_465] : memref<2x800x64xf32, #tpu.memory_space<vmem>> -> memref<1x800x64xf32, #tpu.memory_space<vmem>>
        %get3A_467 = tpu.memref_squeeze %get3A_466 : memref<1x800x64xf32, #tpu.memory_space<vmem>> -> memref<800x64xf32, #tpu.memory_space<vmem>>
        %get3A_468 = arith.index_cast %add3A_463 : i32 to index
        %get3A_469 = arith.constant 0 : index
        %get3A_470 = tpu.vector_load %get3A_467[%get3A_468, %get3A_469] {strides = array<i32>} : memref<800x64xf32, #tpu.memory_space<vmem>>, vector<1x16xf32>,
        %get3A_471 = vector.shape_cast %get3A_470 : vector<1x16xf32> to vector<16xf32>
        %add3A_472 = arith.addf %add3A_384, %get3A_471 : vector<16xf32>
        %add3A_473 = arith.constant 3 : i32
        %add3A_474 = arith.addi %add3A_330, %add3A_473 : i32
        %get3A_475 = arith.constant 0 : i32
        %get3A_476 = arith.constant 0 : i32
        %get3A_477 = tpu.memref_slice %arg6[%scan3A_162, %get3A_475, %get3A_476] : memref<2x800x64xf32, #tpu.memory_space<vmem>> -> memref<1x800x64xf32, #tpu.memory_space<vmem>>
        %get3A_478 = tpu.memref_squeeze %get3A_477 : memref<1x800x64xf32, #tpu.memory_space<vmem>> -> memref<800x64xf32, #tpu.memory_space<vmem>>
        %get3A_479 = arith.index_cast %add3A_474 : i32 to index
        %get3A_480 = arith.constant 16 : index
        %get3A_481 = tpu.vector_load %get3A_478[%get3A_479, %get3A_480] {strides = array<i32>} : memref<800x64xf32, #tpu.memory_space<vmem>>, vector<1x16xf32>,
        %get3A_482 = vector.shape_cast %get3A_481 : vector<1x16xf32> to vector<16xf32>
        %add3A_483 = arith.addf %add3A_395, %get3A_482 : vector<16xf32>
        %add3A_484 = arith.constant 3 : i32
        %add3A_485 = arith.addi %add3A_330, %add3A_484 : i32
        %get3A_486 = arith.constant 0 : i32
        %get3A_487 = arith.constant 0 : i32
        %get3A_488 = tpu.memref_slice %arg6[%scan3A_162, %get3A_486, %get3A_487] : memref<2x800x64xf32, #tpu.memory_space<vmem>> -> memref<1x800x64xf32, #tpu.memory_space<vmem>>
        %get3A_489 = tpu.memref_squeeze %get3A_488 : memref<1x800x64xf32, #tpu.memory_space<vmem>> -> memref<800x64xf32, #tpu.memory_space<vmem>>
        %get3A_490 = arith.index_cast %add3A_485 : i32 to index
        %get3A_491 = arith.constant 32 : index
        %get3A_492 = tpu.vector_load %get3A_489[%get3A_490, %get3A_491] {strides = array<i32>} : memref<800x64xf32, #tpu.memory_space<vmem>>, vector<1x16xf32>,
        %get3A_493 = vector.shape_cast %get3A_492 : vector<1x16xf32> to vector<16xf32>
        %add3A_494 = arith.addf %add3A_406, %get3A_493 : vector<16xf32>
        %add3A_495 = arith.constant 3 : i32
        %add3A_496 = arith.addi %add3A_330, %add3A_495 : i32
        %get3A_497 = arith.constant 0 : i32
        %get3A_498 = arith.constant 0 : i32
        %get3A_499 = tpu.memref_slice %arg6[%scan3A_162, %get3A_497, %get3A_498] : memref<2x800x64xf32, #tpu.memory_space<vmem>> -> memref<1x800x64xf32, #tpu.memory_space<vmem>>
        %get3A_500 = tpu.memref_squeeze %get3A_499 : memref<1x800x64xf32, #tpu.memory_space<vmem>> -> memref<800x64xf32, #tpu.memory_space<vmem>>
        %get3A_501 = arith.index_cast %add3A_496 : i32 to index
        %get3A_502 = arith.constant 48 : index
        %get3A_503 = tpu.vector_load %get3A_500[%get3A_501, %get3A_502] {strides = array<i32>} : memref<800x64xf32, #tpu.memory_space<vmem>>, vector<1x16xf32>,
        %get3A_504 = vector.shape_cast %get3A_503 : vector<1x16xf32> to vector<16xf32>
        %add3A_505 = arith.addf %add3A_417, %get3A_504 : vector<16xf32>
        %add3A_506 = arith.constant 4 : i32
        %add3A_507 = arith.addi %add3A_330, %add3A_506 : i32
        %get3A_508 = arith.constant 0 : i32
        %get3A_509 = arith.constant 0 : i32
        %get3A_510 = tpu.memref_slice %arg6[%scan3A_162, %get3A_508, %get3A_509] : memref<2x800x64xf32, #tpu.memory_space<vmem>> -> memref<1x800x64xf32, #tpu.memory_space<vmem>>
        %get3A_511 = tpu.memref_squeeze %get3A_510 : memref<1x800x64xf32, #tpu.memory_space<vmem>> -> memref<800x64xf32, #tpu.memory_space<vmem>>
        %get3A_512 = arith.index_cast %add3A_507 : i32 to index
        %get3A_513 = arith.constant 0 : index
        %get3A_514 = tpu.vector_load %get3A_511[%get3A_512, %get3A_513] {strides = array<i32>} : memref<800x64xf32, #tpu.memory_space<vmem>>, vector<1x16xf32>,
        %get3A_515 = vector.shape_cast %get3A_514 : vector<1x16xf32> to vector<16xf32>
        %add3A_516 = arith.addf %add3A_428, %get3A_515 : vector<16xf32>
        %add3A_517 = arith.constant 4 : i32
        %add3A_518 = arith.addi %add3A_330, %add3A_517 : i32
        %get3A_519 = arith.constant 0 : i32
        %get3A_520 = arith.constant 0 : i32
        %get3A_521 = tpu.memref_slice %arg6[%scan3A_162, %get3A_519, %get3A_520] : memref<2x800x64xf32, #tpu.memory_space<vmem>> -> memref<1x800x64xf32, #tpu.memory_space<vmem>>
        %get3A_522 = tpu.memref_squeeze %get3A_521 : memref<1x800x64xf32, #tpu.memory_space<vmem>> -> memref<800x64xf32, #tpu.memory_space<vmem>>
        %get3A_523 = arith.index_cast %add3A_518 : i32 to index
        %get3A_524 = arith.constant 16 : index
        %get3A_525 = tpu.vector_load %get3A_522[%get3A_523, %get3A_524] {strides = array<i32>} : memref<800x64xf32, #tpu.memory_space<vmem>>, vector<1x16xf32>,
        %get3A_526 = vector.shape_cast %get3A_525 : vector<1x16xf32> to vector<16xf32>
        %add3A_527 = arith.addf %add3A_439, %get3A_526 : vector<16xf32>
        %add3A_528 = arith.constant 4 : i32
        %add3A_529 = arith.addi %add3A_330, %add3A_528 : i32
        %get3A_530 = arith.constant 0 : i32
        %get3A_531 = arith.constant 0 : i32
        %get3A_532 = tpu.memref_slice %arg6[%scan3A_162, %get3A_530, %get3A_531] : memref<2x800x64xf32, #tpu.memory_space<vmem>> -> memref<1x800x64xf32, #tpu.memory_space<vmem>>
        %get3A_533 = tpu.memref_squeeze %get3A_532 : memref<1x800x64xf32, #tpu.memory_space<vmem>> -> memref<800x64xf32, #tpu.memory_space<vmem>>
        %get3A_534 = arith.index_cast %add3A_529 : i32 to index
        %get3A_535 = arith.constant 32 : index
        %get3A_536 = tpu.vector_load %get3A_533[%get3A_534, %get3A_535] {strides = array<i32>} : memref<800x64xf32, #tpu.memory_space<vmem>>, vector<1x16xf32>,
        %get3A_537 = vector.shape_cast %get3A_536 : vector<1x16xf32> to vector<16xf32>
        %add3A_538 = arith.addf %add3A_450, %get3A_537 : vector<16xf32>
        %add3A_539 = arith.constant 4 : i32
        %add3A_540 = arith.addi %add3A_330, %add3A_539 : i32
        %get3A_541 = arith.constant 0 : i32
        %get3A_542 = arith.constant 0 : i32
        %get3A_543 = tpu.memref_slice %arg6[%scan3A_162, %get3A_541, %get3A_542] : memref<2x800x64xf32, #tpu.memory_space<vmem>> -> memref<1x800x64xf32, #tpu.memory_space<vmem>>
        %get3A_544 = tpu.memref_squeeze %get3A_543 : memref<1x800x64xf32, #tpu.memory_space<vmem>> -> memref<800x64xf32, #tpu.memory_space<vmem>>
        %get3A_545 = arith.index_cast %add3A_540 : i32 to index
        %get3A_546 = arith.constant 48 : index
        %get3A_547 = tpu.vector_load %get3A_544[%get3A_545, %get3A_546] {strides = array<i32>} : memref<800x64xf32, #tpu.memory_space<vmem>>, vector<1x16xf32>,
        %get3A_548 = vector.shape_cast %get3A_547 : vector<1x16xf32> to vector<16xf32>
        %add3A_549 = arith.addf %add3A_461, %get3A_548 : vector<16xf32>
        %add3A_550 = arith.constant 5 : i32
        %add3A_551 = arith.addi %add3A_330, %add3A_550 : i32
        %get3A_552 = arith.constant 0 : i32
        %get3A_553 = arith.constant 0 : i32
        %get3A_554 = tpu.memref_slice %arg6[%scan3A_162, %get3A_552, %get3A_553] : memref<2x800x64xf32, #tpu.memory_space<vmem>> -> memref<1x800x64xf32, #tpu.memory_space<vmem>>
        %get3A_555 = tpu.memref_squeeze %get3A_554 : memref<1x800x64xf32, #tpu.memory_space<vmem>> -> memref<800x64xf32, #tpu.memory_space<vmem>>
        %get3A_556 = arith.index_cast %add3A_551 : i32 to index
        %get3A_557 = arith.constant 0 : index
        %get3A_558 = tpu.vector_load %get3A_555[%get3A_556, %get3A_557] {strides = array<i32>} : memref<800x64xf32, #tpu.memory_space<vmem>>, vector<1x16xf32>,
        %get3A_559 = vector.shape_cast %get3A_558 : vector<1x16xf32> to vector<16xf32>
        %add3A_560 = arith.addf %add3A_472, %get3A_559 : vector<16xf32>
        %add3A_561 = arith.constant 5 : i32
        %add3A_562 = arith.addi %add3A_330, %add3A_561 : i32
        %get3A_563 = arith.constant 0 : i32
        %get3A_564 = arith.constant 0 : i32
        %get3A_565 = tpu.memref_slice %arg6[%scan3A_162, %get3A_563, %get3A_564] : memref<2x800x64xf32, #tpu.memory_space<vmem>> -> memref<1x800x64xf32, #tpu.memory_space<vmem>>
        %get3A_566 = tpu.memref_squeeze %get3A_565 : memref<1x800x64xf32, #tpu.memory_space<vmem>> -> memref<800x64xf32, #tpu.memory_space<vmem>>
        %get3A_567 = arith.index_cast %add3A_562 : i32 to index
        %get3A_568 = arith.constant 16 : index
        %get3A_569 = tpu.vector_load %get3A_566[%get3A_567, %get3A_568] {strides = array<i32>} : memref<800x64xf32, #tpu.memory_space<vmem>>, vector<1x16xf32>,
        %get3A_570 = vector.shape_cast %get3A_569 : vector<1x16xf32> to vector<16xf32>
        %add3A_571 = arith.addf %add3A_483, %get3A_570 : vector<16xf32>
        %add3A_572 = arith.constant 5 : i32
        %add3A_573 = arith.addi %add3A_330, %add3A_572 : i32
        %get3A_574 = arith.constant 0 : i32
        %get3A_575 = arith.constant 0 : i32
        %get3A_576 = tpu.memref_slice %arg6[%scan3A_162, %get3A_574, %get3A_575] : memref<2x800x64xf32, #tpu.memory_space<vmem>> -> memref<1x800x64xf32, #tpu.memory_space<vmem>>
        %get3A_577 = tpu.memref_squeeze %get3A_576 : memref<1x800x64xf32, #tpu.memory_space<vmem>> -> memref<800x64xf32, #tpu.memory_space<vmem>>
        %get3A_578 = arith.index_cast %add3A_573 : i32 to index
        %get3A_579 = arith.constant 32 : index
        %get3A_580 = tpu.vector_load %get3A_577[%get3A_578, %get3A_579] {strides = array<i32>} : memref<800x64xf32, #tpu.memory_space<vmem>>, vector<1x16xf32>,
        %get3A_581 = vector.shape_cast %get3A_580 : vector<1x16xf32> to vector<16xf32>
        %add3A_582 = arith.addf %add3A_494, %get3A_581 : vector<16xf32>
        %add3A_583 = arith.constant 5 : i32
        %add3A_584 = arith.addi %add3A_330, %add3A_583 : i32
        %get3A_585 = arith.constant 0 : i32
        %get3A_586 = arith.constant 0 : i32
        %get3A_587 = tpu.memref_slice %arg6[%scan3A_162, %get3A_585, %get3A_586] : memref<2x800x64xf32, #tpu.memory_space<vmem>> -> memref<1x800x64xf32, #tpu.memory_space<vmem>>
        %get3A_588 = tpu.memref_squeeze %get3A_587 : memref<1x800x64xf32, #tpu.memory_space<vmem>> -> memref<800x64xf32, #tpu.memory_space<vmem>>
        %get3A_589 = arith.index_cast %add3A_584 : i32 to index
        %get3A_590 = arith.constant 48 : index
        %get3A_591 = tpu.vector_load %get3A_588[%get3A_589, %get3A_590] {strides = array<i32>} : memref<800x64xf32, #tpu.memory_space<vmem>>, vector<1x16xf32>,
        %get3A_592 = vector.shape_cast %get3A_591 : vector<1x16xf32> to vector<16xf32>
        %add3A_593 = arith.addf %add3A_505, %get3A_592 : vector<16xf32>
        %add3A_594 = arith.constant 6 : i32
        %add3A_595 = arith.addi %add3A_330, %add3A_594 : i32
        %get3A_596 = arith.constant 0 : i32
        %get3A_597 = arith.constant 0 : i32
        %get3A_598 = tpu.memref_slice %arg6[%scan3A_162, %get3A_596, %get3A_597] : memref<2x800x64xf32, #tpu.memory_space<vmem>> -> memref<1x800x64xf32, #tpu.memory_space<vmem>>
        %get3A_599 = tpu.memref_squeeze %get3A_598 : memref<1x800x64xf32, #tpu.memory_space<vmem>> -> memref<800x64xf32, #tpu.memory_space<vmem>>
        %get3A_600 = arith.index_cast %add3A_595 : i32 to index
        %get3A_601 = arith.constant 0 : index
        %get3A_602 = tpu.vector_load %get3A_599[%get3A_600, %get3A_601] {strides = array<i32>} : memref<800x64xf32, #tpu.memory_space<vmem>>, vector<1x16xf32>,
        %get3A_603 = vector.shape_cast %get3A_602 : vector<1x16xf32> to vector<16xf32>
        %add3A_604 = arith.addf %add3A_516, %get3A_603 : vector<16xf32>
        %add3A_605 = arith.constant 6 : i32
        %add3A_606 = arith.addi %add3A_330, %add3A_605 : i32
        %get3A_607 = arith.constant 0 : i32
        %get3A_608 = arith.constant 0 : i32
        %get3A_609 = tpu.memref_slice %arg6[%scan3A_162, %get3A_607, %get3A_608] : memref<2x800x64xf32, #tpu.memory_space<vmem>> -> memref<1x800x64xf32, #tpu.memory_space<vmem>>
        %get3A_610 = tpu.memref_squeeze %get3A_609 : memref<1x800x64xf32, #tpu.memory_space<vmem>> -> memref<800x64xf32, #tpu.memory_space<vmem>>
        %get3A_611 = arith.index_cast %add3A_606 : i32 to index
        %get3A_612 = arith.constant 16 : index
        %get3A_613 = tpu.vector_load %get3A_610[%get3A_611, %get3A_612] {strides = array<i32>} : memref<800x64xf32, #tpu.memory_space<vmem>>, vector<1x16xf32>,
        %get3A_614 = vector.shape_cast %get3A_613 : vector<1x16xf32> to vector<16xf32>
        %add3A_615 = arith.addf %add3A_527, %get3A_614 : vector<16xf32>
        %add3A_616 = arith.constant 6 : i32
        %add3A_617 = arith.addi %add3A_330, %add3A_616 : i32
        %get3A_618 = arith.constant 0 : i32
        %get3A_619 = arith.constant 0 : i32
        %get3A_620 = tpu.memref_slice %arg6[%scan3A_162, %get3A_618, %get3A_619] : memref<2x800x64xf32, #tpu.memory_space<vmem>> -> memref<1x800x64xf32, #tpu.memory_space<vmem>>
        %get3A_621 = tpu.memref_squeeze %get3A_620 : memref<1x800x64xf32, #tpu.memory_space<vmem>> -> memref<800x64xf32, #tpu.memory_space<vmem>>
        %get3A_622 = arith.index_cast %add3A_617 : i32 to index
        %get3A_623 = arith.constant 32 : index
        %get3A_624 = tpu.vector_load %get3A_621[%get3A_622, %get3A_623] {strides = array<i32>} : memref<800x64xf32, #tpu.memory_space<vmem>>, vector<1x16xf32>,
        %get3A_625 = vector.shape_cast %get3A_624 : vector<1x16xf32> to vector<16xf32>
        %add3A_626 = arith.addf %add3A_538, %get3A_625 : vector<16xf32>
        %add3A_627 = arith.constant 6 : i32
        %add3A_628 = arith.addi %add3A_330, %add3A_627 : i32
        %get3A_629 = arith.constant 0 : i32
        %get3A_630 = arith.constant 0 : i32
        %get3A_631 = tpu.memref_slice %arg6[%scan3A_162, %get3A_629, %get3A_630] : memref<2x800x64xf32, #tpu.memory_space<vmem>> -> memref<1x800x64xf32, #tpu.memory_space<vmem>>
        %get3A_632 = tpu.memref_squeeze %get3A_631 : memref<1x800x64xf32, #tpu.memory_space<vmem>> -> memref<800x64xf32, #tpu.memory_space<vmem>>
        %get3A_633 = arith.index_cast %add3A_628 : i32 to index
        %get3A_634 = arith.constant 48 : index
        %get3A_635 = tpu.vector_load %get3A_632[%get3A_633, %get3A_634] {strides = array<i32>} : memref<800x64xf32, #tpu.memory_space<vmem>>, vector<1x16xf32>,
        %get3A_636 = vector.shape_cast %get3A_635 : vector<1x16xf32> to vector<16xf32>
        %add3A_637 = arith.addf %add3A_549, %get3A_636 : vector<16xf32>
        %add3A_638 = arith.constant 7 : i32
        %add3A_639 = arith.addi %add3A_330, %add3A_638 : i32
        %get3A_640 = arith.constant 0 : i32
        %get3A_641 = arith.constant 0 : i32
        %get3A_642 = tpu.memref_slice %arg6[%scan3A_162, %get3A_640, %get3A_641] : memref<2x800x64xf32, #tpu.memory_space<vmem>> -> memref<1x800x64xf32, #tpu.memory_space<vmem>>
        %get3A_643 = tpu.memref_squeeze %get3A_642 : memref<1x800x64xf32, #tpu.memory_space<vmem>> -> memref<800x64xf32, #tpu.memory_space<vmem>>
        %get3A_644 = arith.index_cast %add3A_639 : i32 to index
        %get3A_645 = arith.constant 0 : index
        %get3A_646 = tpu.vector_load %get3A_643[%get3A_644, %get3A_645] {strides = array<i32>} : memref<800x64xf32, #tpu.memory_space<vmem>>, vector<1x16xf32>,
        %get3A_647 = vector.shape_cast %get3A_646 : vector<1x16xf32> to vector<16xf32>
        %add3A_648 = arith.addf %add3A_560, %get3A_647 : vector<16xf32>
        %add3A_649 = arith.constant 7 : i32
        %add3A_650 = arith.addi %add3A_330, %add3A_649 : i32
        %get3A_651 = arith.constant 0 : i32
        %get3A_652 = arith.constant 0 : i32
        %get3A_653 = tpu.memref_slice %arg6[%scan3A_162, %get3A_651, %get3A_652] : memref<2x800x64xf32, #tpu.memory_space<vmem>> -> memref<1x800x64xf32, #tpu.memory_space<vmem>>
        %get3A_654 = tpu.memref_squeeze %get3A_653 : memref<1x800x64xf32, #tpu.memory_space<vmem>> -> memref<800x64xf32, #tpu.memory_space<vmem>>
        %get3A_655 = arith.index_cast %add3A_650 : i32 to index
        %get3A_656 = arith.constant 16 : index
        %get3A_657 = tpu.vector_load %get3A_654[%get3A_655, %get3A_656] {strides = array<i32>} : memref<800x64xf32, #tpu.memory_space<vmem>>, vector<1x16xf32>,
        %get3A_658 = vector.shape_cast %get3A_657 : vector<1x16xf32> to vector<16xf32>
        %add3A_659 = arith.addf %add3A_571, %get3A_658 : vector<16xf32>
        %add3A_660 = arith.constant 7 : i32
        %add3A_661 = arith.addi %add3A_330, %add3A_660 : i32
        %get3A_662 = arith.constant 0 : i32
        %get3A_663 = arith.constant 0 : i32
        %get3A_664 = tpu.memref_slice %arg6[%scan3A_162, %get3A_662, %get3A_663] : memref<2x800x64xf32, #tpu.memory_space<vmem>> -> memref<1x800x64xf32, #tpu.memory_space<vmem>>
        %get3A_665 = tpu.memref_squeeze %get3A_664 : memref<1x800x64xf32, #tpu.memory_space<vmem>> -> memref<800x64xf32, #tpu.memory_space<vmem>>
        %get3A_666 = arith.index_cast %add3A_661 : i32 to index
        %get3A_667 = arith.constant 32 : index
        %get3A_668 = tpu.vector_load %get3A_665[%get3A_666, %get3A_667] {strides = array<i32>} : memref<800x64xf32, #tpu.memory_space<vmem>>, vector<1x16xf32>,
        %get3A_669 = vector.shape_cast %get3A_668 : vector<1x16xf32> to vector<16xf32>
        %add3A_670 = arith.addf %add3A_582, %get3A_669 : vector<16xf32>
        %add3A_671 = arith.constant 7 : i32
        %add3A_672 = arith.addi %add3A_330, %add3A_671 : i32
        %get3A_673 = arith.constant 0 : i32
        %get3A_674 = arith.constant 0 : i32
        %get3A_675 = tpu.memref_slice %arg6[%scan3A_162, %get3A_673, %get3A_674] : memref<2x800x64xf32, #tpu.memory_space<vmem>> -> memref<1x800x64xf32, #tpu.memory_space<vmem>>
        %get3A_676 = tpu.memref_squeeze %get3A_675 : memref<1x800x64xf32, #tpu.memory_space<vmem>> -> memref<800x64xf32, #tpu.memory_space<vmem>>
        %get3A_677 = arith.index_cast %add3A_672 : i32 to index
        %get3A_678 = arith.constant 48 : index
        %get3A_679 = tpu.vector_load %get3A_676[%get3A_677, %get3A_678] {strides = array<i32>} : memref<800x64xf32, #tpu.memory_space<vmem>>, vector<1x16xf32>,
        %get3A_680 = vector.shape_cast %get3A_679 : vector<1x16xf32> to vector<16xf32>
        %add3A_681 = arith.addf %add3A_593, %get3A_680 : vector<16xf32>
        %add3A_682 = arith.constant 8 : i32
        %add3A_683 = arith.addi %add3A_330, %add3A_682 : i32
        %get3A_684 = arith.constant 0 : i32
        %get3A_685 = arith.constant 0 : i32
        %get3A_686 = tpu.memref_slice %arg6[%scan3A_162, %get3A_684, %get3A_685] : memref<2x800x64xf32, #tpu.memory_space<vmem>> -> memref<1x800x64xf32, #tpu.memory_space<vmem>>
        %get3A_687 = tpu.memref_squeeze %get3A_686 : memref<1x800x64xf32, #tpu.memory_space<vmem>> -> memref<800x64xf32, #tpu.memory_space<vmem>>
        %get3A_688 = arith.index_cast %add3A_683 : i32 to index
        %get3A_689 = arith.constant 0 : index
        %get3A_690 = tpu.vector_load %get3A_687[%get3A_688, %get3A_689] {strides = array<i32>} : memref<800x64xf32, #tpu.memory_space<vmem>>, vector<1x16xf32>,
        %get3A_691 = vector.shape_cast %get3A_690 : vector<1x16xf32> to vector<16xf32>
        %add3A_692 = arith.addf %add3A_604, %get3A_691 : vector<16xf32>
        %add3A_693 = arith.constant 8 : i32
        %add3A_694 = arith.addi %add3A_330, %add3A_693 : i32
        %get3A_695 = arith.constant 0 : i32
        %get3A_696 = arith.constant 0 : i32
        %get3A_697 = tpu.memref_slice %arg6[%scan3A_162, %get3A_695, %get3A_696] : memref<2x800x64xf32, #tpu.memory_space<vmem>> -> memref<1x800x64xf32, #tpu.memory_space<vmem>>
        %get3A_698 = tpu.memref_squeeze %get3A_697 : memref<1x800x64xf32, #tpu.memory_space<vmem>> -> memref<800x64xf32, #tpu.memory_space<vmem>>
        %get3A_699 = arith.index_cast %add3A_694 : i32 to index
        %get3A_700 = arith.constant 16 : index
        %get3A_701 = tpu.vector_load %get3A_698[%get3A_699, %get3A_700] {strides = array<i32>} : memref<800x64xf32, #tpu.memory_space<vmem>>, vector<1x16xf32>,
        %get3A_702 = vector.shape_cast %get3A_701 : vector<1x16xf32> to vector<16xf32>
        %add3A_703 = arith.addf %add3A_615, %get3A_702 : vector<16xf32>
        %add3A_704 = arith.constant 8 : i32
        %add3A_705 = arith.addi %add3A_330, %add3A_704 : i32
        %get3A_706 = arith.constant 0 : i32
        %get3A_707 = arith.constant 0 : i32
        %get3A_708 = tpu.memref_slice %arg6[%scan3A_162, %get3A_706, %get3A_707] : memref<2x800x64xf32, #tpu.memory_space<vmem>> -> memref<1x800x64xf32, #tpu.memory_space<vmem>>
        %get3A_709 = tpu.memref_squeeze %get3A_708 : memref<1x800x64xf32, #tpu.memory_space<vmem>> -> memref<800x64xf32, #tpu.memory_space<vmem>>
        %get3A_710 = arith.index_cast %add3A_705 : i32 to index
        %get3A_711 = arith.constant 32 : index
        %get3A_712 = tpu.vector_load %get3A_709[%get3A_710, %get3A_711] {strides = array<i32>} : memref<800x64xf32, #tpu.memory_space<vmem>>, vector<1x16xf32>,
        %get3A_713 = vector.shape_cast %get3A_712 : vector<1x16xf32> to vector<16xf32>
        %add3A_714 = arith.addf %add3A_626, %get3A_713 : vector<16xf32>
        %add3A_715 = arith.constant 8 : i32
        %add3A_716 = arith.addi %add3A_330, %add3A_715 : i32
        %get3A_717 = arith.constant 0 : i32
        %get3A_718 = arith.constant 0 : i32
        %get3A_719 = tpu.memref_slice %arg6[%scan3A_162, %get3A_717, %get3A_718] : memref<2x800x64xf32, #tpu.memory_space<vmem>> -> memref<1x800x64xf32, #tpu.memory_space<vmem>>
        %get3A_720 = tpu.memref_squeeze %get3A_719 : memref<1x800x64xf32, #tpu.memory_space<vmem>> -> memref<800x64xf32, #tpu.memory_space<vmem>>
        %get3A_721 = arith.index_cast %add3A_716 : i32 to index
        %get3A_722 = arith.constant 48 : index
        %get3A_723 = tpu.vector_load %get3A_720[%get3A_721, %get3A_722] {strides = array<i32>} : memref<800x64xf32, #tpu.memory_space<vmem>>, vector<1x16xf32>,
        %get3A_724 = vector.shape_cast %get3A_723 : vector<1x16xf32> to vector<16xf32>
        %add3A_725 = arith.addf %add3A_637, %get3A_724 : vector<16xf32>
        %add3A_726 = arith.constant 9 : i32
        %add3A_727 = arith.addi %add3A_330, %add3A_726 : i32
        %get3A_728 = arith.constant 0 : i32
        %get3A_729 = arith.constant 0 : i32
        %get3A_730 = tpu.memref_slice %arg6[%scan3A_162, %get3A_728, %get3A_729] : memref<2x800x64xf32, #tpu.memory_space<vmem>> -> memref<1x800x64xf32, #tpu.memory_space<vmem>>
        %get3A_731 = tpu.memref_squeeze %get3A_730 : memref<1x800x64xf32, #tpu.memory_space<vmem>> -> memref<800x64xf32, #tpu.memory_space<vmem>>
        %get3A_732 = arith.index_cast %add3A_727 : i32 to index
        %get3A_733 = arith.constant 0 : index
        %get3A_734 = tpu.vector_load %get3A_731[%get3A_732, %get3A_733] {strides = array<i32>} : memref<800x64xf32, #tpu.memory_space<vmem>>, vector<1x16xf32>,
        %get3A_735 = vector.shape_cast %get3A_734 : vector<1x16xf32> to vector<16xf32>
        %add3A_736 = arith.addf %add3A_648, %get3A_735 : vector<16xf32>
        %add3A_737 = arith.constant 9 : i32
        %add3A_738 = arith.addi %add3A_330, %add3A_737 : i32
        %get3A_739 = arith.constant 0 : i32
        %get3A_740 = arith.constant 0 : i32
        %get3A_741 = tpu.memref_slice %arg6[%scan3A_162, %get3A_739, %get3A_740] : memref<2x800x64xf32, #tpu.memory_space<vmem>> -> memref<1x800x64xf32, #tpu.memory_space<vmem>>
        %get3A_742 = tpu.memref_squeeze %get3A_741 : memref<1x800x64xf32, #tpu.memory_space<vmem>> -> memref<800x64xf32, #tpu.memory_space<vmem>>
        %get3A_743 = arith.index_cast %add3A_738 : i32 to index
        %get3A_744 = arith.constant 16 : index
        %get3A_745 = tpu.vector_load %get3A_742[%get3A_743, %get3A_744] {strides = array<i32>} : memref<800x64xf32, #tpu.memory_space<vmem>>, vector<1x16xf32>,
        %get3A_746 = vector.shape_cast %get3A_745 : vector<1x16xf32> to vector<16xf32>
        %add3A_747 = arith.addf %add3A_659, %get3A_746 : vector<16xf32>
        %add3A_748 = arith.constant 9 : i32
        %add3A_749 = arith.addi %add3A_330, %add3A_748 : i32
        %get3A_750 = arith.constant 0 : i32
        %get3A_751 = arith.constant 0 : i32
        %get3A_752 = tpu.memref_slice %arg6[%scan3A_162, %get3A_750, %get3A_751] : memref<2x800x64xf32, #tpu.memory_space<vmem>> -> memref<1x800x64xf32, #tpu.memory_space<vmem>>
        %get3A_753 = tpu.memref_squeeze %get3A_752 : memref<1x800x64xf32, #tpu.memory_space<vmem>> -> memref<800x64xf32, #tpu.memory_space<vmem>>
        %get3A_754 = arith.index_cast %add3A_749 : i32 to index
        %get3A_755 = arith.constant 32 : index
        %get3A_756 = tpu.vector_load %get3A_753[%get3A_754, %get3A_755] {strides = array<i32>} : memref<800x64xf32, #tpu.memory_space<vmem>>, vector<1x16xf32>,
        %get3A_757 = vector.shape_cast %get3A_756 : vector<1x16xf32> to vector<16xf32>
        %add3A_758 = arith.addf %add3A_670, %get3A_757 : vector<16xf32>
        %add3A_759 = arith.constant 9 : i32
        %add3A_760 = arith.addi %add3A_330, %add3A_759 : i32
        %get3A_761 = arith.constant 0 : i32
        %get3A_762 = arith.constant 0 : i32
        %get3A_763 = tpu.memref_slice %arg6[%scan3A_162, %get3A_761, %get3A_762] : memref<2x800x64xf32, #tpu.memory_space<vmem>> -> memref<1x800x64xf32, #tpu.memory_space<vmem>>
        %get3A_764 = tpu.memref_squeeze %get3A_763 : memref<1x800x64xf32, #tpu.memory_space<vmem>> -> memref<800x64xf32, #tpu.memory_space<vmem>>
        %get3A_765 = arith.index_cast %add3A_760 : i32 to index
        %get3A_766 = arith.constant 48 : index
        %get3A_767 = tpu.vector_load %get3A_764[%get3A_765, %get3A_766] {strides = array<i32>} : memref<800x64xf32, #tpu.memory_space<vmem>>, vector<1x16xf32>,
        %get3A_768 = vector.shape_cast %get3A_767 : vector<1x16xf32> to vector<16xf32>
        %add3A_769 = arith.addf %add3A_681, %get3A_768 : vector<16xf32>
        scf.yield %add3A_692, %add3A_703, %add3A_714, %add3A_725, %add3A_736, %add3A_747, %add3A_758, %add3A_769 : vector<16xf32>, vector<16xf32>, vector<16xf32>, vector<16xf32>, vector<16xf32>, vector<16xf32>, vector<16xf32>, vector<16xf32>
      }
      %scan3A_280 = arith.constant 5 : i32
      %add3A_281 = arith.constant 64 : i32
      %add3A_282 = arith.addi %add3A_281, %scan3A_256 : i32
      %add3A_283 = arith.addf %scan3A_279#0, %scan3A_279#4 : vector<16xf32>
      %mul3A_284 = arith.constant 2.000000e-02 : f32
      %mul3A_285 = vector.broadcast %mul3A_284 : f32 to vector<16xf32>
      %mul3A_286 = arith.mulf %add3A_283, %mul3A_285 : vector<16xf32>
      %swap3A = arith.index_cast %add3A_282 : i32 to index
      %swap3A_287 = arith.constant 0 : index
      %swap3A_288 = tpu.vector_load %arg7[%swap3A, %swap3A_287] {strides = array<i32>} : memref<128x64xf32, #tpu.memory_space<vmem>>, vector<1x16xf32>,
      %swap3A_289 = vector.shape_cast %swap3A_288 : vector<1x16xf32> to vector<16xf32>
      %swap3A_290 = vector.shape_cast %mul3A_286 : vector<16xf32> to vector<1x16xf32>
      tpu.vector_store %arg7[%swap3A, %swap3A_287], %swap3A_290 {strides = array<i32>} : memref<128x64xf32, #tpu.memory_space<vmem>>, vector<1x16xf32>,
      %add3A_291 = arith.addf %scan3A_279#1, %scan3A_279#5 : vector<16xf32>
      %mul3A_292 = arith.constant 2.000000e-02 : f32
      %mul3A_293 = vector.broadcast %mul3A_292 : f32 to vector<16xf32>
      %mul3A_294 = arith.mulf %add3A_291, %mul3A_293 : vector<16xf32>
      %swap3A_295 = arith.index_cast %add3A_282 : i32 to index
      %swap3A_296 = arith.constant 16 : index
      %swap3A_297 = tpu.vector_load %arg7[%swap3A_295, %swap3A_296] {strides = array<i32>} : memref<128x64xf32, #tpu.memory_space<vmem>>, vector<1x16xf32>,
      %swap3A_298 = vector.shape_cast %swap3A_297 : vector<1x16xf32> to vector<16xf32>
      %swap3A_299 = vector.shape_cast %mul3A_294 : vector<16xf32> to vector<1x16xf32>
      tpu.vector_store %arg7[%swap3A_295, %swap3A_296], %swap3A_299 {strides = array<i32>} : memref<128x64xf32, #tpu.memory_space<vmem>>, vector<1x16xf32>,
      %add3A_300 = arith.addf %scan3A_279#2, %scan3A_279#6 : vector<16xf32>
      %mul3A_301 = arith.constant 2.000000e-02 : f32
      %mul3A_302 = vector.broadcast %mul3A_301 : f32 to vector<16xf32>
      %mul3A_303 = arith.mulf %add3A_300, %mul3A_302 : vector<16xf32>
      %swap3A_304 = arith.index_cast %add3A_282 : i32 to index
      %swap3A_305 = arith.constant 32 : index
      %swap3A_306 = tpu.vector_load %arg7[%swap3A_304, %swap3A_305] {strides = array<i32>} : memref<128x64xf32, #tpu.memory_space<vmem>>, vector<1x16xf32>,
      %swap3A_307 = vector.shape_cast %swap3A_306 : vector<1x16xf32> to vector<16xf32>
      %swap3A_308 = vector.shape_cast %mul3A_303 : vector<16xf32> to vector<1x16xf32>
      tpu.vector_store %arg7[%swap3A_304, %swap3A_305], %swap3A_308 {strides = array<i32>} : memref<128x64xf32, #tpu.memory_space<vmem>>, vector<1x16xf32>,
      %add3A_309 = arith.addf %scan3A_279#3, %scan3A_279#7 : vector<16xf32>
      %mul3A_310 = arith.constant 2.000000e-02 : f32
      %mul3A_311 = vector.broadcast %mul3A_310 : f32 to vector<16xf32>
      %mul3A_312 = arith.mulf %add3A_309, %mul3A_311 : vector<16xf32>
      %swap3A_313 = arith.index_cast %add3A_282 : i32 to index
      %swap3A_314 = arith.constant 48 : index
      %swap3A_315 = tpu.vector_load %arg7[%swap3A_313, %swap3A_314] {strides = array<i32>} : memref<128x64xf32, #tpu.memory_space<vmem>>, vector<1x16xf32>,
      %swap3A_316 = vector.shape_cast %swap3A_315 : vector<1x16xf32> to vector<16xf32>
      %swap3A_317 = vector.shape_cast %mul3A_312 : vector<16xf32> to vector<1x16xf32>
      tpu.vector_store %arg7[%swap3A_313, %swap3A_314], %swap3A_317 {strides = array<i32>} : memref<128x64xf32, #tpu.memory_space<vmem>>, vector<1x16xf32>,
      %scan3A_318 = arith.constant 0 : i32
      scf.yield %scan3A_318 : i32
    }
    %scan3A_169 = arith.constant 16 : i32
    %dma_start3A_170 = arith.constant 6 : i32
    %dma_start3A_171 = arith.constant 0 : i32
    %dma_start3A_172 = arith.constant 0 : i32
    %dma_start3A_173 = arith.constant 0 : i32
    %dma_start3A_174 = tpu.memref_slice %arg6[%dma_start3A_171, %dma_start3A_172, %dma_start3A_173] : memref<2x800x64xf32, #tpu.memory_space<vmem>> -> memref<1x800x64xf32, #tpu.memory_space<vmem>>
    %dma_start3A_175 = tpu.memref_squeeze %dma_start3A_174 : memref<1x800x64xf32, #tpu.memory_space<vmem>> -> memref<800x64xf32, #tpu.memory_space<vmem>>
    %dma_start3A_176 = arith.constant 0 : i32
    %dma_start3A_177 = tpu.memref_slice %arg5[%dma_start3A_170, %dma_start3A_176] : memref<8x800xi32, #tpu.memory_space<vmem>> -> memref<1x800xi32, #tpu.memory_space<vmem>>
    %dma_start3A_178 = tpu.memref_squeeze %dma_start3A_177 : memref<1x800xi32, #tpu.memory_space<vmem>> -> memref<800xi32, #tpu.memory_space<vmem>>
    %dma_start3A_179 = arith.constant 0 : i32
    %dma_start3A_180 = arith.constant 0 : i32
    %dma_start3A_181 = tpu.memref_slice %arg3[%dma_start3A_179, %dma_start3A_180] : memref<100000x64xf32, #tpu.memory_space<hbm>> -> memref<100000x64xf32, #tpu.memory_space<hbm>>
    tpu.enqueue_indirect_dma source(%dma_start3A_181 : memref<100000x64xf32, #tpu.memory_space<hbm>>) target(%dma_start3A_175 : memref<800x64xf32, #tpu.memory_space<vmem>>) offsets(%dma_start3A_178 : memref<800xi32, #tpu.memory_space<vmem>>) semaphore(%arg8 : memref<!tpu.dma_semaphore, #tpu.memory_space<semaphore_mem>>)
    %dma_wait3A_182 = arith.constant 5 : i32
    %dma_wait3A_183 = arith.constant 1 : i32
    %dma_wait3A_184 = arith.constant 0 : i32
    %dma_wait3A_185 = arith.constant 0 : i32
    %dma_wait3A_186 = tpu.memref_slice %arg6[%dma_wait3A_183, %dma_wait3A_184, %dma_wait3A_185] : memref<2x800x64xf32, #tpu.memory_space<vmem>> -> memref<1x800x64xf32, #tpu.memory_space<vmem>>
    %dma_wait3A_187 = tpu.memref_squeeze %dma_wait3A_186 : memref<1x800x64xf32, #tpu.memory_space<vmem>> -> memref<800x64xf32, #tpu.memory_space<vmem>>
    %dma_wait3A_188 = arith.constant 0 : i32
    %dma_wait3A_189 = tpu.memref_slice %arg5[%dma_wait3A_182, %dma_wait3A_188] : memref<8x800xi32, #tpu.memory_space<vmem>> -> memref<1x800xi32, #tpu.memory_space<vmem>>
    %dma_wait3A_190 = tpu.memref_squeeze %dma_wait3A_189 : memref<1x800xi32, #tpu.memory_space<vmem>> -> memref<800xi32, #tpu.memory_space<vmem>>
    %dma_wait3A_191 = arith.constant 0 : i32
    %dma_wait3A_192 = arith.constant 0 : i32
    %dma_wait3A_193 = tpu.memref_slice %arg3[%dma_wait3A_191, %dma_wait3A_192] : memref<100000x64xf32, #tpu.memory_space<hbm>> -> memref<100000x64xf32, #tpu.memory_space<hbm>>
    tpu.wait_indirect_dma semaphore(%arg9 : memref<!tpu.dma_semaphore, #tpu.memory_space<semaphore_mem>>) src(%dma_wait3A_193 : memref<100000x64xf32, #tpu.memory_space<hbm>>) dst(%dma_wait3A_187 : memref<800x64xf32, #tpu.memory_space<vmem>>)
    %scan3A_194 = arith.constant 1 : i32
    %scan3A_195 = arith.constant 0 : i32
    %scan3A_196 = arith.constant 0 : i32
    %scan3A_197 = arith.constant 16 : i32
    %scan3A_198 = arith.addi %scan3A_196, %scan3A_197 : i32
    %scan3A_199 = arith.constant 1 : i32
    %scan3A_200 = scf.for %scan3A_256 = %scan3A_196 to %scan3A_198 step %scan3A_199 iter_args(%scan3A_257 = %scan3A_195) -> (i32)  : i32 {
      %mul3A_258 = arith.constant 50 : i32
      %mul3A_259 = arith.muli %scan3A_256, %mul3A_258 : i32
      %broadcast_in_dim3A = arith.constant 0.000000e+00 : f32
      %broadcast_in_dim3A_260 = vector.broadcast %broadcast_in_dim3A : f32 to vector<16xf32>
      %broadcast_in_dim3A_261 = arith.constant 0.000000e+00 : f32
      %broadcast_in_dim3A_262 = vector.broadcast %broadcast_in_dim3A_261 : f32 to vector<16xf32>
      %broadcast_in_dim3A_263 = arith.constant 0.000000e+00 : f32
      %broadcast_in_dim3A_264 = vector.broadcast %broadcast_in_dim3A_263 : f32 to vector<16xf32>
      %broadcast_in_dim3A_265 = arith.constant 0.000000e+00 : f32
      %broadcast_in_dim3A_266 = vector.broadcast %broadcast_in_dim3A_265 : f32 to vector<16xf32>
      %broadcast_in_dim3A_267 = arith.constant 0.000000e+00 : f32
      %broadcast_in_dim3A_268 = vector.broadcast %broadcast_in_dim3A_267 : f32 to vector<16xf32>
      %broadcast_in_dim3A_269 = arith.constant 0.000000e+00 : f32
      %broadcast_in_dim3A_270 = vector.broadcast %broadcast_in_dim3A_269 : f32 to vector<16xf32>
      %broadcast_in_dim3A_271 = arith.constant 0.000000e+00 : f32
      %broadcast_in_dim3A_272 = vector.broadcast %broadcast_in_dim3A_271 : f32 to vector<16xf32>
      %broadcast_in_dim3A_273 = arith.constant 0.000000e+00 : f32
      %broadcast_in_dim3A_274 = vector.broadcast %broadcast_in_dim3A_273 : f32 to vector<16xf32>
      %scan3A_275 = arith.constant 0 : i32
      %scan3A_276 = arith.constant 5 : i32
      %scan3A_277 = arith.addi %scan3A_275, %scan3A_276 : i32
      %scan3A_278 = arith.constant 1 : i32
      %scan3A_279:8 = scf.for %scan3A_319 = %scan3A_275 to %scan3A_277 step %scan3A_278 iter_args(%scan3A_320 = %broadcast_in_dim3A_260, %scan3A_321 = %broadcast_in_dim3A_262, %scan3A_322 = %broadcast_in_dim3A_264, %scan3A_323 = %broadcast_in_dim3A_266, %scan3A_324 = %broadcast_in_dim3A_268, %scan3A_325 = %broadcast_in_dim3A_270, %scan3A_326 = %broadcast_in_dim3A_272, %scan3A_327 = %broadcast_in_dim3A_274) -> (vector<16xf32>, vector<16xf32>, vector<16xf32>, vector<16xf32>, vector<16xf32>, vector<16xf32>, vector<16xf32>, vector<16xf32>)  : i32 {
        %mul3A_328 = arith.constant 10 : i32
        %mul3A_329 = arith.muli %scan3A_319, %mul3A_328 : i32
        %add3A_330 = arith.addi %mul3A_259, %mul3A_329 : i32
        %add3A_331 = arith.constant 0 : i32
        %add3A_332 = arith.addi %add3A_330, %add3A_331 : i32
        %get3A = arith.constant 0 : i32
        %get3A_333 = arith.constant 0 : i32
        %get3A_334 = tpu.memref_slice %arg6[%scan3A_194, %get3A, %get3A_333] : memref<2x800x64xf32, #tpu.memory_space<vmem>> -> memref<1x800x64xf32, #tpu.memory_space<vmem>>
        %get3A_335 = tpu.memref_squeeze %get3A_334 : memref<1x800x64xf32, #tpu.memory_space<vmem>> -> memref<800x64xf32, #tpu.memory_space<vmem>>
        %get3A_336 = arith.index_cast %add3A_332 : i32 to index
        %get3A_337 = arith.constant 0 : index
        %get3A_338 = tpu.vector_load %get3A_335[%get3A_336, %get3A_337] {strides = array<i32>} : memref<800x64xf32, #tpu.memory_space<vmem>>, vector<1x16xf32>,
        %get3A_339 = vector.shape_cast %get3A_338 : vector<1x16xf32> to vector<16xf32>
        %add3A_340 = arith.addf %scan3A_320, %get3A_339 : vector<16xf32>
        %add3A_341 = arith.constant 0 : i32
        %add3A_342 = arith.addi %add3A_330, %add3A_341 : i32
        %get3A_343 = arith.constant 0 : i32
        %get3A_344 = arith.constant 0 : i32
        %get3A_345 = tpu.memref_slice %arg6[%scan3A_194, %get3A_343, %get3A_344] : memref<2x800x64xf32, #tpu.memory_space<vmem>> -> memref<1x800x64xf32, #tpu.memory_space<vmem>>
        %get3A_346 = tpu.memref_squeeze %get3A_345 : memref<1x800x64xf32, #tpu.memory_space<vmem>> -> memref<800x64xf32, #tpu.memory_space<vmem>>
        %get3A_347 = arith.index_cast %add3A_342 : i32 to index
        %get3A_348 = arith.constant 16 : index
        %get3A_349 = tpu.vector_load %get3A_346[%get3A_347, %get3A_348] {strides = array<i32>} : memref<800x64xf32, #tpu.memory_space<vmem>>, vector<1x16xf32>,
        %get3A_350 = vector.shape_cast %get3A_349 : vector<1x16xf32> to vector<16xf32>
        %add3A_351 = arith.addf %scan3A_321, %get3A_350 : vector<16xf32>
        %add3A_352 = arith.constant 0 : i32
        %add3A_353 = arith.addi %add3A_330, %add3A_352 : i32
        %get3A_354 = arith.constant 0 : i32
        %get3A_355 = arith.constant 0 : i32
        %get3A_356 = tpu.memref_slice %arg6[%scan3A_194, %get3A_354, %get3A_355] : memref<2x800x64xf32, #tpu.memory_space<vmem>> -> memref<1x800x64xf32, #tpu.memory_space<vmem>>
        %get3A_357 = tpu.memref_squeeze %get3A_356 : memref<1x800x64xf32, #tpu.memory_space<vmem>> -> memref<800x64xf32, #tpu.memory_space<vmem>>
        %get3A_358 = arith.index_cast %add3A_353 : i32 to index
        %get3A_359 = arith.constant 32 : index
        %get3A_360 = tpu.vector_load %get3A_357[%get3A_358, %get3A_359] {strides = array<i32>} : memref<800x64xf32, #tpu.memory_space<vmem>>, vector<1x16xf32>,
        %get3A_361 = vector.shape_cast %get3A_360 : vector<1x16xf32> to vector<16xf32>
        %add3A_362 = arith.addf %scan3A_322, %get3A_361 : vector<16xf32>
        %add3A_363 = arith.constant 0 : i32
        %add3A_364 = arith.addi %add3A_330, %add3A_363 : i32
        %get3A_365 = arith.constant 0 : i32
        %get3A_366 = arith.constant 0 : i32
        %get3A_367 = tpu.memref_slice %arg6[%scan3A_194, %get3A_365, %get3A_366] : memref<2x800x64xf32, #tpu.memory_space<vmem>> -> memref<1x800x64xf32, #tpu.memory_space<vmem>>
        %get3A_368 = tpu.memref_squeeze %get3A_367 : memref<1x800x64xf32, #tpu.memory_space<vmem>> -> memref<800x64xf32, #tpu.memory_space<vmem>>
        %get3A_369 = arith.index_cast %add3A_364 : i32 to index
        %get3A_370 = arith.constant 48 : index
        %get3A_371 = tpu.vector_load %get3A_368[%get3A_369, %get3A_370] {strides = array<i32>} : memref<800x64xf32, #tpu.memory_space<vmem>>, vector<1x16xf32>,
        %get3A_372 = vector.shape_cast %get3A_371 : vector<1x16xf32> to vector<16xf32>
        %add3A_373 = arith.addf %scan3A_323, %get3A_372 : vector<16xf32>
        %add3A_374 = arith.constant 1 : i32
        %add3A_375 = arith.addi %add3A_330, %add3A_374 : i32
        %get3A_376 = arith.constant 0 : i32
        %get3A_377 = arith.constant 0 : i32
        %get3A_378 = tpu.memref_slice %arg6[%scan3A_194, %get3A_376, %get3A_377] : memref<2x800x64xf32, #tpu.memory_space<vmem>> -> memref<1x800x64xf32, #tpu.memory_space<vmem>>
        %get3A_379 = tpu.memref_squeeze %get3A_378 : memref<1x800x64xf32, #tpu.memory_space<vmem>> -> memref<800x64xf32, #tpu.memory_space<vmem>>
        %get3A_380 = arith.index_cast %add3A_375 : i32 to index
        %get3A_381 = arith.constant 0 : index
        %get3A_382 = tpu.vector_load %get3A_379[%get3A_380, %get3A_381] {strides = array<i32>} : memref<800x64xf32, #tpu.memory_space<vmem>>, vector<1x16xf32>,
        %get3A_383 = vector.shape_cast %get3A_382 : vector<1x16xf32> to vector<16xf32>
        %add3A_384 = arith.addf %scan3A_324, %get3A_383 : vector<16xf32>
        %add3A_385 = arith.constant 1 : i32
        %add3A_386 = arith.addi %add3A_330, %add3A_385 : i32
        %get3A_387 = arith.constant 0 : i32
        %get3A_388 = arith.constant 0 : i32
        %get3A_389 = tpu.memref_slice %arg6[%scan3A_194, %get3A_387, %get3A_388] : memref<2x800x64xf32, #tpu.memory_space<vmem>> -> memref<1x800x64xf32, #tpu.memory_space<vmem>>
        %get3A_390 = tpu.memref_squeeze %get3A_389 : memref<1x800x64xf32, #tpu.memory_space<vmem>> -> memref<800x64xf32, #tpu.memory_space<vmem>>
        %get3A_391 = arith.index_cast %add3A_386 : i32 to index
        %get3A_392 = arith.constant 16 : index
        %get3A_393 = tpu.vector_load %get3A_390[%get3A_391, %get3A_392] {strides = array<i32>} : memref<800x64xf32, #tpu.memory_space<vmem>>, vector<1x16xf32>,
        %get3A_394 = vector.shape_cast %get3A_393 : vector<1x16xf32> to vector<16xf32>
        %add3A_395 = arith.addf %scan3A_325, %get3A_394 : vector<16xf32>
        %add3A_396 = arith.constant 1 : i32
        %add3A_397 = arith.addi %add3A_330, %add3A_396 : i32
        %get3A_398 = arith.constant 0 : i32
        %get3A_399 = arith.constant 0 : i32
        %get3A_400 = tpu.memref_slice %arg6[%scan3A_194, %get3A_398, %get3A_399] : memref<2x800x64xf32, #tpu.memory_space<vmem>> -> memref<1x800x64xf32, #tpu.memory_space<vmem>>
        %get3A_401 = tpu.memref_squeeze %get3A_400 : memref<1x800x64xf32, #tpu.memory_space<vmem>> -> memref<800x64xf32, #tpu.memory_space<vmem>>
        %get3A_402 = arith.index_cast %add3A_397 : i32 to index
        %get3A_403 = arith.constant 32 : index
        %get3A_404 = tpu.vector_load %get3A_401[%get3A_402, %get3A_403] {strides = array<i32>} : memref<800x64xf32, #tpu.memory_space<vmem>>, vector<1x16xf32>,
        %get3A_405 = vector.shape_cast %get3A_404 : vector<1x16xf32> to vector<16xf32>
        %add3A_406 = arith.addf %scan3A_326, %get3A_405 : vector<16xf32>
        %add3A_407 = arith.constant 1 : i32
        %add3A_408 = arith.addi %add3A_330, %add3A_407 : i32
        %get3A_409 = arith.constant 0 : i32
        %get3A_410 = arith.constant 0 : i32
        %get3A_411 = tpu.memref_slice %arg6[%scan3A_194, %get3A_409, %get3A_410] : memref<2x800x64xf32, #tpu.memory_space<vmem>> -> memref<1x800x64xf32, #tpu.memory_space<vmem>>
        %get3A_412 = tpu.memref_squeeze %get3A_411 : memref<1x800x64xf32, #tpu.memory_space<vmem>> -> memref<800x64xf32, #tpu.memory_space<vmem>>
        %get3A_413 = arith.index_cast %add3A_408 : i32 to index
        %get3A_414 = arith.constant 48 : index
        %get3A_415 = tpu.vector_load %get3A_412[%get3A_413, %get3A_414] {strides = array<i32>} : memref<800x64xf32, #tpu.memory_space<vmem>>, vector<1x16xf32>,
        %get3A_416 = vector.shape_cast %get3A_415 : vector<1x16xf32> to vector<16xf32>
        %add3A_417 = arith.addf %scan3A_327, %get3A_416 : vector<16xf32>
        %add3A_418 = arith.constant 2 : i32
        %add3A_419 = arith.addi %add3A_330, %add3A_418 : i32
        %get3A_420 = arith.constant 0 : i32
        %get3A_421 = arith.constant 0 : i32
        %get3A_422 = tpu.memref_slice %arg6[%scan3A_194, %get3A_420, %get3A_421] : memref<2x800x64xf32, #tpu.memory_space<vmem>> -> memref<1x800x64xf32, #tpu.memory_space<vmem>>
        %get3A_423 = tpu.memref_squeeze %get3A_422 : memref<1x800x64xf32, #tpu.memory_space<vmem>> -> memref<800x64xf32, #tpu.memory_space<vmem>>
        %get3A_424 = arith.index_cast %add3A_419 : i32 to index
        %get3A_425 = arith.constant 0 : index
        %get3A_426 = tpu.vector_load %get3A_423[%get3A_424, %get3A_425] {strides = array<i32>} : memref<800x64xf32, #tpu.memory_space<vmem>>, vector<1x16xf32>,
        %get3A_427 = vector.shape_cast %get3A_426 : vector<1x16xf32> to vector<16xf32>
        %add3A_428 = arith.addf %add3A_340, %get3A_427 : vector<16xf32>
        %add3A_429 = arith.constant 2 : i32
        %add3A_430 = arith.addi %add3A_330, %add3A_429 : i32
        %get3A_431 = arith.constant 0 : i32
        %get3A_432 = arith.constant 0 : i32
        %get3A_433 = tpu.memref_slice %arg6[%scan3A_194, %get3A_431, %get3A_432] : memref<2x800x64xf32, #tpu.memory_space<vmem>> -> memref<1x800x64xf32, #tpu.memory_space<vmem>>
        %get3A_434 = tpu.memref_squeeze %get3A_433 : memref<1x800x64xf32, #tpu.memory_space<vmem>> -> memref<800x64xf32, #tpu.memory_space<vmem>>
        %get3A_435 = arith.index_cast %add3A_430 : i32 to index
        %get3A_436 = arith.constant 16 : index
        %get3A_437 = tpu.vector_load %get3A_434[%get3A_435, %get3A_436] {strides = array<i32>} : memref<800x64xf32, #tpu.memory_space<vmem>>, vector<1x16xf32>,
        %get3A_438 = vector.shape_cast %get3A_437 : vector<1x16xf32> to vector<16xf32>
        %add3A_439 = arith.addf %add3A_351, %get3A_438 : vector<16xf32>
        %add3A_440 = arith.constant 2 : i32
        %add3A_441 = arith.addi %add3A_330, %add3A_440 : i32
        %get3A_442 = arith.constant 0 : i32
        %get3A_443 = arith.constant 0 : i32
        %get3A_444 = tpu.memref_slice %arg6[%scan3A_194, %get3A_442, %get3A_443] : memref<2x800x64xf32, #tpu.memory_space<vmem>> -> memref<1x800x64xf32, #tpu.memory_space<vmem>>
        %get3A_445 = tpu.memref_squeeze %get3A_444 : memref<1x800x64xf32, #tpu.memory_space<vmem>> -> memref<800x64xf32, #tpu.memory_space<vmem>>
        %get3A_446 = arith.index_cast %add3A_441 : i32 to index
        %get3A_447 = arith.constant 32 : index
        %get3A_448 = tpu.vector_load %get3A_445[%get3A_446, %get3A_447] {strides = array<i32>} : memref<800x64xf32, #tpu.memory_space<vmem>>, vector<1x16xf32>,
        %get3A_449 = vector.shape_cast %get3A_448 : vector<1x16xf32> to vector<16xf32>
        %add3A_450 = arith.addf %add3A_362, %get3A_449 : vector<16xf32>
        %add3A_451 = arith.constant 2 : i32
        %add3A_452 = arith.addi %add3A_330, %add3A_451 : i32
        %get3A_453 = arith.constant 0 : i32
        %get3A_454 = arith.constant 0 : i32
        %get3A_455 = tpu.memref_slice %arg6[%scan3A_194, %get3A_453, %get3A_454] : memref<2x800x64xf32, #tpu.memory_space<vmem>> -> memref<1x800x64xf32, #tpu.memory_space<vmem>>
        %get3A_456 = tpu.memref_squeeze %get3A_455 : memref<1x800x64xf32, #tpu.memory_space<vmem>> -> memref<800x64xf32, #tpu.memory_space<vmem>>
        %get3A_457 = arith.index_cast %add3A_452 : i32 to index
        %get3A_458 = arith.constant 48 : index
        %get3A_459 = tpu.vector_load %get3A_456[%get3A_457, %get3A_458] {strides = array<i32>} : memref<800x64xf32, #tpu.memory_space<vmem>>, vector<1x16xf32>,
        %get3A_460 = vector.shape_cast %get3A_459 : vector<1x16xf32> to vector<16xf32>
        %add3A_461 = arith.addf %add3A_373, %get3A_460 : vector<16xf32>
        %add3A_462 = arith.constant 3 : i32
        %add3A_463 = arith.addi %add3A_330, %add3A_462 : i32
        %get3A_464 = arith.constant 0 : i32
        %get3A_465 = arith.constant 0 : i32
        %get3A_466 = tpu.memref_slice %arg6[%scan3A_194, %get3A_464, %get3A_465] : memref<2x800x64xf32, #tpu.memory_space<vmem>> -> memref<1x800x64xf32, #tpu.memory_space<vmem>>
        %get3A_467 = tpu.memref_squeeze %get3A_466 : memref<1x800x64xf32, #tpu.memory_space<vmem>> -> memref<800x64xf32, #tpu.memory_space<vmem>>
        %get3A_468 = arith.index_cast %add3A_463 : i32 to index
        %get3A_469 = arith.constant 0 : index
        %get3A_470 = tpu.vector_load %get3A_467[%get3A_468, %get3A_469] {strides = array<i32>} : memref<800x64xf32, #tpu.memory_space<vmem>>, vector<1x16xf32>,
        %get3A_471 = vector.shape_cast %get3A_470 : vector<1x16xf32> to vector<16xf32>
        %add3A_472 = arith.addf %add3A_384, %get3A_471 : vector<16xf32>
        %add3A_473 = arith.constant 3 : i32
        %add3A_474 = arith.addi %add3A_330, %add3A_473 : i32
        %get3A_475 = arith.constant 0 : i32
        %get3A_476 = arith.constant 0 : i32
        %get3A_477 = tpu.memref_slice %arg6[%scan3A_194, %get3A_475, %get3A_476] : memref<2x800x64xf32, #tpu.memory_space<vmem>> -> memref<1x800x64xf32, #tpu.memory_space<vmem>>
        %get3A_478 = tpu.memref_squeeze %get3A_477 : memref<1x800x64xf32, #tpu.memory_space<vmem>> -> memref<800x64xf32, #tpu.memory_space<vmem>>
        %get3A_479 = arith.index_cast %add3A_474 : i32 to index
        %get3A_480 = arith.constant 16 : index
        %get3A_481 = tpu.vector_load %get3A_478[%get3A_479, %get3A_480] {strides = array<i32>} : memref<800x64xf32, #tpu.memory_space<vmem>>, vector<1x16xf32>,
        %get3A_482 = vector.shape_cast %get3A_481 : vector<1x16xf32> to vector<16xf32>
        %add3A_483 = arith.addf %add3A_395, %get3A_482 : vector<16xf32>
        %add3A_484 = arith.constant 3 : i32
        %add3A_485 = arith.addi %add3A_330, %add3A_484 : i32
        %get3A_486 = arith.constant 0 : i32
        %get3A_487 = arith.constant 0 : i32
        %get3A_488 = tpu.memref_slice %arg6[%scan3A_194, %get3A_486, %get3A_487] : memref<2x800x64xf32, #tpu.memory_space<vmem>> -> memref<1x800x64xf32, #tpu.memory_space<vmem>>
        %get3A_489 = tpu.memref_squeeze %get3A_488 : memref<1x800x64xf32, #tpu.memory_space<vmem>> -> memref<800x64xf32, #tpu.memory_space<vmem>>
        %get3A_490 = arith.index_cast %add3A_485 : i32 to index
        %get3A_491 = arith.constant 32 : index
        %get3A_492 = tpu.vector_load %get3A_489[%get3A_490, %get3A_491] {strides = array<i32>} : memref<800x64xf32, #tpu.memory_space<vmem>>, vector<1x16xf32>,
        %get3A_493 = vector.shape_cast %get3A_492 : vector<1x16xf32> to vector<16xf32>
        %add3A_494 = arith.addf %add3A_406, %get3A_493 : vector<16xf32>
        %add3A_495 = arith.constant 3 : i32
        %add3A_496 = arith.addi %add3A_330, %add3A_495 : i32
        %get3A_497 = arith.constant 0 : i32
        %get3A_498 = arith.constant 0 : i32
        %get3A_499 = tpu.memref_slice %arg6[%scan3A_194, %get3A_497, %get3A_498] : memref<2x800x64xf32, #tpu.memory_space<vmem>> -> memref<1x800x64xf32, #tpu.memory_space<vmem>>
        %get3A_500 = tpu.memref_squeeze %get3A_499 : memref<1x800x64xf32, #tpu.memory_space<vmem>> -> memref<800x64xf32, #tpu.memory_space<vmem>>
        %get3A_501 = arith.index_cast %add3A_496 : i32 to index
        %get3A_502 = arith.constant 48 : index
        %get3A_503 = tpu.vector_load %get3A_500[%get3A_501, %get3A_502] {strides = array<i32>} : memref<800x64xf32, #tpu.memory_space<vmem>>, vector<1x16xf32>,
        %get3A_504 = vector.shape_cast %get3A_503 : vector<1x16xf32> to vector<16xf32>
        %add3A_505 = arith.addf %add3A_417, %get3A_504 : vector<16xf32>
        %add3A_506 = arith.constant 4 : i32
        %add3A_507 = arith.addi %add3A_330, %add3A_506 : i32
        %get3A_508 = arith.constant 0 : i32
        %get3A_509 = arith.constant 0 : i32
        %get3A_510 = tpu.memref_slice %arg6[%scan3A_194, %get3A_508, %get3A_509] : memref<2x800x64xf32, #tpu.memory_space<vmem>> -> memref<1x800x64xf32, #tpu.memory_space<vmem>>
        %get3A_511 = tpu.memref_squeeze %get3A_510 : memref<1x800x64xf32, #tpu.memory_space<vmem>> -> memref<800x64xf32, #tpu.memory_space<vmem>>
        %get3A_512 = arith.index_cast %add3A_507 : i32 to index
        %get3A_513 = arith.constant 0 : index
        %get3A_514 = tpu.vector_load %get3A_511[%get3A_512, %get3A_513] {strides = array<i32>} : memref<800x64xf32, #tpu.memory_space<vmem>>, vector<1x16xf32>,
        %get3A_515 = vector.shape_cast %get3A_514 : vector<1x16xf32> to vector<16xf32>
        %add3A_516 = arith.addf %add3A_428, %get3A_515 : vector<16xf32>
        %add3A_517 = arith.constant 4 : i32
        %add3A_518 = arith.addi %add3A_330, %add3A_517 : i32
        %get3A_519 = arith.constant 0 : i32
        %get3A_520 = arith.constant 0 : i32
        %get3A_521 = tpu.memref_slice %arg6[%scan3A_194, %get3A_519, %get3A_520] : memref<2x800x64xf32, #tpu.memory_space<vmem>> -> memref<1x800x64xf32, #tpu.memory_space<vmem>>
        %get3A_522 = tpu.memref_squeeze %get3A_521 : memref<1x800x64xf32, #tpu.memory_space<vmem>> -> memref<800x64xf32, #tpu.memory_space<vmem>>
        %get3A_523 = arith.index_cast %add3A_518 : i32 to index
        %get3A_524 = arith.constant 16 : index
        %get3A_525 = tpu.vector_load %get3A_522[%get3A_523, %get3A_524] {strides = array<i32>} : memref<800x64xf32, #tpu.memory_space<vmem>>, vector<1x16xf32>,
        %get3A_526 = vector.shape_cast %get3A_525 : vector<1x16xf32> to vector<16xf32>
        %add3A_527 = arith.addf %add3A_439, %get3A_526 : vector<16xf32>
        %add3A_528 = arith.constant 4 : i32
        %add3A_529 = arith.addi %add3A_330, %add3A_528 : i32
        %get3A_530 = arith.constant 0 : i32
        %get3A_531 = arith.constant 0 : i32
        %get3A_532 = tpu.memref_slice %arg6[%scan3A_194, %get3A_530, %get3A_531] : memref<2x800x64xf32, #tpu.memory_space<vmem>> -> memref<1x800x64xf32, #tpu.memory_space<vmem>>
        %get3A_533 = tpu.memref_squeeze %get3A_532 : memref<1x800x64xf32, #tpu.memory_space<vmem>> -> memref<800x64xf32, #tpu.memory_space<vmem>>
        %get3A_534 = arith.index_cast %add3A_529 : i32 to index
        %get3A_535 = arith.constant 32 : index
        %get3A_536 = tpu.vector_load %get3A_533[%get3A_534, %get3A_535] {strides = array<i32>} : memref<800x64xf32, #tpu.memory_space<vmem>>, vector<1x16xf32>,
        %get3A_537 = vector.shape_cast %get3A_536 : vector<1x16xf32> to vector<16xf32>
        %add3A_538 = arith.addf %add3A_450, %get3A_537 : vector<16xf32>
        %add3A_539 = arith.constant 4 : i32
        %add3A_540 = arith.addi %add3A_330, %add3A_539 : i32
        %get3A_541 = arith.constant 0 : i32
        %get3A_542 = arith.constant 0 : i32
        %get3A_543 = tpu.memref_slice %arg6[%scan3A_194, %get3A_541, %get3A_542] : memref<2x800x64xf32, #tpu.memory_space<vmem>> -> memref<1x800x64xf32, #tpu.memory_space<vmem>>
        %get3A_544 = tpu.memref_squeeze %get3A_543 : memref<1x800x64xf32, #tpu.memory_space<vmem>> -> memref<800x64xf32, #tpu.memory_space<vmem>>
        %get3A_545 = arith.index_cast %add3A_540 : i32 to index
        %get3A_546 = arith.constant 48 : index
        %get3A_547 = tpu.vector_load %get3A_544[%get3A_545, %get3A_546] {strides = array<i32>} : memref<800x64xf32, #tpu.memory_space<vmem>>, vector<1x16xf32>,
        %get3A_548 = vector.shape_cast %get3A_547 : vector<1x16xf32> to vector<16xf32>
        %add3A_549 = arith.addf %add3A_461, %get3A_548 : vector<16xf32>
        %add3A_550 = arith.constant 5 : i32
        %add3A_551 = arith.addi %add3A_330, %add3A_550 : i32
        %get3A_552 = arith.constant 0 : i32
        %get3A_553 = arith.constant 0 : i32
        %get3A_554 = tpu.memref_slice %arg6[%scan3A_194, %get3A_552, %get3A_553] : memref<2x800x64xf32, #tpu.memory_space<vmem>> -> memref<1x800x64xf32, #tpu.memory_space<vmem>>
        %get3A_555 = tpu.memref_squeeze %get3A_554 : memref<1x800x64xf32, #tpu.memory_space<vmem>> -> memref<800x64xf32, #tpu.memory_space<vmem>>
        %get3A_556 = arith.index_cast %add3A_551 : i32 to index
        %get3A_557 = arith.constant 0 : index
        %get3A_558 = tpu.vector_load %get3A_555[%get3A_556, %get3A_557] {strides = array<i32>} : memref<800x64xf32, #tpu.memory_space<vmem>>, vector<1x16xf32>,
        %get3A_559 = vector.shape_cast %get3A_558 : vector<1x16xf32> to vector<16xf32>
        %add3A_560 = arith.addf %add3A_472, %get3A_559 : vector<16xf32>
        %add3A_561 = arith.constant 5 : i32
        %add3A_562 = arith.addi %add3A_330, %add3A_561 : i32
        %get3A_563 = arith.constant 0 : i32
        %get3A_564 = arith.constant 0 : i32
        %get3A_565 = tpu.memref_slice %arg6[%scan3A_194, %get3A_563, %get3A_564] : memref<2x800x64xf32, #tpu.memory_space<vmem>> -> memref<1x800x64xf32, #tpu.memory_space<vmem>>
        %get3A_566 = tpu.memref_squeeze %get3A_565 : memref<1x800x64xf32, #tpu.memory_space<vmem>> -> memref<800x64xf32, #tpu.memory_space<vmem>>
        %get3A_567 = arith.index_cast %add3A_562 : i32 to index
        %get3A_568 = arith.constant 16 : index
        %get3A_569 = tpu.vector_load %get3A_566[%get3A_567, %get3A_568] {strides = array<i32>} : memref<800x64xf32, #tpu.memory_space<vmem>>, vector<1x16xf32>,
        %get3A_570 = vector.shape_cast %get3A_569 : vector<1x16xf32> to vector<16xf32>
        %add3A_571 = arith.addf %add3A_483, %get3A_570 : vector<16xf32>
        %add3A_572 = arith.constant 5 : i32
        %add3A_573 = arith.addi %add3A_330, %add3A_572 : i32
        %get3A_574 = arith.constant 0 : i32
        %get3A_575 = arith.constant 0 : i32
        %get3A_576 = tpu.memref_slice %arg6[%scan3A_194, %get3A_574, %get3A_575] : memref<2x800x64xf32, #tpu.memory_space<vmem>> -> memref<1x800x64xf32, #tpu.memory_space<vmem>>
        %get3A_577 = tpu.memref_squeeze %get3A_576 : memref<1x800x64xf32, #tpu.memory_space<vmem>> -> memref<800x64xf32, #tpu.memory_space<vmem>>
        %get3A_578 = arith.index_cast %add3A_573 : i32 to index
        %get3A_579 = arith.constant 32 : index
        %get3A_580 = tpu.vector_load %get3A_577[%get3A_578, %get3A_579] {strides = array<i32>} : memref<800x64xf32, #tpu.memory_space<vmem>>, vector<1x16xf32>,
        %get3A_581 = vector.shape_cast %get3A_580 : vector<1x16xf32> to vector<16xf32>
        %add3A_582 = arith.addf %add3A_494, %get3A_581 : vector<16xf32>
        %add3A_583 = arith.constant 5 : i32
        %add3A_584 = arith.addi %add3A_330, %add3A_583 : i32
        %get3A_585 = arith.constant 0 : i32
        %get3A_586 = arith.constant 0 : i32
        %get3A_587 = tpu.memref_slice %arg6[%scan3A_194, %get3A_585, %get3A_586] : memref<2x800x64xf32, #tpu.memory_space<vmem>> -> memref<1x800x64xf32, #tpu.memory_space<vmem>>
        %get3A_588 = tpu.memref_squeeze %get3A_587 : memref<1x800x64xf32, #tpu.memory_space<vmem>> -> memref<800x64xf32, #tpu.memory_space<vmem>>
        %get3A_589 = arith.index_cast %add3A_584 : i32 to index
        %get3A_590 = arith.constant 48 : index
        %get3A_591 = tpu.vector_load %get3A_588[%get3A_589, %get3A_590] {strides = array<i32>} : memref<800x64xf32, #tpu.memory_space<vmem>>, vector<1x16xf32>,
        %get3A_592 = vector.shape_cast %get3A_591 : vector<1x16xf32> to vector<16xf32>
        %add3A_593 = arith.addf %add3A_505, %get3A_592 : vector<16xf32>
        %add3A_594 = arith.constant 6 : i32
        %add3A_595 = arith.addi %add3A_330, %add3A_594 : i32
        %get3A_596 = arith.constant 0 : i32
        %get3A_597 = arith.constant 0 : i32
        %get3A_598 = tpu.memref_slice %arg6[%scan3A_194, %get3A_596, %get3A_597] : memref<2x800x64xf32, #tpu.memory_space<vmem>> -> memref<1x800x64xf32, #tpu.memory_space<vmem>>
        %get3A_599 = tpu.memref_squeeze %get3A_598 : memref<1x800x64xf32, #tpu.memory_space<vmem>> -> memref<800x64xf32, #tpu.memory_space<vmem>>
        %get3A_600 = arith.index_cast %add3A_595 : i32 to index
        %get3A_601 = arith.constant 0 : index
        %get3A_602 = tpu.vector_load %get3A_599[%get3A_600, %get3A_601] {strides = array<i32>} : memref<800x64xf32, #tpu.memory_space<vmem>>, vector<1x16xf32>,
        %get3A_603 = vector.shape_cast %get3A_602 : vector<1x16xf32> to vector<16xf32>
        %add3A_604 = arith.addf %add3A_516, %get3A_603 : vector<16xf32>
        %add3A_605 = arith.constant 6 : i32
        %add3A_606 = arith.addi %add3A_330, %add3A_605 : i32
        %get3A_607 = arith.constant 0 : i32
        %get3A_608 = arith.constant 0 : i32
        %get3A_609 = tpu.memref_slice %arg6[%scan3A_194, %get3A_607, %get3A_608] : memref<2x800x64xf32, #tpu.memory_space<vmem>> -> memref<1x800x64xf32, #tpu.memory_space<vmem>>
        %get3A_610 = tpu.memref_squeeze %get3A_609 : memref<1x800x64xf32, #tpu.memory_space<vmem>> -> memref<800x64xf32, #tpu.memory_space<vmem>>
        %get3A_611 = arith.index_cast %add3A_606 : i32 to index
        %get3A_612 = arith.constant 16 : index
        %get3A_613 = tpu.vector_load %get3A_610[%get3A_611, %get3A_612] {strides = array<i32>} : memref<800x64xf32, #tpu.memory_space<vmem>>, vector<1x16xf32>,
        %get3A_614 = vector.shape_cast %get3A_613 : vector<1x16xf32> to vector<16xf32>
        %add3A_615 = arith.addf %add3A_527, %get3A_614 : vector<16xf32>
        %add3A_616 = arith.constant 6 : i32
        %add3A_617 = arith.addi %add3A_330, %add3A_616 : i32
        %get3A_618 = arith.constant 0 : i32
        %get3A_619 = arith.constant 0 : i32
        %get3A_620 = tpu.memref_slice %arg6[%scan3A_194, %get3A_618, %get3A_619] : memref<2x800x64xf32, #tpu.memory_space<vmem>> -> memref<1x800x64xf32, #tpu.memory_space<vmem>>
        %get3A_621 = tpu.memref_squeeze %get3A_620 : memref<1x800x64xf32, #tpu.memory_space<vmem>> -> memref<800x64xf32, #tpu.memory_space<vmem>>
        %get3A_622 = arith.index_cast %add3A_617 : i32 to index
        %get3A_623 = arith.constant 32 : index
        %get3A_624 = tpu.vector_load %get3A_621[%get3A_622, %get3A_623] {strides = array<i32>} : memref<800x64xf32, #tpu.memory_space<vmem>>, vector<1x16xf32>,
        %get3A_625 = vector.shape_cast %get3A_624 : vector<1x16xf32> to vector<16xf32>
        %add3A_626 = arith.addf %add3A_538, %get3A_625 : vector<16xf32>
        %add3A_627 = arith.constant 6 : i32
        %add3A_628 = arith.addi %add3A_330, %add3A_627 : i32
        %get3A_629 = arith.constant 0 : i32
        %get3A_630 = arith.constant 0 : i32
        %get3A_631 = tpu.memref_slice %arg6[%scan3A_194, %get3A_629, %get3A_630] : memref<2x800x64xf32, #tpu.memory_space<vmem>> -> memref<1x800x64xf32, #tpu.memory_space<vmem>>
        %get3A_632 = tpu.memref_squeeze %get3A_631 : memref<1x800x64xf32, #tpu.memory_space<vmem>> -> memref<800x64xf32, #tpu.memory_space<vmem>>
        %get3A_633 = arith.index_cast %add3A_628 : i32 to index
        %get3A_634 = arith.constant 48 : index
        %get3A_635 = tpu.vector_load %get3A_632[%get3A_633, %get3A_634] {strides = array<i32>} : memref<800x64xf32, #tpu.memory_space<vmem>>, vector<1x16xf32>,
        %get3A_636 = vector.shape_cast %get3A_635 : vector<1x16xf32> to vector<16xf32>
        %add3A_637 = arith.addf %add3A_549, %get3A_636 : vector<16xf32>
        %add3A_638 = arith.constant 7 : i32
        %add3A_639 = arith.addi %add3A_330, %add3A_638 : i32
        %get3A_640 = arith.constant 0 : i32
        %get3A_641 = arith.constant 0 : i32
        %get3A_642 = tpu.memref_slice %arg6[%scan3A_194, %get3A_640, %get3A_641] : memref<2x800x64xf32, #tpu.memory_space<vmem>> -> memref<1x800x64xf32, #tpu.memory_space<vmem>>
        %get3A_643 = tpu.memref_squeeze %get3A_642 : memref<1x800x64xf32, #tpu.memory_space<vmem>> -> memref<800x64xf32, #tpu.memory_space<vmem>>
        %get3A_644 = arith.index_cast %add3A_639 : i32 to index
        %get3A_645 = arith.constant 0 : index
        %get3A_646 = tpu.vector_load %get3A_643[%get3A_644, %get3A_645] {strides = array<i32>} : memref<800x64xf32, #tpu.memory_space<vmem>>, vector<1x16xf32>,
        %get3A_647 = vector.shape_cast %get3A_646 : vector<1x16xf32> to vector<16xf32>
        %add3A_648 = arith.addf %add3A_560, %get3A_647 : vector<16xf32>
        %add3A_649 = arith.constant 7 : i32
        %add3A_650 = arith.addi %add3A_330, %add3A_649 : i32
        %get3A_651 = arith.constant 0 : i32
        %get3A_652 = arith.constant 0 : i32
        %get3A_653 = tpu.memref_slice %arg6[%scan3A_194, %get3A_651, %get3A_652] : memref<2x800x64xf32, #tpu.memory_space<vmem>> -> memref<1x800x64xf32, #tpu.memory_space<vmem>>
        %get3A_654 = tpu.memref_squeeze %get3A_653 : memref<1x800x64xf32, #tpu.memory_space<vmem>> -> memref<800x64xf32, #tpu.memory_space<vmem>>
        %get3A_655 = arith.index_cast %add3A_650 : i32 to index
        %get3A_656 = arith.constant 16 : index
        %get3A_657 = tpu.vector_load %get3A_654[%get3A_655, %get3A_656] {strides = array<i32>} : memref<800x64xf32, #tpu.memory_space<vmem>>, vector<1x16xf32>,
        %get3A_658 = vector.shape_cast %get3A_657 : vector<1x16xf32> to vector<16xf32>
        %add3A_659 = arith.addf %add3A_571, %get3A_658 : vector<16xf32>
        %add3A_660 = arith.constant 7 : i32
        %add3A_661 = arith.addi %add3A_330, %add3A_660 : i32
        %get3A_662 = arith.constant 0 : i32
        %get3A_663 = arith.constant 0 : i32
        %get3A_664 = tpu.memref_slice %arg6[%scan3A_194, %get3A_662, %get3A_663] : memref<2x800x64xf32, #tpu.memory_space<vmem>> -> memref<1x800x64xf32, #tpu.memory_space<vmem>>
        %get3A_665 = tpu.memref_squeeze %get3A_664 : memref<1x800x64xf32, #tpu.memory_space<vmem>> -> memref<800x64xf32, #tpu.memory_space<vmem>>
        %get3A_666 = arith.index_cast %add3A_661 : i32 to index
        %get3A_667 = arith.constant 32 : index
        %get3A_668 = tpu.vector_load %get3A_665[%get3A_666, %get3A_667] {strides = array<i32>} : memref<800x64xf32, #tpu.memory_space<vmem>>, vector<1x16xf32>,
        %get3A_669 = vector.shape_cast %get3A_668 : vector<1x16xf32> to vector<16xf32>
        %add3A_670 = arith.addf %add3A_582, %get3A_669 : vector<16xf32>
        %add3A_671 = arith.constant 7 : i32
        %add3A_672 = arith.addi %add3A_330, %add3A_671 : i32
        %get3A_673 = arith.constant 0 : i32
        %get3A_674 = arith.constant 0 : i32
        %get3A_675 = tpu.memref_slice %arg6[%scan3A_194, %get3A_673, %get3A_674] : memref<2x800x64xf32, #tpu.memory_space<vmem>> -> memref<1x800x64xf32, #tpu.memory_space<vmem>>
        %get3A_676 = tpu.memref_squeeze %get3A_675 : memref<1x800x64xf32, #tpu.memory_space<vmem>> -> memref<800x64xf32, #tpu.memory_space<vmem>>
        %get3A_677 = arith.index_cast %add3A_672 : i32 to index
        %get3A_678 = arith.constant 48 : index
        %get3A_679 = tpu.vector_load %get3A_676[%get3A_677, %get3A_678] {strides = array<i32>} : memref<800x64xf32, #tpu.memory_space<vmem>>, vector<1x16xf32>,
        %get3A_680 = vector.shape_cast %get3A_679 : vector<1x16xf32> to vector<16xf32>
        %add3A_681 = arith.addf %add3A_593, %get3A_680 : vector<16xf32>
        %add3A_682 = arith.constant 8 : i32
        %add3A_683 = arith.addi %add3A_330, %add3A_682 : i32
        %get3A_684 = arith.constant 0 : i32
        %get3A_685 = arith.constant 0 : i32
        %get3A_686 = tpu.memref_slice %arg6[%scan3A_194, %get3A_684, %get3A_685] : memref<2x800x64xf32, #tpu.memory_space<vmem>> -> memref<1x800x64xf32, #tpu.memory_space<vmem>>
        %get3A_687 = tpu.memref_squeeze %get3A_686 : memref<1x800x64xf32, #tpu.memory_space<vmem>> -> memref<800x64xf32, #tpu.memory_space<vmem>>
        %get3A_688 = arith.index_cast %add3A_683 : i32 to index
        %get3A_689 = arith.constant 0 : index
        %get3A_690 = tpu.vector_load %get3A_687[%get3A_688, %get3A_689] {strides = array<i32>} : memref<800x64xf32, #tpu.memory_space<vmem>>, vector<1x16xf32>,
        %get3A_691 = vector.shape_cast %get3A_690 : vector<1x16xf32> to vector<16xf32>
        %add3A_692 = arith.addf %add3A_604, %get3A_691 : vector<16xf32>
        %add3A_693 = arith.constant 8 : i32
        %add3A_694 = arith.addi %add3A_330, %add3A_693 : i32
        %get3A_695 = arith.constant 0 : i32
        %get3A_696 = arith.constant 0 : i32
        %get3A_697 = tpu.memref_slice %arg6[%scan3A_194, %get3A_695, %get3A_696] : memref<2x800x64xf32, #tpu.memory_space<vmem>> -> memref<1x800x64xf32, #tpu.memory_space<vmem>>
        %get3A_698 = tpu.memref_squeeze %get3A_697 : memref<1x800x64xf32, #tpu.memory_space<vmem>> -> memref<800x64xf32, #tpu.memory_space<vmem>>
        %get3A_699 = arith.index_cast %add3A_694 : i32 to index
        %get3A_700 = arith.constant 16 : index
        %get3A_701 = tpu.vector_load %get3A_698[%get3A_699, %get3A_700] {strides = array<i32>} : memref<800x64xf32, #tpu.memory_space<vmem>>, vector<1x16xf32>,
        %get3A_702 = vector.shape_cast %get3A_701 : vector<1x16xf32> to vector<16xf32>
        %add3A_703 = arith.addf %add3A_615, %get3A_702 : vector<16xf32>
        %add3A_704 = arith.constant 8 : i32
        %add3A_705 = arith.addi %add3A_330, %add3A_704 : i32
        %get3A_706 = arith.constant 0 : i32
        %get3A_707 = arith.constant 0 : i32
        %get3A_708 = tpu.memref_slice %arg6[%scan3A_194, %get3A_706, %get3A_707] : memref<2x800x64xf32, #tpu.memory_space<vmem>> -> memref<1x800x64xf32, #tpu.memory_space<vmem>>
        %get3A_709 = tpu.memref_squeeze %get3A_708 : memref<1x800x64xf32, #tpu.memory_space<vmem>> -> memref<800x64xf32, #tpu.memory_space<vmem>>
        %get3A_710 = arith.index_cast %add3A_705 : i32 to index
        %get3A_711 = arith.constant 32 : index
        %get3A_712 = tpu.vector_load %get3A_709[%get3A_710, %get3A_711] {strides = array<i32>} : memref<800x64xf32, #tpu.memory_space<vmem>>, vector<1x16xf32>,
        %get3A_713 = vector.shape_cast %get3A_712 : vector<1x16xf32> to vector<16xf32>
        %add3A_714 = arith.addf %add3A_626, %get3A_713 : vector<16xf32>
        %add3A_715 = arith.constant 8 : i32
        %add3A_716 = arith.addi %add3A_330, %add3A_715 : i32
        %get3A_717 = arith.constant 0 : i32
        %get3A_718 = arith.constant 0 : i32
        %get3A_719 = tpu.memref_slice %arg6[%scan3A_194, %get3A_717, %get3A_718] : memref<2x800x64xf32, #tpu.memory_space<vmem>> -> memref<1x800x64xf32, #tpu.memory_space<vmem>>
        %get3A_720 = tpu.memref_squeeze %get3A_719 : memref<1x800x64xf32, #tpu.memory_space<vmem>> -> memref<800x64xf32, #tpu.memory_space<vmem>>
        %get3A_721 = arith.index_cast %add3A_716 : i32 to index
        %get3A_722 = arith.constant 48 : index
        %get3A_723 = tpu.vector_load %get3A_720[%get3A_721, %get3A_722] {strides = array<i32>} : memref<800x64xf32, #tpu.memory_space<vmem>>, vector<1x16xf32>,
        %get3A_724 = vector.shape_cast %get3A_723 : vector<1x16xf32> to vector<16xf32>
        %add3A_725 = arith.addf %add3A_637, %get3A_724 : vector<16xf32>
        %add3A_726 = arith.constant 9 : i32
        %add3A_727 = arith.addi %add3A_330, %add3A_726 : i32
        %get3A_728 = arith.constant 0 : i32
        %get3A_729 = arith.constant 0 : i32
        %get3A_730 = tpu.memref_slice %arg6[%scan3A_194, %get3A_728, %get3A_729] : memref<2x800x64xf32, #tpu.memory_space<vmem>> -> memref<1x800x64xf32, #tpu.memory_space<vmem>>
        %get3A_731 = tpu.memref_squeeze %get3A_730 : memref<1x800x64xf32, #tpu.memory_space<vmem>> -> memref<800x64xf32, #tpu.memory_space<vmem>>
        %get3A_732 = arith.index_cast %add3A_727 : i32 to index
        %get3A_733 = arith.constant 0 : index
        %get3A_734 = tpu.vector_load %get3A_731[%get3A_732, %get3A_733] {strides = array<i32>} : memref<800x64xf32, #tpu.memory_space<vmem>>, vector<1x16xf32>,
        %get3A_735 = vector.shape_cast %get3A_734 : vector<1x16xf32> to vector<16xf32>
        %add3A_736 = arith.addf %add3A_648, %get3A_735 : vector<16xf32>
        %add3A_737 = arith.constant 9 : i32
        %add3A_738 = arith.addi %add3A_330, %add3A_737 : i32
        %get3A_739 = arith.constant 0 : i32
        %get3A_740 = arith.constant 0 : i32
        %get3A_741 = tpu.memref_slice %arg6[%scan3A_194, %get3A_739, %get3A_740] : memref<2x800x64xf32, #tpu.memory_space<vmem>> -> memref<1x800x64xf32, #tpu.memory_space<vmem>>
        %get3A_742 = tpu.memref_squeeze %get3A_741 : memref<1x800x64xf32, #tpu.memory_space<vmem>> -> memref<800x64xf32, #tpu.memory_space<vmem>>
        %get3A_743 = arith.index_cast %add3A_738 : i32 to index
        %get3A_744 = arith.constant 16 : index
        %get3A_745 = tpu.vector_load %get3A_742[%get3A_743, %get3A_744] {strides = array<i32>} : memref<800x64xf32, #tpu.memory_space<vmem>>, vector<1x16xf32>,
        %get3A_746 = vector.shape_cast %get3A_745 : vector<1x16xf32> to vector<16xf32>
        %add3A_747 = arith.addf %add3A_659, %get3A_746 : vector<16xf32>
        %add3A_748 = arith.constant 9 : i32
        %add3A_749 = arith.addi %add3A_330, %add3A_748 : i32
        %get3A_750 = arith.constant 0 : i32
        %get3A_751 = arith.constant 0 : i32
        %get3A_752 = tpu.memref_slice %arg6[%scan3A_194, %get3A_750, %get3A_751] : memref<2x800x64xf32, #tpu.memory_space<vmem>> -> memref<1x800x64xf32, #tpu.memory_space<vmem>>
        %get3A_753 = tpu.memref_squeeze %get3A_752 : memref<1x800x64xf32, #tpu.memory_space<vmem>> -> memref<800x64xf32, #tpu.memory_space<vmem>>
        %get3A_754 = arith.index_cast %add3A_749 : i32 to index
        %get3A_755 = arith.constant 32 : index
        %get3A_756 = tpu.vector_load %get3A_753[%get3A_754, %get3A_755] {strides = array<i32>} : memref<800x64xf32, #tpu.memory_space<vmem>>, vector<1x16xf32>,
        %get3A_757 = vector.shape_cast %get3A_756 : vector<1x16xf32> to vector<16xf32>
        %add3A_758 = arith.addf %add3A_670, %get3A_757 : vector<16xf32>
        %add3A_759 = arith.constant 9 : i32
        %add3A_760 = arith.addi %add3A_330, %add3A_759 : i32
        %get3A_761 = arith.constant 0 : i32
        %get3A_762 = arith.constant 0 : i32
        %get3A_763 = tpu.memref_slice %arg6[%scan3A_194, %get3A_761, %get3A_762] : memref<2x800x64xf32, #tpu.memory_space<vmem>> -> memref<1x800x64xf32, #tpu.memory_space<vmem>>
        %get3A_764 = tpu.memref_squeeze %get3A_763 : memref<1x800x64xf32, #tpu.memory_space<vmem>> -> memref<800x64xf32, #tpu.memory_space<vmem>>
        %get3A_765 = arith.index_cast %add3A_760 : i32 to index
        %get3A_766 = arith.constant 48 : index
        %get3A_767 = tpu.vector_load %get3A_764[%get3A_765, %get3A_766] {strides = array<i32>} : memref<800x64xf32, #tpu.memory_space<vmem>>, vector<1x16xf32>,
        %get3A_768 = vector.shape_cast %get3A_767 : vector<1x16xf32> to vector<16xf32>
        %add3A_769 = arith.addf %add3A_681, %get3A_768 : vector<16xf32>
        scf.yield %add3A_692, %add3A_703, %add3A_714, %add3A_725, %add3A_736, %add3A_747, %add3A_758, %add3A_769 : vector<16xf32>, vector<16xf32>, vector<16xf32>, vector<16xf32>, vector<16xf32>, vector<16xf32>, vector<16xf32>, vector<16xf32>
      }
      %scan3A_280 = arith.constant 5 : i32
      %add3A_281 = arith.constant 80 : i32
      %add3A_282 = arith.addi %add3A_281, %scan3A_256 : i32
      %add3A_283 = arith.addf %scan3A_279#0, %scan3A_279#4 : vector<16xf32>
      %mul3A_284 = arith.constant 2.000000e-02 : f32
      %mul3A_285 = vector.broadcast %mul3A_284 : f32 to vector<16xf32>
      %mul3A_286 = arith.mulf %add3A_283, %mul3A_285 : vector<16xf32>
      %swap3A = arith.index_cast %add3A_282 : i32 to index
      %swap3A_287 = arith.constant 0 : index
      %swap3A_288 = tpu.vector_load %arg7[%swap3A, %swap3A_287] {strides = array<i32>} : memref<128x64xf32, #tpu.memory_space<vmem>>, vector<1x16xf32>,
      %swap3A_289 = vector.shape_cast %swap3A_288 : vector<1x16xf32> to vector<16xf32>
      %swap3A_290 = vector.shape_cast %mul3A_286 : vector<16xf32> to vector<1x16xf32>
      tpu.vector_store %arg7[%swap3A, %swap3A_287], %swap3A_290 {strides = array<i32>} : memref<128x64xf32, #tpu.memory_space<vmem>>, vector<1x16xf32>,
      %add3A_291 = arith.addf %scan3A_279#1, %scan3A_279#5 : vector<16xf32>
      %mul3A_292 = arith.constant 2.000000e-02 : f32
      %mul3A_293 = vector.broadcast %mul3A_292 : f32 to vector<16xf32>
      %mul3A_294 = arith.mulf %add3A_291, %mul3A_293 : vector<16xf32>
      %swap3A_295 = arith.index_cast %add3A_282 : i32 to index
      %swap3A_296 = arith.constant 16 : index
      %swap3A_297 = tpu.vector_load %arg7[%swap3A_295, %swap3A_296] {strides = array<i32>} : memref<128x64xf32, #tpu.memory_space<vmem>>, vector<1x16xf32>,
      %swap3A_298 = vector.shape_cast %swap3A_297 : vector<1x16xf32> to vector<16xf32>
      %swap3A_299 = vector.shape_cast %mul3A_294 : vector<16xf32> to vector<1x16xf32>
      tpu.vector_store %arg7[%swap3A_295, %swap3A_296], %swap3A_299 {strides = array<i32>} : memref<128x64xf32, #tpu.memory_space<vmem>>, vector<1x16xf32>,
      %add3A_300 = arith.addf %scan3A_279#2, %scan3A_279#6 : vector<16xf32>
      %mul3A_301 = arith.constant 2.000000e-02 : f32
      %mul3A_302 = vector.broadcast %mul3A_301 : f32 to vector<16xf32>
      %mul3A_303 = arith.mulf %add3A_300, %mul3A_302 : vector<16xf32>
      %swap3A_304 = arith.index_cast %add3A_282 : i32 to index
      %swap3A_305 = arith.constant 32 : index
      %swap3A_306 = tpu.vector_load %arg7[%swap3A_304, %swap3A_305] {strides = array<i32>} : memref<128x64xf32, #tpu.memory_space<vmem>>, vector<1x16xf32>,
      %swap3A_307 = vector.shape_cast %swap3A_306 : vector<1x16xf32> to vector<16xf32>
      %swap3A_308 = vector.shape_cast %mul3A_303 : vector<16xf32> to vector<1x16xf32>
      tpu.vector_store %arg7[%swap3A_304, %swap3A_305], %swap3A_308 {strides = array<i32>} : memref<128x64xf32, #tpu.memory_space<vmem>>, vector<1x16xf32>,
      %add3A_309 = arith.addf %scan3A_279#3, %scan3A_279#7 : vector<16xf32>
      %mul3A_310 = arith.constant 2.000000e-02 : f32
      %mul3A_311 = vector.broadcast %mul3A_310 : f32 to vector<16xf32>
      %mul3A_312 = arith.mulf %add3A_309, %mul3A_311 : vector<16xf32>
      %swap3A_313 = arith.index_cast %add3A_282 : i32 to index
      %swap3A_314 = arith.constant 48 : index
      %swap3A_315 = tpu.vector_load %arg7[%swap3A_313, %swap3A_314] {strides = array<i32>} : memref<128x64xf32, #tpu.memory_space<vmem>>, vector<1x16xf32>,
      %swap3A_316 = vector.shape_cast %swap3A_315 : vector<1x16xf32> to vector<16xf32>
      %swap3A_317 = vector.shape_cast %mul3A_312 : vector<16xf32> to vector<1x16xf32>
      tpu.vector_store %arg7[%swap3A_313, %swap3A_314], %swap3A_317 {strides = array<i32>} : memref<128x64xf32, #tpu.memory_space<vmem>>, vector<1x16xf32>,
      %scan3A_318 = arith.constant 0 : i32
      scf.yield %scan3A_318 : i32
    }
    %scan3A_201 = arith.constant 16 : i32
    %dma_start3A_202 = arith.constant 7 : i32
    %dma_start3A_203 = arith.constant 1 : i32
    %dma_start3A_204 = arith.constant 0 : i32
    %dma_start3A_205 = arith.constant 0 : i32
    %dma_start3A_206 = tpu.memref_slice %arg6[%dma_start3A_203, %dma_start3A_204, %dma_start3A_205] : memref<2x800x64xf32, #tpu.memory_space<vmem>> -> memref<1x800x64xf32, #tpu.memory_space<vmem>>
    %dma_start3A_207 = tpu.memref_squeeze %dma_start3A_206 : memref<1x800x64xf32, #tpu.memory_space<vmem>> -> memref<800x64xf32, #tpu.memory_space<vmem>>
    %dma_start3A_208 = arith.constant 0 : i32
    %dma_start3A_209 = tpu.memref_slice %arg5[%dma_start3A_202, %dma_start3A_208] : memref<8x800xi32, #tpu.memory_space<vmem>> -> memref<1x800xi32, #tpu.memory_space<vmem>>
    %dma_start3A_210 = tpu.memref_squeeze %dma_start3A_209 : memref<1x800xi32, #tpu.memory_space<vmem>> -> memref<800xi32, #tpu.memory_space<vmem>>
    %dma_start3A_211 = arith.constant 0 : i32
    %dma_start3A_212 = arith.constant 0 : i32
    %dma_start3A_213 = tpu.memref_slice %arg3[%dma_start3A_211, %dma_start3A_212] : memref<100000x64xf32, #tpu.memory_space<hbm>> -> memref<100000x64xf32, #tpu.memory_space<hbm>>
    tpu.enqueue_indirect_dma source(%dma_start3A_213 : memref<100000x64xf32, #tpu.memory_space<hbm>>) target(%dma_start3A_207 : memref<800x64xf32, #tpu.memory_space<vmem>>) offsets(%dma_start3A_210 : memref<800xi32, #tpu.memory_space<vmem>>) semaphore(%arg9 : memref<!tpu.dma_semaphore, #tpu.memory_space<semaphore_mem>>)
    %dma_wait3A_214 = arith.constant 6 : i32
    %dma_wait3A_215 = arith.constant 0 : i32
    %dma_wait3A_216 = arith.constant 0 : i32
    %dma_wait3A_217 = arith.constant 0 : i32
    %dma_wait3A_218 = tpu.memref_slice %arg6[%dma_wait3A_215, %dma_wait3A_216, %dma_wait3A_217] : memref<2x800x64xf32, #tpu.memory_space<vmem>> -> memref<1x800x64xf32, #tpu.memory_space<vmem>>
    %dma_wait3A_219 = tpu.memref_squeeze %dma_wait3A_218 : memref<1x800x64xf32, #tpu.memory_space<vmem>> -> memref<800x64xf32, #tpu.memory_space<vmem>>
    %dma_wait3A_220 = arith.constant 0 : i32
    %dma_wait3A_221 = tpu.memref_slice %arg5[%dma_wait3A_214, %dma_wait3A_220] : memref<8x800xi32, #tpu.memory_space<vmem>> -> memref<1x800xi32, #tpu.memory_space<vmem>>
    %dma_wait3A_222 = tpu.memref_squeeze %dma_wait3A_221 : memref<1x800xi32, #tpu.memory_space<vmem>> -> memref<800xi32, #tpu.memory_space<vmem>>
    %dma_wait3A_223 = arith.constant 0 : i32
    %dma_wait3A_224 = arith.constant 0 : i32
    %dma_wait3A_225 = tpu.memref_slice %arg3[%dma_wait3A_223, %dma_wait3A_224] : memref<100000x64xf32, #tpu.memory_space<hbm>> -> memref<100000x64xf32, #tpu.memory_space<hbm>>
    tpu.wait_indirect_dma semaphore(%arg8 : memref<!tpu.dma_semaphore, #tpu.memory_space<semaphore_mem>>) src(%dma_wait3A_225 : memref<100000x64xf32, #tpu.memory_space<hbm>>) dst(%dma_wait3A_219 : memref<800x64xf32, #tpu.memory_space<vmem>>)
    %scan3A_226 = arith.constant 0 : i32
    %scan3A_227 = arith.constant 0 : i32
    %scan3A_228 = arith.constant 0 : i32
    %scan3A_229 = arith.constant 16 : i32
    %scan3A_230 = arith.addi %scan3A_228, %scan3A_229 : i32
    %scan3A_231 = arith.constant 1 : i32
    %scan3A_232 = scf.for %scan3A_256 = %scan3A_228 to %scan3A_230 step %scan3A_231 iter_args(%scan3A_257 = %scan3A_227) -> (i32)  : i32 {
      %mul3A_258 = arith.constant 50 : i32
      %mul3A_259 = arith.muli %scan3A_256, %mul3A_258 : i32
      %broadcast_in_dim3A = arith.constant 0.000000e+00 : f32
      %broadcast_in_dim3A_260 = vector.broadcast %broadcast_in_dim3A : f32 to vector<16xf32>
      %broadcast_in_dim3A_261 = arith.constant 0.000000e+00 : f32
      %broadcast_in_dim3A_262 = vector.broadcast %broadcast_in_dim3A_261 : f32 to vector<16xf32>
      %broadcast_in_dim3A_263 = arith.constant 0.000000e+00 : f32
      %broadcast_in_dim3A_264 = vector.broadcast %broadcast_in_dim3A_263 : f32 to vector<16xf32>
      %broadcast_in_dim3A_265 = arith.constant 0.000000e+00 : f32
      %broadcast_in_dim3A_266 = vector.broadcast %broadcast_in_dim3A_265 : f32 to vector<16xf32>
      %broadcast_in_dim3A_267 = arith.constant 0.000000e+00 : f32
      %broadcast_in_dim3A_268 = vector.broadcast %broadcast_in_dim3A_267 : f32 to vector<16xf32>
      %broadcast_in_dim3A_269 = arith.constant 0.000000e+00 : f32
      %broadcast_in_dim3A_270 = vector.broadcast %broadcast_in_dim3A_269 : f32 to vector<16xf32>
      %broadcast_in_dim3A_271 = arith.constant 0.000000e+00 : f32
      %broadcast_in_dim3A_272 = vector.broadcast %broadcast_in_dim3A_271 : f32 to vector<16xf32>
      %broadcast_in_dim3A_273 = arith.constant 0.000000e+00 : f32
      %broadcast_in_dim3A_274 = vector.broadcast %broadcast_in_dim3A_273 : f32 to vector<16xf32>
      %scan3A_275 = arith.constant 0 : i32
      %scan3A_276 = arith.constant 5 : i32
      %scan3A_277 = arith.addi %scan3A_275, %scan3A_276 : i32
      %scan3A_278 = arith.constant 1 : i32
      %scan3A_279:8 = scf.for %scan3A_319 = %scan3A_275 to %scan3A_277 step %scan3A_278 iter_args(%scan3A_320 = %broadcast_in_dim3A_260, %scan3A_321 = %broadcast_in_dim3A_262, %scan3A_322 = %broadcast_in_dim3A_264, %scan3A_323 = %broadcast_in_dim3A_266, %scan3A_324 = %broadcast_in_dim3A_268, %scan3A_325 = %broadcast_in_dim3A_270, %scan3A_326 = %broadcast_in_dim3A_272, %scan3A_327 = %broadcast_in_dim3A_274) -> (vector<16xf32>, vector<16xf32>, vector<16xf32>, vector<16xf32>, vector<16xf32>, vector<16xf32>, vector<16xf32>, vector<16xf32>)  : i32 {
        %mul3A_328 = arith.constant 10 : i32
        %mul3A_329 = arith.muli %scan3A_319, %mul3A_328 : i32
        %add3A_330 = arith.addi %mul3A_259, %mul3A_329 : i32
        %add3A_331 = arith.constant 0 : i32
        %add3A_332 = arith.addi %add3A_330, %add3A_331 : i32
        %get3A = arith.constant 0 : i32
        %get3A_333 = arith.constant 0 : i32
        %get3A_334 = tpu.memref_slice %arg6[%scan3A_226, %get3A, %get3A_333] : memref<2x800x64xf32, #tpu.memory_space<vmem>> -> memref<1x800x64xf32, #tpu.memory_space<vmem>>
        %get3A_335 = tpu.memref_squeeze %get3A_334 : memref<1x800x64xf32, #tpu.memory_space<vmem>> -> memref<800x64xf32, #tpu.memory_space<vmem>>
        %get3A_336 = arith.index_cast %add3A_332 : i32 to index
        %get3A_337 = arith.constant 0 : index
        %get3A_338 = tpu.vector_load %get3A_335[%get3A_336, %get3A_337] {strides = array<i32>} : memref<800x64xf32, #tpu.memory_space<vmem>>, vector<1x16xf32>,
        %get3A_339 = vector.shape_cast %get3A_338 : vector<1x16xf32> to vector<16xf32>
        %add3A_340 = arith.addf %scan3A_320, %get3A_339 : vector<16xf32>
        %add3A_341 = arith.constant 0 : i32
        %add3A_342 = arith.addi %add3A_330, %add3A_341 : i32
        %get3A_343 = arith.constant 0 : i32
        %get3A_344 = arith.constant 0 : i32
        %get3A_345 = tpu.memref_slice %arg6[%scan3A_226, %get3A_343, %get3A_344] : memref<2x800x64xf32, #tpu.memory_space<vmem>> -> memref<1x800x64xf32, #tpu.memory_space<vmem>>
        %get3A_346 = tpu.memref_squeeze %get3A_345 : memref<1x800x64xf32, #tpu.memory_space<vmem>> -> memref<800x64xf32, #tpu.memory_space<vmem>>
        %get3A_347 = arith.index_cast %add3A_342 : i32 to index
        %get3A_348 = arith.constant 16 : index
        %get3A_349 = tpu.vector_load %get3A_346[%get3A_347, %get3A_348] {strides = array<i32>} : memref<800x64xf32, #tpu.memory_space<vmem>>, vector<1x16xf32>,
        %get3A_350 = vector.shape_cast %get3A_349 : vector<1x16xf32> to vector<16xf32>
        %add3A_351 = arith.addf %scan3A_321, %get3A_350 : vector<16xf32>
        %add3A_352 = arith.constant 0 : i32
        %add3A_353 = arith.addi %add3A_330, %add3A_352 : i32
        %get3A_354 = arith.constant 0 : i32
        %get3A_355 = arith.constant 0 : i32
        %get3A_356 = tpu.memref_slice %arg6[%scan3A_226, %get3A_354, %get3A_355] : memref<2x800x64xf32, #tpu.memory_space<vmem>> -> memref<1x800x64xf32, #tpu.memory_space<vmem>>
        %get3A_357 = tpu.memref_squeeze %get3A_356 : memref<1x800x64xf32, #tpu.memory_space<vmem>> -> memref<800x64xf32, #tpu.memory_space<vmem>>
        %get3A_358 = arith.index_cast %add3A_353 : i32 to index
        %get3A_359 = arith.constant 32 : index
        %get3A_360 = tpu.vector_load %get3A_357[%get3A_358, %get3A_359] {strides = array<i32>} : memref<800x64xf32, #tpu.memory_space<vmem>>, vector<1x16xf32>,
        %get3A_361 = vector.shape_cast %get3A_360 : vector<1x16xf32> to vector<16xf32>
        %add3A_362 = arith.addf %scan3A_322, %get3A_361 : vector<16xf32>
        %add3A_363 = arith.constant 0 : i32
        %add3A_364 = arith.addi %add3A_330, %add3A_363 : i32
        %get3A_365 = arith.constant 0 : i32
        %get3A_366 = arith.constant 0 : i32
        %get3A_367 = tpu.memref_slice %arg6[%scan3A_226, %get3A_365, %get3A_366] : memref<2x800x64xf32, #tpu.memory_space<vmem>> -> memref<1x800x64xf32, #tpu.memory_space<vmem>>
        %get3A_368 = tpu.memref_squeeze %get3A_367 : memref<1x800x64xf32, #tpu.memory_space<vmem>> -> memref<800x64xf32, #tpu.memory_space<vmem>>
        %get3A_369 = arith.index_cast %add3A_364 : i32 to index
        %get3A_370 = arith.constant 48 : index
        %get3A_371 = tpu.vector_load %get3A_368[%get3A_369, %get3A_370] {strides = array<i32>} : memref<800x64xf32, #tpu.memory_space<vmem>>, vector<1x16xf32>,
        %get3A_372 = vector.shape_cast %get3A_371 : vector<1x16xf32> to vector<16xf32>
        %add3A_373 = arith.addf %scan3A_323, %get3A_372 : vector<16xf32>
        %add3A_374 = arith.constant 1 : i32
        %add3A_375 = arith.addi %add3A_330, %add3A_374 : i32
        %get3A_376 = arith.constant 0 : i32
        %get3A_377 = arith.constant 0 : i32
        %get3A_378 = tpu.memref_slice %arg6[%scan3A_226, %get3A_376, %get3A_377] : memref<2x800x64xf32, #tpu.memory_space<vmem>> -> memref<1x800x64xf32, #tpu.memory_space<vmem>>
        %get3A_379 = tpu.memref_squeeze %get3A_378 : memref<1x800x64xf32, #tpu.memory_space<vmem>> -> memref<800x64xf32, #tpu.memory_space<vmem>>
        %get3A_380 = arith.index_cast %add3A_375 : i32 to index
        %get3A_381 = arith.constant 0 : index
        %get3A_382 = tpu.vector_load %get3A_379[%get3A_380, %get3A_381] {strides = array<i32>} : memref<800x64xf32, #tpu.memory_space<vmem>>, vector<1x16xf32>,
        %get3A_383 = vector.shape_cast %get3A_382 : vector<1x16xf32> to vector<16xf32>
        %add3A_384 = arith.addf %scan3A_324, %get3A_383 : vector<16xf32>
        %add3A_385 = arith.constant 1 : i32
        %add3A_386 = arith.addi %add3A_330, %add3A_385 : i32
        %get3A_387 = arith.constant 0 : i32
        %get3A_388 = arith.constant 0 : i32
        %get3A_389 = tpu.memref_slice %arg6[%scan3A_226, %get3A_387, %get3A_388] : memref<2x800x64xf32, #tpu.memory_space<vmem>> -> memref<1x800x64xf32, #tpu.memory_space<vmem>>
        %get3A_390 = tpu.memref_squeeze %get3A_389 : memref<1x800x64xf32, #tpu.memory_space<vmem>> -> memref<800x64xf32, #tpu.memory_space<vmem>>
        %get3A_391 = arith.index_cast %add3A_386 : i32 to index
        %get3A_392 = arith.constant 16 : index
        %get3A_393 = tpu.vector_load %get3A_390[%get3A_391, %get3A_392] {strides = array<i32>} : memref<800x64xf32, #tpu.memory_space<vmem>>, vector<1x16xf32>,
        %get3A_394 = vector.shape_cast %get3A_393 : vector<1x16xf32> to vector<16xf32>
        %add3A_395 = arith.addf %scan3A_325, %get3A_394 : vector<16xf32>
        %add3A_396 = arith.constant 1 : i32
        %add3A_397 = arith.addi %add3A_330, %add3A_396 : i32
        %get3A_398 = arith.constant 0 : i32
        %get3A_399 = arith.constant 0 : i32
        %get3A_400 = tpu.memref_slice %arg6[%scan3A_226, %get3A_398, %get3A_399] : memref<2x800x64xf32, #tpu.memory_space<vmem>> -> memref<1x800x64xf32, #tpu.memory_space<vmem>>
        %get3A_401 = tpu.memref_squeeze %get3A_400 : memref<1x800x64xf32, #tpu.memory_space<vmem>> -> memref<800x64xf32, #tpu.memory_space<vmem>>
        %get3A_402 = arith.index_cast %add3A_397 : i32 to index
        %get3A_403 = arith.constant 32 : index
        %get3A_404 = tpu.vector_load %get3A_401[%get3A_402, %get3A_403] {strides = array<i32>} : memref<800x64xf32, #tpu.memory_space<vmem>>, vector<1x16xf32>,
        %get3A_405 = vector.shape_cast %get3A_404 : vector<1x16xf32> to vector<16xf32>
        %add3A_406 = arith.addf %scan3A_326, %get3A_405 : vector<16xf32>
        %add3A_407 = arith.constant 1 : i32
        %add3A_408 = arith.addi %add3A_330, %add3A_407 : i32
        %get3A_409 = arith.constant 0 : i32
        %get3A_410 = arith.constant 0 : i32
        %get3A_411 = tpu.memref_slice %arg6[%scan3A_226, %get3A_409, %get3A_410] : memref<2x800x64xf32, #tpu.memory_space<vmem>> -> memref<1x800x64xf32, #tpu.memory_space<vmem>>
        %get3A_412 = tpu.memref_squeeze %get3A_411 : memref<1x800x64xf32, #tpu.memory_space<vmem>> -> memref<800x64xf32, #tpu.memory_space<vmem>>
        %get3A_413 = arith.index_cast %add3A_408 : i32 to index
        %get3A_414 = arith.constant 48 : index
        %get3A_415 = tpu.vector_load %get3A_412[%get3A_413, %get3A_414] {strides = array<i32>} : memref<800x64xf32, #tpu.memory_space<vmem>>, vector<1x16xf32>,
        %get3A_416 = vector.shape_cast %get3A_415 : vector<1x16xf32> to vector<16xf32>
        %add3A_417 = arith.addf %scan3A_327, %get3A_416 : vector<16xf32>
        %add3A_418 = arith.constant 2 : i32
        %add3A_419 = arith.addi %add3A_330, %add3A_418 : i32
        %get3A_420 = arith.constant 0 : i32
        %get3A_421 = arith.constant 0 : i32
        %get3A_422 = tpu.memref_slice %arg6[%scan3A_226, %get3A_420, %get3A_421] : memref<2x800x64xf32, #tpu.memory_space<vmem>> -> memref<1x800x64xf32, #tpu.memory_space<vmem>>
        %get3A_423 = tpu.memref_squeeze %get3A_422 : memref<1x800x64xf32, #tpu.memory_space<vmem>> -> memref<800x64xf32, #tpu.memory_space<vmem>>
        %get3A_424 = arith.index_cast %add3A_419 : i32 to index
        %get3A_425 = arith.constant 0 : index
        %get3A_426 = tpu.vector_load %get3A_423[%get3A_424, %get3A_425] {strides = array<i32>} : memref<800x64xf32, #tpu.memory_space<vmem>>, vector<1x16xf32>,
        %get3A_427 = vector.shape_cast %get3A_426 : vector<1x16xf32> to vector<16xf32>
        %add3A_428 = arith.addf %add3A_340, %get3A_427 : vector<16xf32>
        %add3A_429 = arith.constant 2 : i32
        %add3A_430 = arith.addi %add3A_330, %add3A_429 : i32
        %get3A_431 = arith.constant 0 : i32
        %get3A_432 = arith.constant 0 : i32
        %get3A_433 = tpu.memref_slice %arg6[%scan3A_226, %get3A_431, %get3A_432] : memref<2x800x64xf32, #tpu.memory_space<vmem>> -> memref<1x800x64xf32, #tpu.memory_space<vmem>>
        %get3A_434 = tpu.memref_squeeze %get3A_433 : memref<1x800x64xf32, #tpu.memory_space<vmem>> -> memref<800x64xf32, #tpu.memory_space<vmem>>
        %get3A_435 = arith.index_cast %add3A_430 : i32 to index
        %get3A_436 = arith.constant 16 : index
        %get3A_437 = tpu.vector_load %get3A_434[%get3A_435, %get3A_436] {strides = array<i32>} : memref<800x64xf32, #tpu.memory_space<vmem>>, vector<1x16xf32>,
        %get3A_438 = vector.shape_cast %get3A_437 : vector<1x16xf32> to vector<16xf32>
        %add3A_439 = arith.addf %add3A_351, %get3A_438 : vector<16xf32>
        %add3A_440 = arith.constant 2 : i32
        %add3A_441 = arith.addi %add3A_330, %add3A_440 : i32
        %get3A_442 = arith.constant 0 : i32
        %get3A_443 = arith.constant 0 : i32
        %get3A_444 = tpu.memref_slice %arg6[%scan3A_226, %get3A_442, %get3A_443] : memref<2x800x64xf32, #tpu.memory_space<vmem>> -> memref<1x800x64xf32, #tpu.memory_space<vmem>>
        %get3A_445 = tpu.memref_squeeze %get3A_444 : memref<1x800x64xf32, #tpu.memory_space<vmem>> -> memref<800x64xf32, #tpu.memory_space<vmem>>
        %get3A_446 = arith.index_cast %add3A_441 : i32 to index
        %get3A_447 = arith.constant 32 : index
        %get3A_448 = tpu.vector_load %get3A_445[%get3A_446, %get3A_447] {strides = array<i32>} : memref<800x64xf32, #tpu.memory_space<vmem>>, vector<1x16xf32>,
        %get3A_449 = vector.shape_cast %get3A_448 : vector<1x16xf32> to vector<16xf32>
        %add3A_450 = arith.addf %add3A_362, %get3A_449 : vector<16xf32>
        %add3A_451 = arith.constant 2 : i32
        %add3A_452 = arith.addi %add3A_330, %add3A_451 : i32
        %get3A_453 = arith.constant 0 : i32
        %get3A_454 = arith.constant 0 : i32
        %get3A_455 = tpu.memref_slice %arg6[%scan3A_226, %get3A_453, %get3A_454] : memref<2x800x64xf32, #tpu.memory_space<vmem>> -> memref<1x800x64xf32, #tpu.memory_space<vmem>>
        %get3A_456 = tpu.memref_squeeze %get3A_455 : memref<1x800x64xf32, #tpu.memory_space<vmem>> -> memref<800x64xf32, #tpu.memory_space<vmem>>
        %get3A_457 = arith.index_cast %add3A_452 : i32 to index
        %get3A_458 = arith.constant 48 : index
        %get3A_459 = tpu.vector_load %get3A_456[%get3A_457, %get3A_458] {strides = array<i32>} : memref<800x64xf32, #tpu.memory_space<vmem>>, vector<1x16xf32>,
        %get3A_460 = vector.shape_cast %get3A_459 : vector<1x16xf32> to vector<16xf32>
        %add3A_461 = arith.addf %add3A_373, %get3A_460 : vector<16xf32>
        %add3A_462 = arith.constant 3 : i32
        %add3A_463 = arith.addi %add3A_330, %add3A_462 : i32
        %get3A_464 = arith.constant 0 : i32
        %get3A_465 = arith.constant 0 : i32
        %get3A_466 = tpu.memref_slice %arg6[%scan3A_226, %get3A_464, %get3A_465] : memref<2x800x64xf32, #tpu.memory_space<vmem>> -> memref<1x800x64xf32, #tpu.memory_space<vmem>>
        %get3A_467 = tpu.memref_squeeze %get3A_466 : memref<1x800x64xf32, #tpu.memory_space<vmem>> -> memref<800x64xf32, #tpu.memory_space<vmem>>
        %get3A_468 = arith.index_cast %add3A_463 : i32 to index
        %get3A_469 = arith.constant 0 : index
        %get3A_470 = tpu.vector_load %get3A_467[%get3A_468, %get3A_469] {strides = array<i32>} : memref<800x64xf32, #tpu.memory_space<vmem>>, vector<1x16xf32>,
        %get3A_471 = vector.shape_cast %get3A_470 : vector<1x16xf32> to vector<16xf32>
        %add3A_472 = arith.addf %add3A_384, %get3A_471 : vector<16xf32>
        %add3A_473 = arith.constant 3 : i32
        %add3A_474 = arith.addi %add3A_330, %add3A_473 : i32
        %get3A_475 = arith.constant 0 : i32
        %get3A_476 = arith.constant 0 : i32
        %get3A_477 = tpu.memref_slice %arg6[%scan3A_226, %get3A_475, %get3A_476] : memref<2x800x64xf32, #tpu.memory_space<vmem>> -> memref<1x800x64xf32, #tpu.memory_space<vmem>>
        %get3A_478 = tpu.memref_squeeze %get3A_477 : memref<1x800x64xf32, #tpu.memory_space<vmem>> -> memref<800x64xf32, #tpu.memory_space<vmem>>
        %get3A_479 = arith.index_cast %add3A_474 : i32 to index
        %get3A_480 = arith.constant 16 : index
        %get3A_481 = tpu.vector_load %get3A_478[%get3A_479, %get3A_480] {strides = array<i32>} : memref<800x64xf32, #tpu.memory_space<vmem>>, vector<1x16xf32>,
        %get3A_482 = vector.shape_cast %get3A_481 : vector<1x16xf32> to vector<16xf32>
        %add3A_483 = arith.addf %add3A_395, %get3A_482 : vector<16xf32>
        %add3A_484 = arith.constant 3 : i32
        %add3A_485 = arith.addi %add3A_330, %add3A_484 : i32
        %get3A_486 = arith.constant 0 : i32
        %get3A_487 = arith.constant 0 : i32
        %get3A_488 = tpu.memref_slice %arg6[%scan3A_226, %get3A_486, %get3A_487] : memref<2x800x64xf32, #tpu.memory_space<vmem>> -> memref<1x800x64xf32, #tpu.memory_space<vmem>>
        %get3A_489 = tpu.memref_squeeze %get3A_488 : memref<1x800x64xf32, #tpu.memory_space<vmem>> -> memref<800x64xf32, #tpu.memory_space<vmem>>
        %get3A_490 = arith.index_cast %add3A_485 : i32 to index
        %get3A_491 = arith.constant 32 : index
        %get3A_492 = tpu.vector_load %get3A_489[%get3A_490, %get3A_491] {strides = array<i32>} : memref<800x64xf32, #tpu.memory_space<vmem>>, vector<1x16xf32>,
        %get3A_493 = vector.shape_cast %get3A_492 : vector<1x16xf32> to vector<16xf32>
        %add3A_494 = arith.addf %add3A_406, %get3A_493 : vector<16xf32>
        %add3A_495 = arith.constant 3 : i32
        %add3A_496 = arith.addi %add3A_330, %add3A_495 : i32
        %get3A_497 = arith.constant 0 : i32
        %get3A_498 = arith.constant 0 : i32
        %get3A_499 = tpu.memref_slice %arg6[%scan3A_226, %get3A_497, %get3A_498] : memref<2x800x64xf32, #tpu.memory_space<vmem>> -> memref<1x800x64xf32, #tpu.memory_space<vmem>>
        %get3A_500 = tpu.memref_squeeze %get3A_499 : memref<1x800x64xf32, #tpu.memory_space<vmem>> -> memref<800x64xf32, #tpu.memory_space<vmem>>
        %get3A_501 = arith.index_cast %add3A_496 : i32 to index
        %get3A_502 = arith.constant 48 : index
        %get3A_503 = tpu.vector_load %get3A_500[%get3A_501, %get3A_502] {strides = array<i32>} : memref<800x64xf32, #tpu.memory_space<vmem>>, vector<1x16xf32>,
        %get3A_504 = vector.shape_cast %get3A_503 : vector<1x16xf32> to vector<16xf32>
        %add3A_505 = arith.addf %add3A_417, %get3A_504 : vector<16xf32>
        %add3A_506 = arith.constant 4 : i32
        %add3A_507 = arith.addi %add3A_330, %add3A_506 : i32
        %get3A_508 = arith.constant 0 : i32
        %get3A_509 = arith.constant 0 : i32
        %get3A_510 = tpu.memref_slice %arg6[%scan3A_226, %get3A_508, %get3A_509] : memref<2x800x64xf32, #tpu.memory_space<vmem>> -> memref<1x800x64xf32, #tpu.memory_space<vmem>>
        %get3A_511 = tpu.memref_squeeze %get3A_510 : memref<1x800x64xf32, #tpu.memory_space<vmem>> -> memref<800x64xf32, #tpu.memory_space<vmem>>
        %get3A_512 = arith.index_cast %add3A_507 : i32 to index
        %get3A_513 = arith.constant 0 : index
        %get3A_514 = tpu.vector_load %get3A_511[%get3A_512, %get3A_513] {strides = array<i32>} : memref<800x64xf32, #tpu.memory_space<vmem>>, vector<1x16xf32>,
        %get3A_515 = vector.shape_cast %get3A_514 : vector<1x16xf32> to vector<16xf32>
        %add3A_516 = arith.addf %add3A_428, %get3A_515 : vector<16xf32>
        %add3A_517 = arith.constant 4 : i32
        %add3A_518 = arith.addi %add3A_330, %add3A_517 : i32
        %get3A_519 = arith.constant 0 : i32
        %get3A_520 = arith.constant 0 : i32
        %get3A_521 = tpu.memref_slice %arg6[%scan3A_226, %get3A_519, %get3A_520] : memref<2x800x64xf32, #tpu.memory_space<vmem>> -> memref<1x800x64xf32, #tpu.memory_space<vmem>>
        %get3A_522 = tpu.memref_squeeze %get3A_521 : memref<1x800x64xf32, #tpu.memory_space<vmem>> -> memref<800x64xf32, #tpu.memory_space<vmem>>
        %get3A_523 = arith.index_cast %add3A_518 : i32 to index
        %get3A_524 = arith.constant 16 : index
        %get3A_525 = tpu.vector_load %get3A_522[%get3A_523, %get3A_524] {strides = array<i32>} : memref<800x64xf32, #tpu.memory_space<vmem>>, vector<1x16xf32>,
        %get3A_526 = vector.shape_cast %get3A_525 : vector<1x16xf32> to vector<16xf32>
        %add3A_527 = arith.addf %add3A_439, %get3A_526 : vector<16xf32>
        %add3A_528 = arith.constant 4 : i32
        %add3A_529 = arith.addi %add3A_330, %add3A_528 : i32
        %get3A_530 = arith.constant 0 : i32
        %get3A_531 = arith.constant 0 : i32
        %get3A_532 = tpu.memref_slice %arg6[%scan3A_226, %get3A_530, %get3A_531] : memref<2x800x64xf32, #tpu.memory_space<vmem>> -> memref<1x800x64xf32, #tpu.memory_space<vmem>>
        %get3A_533 = tpu.memref_squeeze %get3A_532 : memref<1x800x64xf32, #tpu.memory_space<vmem>> -> memref<800x64xf32, #tpu.memory_space<vmem>>
        %get3A_534 = arith.index_cast %add3A_529 : i32 to index
        %get3A_535 = arith.constant 32 : index
        %get3A_536 = tpu.vector_load %get3A_533[%get3A_534, %get3A_535] {strides = array<i32>} : memref<800x64xf32, #tpu.memory_space<vmem>>, vector<1x16xf32>,
        %get3A_537 = vector.shape_cast %get3A_536 : vector<1x16xf32> to vector<16xf32>
        %add3A_538 = arith.addf %add3A_450, %get3A_537 : vector<16xf32>
        %add3A_539 = arith.constant 4 : i32
        %add3A_540 = arith.addi %add3A_330, %add3A_539 : i32
        %get3A_541 = arith.constant 0 : i32
        %get3A_542 = arith.constant 0 : i32
        %get3A_543 = tpu.memref_slice %arg6[%scan3A_226, %get3A_541, %get3A_542] : memref<2x800x64xf32, #tpu.memory_space<vmem>> -> memref<1x800x64xf32, #tpu.memory_space<vmem>>
        %get3A_544 = tpu.memref_squeeze %get3A_543 : memref<1x800x64xf32, #tpu.memory_space<vmem>> -> memref<800x64xf32, #tpu.memory_space<vmem>>
        %get3A_545 = arith.index_cast %add3A_540 : i32 to index
        %get3A_546 = arith.constant 48 : index
        %get3A_547 = tpu.vector_load %get3A_544[%get3A_545, %get3A_546] {strides = array<i32>} : memref<800x64xf32, #tpu.memory_space<vmem>>, vector<1x16xf32>,
        %get3A_548 = vector.shape_cast %get3A_547 : vector<1x16xf32> to vector<16xf32>
        %add3A_549 = arith.addf %add3A_461, %get3A_548 : vector<16xf32>
        %add3A_550 = arith.constant 5 : i32
        %add3A_551 = arith.addi %add3A_330, %add3A_550 : i32
        %get3A_552 = arith.constant 0 : i32
        %get3A_553 = arith.constant 0 : i32
        %get3A_554 = tpu.memref_slice %arg6[%scan3A_226, %get3A_552, %get3A_553] : memref<2x800x64xf32, #tpu.memory_space<vmem>> -> memref<1x800x64xf32, #tpu.memory_space<vmem>>
        %get3A_555 = tpu.memref_squeeze %get3A_554 : memref<1x800x64xf32, #tpu.memory_space<vmem>> -> memref<800x64xf32, #tpu.memory_space<vmem>>
        %get3A_556 = arith.index_cast %add3A_551 : i32 to index
        %get3A_557 = arith.constant 0 : index
        %get3A_558 = tpu.vector_load %get3A_555[%get3A_556, %get3A_557] {strides = array<i32>} : memref<800x64xf32, #tpu.memory_space<vmem>>, vector<1x16xf32>,
        %get3A_559 = vector.shape_cast %get3A_558 : vector<1x16xf32> to vector<16xf32>
        %add3A_560 = arith.addf %add3A_472, %get3A_559 : vector<16xf32>
        %add3A_561 = arith.constant 5 : i32
        %add3A_562 = arith.addi %add3A_330, %add3A_561 : i32
        %get3A_563 = arith.constant 0 : i32
        %get3A_564 = arith.constant 0 : i32
        %get3A_565 = tpu.memref_slice %arg6[%scan3A_226, %get3A_563, %get3A_564] : memref<2x800x64xf32, #tpu.memory_space<vmem>> -> memref<1x800x64xf32, #tpu.memory_space<vmem>>
        %get3A_566 = tpu.memref_squeeze %get3A_565 : memref<1x800x64xf32, #tpu.memory_space<vmem>> -> memref<800x64xf32, #tpu.memory_space<vmem>>
        %get3A_567 = arith.index_cast %add3A_562 : i32 to index
        %get3A_568 = arith.constant 16 : index
        %get3A_569 = tpu.vector_load %get3A_566[%get3A_567, %get3A_568] {strides = array<i32>} : memref<800x64xf32, #tpu.memory_space<vmem>>, vector<1x16xf32>,
        %get3A_570 = vector.shape_cast %get3A_569 : vector<1x16xf32> to vector<16xf32>
        %add3A_571 = arith.addf %add3A_483, %get3A_570 : vector<16xf32>
        %add3A_572 = arith.constant 5 : i32
        %add3A_573 = arith.addi %add3A_330, %add3A_572 : i32
        %get3A_574 = arith.constant 0 : i32
        %get3A_575 = arith.constant 0 : i32
        %get3A_576 = tpu.memref_slice %arg6[%scan3A_226, %get3A_574, %get3A_575] : memref<2x800x64xf32, #tpu.memory_space<vmem>> -> memref<1x800x64xf32, #tpu.memory_space<vmem>>
        %get3A_577 = tpu.memref_squeeze %get3A_576 : memref<1x800x64xf32, #tpu.memory_space<vmem>> -> memref<800x64xf32, #tpu.memory_space<vmem>>
        %get3A_578 = arith.index_cast %add3A_573 : i32 to index
        %get3A_579 = arith.constant 32 : index
        %get3A_580 = tpu.vector_load %get3A_577[%get3A_578, %get3A_579] {strides = array<i32>} : memref<800x64xf32, #tpu.memory_space<vmem>>, vector<1x16xf32>,
        %get3A_581 = vector.shape_cast %get3A_580 : vector<1x16xf32> to vector<16xf32>
        %add3A_582 = arith.addf %add3A_494, %get3A_581 : vector<16xf32>
        %add3A_583 = arith.constant 5 : i32
        %add3A_584 = arith.addi %add3A_330, %add3A_583 : i32
        %get3A_585 = arith.constant 0 : i32
        %get3A_586 = arith.constant 0 : i32
        %get3A_587 = tpu.memref_slice %arg6[%scan3A_226, %get3A_585, %get3A_586] : memref<2x800x64xf32, #tpu.memory_space<vmem>> -> memref<1x800x64xf32, #tpu.memory_space<vmem>>
        %get3A_588 = tpu.memref_squeeze %get3A_587 : memref<1x800x64xf32, #tpu.memory_space<vmem>> -> memref<800x64xf32, #tpu.memory_space<vmem>>
        %get3A_589 = arith.index_cast %add3A_584 : i32 to index
        %get3A_590 = arith.constant 48 : index
        %get3A_591 = tpu.vector_load %get3A_588[%get3A_589, %get3A_590] {strides = array<i32>} : memref<800x64xf32, #tpu.memory_space<vmem>>, vector<1x16xf32>,
        %get3A_592 = vector.shape_cast %get3A_591 : vector<1x16xf32> to vector<16xf32>
        %add3A_593 = arith.addf %add3A_505, %get3A_592 : vector<16xf32>
        %add3A_594 = arith.constant 6 : i32
        %add3A_595 = arith.addi %add3A_330, %add3A_594 : i32
        %get3A_596 = arith.constant 0 : i32
        %get3A_597 = arith.constant 0 : i32
        %get3A_598 = tpu.memref_slice %arg6[%scan3A_226, %get3A_596, %get3A_597] : memref<2x800x64xf32, #tpu.memory_space<vmem>> -> memref<1x800x64xf32, #tpu.memory_space<vmem>>
        %get3A_599 = tpu.memref_squeeze %get3A_598 : memref<1x800x64xf32, #tpu.memory_space<vmem>> -> memref<800x64xf32, #tpu.memory_space<vmem>>
        %get3A_600 = arith.index_cast %add3A_595 : i32 to index
        %get3A_601 = arith.constant 0 : index
        %get3A_602 = tpu.vector_load %get3A_599[%get3A_600, %get3A_601] {strides = array<i32>} : memref<800x64xf32, #tpu.memory_space<vmem>>, vector<1x16xf32>,
        %get3A_603 = vector.shape_cast %get3A_602 : vector<1x16xf32> to vector<16xf32>
        %add3A_604 = arith.addf %add3A_516, %get3A_603 : vector<16xf32>
        %add3A_605 = arith.constant 6 : i32
        %add3A_606 = arith.addi %add3A_330, %add3A_605 : i32
        %get3A_607 = arith.constant 0 : i32
        %get3A_608 = arith.constant 0 : i32
        %get3A_609 = tpu.memref_slice %arg6[%scan3A_226, %get3A_607, %get3A_608] : memref<2x800x64xf32, #tpu.memory_space<vmem>> -> memref<1x800x64xf32, #tpu.memory_space<vmem>>
        %get3A_610 = tpu.memref_squeeze %get3A_609 : memref<1x800x64xf32, #tpu.memory_space<vmem>> -> memref<800x64xf32, #tpu.memory_space<vmem>>
        %get3A_611 = arith.index_cast %add3A_606 : i32 to index
        %get3A_612 = arith.constant 16 : index
        %get3A_613 = tpu.vector_load %get3A_610[%get3A_611, %get3A_612] {strides = array<i32>} : memref<800x64xf32, #tpu.memory_space<vmem>>, vector<1x16xf32>,
        %get3A_614 = vector.shape_cast %get3A_613 : vector<1x16xf32> to vector<16xf32>
        %add3A_615 = arith.addf %add3A_527, %get3A_614 : vector<16xf32>
        %add3A_616 = arith.constant 6 : i32
        %add3A_617 = arith.addi %add3A_330, %add3A_616 : i32
        %get3A_618 = arith.constant 0 : i32
        %get3A_619 = arith.constant 0 : i32
        %get3A_620 = tpu.memref_slice %arg6[%scan3A_226, %get3A_618, %get3A_619] : memref<2x800x64xf32, #tpu.memory_space<vmem>> -> memref<1x800x64xf32, #tpu.memory_space<vmem>>
        %get3A_621 = tpu.memref_squeeze %get3A_620 : memref<1x800x64xf32, #tpu.memory_space<vmem>> -> memref<800x64xf32, #tpu.memory_space<vmem>>
        %get3A_622 = arith.index_cast %add3A_617 : i32 to index
        %get3A_623 = arith.constant 32 : index
        %get3A_624 = tpu.vector_load %get3A_621[%get3A_622, %get3A_623] {strides = array<i32>} : memref<800x64xf32, #tpu.memory_space<vmem>>, vector<1x16xf32>,
        %get3A_625 = vector.shape_cast %get3A_624 : vector<1x16xf32> to vector<16xf32>
        %add3A_626 = arith.addf %add3A_538, %get3A_625 : vector<16xf32>
        %add3A_627 = arith.constant 6 : i32
        %add3A_628 = arith.addi %add3A_330, %add3A_627 : i32
        %get3A_629 = arith.constant 0 : i32
        %get3A_630 = arith.constant 0 : i32
        %get3A_631 = tpu.memref_slice %arg6[%scan3A_226, %get3A_629, %get3A_630] : memref<2x800x64xf32, #tpu.memory_space<vmem>> -> memref<1x800x64xf32, #tpu.memory_space<vmem>>
        %get3A_632 = tpu.memref_squeeze %get3A_631 : memref<1x800x64xf32, #tpu.memory_space<vmem>> -> memref<800x64xf32, #tpu.memory_space<vmem>>
        %get3A_633 = arith.index_cast %add3A_628 : i32 to index
        %get3A_634 = arith.constant 48 : index
        %get3A_635 = tpu.vector_load %get3A_632[%get3A_633, %get3A_634] {strides = array<i32>} : memref<800x64xf32, #tpu.memory_space<vmem>>, vector<1x16xf32>,
        %get3A_636 = vector.shape_cast %get3A_635 : vector<1x16xf32> to vector<16xf32>
        %add3A_637 = arith.addf %add3A_549, %get3A_636 : vector<16xf32>
        %add3A_638 = arith.constant 7 : i32
        %add3A_639 = arith.addi %add3A_330, %add3A_638 : i32
        %get3A_640 = arith.constant 0 : i32
        %get3A_641 = arith.constant 0 : i32
        %get3A_642 = tpu.memref_slice %arg6[%scan3A_226, %get3A_640, %get3A_641] : memref<2x800x64xf32, #tpu.memory_space<vmem>> -> memref<1x800x64xf32, #tpu.memory_space<vmem>>
        %get3A_643 = tpu.memref_squeeze %get3A_642 : memref<1x800x64xf32, #tpu.memory_space<vmem>> -> memref<800x64xf32, #tpu.memory_space<vmem>>
        %get3A_644 = arith.index_cast %add3A_639 : i32 to index
        %get3A_645 = arith.constant 0 : index
        %get3A_646 = tpu.vector_load %get3A_643[%get3A_644, %get3A_645] {strides = array<i32>} : memref<800x64xf32, #tpu.memory_space<vmem>>, vector<1x16xf32>,
        %get3A_647 = vector.shape_cast %get3A_646 : vector<1x16xf32> to vector<16xf32>
        %add3A_648 = arith.addf %add3A_560, %get3A_647 : vector<16xf32>
        %add3A_649 = arith.constant 7 : i32
        %add3A_650 = arith.addi %add3A_330, %add3A_649 : i32
        %get3A_651 = arith.constant 0 : i32
        %get3A_652 = arith.constant 0 : i32
        %get3A_653 = tpu.memref_slice %arg6[%scan3A_226, %get3A_651, %get3A_652] : memref<2x800x64xf32, #tpu.memory_space<vmem>> -> memref<1x800x64xf32, #tpu.memory_space<vmem>>
        %get3A_654 = tpu.memref_squeeze %get3A_653 : memref<1x800x64xf32, #tpu.memory_space<vmem>> -> memref<800x64xf32, #tpu.memory_space<vmem>>
        %get3A_655 = arith.index_cast %add3A_650 : i32 to index
        %get3A_656 = arith.constant 16 : index
        %get3A_657 = tpu.vector_load %get3A_654[%get3A_655, %get3A_656] {strides = array<i32>} : memref<800x64xf32, #tpu.memory_space<vmem>>, vector<1x16xf32>,
        %get3A_658 = vector.shape_cast %get3A_657 : vector<1x16xf32> to vector<16xf32>
        %add3A_659 = arith.addf %add3A_571, %get3A_658 : vector<16xf32>
        %add3A_660 = arith.constant 7 : i32
        %add3A_661 = arith.addi %add3A_330, %add3A_660 : i32
        %get3A_662 = arith.constant 0 : i32
        %get3A_663 = arith.constant 0 : i32
        %get3A_664 = tpu.memref_slice %arg6[%scan3A_226, %get3A_662, %get3A_663] : memref<2x800x64xf32, #tpu.memory_space<vmem>> -> memref<1x800x64xf32, #tpu.memory_space<vmem>>
        %get3A_665 = tpu.memref_squeeze %get3A_664 : memref<1x800x64xf32, #tpu.memory_space<vmem>> -> memref<800x64xf32, #tpu.memory_space<vmem>>
        %get3A_666 = arith.index_cast %add3A_661 : i32 to index
        %get3A_667 = arith.constant 32 : index
        %get3A_668 = tpu.vector_load %get3A_665[%get3A_666, %get3A_667] {strides = array<i32>} : memref<800x64xf32, #tpu.memory_space<vmem>>, vector<1x16xf32>,
        %get3A_669 = vector.shape_cast %get3A_668 : vector<1x16xf32> to vector<16xf32>
        %add3A_670 = arith.addf %add3A_582, %get3A_669 : vector<16xf32>
        %add3A_671 = arith.constant 7 : i32
        %add3A_672 = arith.addi %add3A_330, %add3A_671 : i32
        %get3A_673 = arith.constant 0 : i32
        %get3A_674 = arith.constant 0 : i32
        %get3A_675 = tpu.memref_slice %arg6[%scan3A_226, %get3A_673, %get3A_674] : memref<2x800x64xf32, #tpu.memory_space<vmem>> -> memref<1x800x64xf32, #tpu.memory_space<vmem>>
        %get3A_676 = tpu.memref_squeeze %get3A_675 : memref<1x800x64xf32, #tpu.memory_space<vmem>> -> memref<800x64xf32, #tpu.memory_space<vmem>>
        %get3A_677 = arith.index_cast %add3A_672 : i32 to index
        %get3A_678 = arith.constant 48 : index
        %get3A_679 = tpu.vector_load %get3A_676[%get3A_677, %get3A_678] {strides = array<i32>} : memref<800x64xf32, #tpu.memory_space<vmem>>, vector<1x16xf32>,
        %get3A_680 = vector.shape_cast %get3A_679 : vector<1x16xf32> to vector<16xf32>
        %add3A_681 = arith.addf %add3A_593, %get3A_680 : vector<16xf32>
        %add3A_682 = arith.constant 8 : i32
        %add3A_683 = arith.addi %add3A_330, %add3A_682 : i32
        %get3A_684 = arith.constant 0 : i32
        %get3A_685 = arith.constant 0 : i32
        %get3A_686 = tpu.memref_slice %arg6[%scan3A_226, %get3A_684, %get3A_685] : memref<2x800x64xf32, #tpu.memory_space<vmem>> -> memref<1x800x64xf32, #tpu.memory_space<vmem>>
        %get3A_687 = tpu.memref_squeeze %get3A_686 : memref<1x800x64xf32, #tpu.memory_space<vmem>> -> memref<800x64xf32, #tpu.memory_space<vmem>>
        %get3A_688 = arith.index_cast %add3A_683 : i32 to index
        %get3A_689 = arith.constant 0 : index
        %get3A_690 = tpu.vector_load %get3A_687[%get3A_688, %get3A_689] {strides = array<i32>} : memref<800x64xf32, #tpu.memory_space<vmem>>, vector<1x16xf32>,
        %get3A_691 = vector.shape_cast %get3A_690 : vector<1x16xf32> to vector<16xf32>
        %add3A_692 = arith.addf %add3A_604, %get3A_691 : vector<16xf32>
        %add3A_693 = arith.constant 8 : i32
        %add3A_694 = arith.addi %add3A_330, %add3A_693 : i32
        %get3A_695 = arith.constant 0 : i32
        %get3A_696 = arith.constant 0 : i32
        %get3A_697 = tpu.memref_slice %arg6[%scan3A_226, %get3A_695, %get3A_696] : memref<2x800x64xf32, #tpu.memory_space<vmem>> -> memref<1x800x64xf32, #tpu.memory_space<vmem>>
        %get3A_698 = tpu.memref_squeeze %get3A_697 : memref<1x800x64xf32, #tpu.memory_space<vmem>> -> memref<800x64xf32, #tpu.memory_space<vmem>>
        %get3A_699 = arith.index_cast %add3A_694 : i32 to index
        %get3A_700 = arith.constant 16 : index
        %get3A_701 = tpu.vector_load %get3A_698[%get3A_699, %get3A_700] {strides = array<i32>} : memref<800x64xf32, #tpu.memory_space<vmem>>, vector<1x16xf32>,
        %get3A_702 = vector.shape_cast %get3A_701 : vector<1x16xf32> to vector<16xf32>
        %add3A_703 = arith.addf %add3A_615, %get3A_702 : vector<16xf32>
        %add3A_704 = arith.constant 8 : i32
        %add3A_705 = arith.addi %add3A_330, %add3A_704 : i32
        %get3A_706 = arith.constant 0 : i32
        %get3A_707 = arith.constant 0 : i32
        %get3A_708 = tpu.memref_slice %arg6[%scan3A_226, %get3A_706, %get3A_707] : memref<2x800x64xf32, #tpu.memory_space<vmem>> -> memref<1x800x64xf32, #tpu.memory_space<vmem>>
        %get3A_709 = tpu.memref_squeeze %get3A_708 : memref<1x800x64xf32, #tpu.memory_space<vmem>> -> memref<800x64xf32, #tpu.memory_space<vmem>>
        %get3A_710 = arith.index_cast %add3A_705 : i32 to index
        %get3A_711 = arith.constant 32 : index
        %get3A_712 = tpu.vector_load %get3A_709[%get3A_710, %get3A_711] {strides = array<i32>} : memref<800x64xf32, #tpu.memory_space<vmem>>, vector<1x16xf32>,
        %get3A_713 = vector.shape_cast %get3A_712 : vector<1x16xf32> to vector<16xf32>
        %add3A_714 = arith.addf %add3A_626, %get3A_713 : vector<16xf32>
        %add3A_715 = arith.constant 8 : i32
        %add3A_716 = arith.addi %add3A_330, %add3A_715 : i32
        %get3A_717 = arith.constant 0 : i32
        %get3A_718 = arith.constant 0 : i32
        %get3A_719 = tpu.memref_slice %arg6[%scan3A_226, %get3A_717, %get3A_718] : memref<2x800x64xf32, #tpu.memory_space<vmem>> -> memref<1x800x64xf32, #tpu.memory_space<vmem>>
        %get3A_720 = tpu.memref_squeeze %get3A_719 : memref<1x800x64xf32, #tpu.memory_space<vmem>> -> memref<800x64xf32, #tpu.memory_space<vmem>>
        %get3A_721 = arith.index_cast %add3A_716 : i32 to index
        %get3A_722 = arith.constant 48 : index
        %get3A_723 = tpu.vector_load %get3A_720[%get3A_721, %get3A_722] {strides = array<i32>} : memref<800x64xf32, #tpu.memory_space<vmem>>, vector<1x16xf32>,
        %get3A_724 = vector.shape_cast %get3A_723 : vector<1x16xf32> to vector<16xf32>
        %add3A_725 = arith.addf %add3A_637, %get3A_724 : vector<16xf32>
        %add3A_726 = arith.constant 9 : i32
        %add3A_727 = arith.addi %add3A_330, %add3A_726 : i32
        %get3A_728 = arith.constant 0 : i32
        %get3A_729 = arith.constant 0 : i32
        %get3A_730 = tpu.memref_slice %arg6[%scan3A_226, %get3A_728, %get3A_729] : memref<2x800x64xf32, #tpu.memory_space<vmem>> -> memref<1x800x64xf32, #tpu.memory_space<vmem>>
        %get3A_731 = tpu.memref_squeeze %get3A_730 : memref<1x800x64xf32, #tpu.memory_space<vmem>> -> memref<800x64xf32, #tpu.memory_space<vmem>>
        %get3A_732 = arith.index_cast %add3A_727 : i32 to index
        %get3A_733 = arith.constant 0 : index
        %get3A_734 = tpu.vector_load %get3A_731[%get3A_732, %get3A_733] {strides = array<i32>} : memref<800x64xf32, #tpu.memory_space<vmem>>, vector<1x16xf32>,
        %get3A_735 = vector.shape_cast %get3A_734 : vector<1x16xf32> to vector<16xf32>
        %add3A_736 = arith.addf %add3A_648, %get3A_735 : vector<16xf32>
        %add3A_737 = arith.constant 9 : i32
        %add3A_738 = arith.addi %add3A_330, %add3A_737 : i32
        %get3A_739 = arith.constant 0 : i32
        %get3A_740 = arith.constant 0 : i32
        %get3A_741 = tpu.memref_slice %arg6[%scan3A_226, %get3A_739, %get3A_740] : memref<2x800x64xf32, #tpu.memory_space<vmem>> -> memref<1x800x64xf32, #tpu.memory_space<vmem>>
        %get3A_742 = tpu.memref_squeeze %get3A_741 : memref<1x800x64xf32, #tpu.memory_space<vmem>> -> memref<800x64xf32, #tpu.memory_space<vmem>>
        %get3A_743 = arith.index_cast %add3A_738 : i32 to index
        %get3A_744 = arith.constant 16 : index
        %get3A_745 = tpu.vector_load %get3A_742[%get3A_743, %get3A_744] {strides = array<i32>} : memref<800x64xf32, #tpu.memory_space<vmem>>, vector<1x16xf32>,
        %get3A_746 = vector.shape_cast %get3A_745 : vector<1x16xf32> to vector<16xf32>
        %add3A_747 = arith.addf %add3A_659, %get3A_746 : vector<16xf32>
        %add3A_748 = arith.constant 9 : i32
        %add3A_749 = arith.addi %add3A_330, %add3A_748 : i32
        %get3A_750 = arith.constant 0 : i32
        %get3A_751 = arith.constant 0 : i32
        %get3A_752 = tpu.memref_slice %arg6[%scan3A_226, %get3A_750, %get3A_751] : memref<2x800x64xf32, #tpu.memory_space<vmem>> -> memref<1x800x64xf32, #tpu.memory_space<vmem>>
        %get3A_753 = tpu.memref_squeeze %get3A_752 : memref<1x800x64xf32, #tpu.memory_space<vmem>> -> memref<800x64xf32, #tpu.memory_space<vmem>>
        %get3A_754 = arith.index_cast %add3A_749 : i32 to index
        %get3A_755 = arith.constant 32 : index
        %get3A_756 = tpu.vector_load %get3A_753[%get3A_754, %get3A_755] {strides = array<i32>} : memref<800x64xf32, #tpu.memory_space<vmem>>, vector<1x16xf32>,
        %get3A_757 = vector.shape_cast %get3A_756 : vector<1x16xf32> to vector<16xf32>
        %add3A_758 = arith.addf %add3A_670, %get3A_757 : vector<16xf32>
        %add3A_759 = arith.constant 9 : i32
        %add3A_760 = arith.addi %add3A_330, %add3A_759 : i32
        %get3A_761 = arith.constant 0 : i32
        %get3A_762 = arith.constant 0 : i32
        %get3A_763 = tpu.memref_slice %arg6[%scan3A_226, %get3A_761, %get3A_762] : memref<2x800x64xf32, #tpu.memory_space<vmem>> -> memref<1x800x64xf32, #tpu.memory_space<vmem>>
        %get3A_764 = tpu.memref_squeeze %get3A_763 : memref<1x800x64xf32, #tpu.memory_space<vmem>> -> memref<800x64xf32, #tpu.memory_space<vmem>>
        %get3A_765 = arith.index_cast %add3A_760 : i32 to index
        %get3A_766 = arith.constant 48 : index
        %get3A_767 = tpu.vector_load %get3A_764[%get3A_765, %get3A_766] {strides = array<i32>} : memref<800x64xf32, #tpu.memory_space<vmem>>, vector<1x16xf32>,
        %get3A_768 = vector.shape_cast %get3A_767 : vector<1x16xf32> to vector<16xf32>
        %add3A_769 = arith.addf %add3A_681, %get3A_768 : vector<16xf32>
        scf.yield %add3A_692, %add3A_703, %add3A_714, %add3A_725, %add3A_736, %add3A_747, %add3A_758, %add3A_769 : vector<16xf32>, vector<16xf32>, vector<16xf32>, vector<16xf32>, vector<16xf32>, vector<16xf32>, vector<16xf32>, vector<16xf32>
      }
      %scan3A_280 = arith.constant 5 : i32
      %add3A_281 = arith.constant 96 : i32
      %add3A_282 = arith.addi %add3A_281, %scan3A_256 : i32
      %add3A_283 = arith.addf %scan3A_279#0, %scan3A_279#4 : vector<16xf32>
      %mul3A_284 = arith.constant 2.000000e-02 : f32
      %mul3A_285 = vector.broadcast %mul3A_284 : f32 to vector<16xf32>
      %mul3A_286 = arith.mulf %add3A_283, %mul3A_285 : vector<16xf32>
      %swap3A = arith.index_cast %add3A_282 : i32 to index
      %swap3A_287 = arith.constant 0 : index
      %swap3A_288 = tpu.vector_load %arg7[%swap3A, %swap3A_287] {strides = array<i32>} : memref<128x64xf32, #tpu.memory_space<vmem>>, vector<1x16xf32>,
      %swap3A_289 = vector.shape_cast %swap3A_288 : vector<1x16xf32> to vector<16xf32>
      %swap3A_290 = vector.shape_cast %mul3A_286 : vector<16xf32> to vector<1x16xf32>
      tpu.vector_store %arg7[%swap3A, %swap3A_287], %swap3A_290 {strides = array<i32>} : memref<128x64xf32, #tpu.memory_space<vmem>>, vector<1x16xf32>,
      %add3A_291 = arith.addf %scan3A_279#1, %scan3A_279#5 : vector<16xf32>
      %mul3A_292 = arith.constant 2.000000e-02 : f32
      %mul3A_293 = vector.broadcast %mul3A_292 : f32 to vector<16xf32>
      %mul3A_294 = arith.mulf %add3A_291, %mul3A_293 : vector<16xf32>
      %swap3A_295 = arith.index_cast %add3A_282 : i32 to index
      %swap3A_296 = arith.constant 16 : index
      %swap3A_297 = tpu.vector_load %arg7[%swap3A_295, %swap3A_296] {strides = array<i32>} : memref<128x64xf32, #tpu.memory_space<vmem>>, vector<1x16xf32>,
      %swap3A_298 = vector.shape_cast %swap3A_297 : vector<1x16xf32> to vector<16xf32>
      %swap3A_299 = vector.shape_cast %mul3A_294 : vector<16xf32> to vector<1x16xf32>
      tpu.vector_store %arg7[%swap3A_295, %swap3A_296], %swap3A_299 {strides = array<i32>} : memref<128x64xf32, #tpu.memory_space<vmem>>, vector<1x16xf32>,
      %add3A_300 = arith.addf %scan3A_279#2, %scan3A_279#6 : vector<16xf32>
      %mul3A_301 = arith.constant 2.000000e-02 : f32
      %mul3A_302 = vector.broadcast %mul3A_301 : f32 to vector<16xf32>
      %mul3A_303 = arith.mulf %add3A_300, %mul3A_302 : vector<16xf32>
      %swap3A_304 = arith.index_cast %add3A_282 : i32 to index
      %swap3A_305 = arith.constant 32 : index
      %swap3A_306 = tpu.vector_load %arg7[%swap3A_304, %swap3A_305] {strides = array<i32>} : memref<128x64xf32, #tpu.memory_space<vmem>>, vector<1x16xf32>,
      %swap3A_307 = vector.shape_cast %swap3A_306 : vector<1x16xf32> to vector<16xf32>
      %swap3A_308 = vector.shape_cast %mul3A_303 : vector<16xf32> to vector<1x16xf32>
      tpu.vector_store %arg7[%swap3A_304, %swap3A_305], %swap3A_308 {strides = array<i32>} : memref<128x64xf32, #tpu.memory_space<vmem>>, vector<1x16xf32>,
      %add3A_309 = arith.addf %scan3A_279#3, %scan3A_279#7 : vector<16xf32>
      %mul3A_310 = arith.constant 2.000000e-02 : f32
      %mul3A_311 = vector.broadcast %mul3A_310 : f32 to vector<16xf32>
      %mul3A_312 = arith.mulf %add3A_309, %mul3A_311 : vector<16xf32>
      %swap3A_313 = arith.index_cast %add3A_282 : i32 to index
      %swap3A_314 = arith.constant 48 : index
      %swap3A_315 = tpu.vector_load %arg7[%swap3A_313, %swap3A_314] {strides = array<i32>} : memref<128x64xf32, #tpu.memory_space<vmem>>, vector<1x16xf32>,
      %swap3A_316 = vector.shape_cast %swap3A_315 : vector<1x16xf32> to vector<16xf32>
      %swap3A_317 = vector.shape_cast %mul3A_312 : vector<16xf32> to vector<1x16xf32>
      tpu.vector_store %arg7[%swap3A_313, %swap3A_314], %swap3A_317 {strides = array<i32>} : memref<128x64xf32, #tpu.memory_space<vmem>>, vector<1x16xf32>,
      %scan3A_318 = arith.constant 0 : i32
      scf.yield %scan3A_318 : i32
    }
    %scan3A_233 = arith.constant 16 : i32
    %dma_wait3A_234 = arith.constant 7 : i32
    %dma_wait3A_235 = arith.constant 1 : i32
    %dma_wait3A_236 = arith.constant 0 : i32
    %dma_wait3A_237 = arith.constant 0 : i32
    %dma_wait3A_238 = tpu.memref_slice %arg6[%dma_wait3A_235, %dma_wait3A_236, %dma_wait3A_237] : memref<2x800x64xf32, #tpu.memory_space<vmem>> -> memref<1x800x64xf32, #tpu.memory_space<vmem>>
    %dma_wait3A_239 = tpu.memref_squeeze %dma_wait3A_238 : memref<1x800x64xf32, #tpu.memory_space<vmem>> -> memref<800x64xf32, #tpu.memory_space<vmem>>
    %dma_wait3A_240 = arith.constant 0 : i32
    %dma_wait3A_241 = tpu.memref_slice %arg5[%dma_wait3A_234, %dma_wait3A_240] : memref<8x800xi32, #tpu.memory_space<vmem>> -> memref<1x800xi32, #tpu.memory_space<vmem>>
    %dma_wait3A_242 = tpu.memref_squeeze %dma_wait3A_241 : memref<1x800xi32, #tpu.memory_space<vmem>> -> memref<800xi32, #tpu.memory_space<vmem>>
    %dma_wait3A_243 = arith.constant 0 : i32
    %dma_wait3A_244 = arith.constant 0 : i32
    %dma_wait3A_245 = tpu.memref_slice %arg3[%dma_wait3A_243, %dma_wait3A_244] : memref<100000x64xf32, #tpu.memory_space<hbm>> -> memref<100000x64xf32, #tpu.memory_space<hbm>>
    tpu.wait_indirect_dma semaphore(%arg9 : memref<!tpu.dma_semaphore, #tpu.memory_space<semaphore_mem>>) src(%dma_wait3A_245 : memref<100000x64xf32, #tpu.memory_space<hbm>>) dst(%dma_wait3A_239 : memref<800x64xf32, #tpu.memory_space<vmem>>)
    %scan3A_246 = arith.constant 1 : i32
    %scan3A_247 = arith.constant 0 : i32
    %scan3A_248 = arith.constant 0 : i32
    %scan3A_249 = arith.constant 16 : i32
    %scan3A_250 = arith.addi %scan3A_248, %scan3A_249 : i32
    %scan3A_251 = arith.constant 1 : i32
    %scan3A_252 = scf.for %scan3A_256 = %scan3A_248 to %scan3A_250 step %scan3A_251 iter_args(%scan3A_257 = %scan3A_247) -> (i32)  : i32 {
      %mul3A_258 = arith.constant 50 : i32
      %mul3A_259 = arith.muli %scan3A_256, %mul3A_258 : i32
      %broadcast_in_dim3A = arith.constant 0.000000e+00 : f32
      %broadcast_in_dim3A_260 = vector.broadcast %broadcast_in_dim3A : f32 to vector<16xf32>
      %broadcast_in_dim3A_261 = arith.constant 0.000000e+00 : f32
      %broadcast_in_dim3A_262 = vector.broadcast %broadcast_in_dim3A_261 : f32 to vector<16xf32>
      %broadcast_in_dim3A_263 = arith.constant 0.000000e+00 : f32
      %broadcast_in_dim3A_264 = vector.broadcast %broadcast_in_dim3A_263 : f32 to vector<16xf32>
      %broadcast_in_dim3A_265 = arith.constant 0.000000e+00 : f32
      %broadcast_in_dim3A_266 = vector.broadcast %broadcast_in_dim3A_265 : f32 to vector<16xf32>
      %broadcast_in_dim3A_267 = arith.constant 0.000000e+00 : f32
      %broadcast_in_dim3A_268 = vector.broadcast %broadcast_in_dim3A_267 : f32 to vector<16xf32>
      %broadcast_in_dim3A_269 = arith.constant 0.000000e+00 : f32
      %broadcast_in_dim3A_270 = vector.broadcast %broadcast_in_dim3A_269 : f32 to vector<16xf32>
      %broadcast_in_dim3A_271 = arith.constant 0.000000e+00 : f32
      %broadcast_in_dim3A_272 = vector.broadcast %broadcast_in_dim3A_271 : f32 to vector<16xf32>
      %broadcast_in_dim3A_273 = arith.constant 0.000000e+00 : f32
      %broadcast_in_dim3A_274 = vector.broadcast %broadcast_in_dim3A_273 : f32 to vector<16xf32>
      %scan3A_275 = arith.constant 0 : i32
      %scan3A_276 = arith.constant 5 : i32
      %scan3A_277 = arith.addi %scan3A_275, %scan3A_276 : i32
      %scan3A_278 = arith.constant 1 : i32
      %scan3A_279:8 = scf.for %scan3A_319 = %scan3A_275 to %scan3A_277 step %scan3A_278 iter_args(%scan3A_320 = %broadcast_in_dim3A_260, %scan3A_321 = %broadcast_in_dim3A_262, %scan3A_322 = %broadcast_in_dim3A_264, %scan3A_323 = %broadcast_in_dim3A_266, %scan3A_324 = %broadcast_in_dim3A_268, %scan3A_325 = %broadcast_in_dim3A_270, %scan3A_326 = %broadcast_in_dim3A_272, %scan3A_327 = %broadcast_in_dim3A_274) -> (vector<16xf32>, vector<16xf32>, vector<16xf32>, vector<16xf32>, vector<16xf32>, vector<16xf32>, vector<16xf32>, vector<16xf32>)  : i32 {
        %mul3A_328 = arith.constant 10 : i32
        %mul3A_329 = arith.muli %scan3A_319, %mul3A_328 : i32
        %add3A_330 = arith.addi %mul3A_259, %mul3A_329 : i32
        %add3A_331 = arith.constant 0 : i32
        %add3A_332 = arith.addi %add3A_330, %add3A_331 : i32
        %get3A = arith.constant 0 : i32
        %get3A_333 = arith.constant 0 : i32
        %get3A_334 = tpu.memref_slice %arg6[%scan3A_246, %get3A, %get3A_333] : memref<2x800x64xf32, #tpu.memory_space<vmem>> -> memref<1x800x64xf32, #tpu.memory_space<vmem>>
        %get3A_335 = tpu.memref_squeeze %get3A_334 : memref<1x800x64xf32, #tpu.memory_space<vmem>> -> memref<800x64xf32, #tpu.memory_space<vmem>>
        %get3A_336 = arith.index_cast %add3A_332 : i32 to index
        %get3A_337 = arith.constant 0 : index
        %get3A_338 = tpu.vector_load %get3A_335[%get3A_336, %get3A_337] {strides = array<i32>} : memref<800x64xf32, #tpu.memory_space<vmem>>, vector<1x16xf32>,
        %get3A_339 = vector.shape_cast %get3A_338 : vector<1x16xf32> to vector<16xf32>
        %add3A_340 = arith.addf %scan3A_320, %get3A_339 : vector<16xf32>
        %add3A_341 = arith.constant 0 : i32
        %add3A_342 = arith.addi %add3A_330, %add3A_341 : i32
        %get3A_343 = arith.constant 0 : i32
        %get3A_344 = arith.constant 0 : i32
        %get3A_345 = tpu.memref_slice %arg6[%scan3A_246, %get3A_343, %get3A_344] : memref<2x800x64xf32, #tpu.memory_space<vmem>> -> memref<1x800x64xf32, #tpu.memory_space<vmem>>
        %get3A_346 = tpu.memref_squeeze %get3A_345 : memref<1x800x64xf32, #tpu.memory_space<vmem>> -> memref<800x64xf32, #tpu.memory_space<vmem>>
        %get3A_347 = arith.index_cast %add3A_342 : i32 to index
        %get3A_348 = arith.constant 16 : index
        %get3A_349 = tpu.vector_load %get3A_346[%get3A_347, %get3A_348] {strides = array<i32>} : memref<800x64xf32, #tpu.memory_space<vmem>>, vector<1x16xf32>,
        %get3A_350 = vector.shape_cast %get3A_349 : vector<1x16xf32> to vector<16xf32>
        %add3A_351 = arith.addf %scan3A_321, %get3A_350 : vector<16xf32>
        %add3A_352 = arith.constant 0 : i32
        %add3A_353 = arith.addi %add3A_330, %add3A_352 : i32
        %get3A_354 = arith.constant 0 : i32
        %get3A_355 = arith.constant 0 : i32
        %get3A_356 = tpu.memref_slice %arg6[%scan3A_246, %get3A_354, %get3A_355] : memref<2x800x64xf32, #tpu.memory_space<vmem>> -> memref<1x800x64xf32, #tpu.memory_space<vmem>>
        %get3A_357 = tpu.memref_squeeze %get3A_356 : memref<1x800x64xf32, #tpu.memory_space<vmem>> -> memref<800x64xf32, #tpu.memory_space<vmem>>
        %get3A_358 = arith.index_cast %add3A_353 : i32 to index
        %get3A_359 = arith.constant 32 : index
        %get3A_360 = tpu.vector_load %get3A_357[%get3A_358, %get3A_359] {strides = array<i32>} : memref<800x64xf32, #tpu.memory_space<vmem>>, vector<1x16xf32>,
        %get3A_361 = vector.shape_cast %get3A_360 : vector<1x16xf32> to vector<16xf32>
        %add3A_362 = arith.addf %scan3A_322, %get3A_361 : vector<16xf32>
        %add3A_363 = arith.constant 0 : i32
        %add3A_364 = arith.addi %add3A_330, %add3A_363 : i32
        %get3A_365 = arith.constant 0 : i32
        %get3A_366 = arith.constant 0 : i32
        %get3A_367 = tpu.memref_slice %arg6[%scan3A_246, %get3A_365, %get3A_366] : memref<2x800x64xf32, #tpu.memory_space<vmem>> -> memref<1x800x64xf32, #tpu.memory_space<vmem>>
        %get3A_368 = tpu.memref_squeeze %get3A_367 : memref<1x800x64xf32, #tpu.memory_space<vmem>> -> memref<800x64xf32, #tpu.memory_space<vmem>>
        %get3A_369 = arith.index_cast %add3A_364 : i32 to index
        %get3A_370 = arith.constant 48 : index
        %get3A_371 = tpu.vector_load %get3A_368[%get3A_369, %get3A_370] {strides = array<i32>} : memref<800x64xf32, #tpu.memory_space<vmem>>, vector<1x16xf32>,
        %get3A_372 = vector.shape_cast %get3A_371 : vector<1x16xf32> to vector<16xf32>
        %add3A_373 = arith.addf %scan3A_323, %get3A_372 : vector<16xf32>
        %add3A_374 = arith.constant 1 : i32
        %add3A_375 = arith.addi %add3A_330, %add3A_374 : i32
        %get3A_376 = arith.constant 0 : i32
        %get3A_377 = arith.constant 0 : i32
        %get3A_378 = tpu.memref_slice %arg6[%scan3A_246, %get3A_376, %get3A_377] : memref<2x800x64xf32, #tpu.memory_space<vmem>> -> memref<1x800x64xf32, #tpu.memory_space<vmem>>
        %get3A_379 = tpu.memref_squeeze %get3A_378 : memref<1x800x64xf32, #tpu.memory_space<vmem>> -> memref<800x64xf32, #tpu.memory_space<vmem>>
        %get3A_380 = arith.index_cast %add3A_375 : i32 to index
        %get3A_381 = arith.constant 0 : index
        %get3A_382 = tpu.vector_load %get3A_379[%get3A_380, %get3A_381] {strides = array<i32>} : memref<800x64xf32, #tpu.memory_space<vmem>>, vector<1x16xf32>,
        %get3A_383 = vector.shape_cast %get3A_382 : vector<1x16xf32> to vector<16xf32>
        %add3A_384 = arith.addf %scan3A_324, %get3A_383 : vector<16xf32>
        %add3A_385 = arith.constant 1 : i32
        %add3A_386 = arith.addi %add3A_330, %add3A_385 : i32
        %get3A_387 = arith.constant 0 : i32
        %get3A_388 = arith.constant 0 : i32
        %get3A_389 = tpu.memref_slice %arg6[%scan3A_246, %get3A_387, %get3A_388] : memref<2x800x64xf32, #tpu.memory_space<vmem>> -> memref<1x800x64xf32, #tpu.memory_space<vmem>>
        %get3A_390 = tpu.memref_squeeze %get3A_389 : memref<1x800x64xf32, #tpu.memory_space<vmem>> -> memref<800x64xf32, #tpu.memory_space<vmem>>
        %get3A_391 = arith.index_cast %add3A_386 : i32 to index
        %get3A_392 = arith.constant 16 : index
        %get3A_393 = tpu.vector_load %get3A_390[%get3A_391, %get3A_392] {strides = array<i32>} : memref<800x64xf32, #tpu.memory_space<vmem>>, vector<1x16xf32>,
        %get3A_394 = vector.shape_cast %get3A_393 : vector<1x16xf32> to vector<16xf32>
        %add3A_395 = arith.addf %scan3A_325, %get3A_394 : vector<16xf32>
        %add3A_396 = arith.constant 1 : i32
        %add3A_397 = arith.addi %add3A_330, %add3A_396 : i32
        %get3A_398 = arith.constant 0 : i32
        %get3A_399 = arith.constant 0 : i32
        %get3A_400 = tpu.memref_slice %arg6[%scan3A_246, %get3A_398, %get3A_399] : memref<2x800x64xf32, #tpu.memory_space<vmem>> -> memref<1x800x64xf32, #tpu.memory_space<vmem>>
        %get3A_401 = tpu.memref_squeeze %get3A_400 : memref<1x800x64xf32, #tpu.memory_space<vmem>> -> memref<800x64xf32, #tpu.memory_space<vmem>>
        %get3A_402 = arith.index_cast %add3A_397 : i32 to index
        %get3A_403 = arith.constant 32 : index
        %get3A_404 = tpu.vector_load %get3A_401[%get3A_402, %get3A_403] {strides = array<i32>} : memref<800x64xf32, #tpu.memory_space<vmem>>, vector<1x16xf32>,
        %get3A_405 = vector.shape_cast %get3A_404 : vector<1x16xf32> to vector<16xf32>
        %add3A_406 = arith.addf %scan3A_326, %get3A_405 : vector<16xf32>
        %add3A_407 = arith.constant 1 : i32
        %add3A_408 = arith.addi %add3A_330, %add3A_407 : i32
        %get3A_409 = arith.constant 0 : i32
        %get3A_410 = arith.constant 0 : i32
        %get3A_411 = tpu.memref_slice %arg6[%scan3A_246, %get3A_409, %get3A_410] : memref<2x800x64xf32, #tpu.memory_space<vmem>> -> memref<1x800x64xf32, #tpu.memory_space<vmem>>
        %get3A_412 = tpu.memref_squeeze %get3A_411 : memref<1x800x64xf32, #tpu.memory_space<vmem>> -> memref<800x64xf32, #tpu.memory_space<vmem>>
        %get3A_413 = arith.index_cast %add3A_408 : i32 to index
        %get3A_414 = arith.constant 48 : index
        %get3A_415 = tpu.vector_load %get3A_412[%get3A_413, %get3A_414] {strides = array<i32>} : memref<800x64xf32, #tpu.memory_space<vmem>>, vector<1x16xf32>,
        %get3A_416 = vector.shape_cast %get3A_415 : vector<1x16xf32> to vector<16xf32>
        %add3A_417 = arith.addf %scan3A_327, %get3A_416 : vector<16xf32>
        %add3A_418 = arith.constant 2 : i32
        %add3A_419 = arith.addi %add3A_330, %add3A_418 : i32
        %get3A_420 = arith.constant 0 : i32
        %get3A_421 = arith.constant 0 : i32
        %get3A_422 = tpu.memref_slice %arg6[%scan3A_246, %get3A_420, %get3A_421] : memref<2x800x64xf32, #tpu.memory_space<vmem>> -> memref<1x800x64xf32, #tpu.memory_space<vmem>>
        %get3A_423 = tpu.memref_squeeze %get3A_422 : memref<1x800x64xf32, #tpu.memory_space<vmem>> -> memref<800x64xf32, #tpu.memory_space<vmem>>
        %get3A_424 = arith.index_cast %add3A_419 : i32 to index
        %get3A_425 = arith.constant 0 : index
        %get3A_426 = tpu.vector_load %get3A_423[%get3A_424, %get3A_425] {strides = array<i32>} : memref<800x64xf32, #tpu.memory_space<vmem>>, vector<1x16xf32>,
        %get3A_427 = vector.shape_cast %get3A_426 : vector<1x16xf32> to vector<16xf32>
        %add3A_428 = arith.addf %add3A_340, %get3A_427 : vector<16xf32>
        %add3A_429 = arith.constant 2 : i32
        %add3A_430 = arith.addi %add3A_330, %add3A_429 : i32
        %get3A_431 = arith.constant 0 : i32
        %get3A_432 = arith.constant 0 : i32
        %get3A_433 = tpu.memref_slice %arg6[%scan3A_246, %get3A_431, %get3A_432] : memref<2x800x64xf32, #tpu.memory_space<vmem>> -> memref<1x800x64xf32, #tpu.memory_space<vmem>>
        %get3A_434 = tpu.memref_squeeze %get3A_433 : memref<1x800x64xf32, #tpu.memory_space<vmem>> -> memref<800x64xf32, #tpu.memory_space<vmem>>
        %get3A_435 = arith.index_cast %add3A_430 : i32 to index
        %get3A_436 = arith.constant 16 : index
        %get3A_437 = tpu.vector_load %get3A_434[%get3A_435, %get3A_436] {strides = array<i32>} : memref<800x64xf32, #tpu.memory_space<vmem>>, vector<1x16xf32>,
        %get3A_438 = vector.shape_cast %get3A_437 : vector<1x16xf32> to vector<16xf32>
        %add3A_439 = arith.addf %add3A_351, %get3A_438 : vector<16xf32>
        %add3A_440 = arith.constant 2 : i32
        %add3A_441 = arith.addi %add3A_330, %add3A_440 : i32
        %get3A_442 = arith.constant 0 : i32
        %get3A_443 = arith.constant 0 : i32
        %get3A_444 = tpu.memref_slice %arg6[%scan3A_246, %get3A_442, %get3A_443] : memref<2x800x64xf32, #tpu.memory_space<vmem>> -> memref<1x800x64xf32, #tpu.memory_space<vmem>>
        %get3A_445 = tpu.memref_squeeze %get3A_444 : memref<1x800x64xf32, #tpu.memory_space<vmem>> -> memref<800x64xf32, #tpu.memory_space<vmem>>
        %get3A_446 = arith.index_cast %add3A_441 : i32 to index
        %get3A_447 = arith.constant 32 : index
        %get3A_448 = tpu.vector_load %get3A_445[%get3A_446, %get3A_447] {strides = array<i32>} : memref<800x64xf32, #tpu.memory_space<vmem>>, vector<1x16xf32>,
        %get3A_449 = vector.shape_cast %get3A_448 : vector<1x16xf32> to vector<16xf32>
        %add3A_450 = arith.addf %add3A_362, %get3A_449 : vector<16xf32>
        %add3A_451 = arith.constant 2 : i32
        %add3A_452 = arith.addi %add3A_330, %add3A_451 : i32
        %get3A_453 = arith.constant 0 : i32
        %get3A_454 = arith.constant 0 : i32
        %get3A_455 = tpu.memref_slice %arg6[%scan3A_246, %get3A_453, %get3A_454] : memref<2x800x64xf32, #tpu.memory_space<vmem>> -> memref<1x800x64xf32, #tpu.memory_space<vmem>>
        %get3A_456 = tpu.memref_squeeze %get3A_455 : memref<1x800x64xf32, #tpu.memory_space<vmem>> -> memref<800x64xf32, #tpu.memory_space<vmem>>
        %get3A_457 = arith.index_cast %add3A_452 : i32 to index
        %get3A_458 = arith.constant 48 : index
        %get3A_459 = tpu.vector_load %get3A_456[%get3A_457, %get3A_458] {strides = array<i32>} : memref<800x64xf32, #tpu.memory_space<vmem>>, vector<1x16xf32>,
        %get3A_460 = vector.shape_cast %get3A_459 : vector<1x16xf32> to vector<16xf32>
        %add3A_461 = arith.addf %add3A_373, %get3A_460 : vector<16xf32>
        %add3A_462 = arith.constant 3 : i32
        %add3A_463 = arith.addi %add3A_330, %add3A_462 : i32
        %get3A_464 = arith.constant 0 : i32
        %get3A_465 = arith.constant 0 : i32
        %get3A_466 = tpu.memref_slice %arg6[%scan3A_246, %get3A_464, %get3A_465] : memref<2x800x64xf32, #tpu.memory_space<vmem>> -> memref<1x800x64xf32, #tpu.memory_space<vmem>>
        %get3A_467 = tpu.memref_squeeze %get3A_466 : memref<1x800x64xf32, #tpu.memory_space<vmem>> -> memref<800x64xf32, #tpu.memory_space<vmem>>
        %get3A_468 = arith.index_cast %add3A_463 : i32 to index
        %get3A_469 = arith.constant 0 : index
        %get3A_470 = tpu.vector_load %get3A_467[%get3A_468, %get3A_469] {strides = array<i32>} : memref<800x64xf32, #tpu.memory_space<vmem>>, vector<1x16xf32>,
        %get3A_471 = vector.shape_cast %get3A_470 : vector<1x16xf32> to vector<16xf32>
        %add3A_472 = arith.addf %add3A_384, %get3A_471 : vector<16xf32>
        %add3A_473 = arith.constant 3 : i32
        %add3A_474 = arith.addi %add3A_330, %add3A_473 : i32
        %get3A_475 = arith.constant 0 : i32
        %get3A_476 = arith.constant 0 : i32
        %get3A_477 = tpu.memref_slice %arg6[%scan3A_246, %get3A_475, %get3A_476] : memref<2x800x64xf32, #tpu.memory_space<vmem>> -> memref<1x800x64xf32, #tpu.memory_space<vmem>>
        %get3A_478 = tpu.memref_squeeze %get3A_477 : memref<1x800x64xf32, #tpu.memory_space<vmem>> -> memref<800x64xf32, #tpu.memory_space<vmem>>
        %get3A_479 = arith.index_cast %add3A_474 : i32 to index
        %get3A_480 = arith.constant 16 : index
        %get3A_481 = tpu.vector_load %get3A_478[%get3A_479, %get3A_480] {strides = array<i32>} : memref<800x64xf32, #tpu.memory_space<vmem>>, vector<1x16xf32>,
        %get3A_482 = vector.shape_cast %get3A_481 : vector<1x16xf32> to vector<16xf32>
        %add3A_483 = arith.addf %add3A_395, %get3A_482 : vector<16xf32>
        %add3A_484 = arith.constant 3 : i32
        %add3A_485 = arith.addi %add3A_330, %add3A_484 : i32
        %get3A_486 = arith.constant 0 : i32
        %get3A_487 = arith.constant 0 : i32
        %get3A_488 = tpu.memref_slice %arg6[%scan3A_246, %get3A_486, %get3A_487] : memref<2x800x64xf32, #tpu.memory_space<vmem>> -> memref<1x800x64xf32, #tpu.memory_space<vmem>>
        %get3A_489 = tpu.memref_squeeze %get3A_488 : memref<1x800x64xf32, #tpu.memory_space<vmem>> -> memref<800x64xf32, #tpu.memory_space<vmem>>
        %get3A_490 = arith.index_cast %add3A_485 : i32 to index
        %get3A_491 = arith.constant 32 : index
        %get3A_492 = tpu.vector_load %get3A_489[%get3A_490, %get3A_491] {strides = array<i32>} : memref<800x64xf32, #tpu.memory_space<vmem>>, vector<1x16xf32>,
        %get3A_493 = vector.shape_cast %get3A_492 : vector<1x16xf32> to vector<16xf32>
        %add3A_494 = arith.addf %add3A_406, %get3A_493 : vector<16xf32>
        %add3A_495 = arith.constant 3 : i32
        %add3A_496 = arith.addi %add3A_330, %add3A_495 : i32
        %get3A_497 = arith.constant 0 : i32
        %get3A_498 = arith.constant 0 : i32
        %get3A_499 = tpu.memref_slice %arg6[%scan3A_246, %get3A_497, %get3A_498] : memref<2x800x64xf32, #tpu.memory_space<vmem>> -> memref<1x800x64xf32, #tpu.memory_space<vmem>>
        %get3A_500 = tpu.memref_squeeze %get3A_499 : memref<1x800x64xf32, #tpu.memory_space<vmem>> -> memref<800x64xf32, #tpu.memory_space<vmem>>
        %get3A_501 = arith.index_cast %add3A_496 : i32 to index
        %get3A_502 = arith.constant 48 : index
        %get3A_503 = tpu.vector_load %get3A_500[%get3A_501, %get3A_502] {strides = array<i32>} : memref<800x64xf32, #tpu.memory_space<vmem>>, vector<1x16xf32>,
        %get3A_504 = vector.shape_cast %get3A_503 : vector<1x16xf32> to vector<16xf32>
        %add3A_505 = arith.addf %add3A_417, %get3A_504 : vector<16xf32>
        %add3A_506 = arith.constant 4 : i32
        %add3A_507 = arith.addi %add3A_330, %add3A_506 : i32
        %get3A_508 = arith.constant 0 : i32
        %get3A_509 = arith.constant 0 : i32
        %get3A_510 = tpu.memref_slice %arg6[%scan3A_246, %get3A_508, %get3A_509] : memref<2x800x64xf32, #tpu.memory_space<vmem>> -> memref<1x800x64xf32, #tpu.memory_space<vmem>>
        %get3A_511 = tpu.memref_squeeze %get3A_510 : memref<1x800x64xf32, #tpu.memory_space<vmem>> -> memref<800x64xf32, #tpu.memory_space<vmem>>
        %get3A_512 = arith.index_cast %add3A_507 : i32 to index
        %get3A_513 = arith.constant 0 : index
        %get3A_514 = tpu.vector_load %get3A_511[%get3A_512, %get3A_513] {strides = array<i32>} : memref<800x64xf32, #tpu.memory_space<vmem>>, vector<1x16xf32>,
        %get3A_515 = vector.shape_cast %get3A_514 : vector<1x16xf32> to vector<16xf32>
        %add3A_516 = arith.addf %add3A_428, %get3A_515 : vector<16xf32>
        %add3A_517 = arith.constant 4 : i32
        %add3A_518 = arith.addi %add3A_330, %add3A_517 : i32
        %get3A_519 = arith.constant 0 : i32
        %get3A_520 = arith.constant 0 : i32
        %get3A_521 = tpu.memref_slice %arg6[%scan3A_246, %get3A_519, %get3A_520] : memref<2x800x64xf32, #tpu.memory_space<vmem>> -> memref<1x800x64xf32, #tpu.memory_space<vmem>>
        %get3A_522 = tpu.memref_squeeze %get3A_521 : memref<1x800x64xf32, #tpu.memory_space<vmem>> -> memref<800x64xf32, #tpu.memory_space<vmem>>
        %get3A_523 = arith.index_cast %add3A_518 : i32 to index
        %get3A_524 = arith.constant 16 : index
        %get3A_525 = tpu.vector_load %get3A_522[%get3A_523, %get3A_524] {strides = array<i32>} : memref<800x64xf32, #tpu.memory_space<vmem>>, vector<1x16xf32>,
        %get3A_526 = vector.shape_cast %get3A_525 : vector<1x16xf32> to vector<16xf32>
        %add3A_527 = arith.addf %add3A_439, %get3A_526 : vector<16xf32>
        %add3A_528 = arith.constant 4 : i32
        %add3A_529 = arith.addi %add3A_330, %add3A_528 : i32
        %get3A_530 = arith.constant 0 : i32
        %get3A_531 = arith.constant 0 : i32
        %get3A_532 = tpu.memref_slice %arg6[%scan3A_246, %get3A_530, %get3A_531] : memref<2x800x64xf32, #tpu.memory_space<vmem>> -> memref<1x800x64xf32, #tpu.memory_space<vmem>>
        %get3A_533 = tpu.memref_squeeze %get3A_532 : memref<1x800x64xf32, #tpu.memory_space<vmem>> -> memref<800x64xf32, #tpu.memory_space<vmem>>
        %get3A_534 = arith.index_cast %add3A_529 : i32 to index
        %get3A_535 = arith.constant 32 : index
        %get3A_536 = tpu.vector_load %get3A_533[%get3A_534, %get3A_535] {strides = array<i32>} : memref<800x64xf32, #tpu.memory_space<vmem>>, vector<1x16xf32>,
        %get3A_537 = vector.shape_cast %get3A_536 : vector<1x16xf32> to vector<16xf32>
        %add3A_538 = arith.addf %add3A_450, %get3A_537 : vector<16xf32>
        %add3A_539 = arith.constant 4 : i32
        %add3A_540 = arith.addi %add3A_330, %add3A_539 : i32
        %get3A_541 = arith.constant 0 : i32
        %get3A_542 = arith.constant 0 : i32
        %get3A_543 = tpu.memref_slice %arg6[%scan3A_246, %get3A_541, %get3A_542] : memref<2x800x64xf32, #tpu.memory_space<vmem>> -> memref<1x800x64xf32, #tpu.memory_space<vmem>>
        %get3A_544 = tpu.memref_squeeze %get3A_543 : memref<1x800x64xf32, #tpu.memory_space<vmem>> -> memref<800x64xf32, #tpu.memory_space<vmem>>
        %get3A_545 = arith.index_cast %add3A_540 : i32 to index
        %get3A_546 = arith.constant 48 : index
        %get3A_547 = tpu.vector_load %get3A_544[%get3A_545, %get3A_546] {strides = array<i32>} : memref<800x64xf32, #tpu.memory_space<vmem>>, vector<1x16xf32>,
        %get3A_548 = vector.shape_cast %get3A_547 : vector<1x16xf32> to vector<16xf32>
        %add3A_549 = arith.addf %add3A_461, %get3A_548 : vector<16xf32>
        %add3A_550 = arith.constant 5 : i32
        %add3A_551 = arith.addi %add3A_330, %add3A_550 : i32
        %get3A_552 = arith.constant 0 : i32
        %get3A_553 = arith.constant 0 : i32
        %get3A_554 = tpu.memref_slice %arg6[%scan3A_246, %get3A_552, %get3A_553] : memref<2x800x64xf32, #tpu.memory_space<vmem>> -> memref<1x800x64xf32, #tpu.memory_space<vmem>>
        %get3A_555 = tpu.memref_squeeze %get3A_554 : memref<1x800x64xf32, #tpu.memory_space<vmem>> -> memref<800x64xf32, #tpu.memory_space<vmem>>
        %get3A_556 = arith.index_cast %add3A_551 : i32 to index
        %get3A_557 = arith.constant 0 : index
        %get3A_558 = tpu.vector_load %get3A_555[%get3A_556, %get3A_557] {strides = array<i32>} : memref<800x64xf32, #tpu.memory_space<vmem>>, vector<1x16xf32>,
        %get3A_559 = vector.shape_cast %get3A_558 : vector<1x16xf32> to vector<16xf32>
        %add3A_560 = arith.addf %add3A_472, %get3A_559 : vector<16xf32>
        %add3A_561 = arith.constant 5 : i32
        %add3A_562 = arith.addi %add3A_330, %add3A_561 : i32
        %get3A_563 = arith.constant 0 : i32
        %get3A_564 = arith.constant 0 : i32
        %get3A_565 = tpu.memref_slice %arg6[%scan3A_246, %get3A_563, %get3A_564] : memref<2x800x64xf32, #tpu.memory_space<vmem>> -> memref<1x800x64xf32, #tpu.memory_space<vmem>>
        %get3A_566 = tpu.memref_squeeze %get3A_565 : memref<1x800x64xf32, #tpu.memory_space<vmem>> -> memref<800x64xf32, #tpu.memory_space<vmem>>
        %get3A_567 = arith.index_cast %add3A_562 : i32 to index
        %get3A_568 = arith.constant 16 : index
        %get3A_569 = tpu.vector_load %get3A_566[%get3A_567, %get3A_568] {strides = array<i32>} : memref<800x64xf32, #tpu.memory_space<vmem>>, vector<1x16xf32>,
        %get3A_570 = vector.shape_cast %get3A_569 : vector<1x16xf32> to vector<16xf32>
        %add3A_571 = arith.addf %add3A_483, %get3A_570 : vector<16xf32>
        %add3A_572 = arith.constant 5 : i32
        %add3A_573 = arith.addi %add3A_330, %add3A_572 : i32
        %get3A_574 = arith.constant 0 : i32
        %get3A_575 = arith.constant 0 : i32
        %get3A_576 = tpu.memref_slice %arg6[%scan3A_246, %get3A_574, %get3A_575] : memref<2x800x64xf32, #tpu.memory_space<vmem>> -> memref<1x800x64xf32, #tpu.memory_space<vmem>>
        %get3A_577 = tpu.memref_squeeze %get3A_576 : memref<1x800x64xf32, #tpu.memory_space<vmem>> -> memref<800x64xf32, #tpu.memory_space<vmem>>
        %get3A_578 = arith.index_cast %add3A_573 : i32 to index
        %get3A_579 = arith.constant 32 : index
        %get3A_580 = tpu.vector_load %get3A_577[%get3A_578, %get3A_579] {strides = array<i32>} : memref<800x64xf32, #tpu.memory_space<vmem>>, vector<1x16xf32>,
        %get3A_581 = vector.shape_cast %get3A_580 : vector<1x16xf32> to vector<16xf32>
        %add3A_582 = arith.addf %add3A_494, %get3A_581 : vector<16xf32>
        %add3A_583 = arith.constant 5 : i32
        %add3A_584 = arith.addi %add3A_330, %add3A_583 : i32
        %get3A_585 = arith.constant 0 : i32
        %get3A_586 = arith.constant 0 : i32
        %get3A_587 = tpu.memref_slice %arg6[%scan3A_246, %get3A_585, %get3A_586] : memref<2x800x64xf32, #tpu.memory_space<vmem>> -> memref<1x800x64xf32, #tpu.memory_space<vmem>>
        %get3A_588 = tpu.memref_squeeze %get3A_587 : memref<1x800x64xf32, #tpu.memory_space<vmem>> -> memref<800x64xf32, #tpu.memory_space<vmem>>
        %get3A_589 = arith.index_cast %add3A_584 : i32 to index
        %get3A_590 = arith.constant 48 : index
        %get3A_591 = tpu.vector_load %get3A_588[%get3A_589, %get3A_590] {strides = array<i32>} : memref<800x64xf32, #tpu.memory_space<vmem>>, vector<1x16xf32>,
        %get3A_592 = vector.shape_cast %get3A_591 : vector<1x16xf32> to vector<16xf32>
        %add3A_593 = arith.addf %add3A_505, %get3A_592 : vector<16xf32>
        %add3A_594 = arith.constant 6 : i32
        %add3A_595 = arith.addi %add3A_330, %add3A_594 : i32
        %get3A_596 = arith.constant 0 : i32
        %get3A_597 = arith.constant 0 : i32
        %get3A_598 = tpu.memref_slice %arg6[%scan3A_246, %get3A_596, %get3A_597] : memref<2x800x64xf32, #tpu.memory_space<vmem>> -> memref<1x800x64xf32, #tpu.memory_space<vmem>>
        %get3A_599 = tpu.memref_squeeze %get3A_598 : memref<1x800x64xf32, #tpu.memory_space<vmem>> -> memref<800x64xf32, #tpu.memory_space<vmem>>
        %get3A_600 = arith.index_cast %add3A_595 : i32 to index
        %get3A_601 = arith.constant 0 : index
        %get3A_602 = tpu.vector_load %get3A_599[%get3A_600, %get3A_601] {strides = array<i32>} : memref<800x64xf32, #tpu.memory_space<vmem>>, vector<1x16xf32>,
        %get3A_603 = vector.shape_cast %get3A_602 : vector<1x16xf32> to vector<16xf32>
        %add3A_604 = arith.addf %add3A_516, %get3A_603 : vector<16xf32>
        %add3A_605 = arith.constant 6 : i32
        %add3A_606 = arith.addi %add3A_330, %add3A_605 : i32
        %get3A_607 = arith.constant 0 : i32
        %get3A_608 = arith.constant 0 : i32
        %get3A_609 = tpu.memref_slice %arg6[%scan3A_246, %get3A_607, %get3A_608] : memref<2x800x64xf32, #tpu.memory_space<vmem>> -> memref<1x800x64xf32, #tpu.memory_space<vmem>>
        %get3A_610 = tpu.memref_squeeze %get3A_609 : memref<1x800x64xf32, #tpu.memory_space<vmem>> -> memref<800x64xf32, #tpu.memory_space<vmem>>
        %get3A_611 = arith.index_cast %add3A_606 : i32 to index
        %get3A_612 = arith.constant 16 : index
        %get3A_613 = tpu.vector_load %get3A_610[%get3A_611, %get3A_612] {strides = array<i32>} : memref<800x64xf32, #tpu.memory_space<vmem>>, vector<1x16xf32>,
        %get3A_614 = vector.shape_cast %get3A_613 : vector<1x16xf32> to vector<16xf32>
        %add3A_615 = arith.addf %add3A_527, %get3A_614 : vector<16xf32>
        %add3A_616 = arith.constant 6 : i32
        %add3A_617 = arith.addi %add3A_330, %add3A_616 : i32
        %get3A_618 = arith.constant 0 : i32
        %get3A_619 = arith.constant 0 : i32
        %get3A_620 = tpu.memref_slice %arg6[%scan3A_246, %get3A_618, %get3A_619] : memref<2x800x64xf32, #tpu.memory_space<vmem>> -> memref<1x800x64xf32, #tpu.memory_space<vmem>>
        %get3A_621 = tpu.memref_squeeze %get3A_620 : memref<1x800x64xf32, #tpu.memory_space<vmem>> -> memref<800x64xf32, #tpu.memory_space<vmem>>
        %get3A_622 = arith.index_cast %add3A_617 : i32 to index
        %get3A_623 = arith.constant 32 : index
        %get3A_624 = tpu.vector_load %get3A_621[%get3A_622, %get3A_623] {strides = array<i32>} : memref<800x64xf32, #tpu.memory_space<vmem>>, vector<1x16xf32>,
        %get3A_625 = vector.shape_cast %get3A_624 : vector<1x16xf32> to vector<16xf32>
        %add3A_626 = arith.addf %add3A_538, %get3A_625 : vector<16xf32>
        %add3A_627 = arith.constant 6 : i32
        %add3A_628 = arith.addi %add3A_330, %add3A_627 : i32
        %get3A_629 = arith.constant 0 : i32
        %get3A_630 = arith.constant 0 : i32
        %get3A_631 = tpu.memref_slice %arg6[%scan3A_246, %get3A_629, %get3A_630] : memref<2x800x64xf32, #tpu.memory_space<vmem>> -> memref<1x800x64xf32, #tpu.memory_space<vmem>>
        %get3A_632 = tpu.memref_squeeze %get3A_631 : memref<1x800x64xf32, #tpu.memory_space<vmem>> -> memref<800x64xf32, #tpu.memory_space<vmem>>
        %get3A_633 = arith.index_cast %add3A_628 : i32 to index
        %get3A_634 = arith.constant 48 : index
        %get3A_635 = tpu.vector_load %get3A_632[%get3A_633, %get3A_634] {strides = array<i32>} : memref<800x64xf32, #tpu.memory_space<vmem>>, vector<1x16xf32>,
        %get3A_636 = vector.shape_cast %get3A_635 : vector<1x16xf32> to vector<16xf32>
        %add3A_637 = arith.addf %add3A_549, %get3A_636 : vector<16xf32>
        %add3A_638 = arith.constant 7 : i32
        %add3A_639 = arith.addi %add3A_330, %add3A_638 : i32
        %get3A_640 = arith.constant 0 : i32
        %get3A_641 = arith.constant 0 : i32
        %get3A_642 = tpu.memref_slice %arg6[%scan3A_246, %get3A_640, %get3A_641] : memref<2x800x64xf32, #tpu.memory_space<vmem>> -> memref<1x800x64xf32, #tpu.memory_space<vmem>>
        %get3A_643 = tpu.memref_squeeze %get3A_642 : memref<1x800x64xf32, #tpu.memory_space<vmem>> -> memref<800x64xf32, #tpu.memory_space<vmem>>
        %get3A_644 = arith.index_cast %add3A_639 : i32 to index
        %get3A_645 = arith.constant 0 : index
        %get3A_646 = tpu.vector_load %get3A_643[%get3A_644, %get3A_645] {strides = array<i32>} : memref<800x64xf32, #tpu.memory_space<vmem>>, vector<1x16xf32>,
        %get3A_647 = vector.shape_cast %get3A_646 : vector<1x16xf32> to vector<16xf32>
        %add3A_648 = arith.addf %add3A_560, %get3A_647 : vector<16xf32>
        %add3A_649 = arith.constant 7 : i32
        %add3A_650 = arith.addi %add3A_330, %add3A_649 : i32
        %get3A_651 = arith.constant 0 : i32
        %get3A_652 = arith.constant 0 : i32
        %get3A_653 = tpu.memref_slice %arg6[%scan3A_246, %get3A_651, %get3A_652] : memref<2x800x64xf32, #tpu.memory_space<vmem>> -> memref<1x800x64xf32, #tpu.memory_space<vmem>>
        %get3A_654 = tpu.memref_squeeze %get3A_653 : memref<1x800x64xf32, #tpu.memory_space<vmem>> -> memref<800x64xf32, #tpu.memory_space<vmem>>
        %get3A_655 = arith.index_cast %add3A_650 : i32 to index
        %get3A_656 = arith.constant 16 : index
        %get3A_657 = tpu.vector_load %get3A_654[%get3A_655, %get3A_656] {strides = array<i32>} : memref<800x64xf32, #tpu.memory_space<vmem>>, vector<1x16xf32>,
        %get3A_658 = vector.shape_cast %get3A_657 : vector<1x16xf32> to vector<16xf32>
        %add3A_659 = arith.addf %add3A_571, %get3A_658 : vector<16xf32>
        %add3A_660 = arith.constant 7 : i32
        %add3A_661 = arith.addi %add3A_330, %add3A_660 : i32
        %get3A_662 = arith.constant 0 : i32
        %get3A_663 = arith.constant 0 : i32
        %get3A_664 = tpu.memref_slice %arg6[%scan3A_246, %get3A_662, %get3A_663] : memref<2x800x64xf32, #tpu.memory_space<vmem>> -> memref<1x800x64xf32, #tpu.memory_space<vmem>>
        %get3A_665 = tpu.memref_squeeze %get3A_664 : memref<1x800x64xf32, #tpu.memory_space<vmem>> -> memref<800x64xf32, #tpu.memory_space<vmem>>
        %get3A_666 = arith.index_cast %add3A_661 : i32 to index
        %get3A_667 = arith.constant 32 : index
        %get3A_668 = tpu.vector_load %get3A_665[%get3A_666, %get3A_667] {strides = array<i32>} : memref<800x64xf32, #tpu.memory_space<vmem>>, vector<1x16xf32>,
        %get3A_669 = vector.shape_cast %get3A_668 : vector<1x16xf32> to vector<16xf32>
        %add3A_670 = arith.addf %add3A_582, %get3A_669 : vector<16xf32>
        %add3A_671 = arith.constant 7 : i32
        %add3A_672 = arith.addi %add3A_330, %add3A_671 : i32
        %get3A_673 = arith.constant 0 : i32
        %get3A_674 = arith.constant 0 : i32
        %get3A_675 = tpu.memref_slice %arg6[%scan3A_246, %get3A_673, %get3A_674] : memref<2x800x64xf32, #tpu.memory_space<vmem>> -> memref<1x800x64xf32, #tpu.memory_space<vmem>>
        %get3A_676 = tpu.memref_squeeze %get3A_675 : memref<1x800x64xf32, #tpu.memory_space<vmem>> -> memref<800x64xf32, #tpu.memory_space<vmem>>
        %get3A_677 = arith.index_cast %add3A_672 : i32 to index
        %get3A_678 = arith.constant 48 : index
        %get3A_679 = tpu.vector_load %get3A_676[%get3A_677, %get3A_678] {strides = array<i32>} : memref<800x64xf32, #tpu.memory_space<vmem>>, vector<1x16xf32>,
        %get3A_680 = vector.shape_cast %get3A_679 : vector<1x16xf32> to vector<16xf32>
        %add3A_681 = arith.addf %add3A_593, %get3A_680 : vector<16xf32>
        %add3A_682 = arith.constant 8 : i32
        %add3A_683 = arith.addi %add3A_330, %add3A_682 : i32
        %get3A_684 = arith.constant 0 : i32
        %get3A_685 = arith.constant 0 : i32
        %get3A_686 = tpu.memref_slice %arg6[%scan3A_246, %get3A_684, %get3A_685] : memref<2x800x64xf32, #tpu.memory_space<vmem>> -> memref<1x800x64xf32, #tpu.memory_space<vmem>>
        %get3A_687 = tpu.memref_squeeze %get3A_686 : memref<1x800x64xf32, #tpu.memory_space<vmem>> -> memref<800x64xf32, #tpu.memory_space<vmem>>
        %get3A_688 = arith.index_cast %add3A_683 : i32 to index
        %get3A_689 = arith.constant 0 : index
        %get3A_690 = tpu.vector_load %get3A_687[%get3A_688, %get3A_689] {strides = array<i32>} : memref<800x64xf32, #tpu.memory_space<vmem>>, vector<1x16xf32>,
        %get3A_691 = vector.shape_cast %get3A_690 : vector<1x16xf32> to vector<16xf32>
        %add3A_692 = arith.addf %add3A_604, %get3A_691 : vector<16xf32>
        %add3A_693 = arith.constant 8 : i32
        %add3A_694 = arith.addi %add3A_330, %add3A_693 : i32
        %get3A_695 = arith.constant 0 : i32
        %get3A_696 = arith.constant 0 : i32
        %get3A_697 = tpu.memref_slice %arg6[%scan3A_246, %get3A_695, %get3A_696] : memref<2x800x64xf32, #tpu.memory_space<vmem>> -> memref<1x800x64xf32, #tpu.memory_space<vmem>>
        %get3A_698 = tpu.memref_squeeze %get3A_697 : memref<1x800x64xf32, #tpu.memory_space<vmem>> -> memref<800x64xf32, #tpu.memory_space<vmem>>
        %get3A_699 = arith.index_cast %add3A_694 : i32 to index
        %get3A_700 = arith.constant 16 : index
        %get3A_701 = tpu.vector_load %get3A_698[%get3A_699, %get3A_700] {strides = array<i32>} : memref<800x64xf32, #tpu.memory_space<vmem>>, vector<1x16xf32>,
        %get3A_702 = vector.shape_cast %get3A_701 : vector<1x16xf32> to vector<16xf32>
        %add3A_703 = arith.addf %add3A_615, %get3A_702 : vector<16xf32>
        %add3A_704 = arith.constant 8 : i32
        %add3A_705 = arith.addi %add3A_330, %add3A_704 : i32
        %get3A_706 = arith.constant 0 : i32
        %get3A_707 = arith.constant 0 : i32
        %get3A_708 = tpu.memref_slice %arg6[%scan3A_246, %get3A_706, %get3A_707] : memref<2x800x64xf32, #tpu.memory_space<vmem>> -> memref<1x800x64xf32, #tpu.memory_space<vmem>>
        %get3A_709 = tpu.memref_squeeze %get3A_708 : memref<1x800x64xf32, #tpu.memory_space<vmem>> -> memref<800x64xf32, #tpu.memory_space<vmem>>
        %get3A_710 = arith.index_cast %add3A_705 : i32 to index
        %get3A_711 = arith.constant 32 : index
        %get3A_712 = tpu.vector_load %get3A_709[%get3A_710, %get3A_711] {strides = array<i32>} : memref<800x64xf32, #tpu.memory_space<vmem>>, vector<1x16xf32>,
        %get3A_713 = vector.shape_cast %get3A_712 : vector<1x16xf32> to vector<16xf32>
        %add3A_714 = arith.addf %add3A_626, %get3A_713 : vector<16xf32>
        %add3A_715 = arith.constant 8 : i32
        %add3A_716 = arith.addi %add3A_330, %add3A_715 : i32
        %get3A_717 = arith.constant 0 : i32
        %get3A_718 = arith.constant 0 : i32
        %get3A_719 = tpu.memref_slice %arg6[%scan3A_246, %get3A_717, %get3A_718] : memref<2x800x64xf32, #tpu.memory_space<vmem>> -> memref<1x800x64xf32, #tpu.memory_space<vmem>>
        %get3A_720 = tpu.memref_squeeze %get3A_719 : memref<1x800x64xf32, #tpu.memory_space<vmem>> -> memref<800x64xf32, #tpu.memory_space<vmem>>
        %get3A_721 = arith.index_cast %add3A_716 : i32 to index
        %get3A_722 = arith.constant 48 : index
        %get3A_723 = tpu.vector_load %get3A_720[%get3A_721, %get3A_722] {strides = array<i32>} : memref<800x64xf32, #tpu.memory_space<vmem>>, vector<1x16xf32>,
        %get3A_724 = vector.shape_cast %get3A_723 : vector<1x16xf32> to vector<16xf32>
        %add3A_725 = arith.addf %add3A_637, %get3A_724 : vector<16xf32>
        %add3A_726 = arith.constant 9 : i32
        %add3A_727 = arith.addi %add3A_330, %add3A_726 : i32
        %get3A_728 = arith.constant 0 : i32
        %get3A_729 = arith.constant 0 : i32
        %get3A_730 = tpu.memref_slice %arg6[%scan3A_246, %get3A_728, %get3A_729] : memref<2x800x64xf32, #tpu.memory_space<vmem>> -> memref<1x800x64xf32, #tpu.memory_space<vmem>>
        %get3A_731 = tpu.memref_squeeze %get3A_730 : memref<1x800x64xf32, #tpu.memory_space<vmem>> -> memref<800x64xf32, #tpu.memory_space<vmem>>
        %get3A_732 = arith.index_cast %add3A_727 : i32 to index
        %get3A_733 = arith.constant 0 : index
        %get3A_734 = tpu.vector_load %get3A_731[%get3A_732, %get3A_733] {strides = array<i32>} : memref<800x64xf32, #tpu.memory_space<vmem>>, vector<1x16xf32>,
        %get3A_735 = vector.shape_cast %get3A_734 : vector<1x16xf32> to vector<16xf32>
        %add3A_736 = arith.addf %add3A_648, %get3A_735 : vector<16xf32>
        %add3A_737 = arith.constant 9 : i32
        %add3A_738 = arith.addi %add3A_330, %add3A_737 : i32
        %get3A_739 = arith.constant 0 : i32
        %get3A_740 = arith.constant 0 : i32
        %get3A_741 = tpu.memref_slice %arg6[%scan3A_246, %get3A_739, %get3A_740] : memref<2x800x64xf32, #tpu.memory_space<vmem>> -> memref<1x800x64xf32, #tpu.memory_space<vmem>>
        %get3A_742 = tpu.memref_squeeze %get3A_741 : memref<1x800x64xf32, #tpu.memory_space<vmem>> -> memref<800x64xf32, #tpu.memory_space<vmem>>
        %get3A_743 = arith.index_cast %add3A_738 : i32 to index
        %get3A_744 = arith.constant 16 : index
        %get3A_745 = tpu.vector_load %get3A_742[%get3A_743, %get3A_744] {strides = array<i32>} : memref<800x64xf32, #tpu.memory_space<vmem>>, vector<1x16xf32>,
        %get3A_746 = vector.shape_cast %get3A_745 : vector<1x16xf32> to vector<16xf32>
        %add3A_747 = arith.addf %add3A_659, %get3A_746 : vector<16xf32>
        %add3A_748 = arith.constant 9 : i32
        %add3A_749 = arith.addi %add3A_330, %add3A_748 : i32
        %get3A_750 = arith.constant 0 : i32
        %get3A_751 = arith.constant 0 : i32
        %get3A_752 = tpu.memref_slice %arg6[%scan3A_246, %get3A_750, %get3A_751] : memref<2x800x64xf32, #tpu.memory_space<vmem>> -> memref<1x800x64xf32, #tpu.memory_space<vmem>>
        %get3A_753 = tpu.memref_squeeze %get3A_752 : memref<1x800x64xf32, #tpu.memory_space<vmem>> -> memref<800x64xf32, #tpu.memory_space<vmem>>
        %get3A_754 = arith.index_cast %add3A_749 : i32 to index
        %get3A_755 = arith.constant 32 : index
        %get3A_756 = tpu.vector_load %get3A_753[%get3A_754, %get3A_755] {strides = array<i32>} : memref<800x64xf32, #tpu.memory_space<vmem>>, vector<1x16xf32>,
        %get3A_757 = vector.shape_cast %get3A_756 : vector<1x16xf32> to vector<16xf32>
        %add3A_758 = arith.addf %add3A_670, %get3A_757 : vector<16xf32>
        %add3A_759 = arith.constant 9 : i32
        %add3A_760 = arith.addi %add3A_330, %add3A_759 : i32
        %get3A_761 = arith.constant 0 : i32
        %get3A_762 = arith.constant 0 : i32
        %get3A_763 = tpu.memref_slice %arg6[%scan3A_246, %get3A_761, %get3A_762] : memref<2x800x64xf32, #tpu.memory_space<vmem>> -> memref<1x800x64xf32, #tpu.memory_space<vmem>>
        %get3A_764 = tpu.memref_squeeze %get3A_763 : memref<1x800x64xf32, #tpu.memory_space<vmem>> -> memref<800x64xf32, #tpu.memory_space<vmem>>
        %get3A_765 = arith.index_cast %add3A_760 : i32 to index
        %get3A_766 = arith.constant 48 : index
        %get3A_767 = tpu.vector_load %get3A_764[%get3A_765, %get3A_766] {strides = array<i32>} : memref<800x64xf32, #tpu.memory_space<vmem>>, vector<1x16xf32>,
        %get3A_768 = vector.shape_cast %get3A_767 : vector<1x16xf32> to vector<16xf32>
        %add3A_769 = arith.addf %add3A_681, %get3A_768 : vector<16xf32>
        scf.yield %add3A_692, %add3A_703, %add3A_714, %add3A_725, %add3A_736, %add3A_747, %add3A_758, %add3A_769 : vector<16xf32>, vector<16xf32>, vector<16xf32>, vector<16xf32>, vector<16xf32>, vector<16xf32>, vector<16xf32>, vector<16xf32>
      }
      %scan3A_280 = arith.constant 5 : i32
      %add3A_281 = arith.constant 112 : i32
      %add3A_282 = arith.addi %add3A_281, %scan3A_256 : i32
      %add3A_283 = arith.addf %scan3A_279#0, %scan3A_279#4 : vector<16xf32>
      %mul3A_284 = arith.constant 2.000000e-02 : f32
      %mul3A_285 = vector.broadcast %mul3A_284 : f32 to vector<16xf32>
      %mul3A_286 = arith.mulf %add3A_283, %mul3A_285 : vector<16xf32>
      %swap3A = arith.index_cast %add3A_282 : i32 to index
      %swap3A_287 = arith.constant 0 : index
      %swap3A_288 = tpu.vector_load %arg7[%swap3A, %swap3A_287] {strides = array<i32>} : memref<128x64xf32, #tpu.memory_space<vmem>>, vector<1x16xf32>,
      %swap3A_289 = vector.shape_cast %swap3A_288 : vector<1x16xf32> to vector<16xf32>
      %swap3A_290 = vector.shape_cast %mul3A_286 : vector<16xf32> to vector<1x16xf32>
      tpu.vector_store %arg7[%swap3A, %swap3A_287], %swap3A_290 {strides = array<i32>} : memref<128x64xf32, #tpu.memory_space<vmem>>, vector<1x16xf32>,
      %add3A_291 = arith.addf %scan3A_279#1, %scan3A_279#5 : vector<16xf32>
      %mul3A_292 = arith.constant 2.000000e-02 : f32
      %mul3A_293 = vector.broadcast %mul3A_292 : f32 to vector<16xf32>
      %mul3A_294 = arith.mulf %add3A_291, %mul3A_293 : vector<16xf32>
      %swap3A_295 = arith.index_cast %add3A_282 : i32 to index
      %swap3A_296 = arith.constant 16 : index
      %swap3A_297 = tpu.vector_load %arg7[%swap3A_295, %swap3A_296] {strides = array<i32>} : memref<128x64xf32, #tpu.memory_space<vmem>>, vector<1x16xf32>,
      %swap3A_298 = vector.shape_cast %swap3A_297 : vector<1x16xf32> to vector<16xf32>
      %swap3A_299 = vector.shape_cast %mul3A_294 : vector<16xf32> to vector<1x16xf32>
      tpu.vector_store %arg7[%swap3A_295, %swap3A_296], %swap3A_299 {strides = array<i32>} : memref<128x64xf32, #tpu.memory_space<vmem>>, vector<1x16xf32>,
      %add3A_300 = arith.addf %scan3A_279#2, %scan3A_279#6 : vector<16xf32>
      %mul3A_301 = arith.constant 2.000000e-02 : f32
      %mul3A_302 = vector.broadcast %mul3A_301 : f32 to vector<16xf32>
      %mul3A_303 = arith.mulf %add3A_300, %mul3A_302 : vector<16xf32>
      %swap3A_304 = arith.index_cast %add3A_282 : i32 to index
      %swap3A_305 = arith.constant 32 : index
      %swap3A_306 = tpu.vector_load %arg7[%swap3A_304, %swap3A_305] {strides = array<i32>} : memref<128x64xf32, #tpu.memory_space<vmem>>, vector<1x16xf32>,
      %swap3A_307 = vector.shape_cast %swap3A_306 : vector<1x16xf32> to vector<16xf32>
      %swap3A_308 = vector.shape_cast %mul3A_303 : vector<16xf32> to vector<1x16xf32>
      tpu.vector_store %arg7[%swap3A_304, %swap3A_305], %swap3A_308 {strides = array<i32>} : memref<128x64xf32, #tpu.memory_space<vmem>>, vector<1x16xf32>,
      %add3A_309 = arith.addf %scan3A_279#3, %scan3A_279#7 : vector<16xf32>
      %mul3A_310 = arith.constant 2.000000e-02 : f32
      %mul3A_311 = vector.broadcast %mul3A_310 : f32 to vector<16xf32>
      %mul3A_312 = arith.mulf %add3A_309, %mul3A_311 : vector<16xf32>
      %swap3A_313 = arith.index_cast %add3A_282 : i32 to index
      %swap3A_314 = arith.constant 48 : index
      %swap3A_315 = tpu.vector_load %arg7[%swap3A_313, %swap3A_314] {strides = array<i32>} : memref<128x64xf32, #tpu.memory_space<vmem>>, vector<1x16xf32>,
      %swap3A_316 = vector.shape_cast %swap3A_315 : vector<1x16xf32> to vector<16xf32>
      %swap3A_317 = vector.shape_cast %mul3A_312 : vector<16xf32> to vector<1x16xf32>
      tpu.vector_store %arg7[%swap3A_313, %swap3A_314], %swap3A_317 {strides = array<i32>} : memref<128x64xf32, #tpu.memory_space<vmem>>, vector<1x16xf32>,
      %scan3A_318 = arith.constant 0 : i32
      scf.yield %scan3A_318 : i32
    }
    %scan3A_253 = arith.constant 16 : i32
    %mul3A_254 = arith.constant 128 : i32
    %mul3A_255 = arith.muli %add3A, %mul3A_254 : i32
    "tpu.region"() ({
      %run_scoped3A = tpu.sem_alloc : memref<!tpu.dma_semaphore, #tpu.memory_space<semaphore_mem>>
      %dma_start3A_256 = arith.constant 0 : i32
      %dma_start3A_257 = tpu.memref_slice %arg4[%mul3A_255, %dma_start3A_256] : memref<4096x64xf32, #tpu.memory_space<hbm>> -> memref<128x64xf32, #tpu.memory_space<hbm>>
      %dma_start3A_258 = arith.constant 0 : i32
      %dma_start3A_259 = tpu.memref_slice %arg4[%mul3A_255, %dma_start3A_258] : memref<4096x64xf32, #tpu.memory_space<hbm>> -> memref<128x64xf32, #tpu.memory_space<hbm>>
      tpu.enqueue_dma source(%arg7 : memref<128x64xf32, #tpu.memory_space<vmem>>) target(%dma_start3A_259 : memref<128x64xf32, #tpu.memory_space<hbm>>) target_semaphore(%run_scoped3A : memref<!tpu.dma_semaphore, #tpu.memory_space<semaphore_mem>>)
      %dma_wait3A_260 = arith.constant 0 : i32
      %dma_wait3A_261 = tpu.memref_slice %arg4[%mul3A_255, %dma_wait3A_260] : memref<4096x64xf32, #tpu.memory_space<hbm>> -> memref<128x64xf32, #tpu.memory_space<hbm>>
      %dma_wait3A_262 = arith.constant 0 : i32
      %dma_wait3A_263 = tpu.memref_slice %arg4[%mul3A_255, %dma_wait3A_262] : memref<4096x64xf32, #tpu.memory_space<hbm>> -> memref<128x64xf32, #tpu.memory_space<hbm>>
      tpu.wait_dma2 semaphore(%run_scoped3A : memref<!tpu.dma_semaphore, #tpu.memory_space<semaphore_mem>>) src(%arg7 : memref<128x64xf32, #tpu.memory_space<vmem>>) dst(%dma_wait3A_263 : memref<128x64xf32, #tpu.memory_space<hbm>>)
      tpu.yield
    }) : () -> ()
    return
  }
}

</mosaic_0001>

<sc_bundles>
// kernel: kernel.3.cloned.1.call-start
scs
__scs_entry_jumppad:
0x0: {  	(pc) =	sbr.rel $0x88, $3  }
0x1: {  	(tag) =	ssettag $0x0;
	lr =	simm.s32 $0x1  }
0x2: {  	[smem:$0x3F9F] =	sst lr;
	_ =	strace $0xD0000000  }
0x3: {  	_ = 	snop  }
0x4: {  	_ = 	snop  }
0x5: {  	_ = 	snop  }
0x6: {  	_ = 	snop  }
0x7: {  	_ = 	snop  }
__scs_overlays_trampoline_lowered:
0x8: {  	[smem:$0x3FAE] =	sst s0  }
0x9: {  	[smem:$0x3FAF] =	sst s1  }
0xa: {  	[smem:$0x3FB0] =	sst s2  }
0xb: {  	[smem:$0x3FB1] =	sst s3  }
0xc: {  	[smem:$0x3FB2] =	sst s4  }
0xd: {  	[smem:$0x3FB3] =	sst s5  }
0xe: {  	[smem:$0x3FB4] =	sst s6  }
0xf: {  	[smem:$0x3FB5] =	sst s7  }
0x10: {  	[smem:$0x3FB6] =	sst s8  }
0x11: {  	[smem:$0x3FB7] =	sst s9;
	s0 =	simm.s32 @!p0 $0x0  }
0x12: {  	s1 =	sld [smem:$0x3F9D];
	s0 =	simm.s32 @p0 $0x1  }
0x13: {  	[smem:$0x3FB8] =	sst s0;
	s0 =	simm.s32 @!p1 $0x0  }
0x14: {  	s2 =	sld [smem:$0x3F9C];
	s0 =	simm.s32 @p1 $0x1  }
0x15: {  	[smem:$0x3FB9] =	sst s0;
	s0 =	simm.s32 @!p2 $0x0  }
0x16: {  	s3 =	sld [smem:$0x3FDB];
	s0 =	simm.s32 @p2 $0x1  }
0x17: {  	s4 =	simm.s32 $0x1BF5;
	[smem:$0x3FBB] =	sst s0  }
0x18: {  	s0 =	sld [smem:$0x3F9E];
	_ =	swait.ge [sflag:s4], $0x0  }
0x19: {  	s7 =	sld [smem:$0x3F9F]  }
0x1a: {  	s8 =	sadd.s32 $0xFFFFE003, lr  }
0x1b: {  	s9 =	sadd.s32 $0xFFFFFEF7, lr;
	s5 =	simm.s32 $0xFFFFFFFF;
	p2 =	slt.u32 s8, $0xFFFFF086  }
0x1c: {  	p1 =	slt.u32 s9, $0xF7A;
	s5 =	simm.s32 @!p2 $0x0  }
0x1d: {  	s5 =	simm.s32 @p1 $0x1;
	p0 =	seq.s32 s7, s2  }
0x1e: {  	s7 =	smul.u32 @!p0 $0xF7A, s2;
	p2 =	seq.s32 @!p0 s5, $0x0  }
0x1f: {  	s9 =	smul.u32 $0xF7A, s1;
	s8 =	simm.s32 @!p0 $0x1BF5;
	p2 =	por !p2, p0  }
0x20: {  	[sflag:s8] =	ssyncset.s32 @!p0 $0xFFFFF086;
	s6 =	sadd.s32 @!p0 s3, s7;
	s7 =	simm.s32 @!p0 $0x108  }
0x21: {  	s3 =	sadd.s32 s3, s9;
	s6 =	sadd.s32 @!p0 $0x88, s6;
	s7 =	simm.s32 @p2 $0x1082  }
0x22: {  	[simem:s7], [sflag:s8] =	dma.local @!p0 [hbm:s6], $0xF7A  }
0x23: {  	s9 =	sor.u32 $0xD0000000, s2;
	s6 =	simm.s32 $0x108;
	_ =	swait.ge @!p0 [sflag:s8], $0x0  }
0x24: {  	s3 =	sadd.s32 $0x88, s3;
	s6 =	simm.s32 @!p1 $0x1082;
	[sflag:s4] =	ssyncset.s32 $0xFFFFF086  }
0x25: {  	[simem:s6], [sflag:s4] =	dma.local [hbm:s3], $0xF7A  }
0x26: {  	[smem:$0x3F9F] =	sst s1;
	(tag) =	ssettag s2;
	_ =	strace s9  }
0x27: {  	s1 =	sld [smem:$0x3FAF]  }
0x28: {  	s2 =	sld [smem:$0x3FB0]  }
0x29: {  	s4 =	sld [smem:$0x3FB2]  }
0x2a: {  	p0 =	seq.s32 s5, $0x0;
	s5 =	sld [smem:$0x3FB3]  }
0x2b: {  	s6 =	sld [smem:$0x3FB4]  }
0x2c: {  	s7 =	sld [smem:$0x3FB5]  }
0x2d: {  	s3 =	simm.s32 $0x108;
	s8 =	sld [smem:$0x3FB6]  }
0x2e: {  	s3 =	simm.s32 @!p0 $0x1082;
	s9 =	sld [smem:$0x3FB7]  }
0x2f: {  	lr =	sadd.s32 s0, s3;
	s0 =	sld [smem:$0x3FAE]  }
0x30: {  	s3 =	sld [smem:$0x3FB1]  }
0x31: {  	[smem:$0x3FBA] =	sst s10  }
0x32: {  	s10 =	sld [smem:$0x3FB8];
	_ =	sdelay $0x3  }
0x33: {  	p0 =	seq.s32 s10, $0x1;
	s10 =	sld [smem:$0x3FBA];
	_ =	sdelay $0x3  }
0x34: {  	[smem:$0x3FBA] =	sst s10  }
0x35: {  	s10 =	sld [smem:$0x3FB9];
	_ =	sdelay $0x3  }
0x36: {  	p1 =	seq.s32 s10, $0x1;
	s10 =	sld [smem:$0x3FBA];
	_ =	sdelay $0x3  }
0x37: {  	[smem:$0x3FBA] =	sst s10  }
0x38: {  	s10 =	sld [smem:$0x3FBB]  }
0x39: {  	_ = 	snop;
	(pc) =	sbr.ind lr, $3  }
0x3a: {  	_ = 	snop  }
0x3b: {  	_ = 	snop  }
0x3c: {  	p2 =	seq.s32 s10, $0x1;
	s10 =	sld [smem:$0x3FBA]  }
0x3d: {  	_ =	shalt  }
0x3e: {  	_ =	shalt  }
0x3f: {  	_ =	shalt  }
0x40: {  	_ =	shalt  }
0x41: {  	_ =	shalt  }
0x42: {  	_ =	shalt  }
0x43: {  	_ =	shalt  }
0x44: {  	_ =	shalt  }
0x45: {  	_ =	shalt  }
0x46: {  	_ =	shalt  }
0x47: {  	_ =	shalt  }
0x48: {  	_ =	shalt  }
0x49: {  	_ =	shalt  }
0x4a: {  	_ =	shalt  }
0x4b: {  	_ =	shalt  }
0x4c: {  	_ =	shalt  }
0x4d: {  	_ =	shalt  }
0x4e: {  	_ =	shalt  }
0x4f: {  	_ =	shalt  }
0x50: {  	_ =	shalt  }
0x51: {  	_ =	shalt  }
0x52: {  	_ =	shalt  }
0x53: {  	_ =	shalt  }
0x54: {  	_ =	shalt  }
0x55: {  	_ =	shalt  }
0x56: {  	_ =	shalt  }
0x57: {  	_ =	shalt  }
0x58: {  	_ =	shalt  }
0x59: {  	_ =	shalt  }
0x5a: {  	_ =	shalt  }
0x5b: {  	_ =	shalt  }
0x5c: {  	_ =	shalt  }
0x5d: {  	_ =	shalt  }
0x5e: {  	_ =	shalt  }
0x5f: {  	_ =	shalt  }
0x60: {  	_ =	shalt  }
0x61: {  	_ =	shalt  }
0x62: {  	_ =	shalt  }
0x63: {  	_ =	shalt  }
0x64: {  	_ =	shalt  }
0x65: {  	_ =	shalt  }
0x66: {  	_ =	shalt  }
0x67: {  	_ =	shalt  }
0x68: {  	_ =	shalt  }
0x69: {  	_ =	shalt  }
0x6a: {  	_ =	shalt  }
0x6b: {  	_ =	shalt  }
0x6c: {  	_ =	shalt  }
0x6d: {  	_ =	shalt  }
0x6e: {  	_ =	shalt  }
0x6f: {  	_ =	shalt  }
0x70: {  	_ =	shalt  }
0x71: {  	_ =	shalt  }
0x72: {  	_ =	shalt  }
0x73: {  	_ =	shalt  }
0x74: {  	_ =	shalt  }
0x75: {  	_ =	shalt  }
0x76: {  	_ =	shalt  }
0x77: {  	_ =	shalt  }
0x78: {  	_ =	shalt  }
0x79: {  	_ =	shalt  }
0x7a: {  	_ =	shalt  }
0x7b: {  	_ =	shalt  }
0x7c: {  	_ =	shalt  }
0x7d: {  	_ =	shalt  }
0x7e: {  	_ =	shalt  }
0x7f: {  	_ =	shalt  }
0x80: {  	_ =	shalt  }
0x81: {  	_ =	shalt  }
0x82: {  	_ =	shalt  }
0x83: {  	_ =	shalt  }
0x84: {  	_ =	shalt  }
0x85: {  	_ =	shalt  }
0x86: {  	_ =	shalt  }
0x87: {  	_ =	shalt  }
.Lfunc_end0:
.L_simem_size_0:
called_computation_lowered:
.L_overlay_start_0:
0x88: {  	s2 =	sld [smem:$0x3FD9]  }
0x89: {  	s3 =	sld [smem:$0x3FFE];
	_ =	sdelay $0x1  }
0x8a: {  	s1 =	srdreg.scid  }
0x8b: {  	s0 =	sand.u32 $0x1, s1  }
0x8c: {  	s17 =	sshll.u32 s0, $0xA;
	s2 =	sadd.s32 s3, s2  }
0x8d: {  	s2 =	sadd.s32 s2, s17  }
0x8e: {  	[smem:$0x3FC6] =	sst s2  }
0x8f: {  	_ = 	snop  }
0x90: {  	s2 =	sld [smem:$0x3FD0];
	(tm) =	ssettm $0x1  }
0x91: {  	s18 =	sld [smem:$0x3FFB];
	_ =	sdelay $0x3  }
0x92: {  	_ =	strace s18  }
0x93: {  	s3 =	sld [smem:$0x3FFC];
	_ =	sdelay $0x3  }
0x94: {  	_ =	strace s3  }
0x95: {  	s3 =	sld [smem:$0x3FFD];
	_ =	sdelay $0x3  }
0x96: {  	_ =	strace s3  }
0x97: {  	_ =	strace $0x8FFFFFFF  }
0x98: {  	s19 =	sld [smem:$0x3FDB];
	_ =	sdelay $0x1  }
0x99: {  	s4 =	simm.s32 $_scs_section_size  }
0x9a: {  	s5 =	simm.s32 $_size__tile_overlayer_lowered;
	s6 =	simm.s32 $_tile_overlayer_lowered  }
0x9b: {  	s22 =	simm.s32 $0x1BFF;
	s21 =	sshll.u32 s6, $0x1;
	s3 =	sadd.s32 s4, s19  }
0x9c: {  	s7 =	simm.s32 $0x0;
	s20 =	sshll.u32 s5, $0x1;
	s5 =	sadd.s32 s21, s3  }
0x9d: {  	[timem:s7], [sflag:s22] =	dma.local [hbm:s5], s20  }
0x9e: {  	_ =	swait.ge [sflag:s22], s20  }
0x9f: {  	s4 =	ssub.s32 $0x0, s20;
	[sflag:s22] =	ssyncset.done $0x0  }
0xa0: {  	[sflag:s22] =	ssyncadd.s32 s4;
	_ =	sdelay $0x1  }
0xa1: {  	s23 =	simm.s32 $0x1B8B  }
0xa2: {  	_ =	swait.ge [sflag:s23], $0x1  }
0xa3: {  	[sflag:s23] =	ssyncset.done $0x0  }
0xa4: {  	s25 =	simm.s32 $0x1B8E;
	s24 =	sld [smem:$0x3FFE];
	[sflag:s23] =	ssyncadd.s32 $0xFFFFFFFF  }
0xa5: {  	s26 =	simm.s32 $execute0_lowered;
	[smem:$0x3FD2] =	sst s25  }
0xa6: {  	s5 =	sshll.u32 s26, $0x1;
	_ =	strace $0x80000046;
	[dreg:$0x1] =	wrdreg $0xFFFFFFFF  }
0xa7: {  	s28 =	simm.s32 $_size_execute0_lowered;
	s3 =	sadd.s32 s3, s5;
	[dreg:$0x0] =	wrdreg $0x0  }
0xa8: {  	s5 =	sshll.u32 s28, $0x1;
	[dreg:$0x2] =	wrdreg s3  }
0xa9: {  	[dreg:$0x3] =	wrdreg s5  }
0xaa: {  	[dreg:$0x4] =	wrdreg $0xC0  }
0xab: {  	_ =	task [dreg:s7], $0x5FFFF  }
0xac: {  	[dreg:$0x1] =	wrdreg $0xFFFFFFFF  }
0xad: {  	[dreg:$0x0] =	wrdreg $0x60  }
0xae: {  	[dreg:$0x2] =	wrdreg s24  }
0xaf: {  	[dreg:$0x3] =	wrdreg s2  }
0xb0: {  	[dreg:$0x4] =	wrdreg $0x9  }
0xb1: {  	_ =	task.clear_ibuf [dreg:s7], $0x5FFFF;
	_ =	strace $0x90000046  }
0xb2: {  	s29 =	simm.s32 $0x9;
	_ =	strace $0x80000048  }
0xb3: {  	_ =	swait.ge [sflag:s29], $0x1  }
0xb4: {  	[sflag:s29] =	ssyncadd.s32 $0xFFFFFFFF  }
0xb5: {  	_ =	strace $0x90000048  }
0xb6: {  	_ =	sfence  }
0xb7: {  	s30 =	sld [smem:$0x0];
	_ =	sdelay $0x2  }
0xb8: {  	s31 =	sshll.u32 s1, $0xD;
	s1 =	sshrl.u32 s1, $0x2  }
0xb9: {  	s3 =	sand.u32 $0x4000, s31;
	s1 =	sadd.s32 s1, s30  }
0xba: {  	s0 =	sor.u32 s3, s0;
	s1 =	sshll.u32 s1, $0x11  }
0xbb: {  	s0 =	sor.u32 s1, s0  }
0xbc: {  	s0 =	sadd.s32 $0x8F2B, s0  }
0xbd: {  	[sflag:s0] =	ssyncadd.remote.s32 $0x1  }
0xbe: {  	_ =	sfence.sel $0xFFFF  }
0xbf: {  	[dreg:$0x0] =	wrdreg $0xFFFFFFFF;
	(pc) =	sbr.abs _section_cstart, $3  }
0xc0: {  	[dreg:$0x1] =	wrdreg $0xFFFFFFFF  }
0xc1: {  	_ =	task.clear_ibuf [dreg:s7], $0x2FFFF;
	_ =	strace $0x9FFFFFFF  }
0xc2: {  	(tm) =	ssettm $0x7FFFFFFF  }
0xc3: {  	_ =	shalt  }
tec
execute0_lowered:
.L_overlay_start_1:
0x0: {  	(tag) =	ssettag $0x1  }
0x1: {  	s1 =	srdreg.scid;
	s3 =	rddreg [dreg:$0x0]  }
0x2: {  	s0 =	stileid.u32;
	s5 =	rddreg [dreg:$0x1];
	s2 =	simm.s32 $0x0  }
0x3: {  	s9 =	simm.s32 $0x1900;
	s10 =	simm.s32 $0xE100;
	s11 =	simm.s32 $0x1  }
0x4: {  	s12 =	simm.s32 $0x640;
	s13 =	simm.s32 $0x2;
	s14 =	simm.s32 $0x960  }
0x5: {  	s15 =	simm.s32 $0xC80;
	s16 =	simm.s32 $0xFA0;
	s17 =	simm.s32 $0x12C0  }
0x6: {  	s18 =	simm.s32 $0x15E0;
	s19 =	simm.s32 $0x1A900;
	s20 =	simm.s32 $0x0  }
0x7: {  	s4 =	sand.u32 $0x1, s1;
	s31 =	sshll.u32 s0, $0x1;
	s1 =	rddreg [dreg:$0x2]  }
0x8: {  	[smem:$0x7FF] =	sst s2;
	s6 =	sor.u32 s4, s31;
	s4 =	ssub.s32 $0x2, s4  }
0x9: {  	s7 =	smul.u32 $0x320, s6;
	s8 =	sshrl.u32 s4, $0x1;
	s6 =	sshll.u32 s6, $0xA  }
0xa: {  	_ =	strace $0x80000047;
	s8 =	ssub.s32 s4, s8;
	s5 =	sadd.s32 s5, s6  }
0xb: {  	s7 =	sadd.s32 s7, s3;
	s3 =	sadd.s32 $0x187000, s3;
	s6 =	smax.u32 s8, $0x1  }
0xc: {  	s8 =	simm.s32 $0x320;
	s4 =	sadd.s32 $0x600, s7;
	s7 =	simm.s32 $0x3  }
.LBB2_1:
0xd: {  	[tilespmem:s2], [sflag:$0x3] =	stream.linear.gather [hbm4b:s4+s2], $0x1900, $0x38;
	[tilespmem:$0x1C900] =	vst v63  }
0xe: {  	_ =	swait.ge [sflag:s7], $0x1900  }
0xf: {  	[sflag:s7] =	ssyncset.done $0x0  }
0x10: {  	[sflag:s7] =	ssyncadd.s32 $0xFFFFE700  }
0x11: {  	[tilespmem:s9], [sflag:$0x1] =	stream.indirect.gather [hbm4b:s3+s8], $0x40, s2, s8, $0xb8;
	[tilespmem:$0x1C900] =	vst v63  }
0x12: {  	_ = 	snop  }
0x13: {  	[tilespmem:s10], [sflag:$0x2] =	stream.indirect.gather [hbm4b:s3+s8], $0x40, s8, s8, $0xb8;
	[tilespmem:$0x1C900] =	vst v63  }
0x14: {  	_ =	swait.ge [sflag:s11], $0xC800  }
0x15: {  	[sflag:s11] =	ssyncset.done $0x0  }
0x16: {  	s21 =	simm.s32 $0x1A40;
	s22 =	simm.s32 $0x0;
	[sflag:s11] =	ssyncadd.s32 $0xFFFF3800  }
.LBB2_2:
0x17: {  	v0 =	vmov s21;
	_ =	sdelay $0x3  }
0x18: {  	s23 =	simm.s32 $0x0  }
0x19: {  	v5 =	vld.idx.msk [tilespmem:v0+s23+$0xC0 ss:$0x1], $0xffff  }
0x1a: {  	v6 =	vld.idx.msk [tilespmem:v0+s23+$0xD0 ss:$0x1], $0xffff  }
0x1b: {  	v7 =	vld.idx.msk [tilespmem:v0+s23+$0xE0 ss:$0x1], $0xffff  }
0x1c: {  	v8 =	vld.idx.msk [tilespmem:v0+s23+$0xF0 ss:$0x1], $0xffff  }
0x1d: {  	v1 =	vld.idx.msk [tilespmem:v0+s23+$0x100 ss:$0x1], $0xffff  }
0x1e: {  	v2 =	vld.idx.msk [tilespmem:v0+s23+$0x110 ss:$0x1], $0xffff  }
0x1f: {  	v13 =	vld.idx.msk [tilespmem:v0+s23+$0x40 ss:$0x1], $0xffff  }
0x20: {  	v16 =	vld.idx.msk [tilespmem:v0+s23+$0x50 ss:$0x1], $0xffff  }
0x21: {  	v10 =	vld.idx.msk [tilespmem:v0+s23+$0x60 ss:$0x1], $0xffff  }
0x22: {  	v14 =	vld.idx.msk [tilespmem:v0+s23+$0x70 ss:$0x1], $0xffff  }
0x23: {  	v3 =	vld.idx.msk [tilespmem:v0+s23+$0x80 ss:$0x1], $0xffff  }
0x24: {  	v4 =	vld.idx.msk [tilespmem:v0+s23+$0x90 ss:$0x1], $0xffff  }
0x25: {  	v11 =	vld.idx.msk [tilespmem:v0+s23+$0xFFFFFFC0 ss:$0x1], $0xffff  }
0x26: {  	v17 =	vld.idx.msk [tilespmem:v0+s23+$0xFFFFFFD0 ss:$0x1], $0xffff  }
0x27: {  	v21 =	vld.idx.msk [tilespmem:v0+s23+$0xFFFFFFE0 ss:$0x1], $0xffff  }
0x28: {  	v22 =	vld.idx.msk [tilespmem:v0+s23+$0xFFFFFFF0 ss:$0x1], $0xffff  }
0x29: {  	v18 =	vld.idx.msk [tilespmem:v0+s23+$0xFFFFFF40 ss:$0x1], $0xffff  }
0x2a: {  	v23 =	vld.idx.msk [tilespmem:v0+s23+$0xFFFFFF50 ss:$0x1], $0xffff  }
0x2b: {  	v19 =	vld.idx.msk [tilespmem:v0+s23+$0xFFFFFEC0 ss:$0x1], $0xffff  }
0x2c: {  	v20 =	vld.idx.msk [tilespmem:v0+s23+$0xFFFFFED0 ss:$0x1], $0xffff  }
0x2d: {  	v24 =	vld.idx.msk [tilespmem:v0+s23+$0xFFFFFEE0 ss:$0x1], $0xffff  }
0x2e: {  	v25 =	vld.idx.msk [tilespmem:v0+s23+$0xFFFFFEF0 ss:$0x1], $0xffff  }
0x2f: {  	v26 =	vld.idx.msk [tilespmem:v0+s23+$0xFFFFFF60 ss:$0x1], $0xffff  }
0x30: {  	v27 =	vld.idx.msk [tilespmem:v0+s23+$0xFFFFFF70 ss:$0x1], $0xffff  }
0x31: {  	v9 =	vimm.f32 $0.0e+00;
	v15 =	vld.idx.msk [tilespmem:v0+s23+$0x0 ss:$0x1], $0xffff  }
0x32: {  	v12 =	vld.idx.msk [tilespmem:v0+s23+$0x10 ss:$0x1], $0xffff;
	v28 =	vadd.f32 v19, v9;
	v29 =	vadd.f32 v20, v9  }
0x33: {  	v19 =	vld.idx.msk [tilespmem:v0+s23+$0xFFFFFF80 ss:$0x1], $0xffff;
	v24 =	vadd.f32 v24, v9;
	v25 =	vadd.f32 v25, v9  }
0x34: {  	v20 =	vld.idx.msk [tilespmem:v0+s23+$0xFFFFFF90 ss:$0x1], $0xffff;
	v18 =	vadd.f32 v18, v28;
	v29 =	vadd.f32 v23, v29  }
0x35: {  	v23 =	vld.idx.msk [tilespmem:v0+s23+$0xFFFFFF00 ss:$0x1], $0xffff;
	v26 =	vadd.f32 v26, v24;
	v27 =	vadd.f32 v27, v25  }
0x36: {  	v24 =	vld.idx.msk [tilespmem:v0+s23+$0xFFFFFF10 ss:$0x1], $0xffff;
	v28 =	vadd.f32 v11, v18;
	v29 =	vadd.f32 v17, v29  }
0x37: {  	s24 =	simm.s32 $0xA00;
	v25 =	vld.idx.msk [tilespmem:v0+s23+$0xFFFFFF20 ss:$0x1], $0xffff;
	v18 =	vimm.f32 $0.0e+00;
	v17 =	vimm.f32 $0.0e+00;
	v11 =	vimm.f32 $0.0e+00  }
.LBB2_3:
0x38: {  	p0 =	sne.s32 s24, $0x2800;
	v30 =	vld.idx.msk [tilespmem:v0+s23+$0xFFFFFF30 ss:$0x1], $0xffff;
	v21 =	vadd.f32 v21, v26;
	v22 =	vadd.f32 v22, v27  }
0x39: {  	v26 =	vld.idx.msk [tilespmem:v0+s23+$0xFFFFFFA0 ss:$0x1], $0xffff;
	v13 =	vadd.f32 v13, v28;
	v16 =	vadd.f32 v16, v29  }
0x3a: {  	v27 =	vld.idx.msk [tilespmem:v0+s23+$0xFFFFFFB0 ss:$0x1], $0xffff;
	v10 =	vadd.f32 v10, v21;
	v14 =	vadd.f32 v14, v22  }
0x3b: {  	v21 =	vld.idx.msk [tilespmem:v0+s23+$0x20 ss:$0x1], $0xffff;
	v28 =	vadd.f32 v5, v13;
	v29 =	vadd.f32 v6, v16  }
0x3c: {  	v13 =	vld.idx.msk [tilespmem:v0+s23+$0x30 ss:$0x1], $0xffff;
	v31 =	vadd.f32 v7, v10;
	v32 =	vadd.f32 v8, v14  }
0x3d: {  	v5 =	vadd.f32 v23, v9;
	v6 =	vadd.f32 v24, v18;
	v9 =	vld.idx.msk [tilespmem:v0+s23+$0xA0 ss:$0x1], $0xffff  }
0x3e: {  	v7 =	vadd.f32 v25, v17;
	v8 =	vadd.f32 v30, v11;
	v10 =	vld.idx.msk [tilespmem:v0+s23+$0xB0 ss:$0x1], $0xffff  }
0x3f: {  	v11 =	vadd.f32 v19, v5;
	v6 =	vadd.f32 v20, v6;
	v14 =	vld.idx.msk [tilespmem:v0+s23+$0x120 ss:$0x1], $0xffff  }
0x40: {  	v7 =	vadd.f32 v26, v7;
	v8 =	vadd.f32 v27, v8;
	v16 =	vld.idx.msk [tilespmem:v0+s23+$0x130 ss:$0x1], $0xffff;
	s23 =	sshra.s32 s24, $0x2  }
0x41: {  	v11 =	vadd.f32 v15, v11;
	v12 =	vadd.f32 v12, v6;
	v5 =	vld.idx.msk [tilespmem:v0+s23+$0xC0 ss:$0x1], $0xffff  }
0x42: {  	v15 =	vadd.f32 v21, v7;
	v13 =	vadd.f32 v13, v8;
	v6 =	vld.idx.msk [tilespmem:v0+s23+$0xD0 ss:$0x1], $0xffff  }
0x43: {  	v3 =	vadd.f32 v3, v11;
	v4 =	vadd.f32 v4, v12;
	v7 =	vld.idx.msk [tilespmem:v0+s23+$0xE0 ss:$0x1], $0xffff  }
0x44: {  	v11 =	vadd.f32 v9, v15;
	v10 =	vadd.f32 v10, v13;
	v8 =	vld.idx.msk [tilespmem:v0+s23+$0xF0 ss:$0x1], $0xffff  }
0x45: {  	v9 =	vadd.f32 v1, v3;
	v18 =	vadd.f32 v2, v4;
	v1 =	vld.idx.msk [tilespmem:v0+s23+$0x100 ss:$0x1], $0xffff  }
0x46: {  	v17 =	vadd.f32 v14, v11;
	v11 =	vadd.f32 v16, v10;
	v2 =	vld.idx.msk [tilespmem:v0+s23+$0x110 ss:$0x1], $0xffff  }
0x47: {  	v13 =	vld.idx.msk [tilespmem:v0+s23+$0x40 ss:$0x1], $0xffff  }
0x48: {  	v16 =	vld.idx.msk [tilespmem:v0+s23+$0x50 ss:$0x1], $0xffff  }
0x49: {  	v10 =	vld.idx.msk [tilespmem:v0+s23+$0x60 ss:$0x1], $0xffff  }
0x4a: {  	v14 =	vld.idx.msk [tilespmem:v0+s23+$0x70 ss:$0x1], $0xffff  }
0x4b: {  	v3 =	vld.idx.msk [tilespmem:v0+s23+$0x80 ss:$0x1], $0xffff  }
0x4c: {  	v4 =	vld.idx.msk [tilespmem:v0+s23+$0x90 ss:$0x1], $0xffff  }
0x4d: {  	v30 =	vld.idx.msk [tilespmem:v0+s23+$0xFFFFFFC0 ss:$0x1], $0xffff  }
0x4e: {  	v33 =	vld.idx.msk [tilespmem:v0+s23+$0xFFFFFFD0 ss:$0x1], $0xffff  }
0x4f: {  	v21 =	vld.idx.msk [tilespmem:v0+s23+$0xFFFFFFE0 ss:$0x1], $0xffff  }
0x50: {  	v22 =	vld.idx.msk [tilespmem:v0+s23+$0xFFFFFFF0 ss:$0x1], $0xffff  }
0x51: {  	v24 =	vld.idx.msk [tilespmem:v0+s23+$0xFFFFFF40 ss:$0x1], $0xffff  }
0x52: {  	v25 =	vld.idx.msk [tilespmem:v0+s23+$0xFFFFFF50 ss:$0x1], $0xffff  }
0x53: {  	v19 =	vld.idx.msk [tilespmem:v0+s23+$0xFFFFFEC0 ss:$0x1], $0xffff  }
0x54: {  	v20 =	vld.idx.msk [tilespmem:v0+s23+$0xFFFFFED0 ss:$0x1], $0xffff  }
0x55: {  	v23 =	vld.idx.msk [tilespmem:v0+s23+$0xFFFFFEE0 ss:$0x1], $0xffff  }
0x56: {  	v26 =	vld.idx.msk [tilespmem:v0+s23+$0xFFFFFEF0 ss:$0x1], $0xffff  }
0x57: {  	v27 =	vld.idx.msk [tilespmem:v0+s23+$0xFFFFFF60 ss:$0x1], $0xffff  }
0x58: {  	v34 =	vld.idx.msk [tilespmem:v0+s23+$0xFFFFFF70 ss:$0x1], $0xffff  }
0x59: {  	v15 =	vld.idx.msk [tilespmem:v0+s23+$0x0 ss:$0x1], $0xffff  }
0x5a: {  	v12 =	vld.idx.msk [tilespmem:v0+s23+$0x10 ss:$0x1], $0xffff  }
.Ltmp0:
0x5b: {  	v28 =	vadd.f32 v19, v28;
	v29 =	vadd.f32 v20, v29;
	v19 =	vld.idx.msk [tilespmem:v0+s23+$0xFFFFFF80 ss:$0x1], $0xffff;
	(pc) =	sbr.rel @p0 .LBB2_3-.Ltmp0, $4  }
0x5c: {  	v31 =	vadd.f32 v23, v31;
	v32 =	vadd.f32 v26, v32;
	v20 =	vld.idx.msk [tilespmem:v0+s23+$0xFFFFFF90 ss:$0x1], $0xffff  }
0x5d: {  	v28 =	vadd.f32 v24, v28;
	v29 =	vadd.f32 v25, v29;
	v23 =	vld.idx.msk [tilespmem:v0+s23+$0xFFFFFF00 ss:$0x1], $0xffff  }
0x5e: {  	v26 =	vadd.f32 v27, v31;
	v27 =	vadd.f32 v34, v32;
	v24 =	vld.idx.msk [tilespmem:v0+s23+$0xFFFFFF10 ss:$0x1], $0xffff  }
0x5f: {  	s24 =	sadd.s32 $0xA00, s24;
	v28 =	vadd.f32 v30, v28;
	v29 =	vadd.f32 v33, v29;
	v25 =	vld.idx.msk [tilespmem:v0+s23+$0xFFFFFF20 ss:$0x1], $0xffff  }
0x60: {  	_ =	sdelay $0x1  }
0x61: {  	v21 =	vadd.f32 v21, v26;
	v22 =	vadd.f32 v22, v27  }
0x62: {  	v13 =	vadd.f32 v13, v28;
	v16 =	vadd.f32 v16, v29  }
0x63: {  	v49 =	vld.idx.msk [tilespmem:v0+s23+$0xFFFFFF30 ss:$0x1], $0xffff;
	v10 =	vadd.f32 v10, v21;
	v14 =	vadd.f32 v14, v22  }
0x64: {  	v50 =	vld.idx.msk [tilespmem:v0+s23+$0xFFFFFFA0 ss:$0x1], $0xffff;
	v9 =	vadd.f32 v23, v9;
	v5 =	vadd.f32 v5, v13  }
0x65: {  	v51 =	vld.idx.msk [tilespmem:v0+s23+$0xFFFFFFB0 ss:$0x1], $0xffff;
	v6 =	vadd.f32 v6, v16;
	v53 =	vadd.f32 v24, v18  }
0x66: {  	v52 =	vld.idx.msk [tilespmem:v0+s23+$0x20 ss:$0x1], $0xffff;
	v7 =	vadd.f32 v7, v10;
	v8 =	vadd.f32 v8, v14  }
0x67: {  	v54 =	vld.idx.msk [tilespmem:v0+s23+$0x30 ss:$0x1], $0xffff;
	v17 =	vadd.f32 v25, v17;
	v9 =	vadd.f32 v19, v9  }
0x68: {  	v55 =	vld.idx.msk [tilespmem:v0+s23+$0xA0 ss:$0x1], $0xffff;
	v11 =	vadd.f32 v49, v11;
	v14 =	vadd.f32 v20, v53  }
0x69: {  	v56 =	vld.idx.msk [tilespmem:v0+s23+$0xB0 ss:$0x1], $0xffff;
	v17 =	vadd.f32 v50, v17;
	v9 =	vadd.f32 v15, v9  }
0x6a: {  	v57 =	vld.idx.msk [tilespmem:v0+s23+$0x120 ss:$0x1], $0xffff;
	v11 =	vadd.f32 v51, v11;
	v12 =	vadd.f32 v12, v14  }
0x6b: {  	v58 =	vld.idx.msk [tilespmem:v0+s23+$0x130 ss:$0x1], $0xffff;
	v10 =	vadd.f32 v52, v17;
	v3 =	vadd.f32 v3, v9  }
0x6c: {  	v59 =	vadd.f32 v54, v11;
	v4 =	vadd.f32 v4, v12  }
0x6d: {  	v10 =	vadd.f32 v55, v10;
	v1 =	vadd.f32 v1, v3  }
0x6e: {  	v60 =	vadd.f32 v56, v59;
	v2 =	vadd.f32 v2, v4  }
0x6f: {  	v61 =	vadd.f32 v57, v10;
	v1 =	vadd.f32 v1, v5  }
0x70: {  	s31 =	sshll.u32 s22, $0x6;
	s22 =	sadd.s32 $0x1, s22;
	v0 =	vadd.f32 v58, v60;
	v2 =	vadd.f32 v2, v6  }
0x71: {  	p0 =	sne.s32 s22, $0x10;
	v1 =	vmul.f32 $1.999999960e-02, v1;
	v62 =	vadd.f32 v61, v7  }
.Ltmp1:
0x72: {  	s23 =	sand.u32 $0x3FFFFFC0, s31;
	v2 =	vmul.f32 $1.999999960e-02, v2;
	v0 =	vadd.f32 v0, v8;
	(pc) =	sbr.rel @p0 .LBB2_2-.Ltmp1, $4  }
0x73: {  	[tilespmem:s23+$0x1A900] =	vst v1;
	v63 =	vmul.f32 $1.999999960e-02, v62  }
0x74: {  	[tilespmem:s23+$0x1A910] =	vst v2;
	v0 =	vmul.f32 $1.999999960e-02, v0  }
0x75: {  	[tilespmem:s23+$0x1A920] =	vst v63  }
0x76: {  	s21 =	sadd.s32 $0xC80, s21;
	[tilespmem:s23+$0x1A930] =	vst v0  }
0x77: {  	s21 =	simm.s32 $0x1900  }
0x78: {  	[tilespmem:s21], [sflag:$0x1] =	stream.indirect.gather [hbm4b:s3+s8], $0x40, s12, s8, $0xb8;
	[tilespmem:$0x1C900] =	vst v63  }
0x79: {  	_ =	swait.ge [sflag:s13], $0xC800  }
0x7a: {  	[sflag:s13] =	ssyncset.done $0x0  }
0x7b: {  	s22 =	simm.s32 $0x0;
	[sflag:s13] =	ssyncadd.s32 $0xFFFF3800  }
.LBB2_6:
0x7c: {  	v0 =	vmov s21;
	_ =	sdelay $0x3  }
0x7d: {  	s23 =	simm.s32 $0x0  }
0x7e: {  	v5 =	vld.idx.msk [tilespmem:v0+s23+$0xCA00 ss:$0x1], $0xffff  }
0x7f: {  	v6 =	vld.idx.msk [tilespmem:v0+s23+$0xCA10 ss:$0x1], $0xffff  }
0x80: {  	v7 =	vld.idx.msk [tilespmem:v0+s23+$0xCA20 ss:$0x1], $0xffff  }
0x81: {  	v8 =	vld.idx.msk [tilespmem:v0+s23+$0xCA30 ss:$0x1], $0xffff  }
0x82: {  	v1 =	vld.idx.msk [tilespmem:v0+s23+$0xCA40 ss:$0x1], $0xffff  }
0x83: {  	v2 =	vld.idx.msk [tilespmem:v0+s23+$0xCA50 ss:$0x1], $0xffff  }
0x84: {  	v13 =	vld.idx.msk [tilespmem:v0+s23+$0xC980 ss:$0x1], $0xffff  }
0x85: {  	v16 =	vld.idx.msk [tilespmem:v0+s23+$0xC990 ss:$0x1], $0xffff  }
0x86: {  	v10 =	vld.idx.msk [tilespmem:v0+s23+$0xC9A0 ss:$0x1], $0xffff  }
0x87: {  	v14 =	vld.idx.msk [tilespmem:v0+s23+$0xC9B0 ss:$0x1], $0xffff  }
0x88: {  	v3 =	vld.idx.msk [tilespmem:v0+s23+$0xC9C0 ss:$0x1], $0xffff  }
0x89: {  	v4 =	vld.idx.msk [tilespmem:v0+s23+$0xC9D0 ss:$0x1], $0xffff  }
0x8a: {  	v11 =	vld.idx.msk [tilespmem:v0+s23+$0xC900 ss:$0x1], $0xffff  }
0x8b: {  	v17 =	vld.idx.msk [tilespmem:v0+s23+$0xC910 ss:$0x1], $0xffff  }
0x8c: {  	v21 =	vld.idx.msk [tilespmem:v0+s23+$0xC920 ss:$0x1], $0xffff  }
0x8d: {  	v22 =	vld.idx.msk [tilespmem:v0+s23+$0xC930 ss:$0x1], $0xffff  }
0x8e: {  	v18 =	vld.idx.msk [tilespmem:v0+s23+$0xC880 ss:$0x1], $0xffff  }
0x8f: {  	v23 =	vld.idx.msk [tilespmem:v0+s23+$0xC890 ss:$0x1], $0xffff  }
0x90: {  	v19 =	vld.idx.msk [tilespmem:v0+s23+$0xC800 ss:$0x1], $0xffff  }
0x91: {  	v20 =	vld.idx.msk [tilespmem:v0+s23+$0xC810 ss:$0x1], $0xffff  }
0x92: {  	v24 =	vld.idx.msk [tilespmem:v0+s23+$0xC820 ss:$0x1], $0xffff  }
0x93: {  	v25 =	vld.idx.msk [tilespmem:v0+s23+$0xC830 ss:$0x1], $0xffff  }
0x94: {  	v26 =	vld.idx.msk [tilespmem:v0+s23+$0xC8A0 ss:$0x1], $0xffff  }
0x95: {  	v27 =	vld.idx.msk [tilespmem:v0+s23+$0xC8B0 ss:$0x1], $0xffff  }
0x96: {  	v9 =	vimm.f32 $0.0e+00;
	v15 =	vld.idx.msk [tilespmem:v0+s23+$0xC940 ss:$0x1], $0xffff  }
0x97: {  	v12 =	vld.idx.msk [tilespmem:v0+s23+$0xC950 ss:$0x1], $0xffff;
	v28 =	vadd.f32 v19, v9;
	v29 =	vadd.f32 v20, v9  }
0x98: {  	v19 =	vld.idx.msk [tilespmem:v0+s23+$0xC8C0 ss:$0x1], $0xffff;
	v24 =	vadd.f32 v24, v9;
	v25 =	vadd.f32 v25, v9  }
0x99: {  	v20 =	vld.idx.msk [tilespmem:v0+s23+$0xC8D0 ss:$0x1], $0xffff;
	v18 =	vadd.f32 v18, v28;
	v29 =	vadd.f32 v23, v29  }
0x9a: {  	v23 =	vld.idx.msk [tilespmem:v0+s23+$0xC840 ss:$0x1], $0xffff;
	v26 =	vadd.f32 v26, v24;
	v27 =	vadd.f32 v27, v25  }
0x9b: {  	v24 =	vld.idx.msk [tilespmem:v0+s23+$0xC850 ss:$0x1], $0xffff;
	v28 =	vadd.f32 v11, v18;
	v29 =	vadd.f32 v17, v29  }
0x9c: {  	s24 =	simm.s32 $0xA00;
	v25 =	vld.idx.msk [tilespmem:v0+s23+$0xC860 ss:$0x1], $0xffff;
	v18 =	vimm.f32 $0.0e+00;
	v17 =	vimm.f32 $0.0e+00;
	v11 =	vimm.f32 $0.0e+00  }
.LBB2_7:
0x9d: {  	p0 =	sne.s32 s24, $0x2800;
	v30 =	vld.idx.msk [tilespmem:v0+s23+$0xC870 ss:$0x1], $0xffff;
	v21 =	vadd.f32 v21, v26;
	v22 =	vadd.f32 v22, v27  }
0x9e: {  	v26 =	vld.idx.msk [tilespmem:v0+s23+$0xC8E0 ss:$0x1], $0xffff;
	v13 =	vadd.f32 v13, v28;
	v16 =	vadd.f32 v16, v29  }
0x9f: {  	v27 =	vld.idx.msk [tilespmem:v0+s23+$0xC8F0 ss:$0x1], $0xffff;
	v10 =	vadd.f32 v10, v21;
	v14 =	vadd.f32 v14, v22  }
0xa0: {  	v21 =	vld.idx.msk [tilespmem:v0+s23+$0xC960 ss:$0x1], $0xffff;
	v28 =	vadd.f32 v5, v13;
	v29 =	vadd.f32 v6, v16  }
0xa1: {  	v13 =	vld.idx.msk [tilespmem:v0+s23+$0xC970 ss:$0x1], $0xffff;
	v31 =	vadd.f32 v7, v10;
	v32 =	vadd.f32 v8, v14  }
0xa2: {  	v5 =	vadd.f32 v23, v9;
	v6 =	vadd.f32 v24, v18;
	v9 =	vld.idx.msk [tilespmem:v0+s23+$0xC9E0 ss:$0x1], $0xffff  }
0xa3: {  	v7 =	vadd.f32 v25, v17;
	v8 =	vadd.f32 v30, v11;
	v10 =	vld.idx.msk [tilespmem:v0+s23+$0xC9F0 ss:$0x1], $0xffff  }
0xa4: {  	v11 =	vadd.f32 v19, v5;
	v6 =	vadd.f32 v20, v6;
	v14 =	vld.idx.msk [tilespmem:v0+s23+$0xCA60 ss:$0x1], $0xffff  }
0xa5: {  	v7 =	vadd.f32 v26, v7;
	v8 =	vadd.f32 v27, v8;
	v16 =	vld.idx.msk [tilespmem:v0+s23+$0xCA70 ss:$0x1], $0xffff;
	s23 =	sshra.s32 s24, $0x2  }
0xa6: {  	v11 =	vadd.f32 v15, v11;
	v12 =	vadd.f32 v12, v6;
	v5 =	vld.idx.msk [tilespmem:v0+s23+$0xCA00 ss:$0x1], $0xffff  }
0xa7: {  	v15 =	vadd.f32 v21, v7;
	v13 =	vadd.f32 v13, v8;
	v6 =	vld.idx.msk [tilespmem:v0+s23+$0xCA10 ss:$0x1], $0xffff  }
0xa8: {  	v3 =	vadd.f32 v3, v11;
	v4 =	vadd.f32 v4, v12;
	v7 =	vld.idx.msk [tilespmem:v0+s23+$0xCA20 ss:$0x1], $0xffff  }
0xa9: {  	v11 =	vadd.f32 v9, v15;
	v10 =	vadd.f32 v10, v13;
	v8 =	vld.idx.msk [tilespmem:v0+s23+$0xCA30 ss:$0x1], $0xffff  }
0xaa: {  	v9 =	vadd.f32 v1, v3;
	v18 =	vadd.f32 v2, v4;
	v1 =	vld.idx.msk [tilespmem:v0+s23+$0xCA40 ss:$0x1], $0xffff  }
0xab: {  	v17 =	vadd.f32 v14, v11;
	v11 =	vadd.f32 v16, v10;
	v2 =	vld.idx.msk [tilespmem:v0+s23+$0xCA50 ss:$0x1], $0xffff  }
0xac: {  	v13 =	vld.idx.msk [tilespmem:v0+s23+$0xC980 ss:$0x1], $0xffff  }
0xad: {  	v16 =	vld.idx.msk [tilespmem:v0+s23+$0xC990 ss:$0x1], $0xffff  }
0xae: {  	v10 =	vld.idx.msk [tilespmem:v0+s23+$0xC9A0 ss:$0x1], $0xffff  }
0xaf: {  	v14 =	vld.idx.msk [tilespmem:v0+s23+$0xC9B0 ss:$0x1], $0xffff  }
0xb0: {  	v3 =	vld.idx.msk [tilespmem:v0+s23+$0xC9C0 ss:$0x1], $0xffff  }
0xb1: {  	v4 =	vld.idx.msk [tilespmem:v0+s23+$0xC9D0 ss:$0x1], $0xffff  }
0xb2: {  	v30 =	vld.idx.msk [tilespmem:v0+s23+$0xC900 ss:$0x1], $0xffff  }
0xb3: {  	v33 =	vld.idx.msk [tilespmem:v0+s23+$0xC910 ss:$0x1], $0xffff  }
0xb4: {  	v21 =	vld.idx.msk [tilespmem:v0+s23+$0xC920 ss:$0x1], $0xffff  }
0xb5: {  	v22 =	vld.idx.msk [tilespmem:v0+s23+$0xC930 ss:$0x1], $0xffff  }
0xb6: {  	v24 =	vld.idx.msk [tilespmem:v0+s23+$0xC880 ss:$0x1], $0xffff  }
0xb7: {  	v25 =	vld.idx.msk [tilespmem:v0+s23+$0xC890 ss:$0x1], $0xffff  }
0xb8: {  	v19 =	vld.idx.msk [tilespmem:v0+s23+$0xC800 ss:$0x1], $0xffff  }
0xb9: {  	v20 =	vld.idx.msk [tilespmem:v0+s23+$0xC810 ss:$0x1], $0xffff  }
0xba: {  	v23 =	vld.idx.msk [tilespmem:v0+s23+$0xC820 ss:$0x1], $0xffff  }
0xbb: {  	v26 =	vld.idx.msk [tilespmem:v0+s23+$0xC830 ss:$0x1], $0xffff  }
0xbc: {  	v27 =	vld.idx.msk [tilespmem:v0+s23+$0xC8A0 ss:$0x1], $0xffff  }
0xbd: {  	v34 =	vld.idx.msk [tilespmem:v0+s23+$0xC8B0 ss:$0x1], $0xffff  }
0xbe: {  	v15 =	vld.idx.msk [tilespmem:v0+s23+$0xC940 ss:$0x1], $0xffff  }
0xbf: {  	v12 =	vld.idx.msk [tilespmem:v0+s23+$0xC950 ss:$0x1], $0xffff  }
.Ltmp2:
0xc0: {  	v28 =	vadd.f32 v19, v28;
	v29 =	vadd.f32 v20, v29;
	v19 =	vld.idx.msk [tilespmem:v0+s23+$0xC8C0 ss:$0x1], $0xffff;
	(pc) =	sbr.rel @p0 .LBB2_7-.Ltmp2, $4  }
0xc1: {  	v31 =	vadd.f32 v23, v31;
	v32 =	vadd.f32 v26, v32;
	v20 =	vld.idx.msk [tilespmem:v0+s23+$0xC8D0 ss:$0x1], $0xffff  }
0xc2: {  	v28 =	vadd.f32 v24, v28;
	v29 =	vadd.f32 v25, v29;
	v23 =	vld.idx.msk [tilespmem:v0+s23+$0xC840 ss:$0x1], $0xffff  }
0xc3: {  	v26 =	vadd.f32 v27, v31;
	v27 =	vadd.f32 v34, v32;
	v24 =	vld.idx.msk [tilespmem:v0+s23+$0xC850 ss:$0x1], $0xffff  }
0xc4: {  	s24 =	sadd.s32 $0xA00, s24;
	v28 =	vadd.f32 v30, v28;
	v29 =	vadd.f32 v33, v29;
	v25 =	vld.idx.msk [tilespmem:v0+s23+$0xC860 ss:$0x1], $0xffff  }
0xc5: {  	_ =	sdelay $0x1  }
0xc6: {  	v21 =	vadd.f32 v21, v26;
	v22 =	vadd.f32 v22, v27  }
0xc7: {  	v13 =	vadd.f32 v13, v28;
	v16 =	vadd.f32 v16, v29  }
0xc8: {  	v49 =	vld.idx.msk [tilespmem:v0+s23+$0xC870 ss:$0x1], $0xffff;
	v10 =	vadd.f32 v10, v21;
	v14 =	vadd.f32 v14, v22  }
0xc9: {  	v50 =	vld.idx.msk [tilespmem:v0+s23+$0xC8E0 ss:$0x1], $0xffff;
	v9 =	vadd.f32 v23, v9;
	v5 =	vadd.f32 v5, v13  }
0xca: {  	v51 =	vld.idx.msk [tilespmem:v0+s23+$0xC8F0 ss:$0x1], $0xffff;
	v6 =	vadd.f32 v6, v16;
	v53 =	vadd.f32 v24, v18  }
0xcb: {  	v52 =	vld.idx.msk [tilespmem:v0+s23+$0xC960 ss:$0x1], $0xffff;
	v7 =	vadd.f32 v7, v10;
	v8 =	vadd.f32 v8, v14  }
0xcc: {  	v54 =	vld.idx.msk [tilespmem:v0+s23+$0xC970 ss:$0x1], $0xffff;
	v17 =	vadd.f32 v25, v17;
	v9 =	vadd.f32 v19, v9  }
0xcd: {  	v55 =	vld.idx.msk [tilespmem:v0+s23+$0xC9E0 ss:$0x1], $0xffff;
	v11 =	vadd.f32 v49, v11;
	v14 =	vadd.f32 v20, v53  }
0xce: {  	v56 =	vld.idx.msk [tilespmem:v0+s23+$0xC9F0 ss:$0x1], $0xffff;
	v17 =	vadd.f32 v50, v17;
	v9 =	vadd.f32 v15, v9  }
0xcf: {  	v57 =	vld.idx.msk [tilespmem:v0+s23+$0xCA60 ss:$0x1], $0xffff;
	v11 =	vadd.f32 v51, v11;
	v12 =	vadd.f32 v12, v14  }
0xd0: {  	v58 =	vld.idx.msk [tilespmem:v0+s23+$0xCA70 ss:$0x1], $0xffff;
	v10 =	vadd.f32 v52, v17;
	v3 =	vadd.f32 v3, v9  }
0xd1: {  	v59 =	vadd.f32 v54, v11;
	v4 =	vadd.f32 v4, v12  }
0xd2: {  	v10 =	vadd.f32 v55, v10;
	v1 =	vadd.f32 v1, v3  }
0xd3: {  	v60 =	vadd.f32 v56, v59;
	v2 =	vadd.f32 v2, v4  }
0xd4: {  	v61 =	vadd.f32 v57, v10;
	v1 =	vadd.f32 v1, v5  }
0xd5: {  	s31 =	sshll.u32 s22, $0x6;
	s22 =	sadd.s32 $0x1, s22;
	v0 =	vadd.f32 v58, v60;
	v2 =	vadd.f32 v2, v6  }
0xd6: {  	p0 =	sne.s32 s22, $0x10;
	v1 =	vmul.f32 $1.999999960e-02, v1;
	v62 =	vadd.f32 v61, v7  }
.Ltmp3:
0xd7: {  	s23 =	sand.u32 $0x3FFFFFC0, s31;
	v2 =	vmul.f32 $1.999999960e-02, v2;
	v0 =	vadd.f32 v0, v8;
	(pc) =	sbr.rel @p0 .LBB2_6-.Ltmp3, $4  }
0xd8: {  	[tilespmem:s23+$0x1AD00] =	vst v1;
	v63 =	vmul.f32 $1.999999960e-02, v62  }
0xd9: {  	[tilespmem:s23+$0x1AD10] =	vst v2;
	v0 =	vmul.f32 $1.999999960e-02, v0  }
0xda: {  	[tilespmem:s23+$0x1AD20] =	vst v63  }
0xdb: {  	s21 =	sadd.s32 $0xC80, s21;
	[tilespmem:s23+$0x1AD30] =	vst v0  }
0xdc: {  	[tilespmem:s10], [sflag:$0x2] =	stream.indirect.gather [hbm4b:s3+s8], $0x40, s14, s8, $0xb8;
	[tilespmem:$0x1C900] =	vst v63  }
0xdd: {  	_ =	swait.ge [sflag:s11], $0xC800  }
0xde: {  	[sflag:s11] =	ssyncset.done $0x0  }
0xdf: {  	s21 =	simm.s32 $0x0;
	s22 =	simm.s32 $0x1A40;
	[sflag:s11] =	ssyncadd.s32 $0xFFFF3800  }
.LBB2_10:
0xe0: {  	v0 =	vmov s22;
	_ =	sdelay $0x3  }
0xe1: {  	s23 =	simm.s32 $0x0  }
0xe2: {  	v5 =	vld.idx.msk [tilespmem:v0+s23+$0xC0 ss:$0x1], $0xffff  }
0xe3: {  	v6 =	vld.idx.msk [tilespmem:v0+s23+$0xD0 ss:$0x1], $0xffff  }
0xe4: {  	v7 =	vld.idx.msk [tilespmem:v0+s23+$0xE0 ss:$0x1], $0xffff  }
0xe5: {  	v8 =	vld.idx.msk [tilespmem:v0+s23+$0xF0 ss:$0x1], $0xffff  }
0xe6: {  	v1 =	vld.idx.msk [tilespmem:v0+s23+$0x100 ss:$0x1], $0xffff  }
0xe7: {  	v2 =	vld.idx.msk [tilespmem:v0+s23+$0x110 ss:$0x1], $0xffff  }
0xe8: {  	v13 =	vld.idx.msk [tilespmem:v0+s23+$0x40 ss:$0x1], $0xffff  }
0xe9: {  	v16 =	vld.idx.msk [tilespmem:v0+s23+$0x50 ss:$0x1], $0xffff  }
0xea: {  	v10 =	vld.idx.msk [tilespmem:v0+s23+$0x60 ss:$0x1], $0xffff  }
0xeb: {  	v14 =	vld.idx.msk [tilespmem:v0+s23+$0x70 ss:$0x1], $0xffff  }
0xec: {  	v3 =	vld.idx.msk [tilespmem:v0+s23+$0x80 ss:$0x1], $0xffff  }
0xed: {  	v4 =	vld.idx.msk [tilespmem:v0+s23+$0x90 ss:$0x1], $0xffff  }
0xee: {  	v11 =	vld.idx.msk [tilespmem:v0+s23+$0xFFFFFFC0 ss:$0x1], $0xffff  }
0xef: {  	v17 =	vld.idx.msk [tilespmem:v0+s23+$0xFFFFFFD0 ss:$0x1], $0xffff  }
0xf0: {  	v21 =	vld.idx.msk [tilespmem:v0+s23+$0xFFFFFFE0 ss:$0x1], $0xffff  }
0xf1: {  	v22 =	vld.idx.msk [tilespmem:v0+s23+$0xFFFFFFF0 ss:$0x1], $0xffff  }
0xf2: {  	v18 =	vld.idx.msk [tilespmem:v0+s23+$0xFFFFFF40 ss:$0x1], $0xffff  }
0xf3: {  	v23 =	vld.idx.msk [tilespmem:v0+s23+$0xFFFFFF50 ss:$0x1], $0xffff  }
0xf4: {  	v19 =	vld.idx.msk [tilespmem:v0+s23+$0xFFFFFEC0 ss:$0x1], $0xffff  }
0xf5: {  	v20 =	vld.idx.msk [tilespmem:v0+s23+$0xFFFFFED0 ss:$0x1], $0xffff  }
0xf6: {  	v24 =	vld.idx.msk [tilespmem:v0+s23+$0xFFFFFEE0 ss:$0x1], $0xffff  }
0xf7: {  	v25 =	vld.idx.msk [tilespmem:v0+s23+$0xFFFFFEF0 ss:$0x1], $0xffff  }
0xf8: {  	v26 =	vld.idx.msk [tilespmem:v0+s23+$0xFFFFFF60 ss:$0x1], $0xffff  }
0xf9: {  	v27 =	vld.idx.msk [tilespmem:v0+s23+$0xFFFFFF70 ss:$0x1], $0xffff  }
0xfa: {  	v9 =	vimm.f32 $0.0e+00;
	v15 =	vld.idx.msk [tilespmem:v0+s23+$0x0 ss:$0x1], $0xffff  }
0xfb: {  	v12 =	vld.idx.msk [tilespmem:v0+s23+$0x10 ss:$0x1], $0xffff;
	v28 =	vadd.f32 v19, v9;
	v29 =	vadd.f32 v20, v9  }
0xfc: {  	v19 =	vld.idx.msk [tilespmem:v0+s23+$0xFFFFFF80 ss:$0x1], $0xffff;
	v24 =	vadd.f32 v24, v9;
	v25 =	vadd.f32 v25, v9  }
0xfd: {  	v20 =	vld.idx.msk [tilespmem:v0+s23+$0xFFFFFF90 ss:$0x1], $0xffff;
	v18 =	vadd.f32 v18, v28;
	v29 =	vadd.f32 v23, v29  }
0xfe: {  	v23 =	vld.idx.msk [tilespmem:v0+s23+$0xFFFFFF00 ss:$0x1], $0xffff;
	v26 =	vadd.f32 v26, v24;
	v27 =	vadd.f32 v27, v25  }
0xff: {  	v24 =	vld.idx.msk [tilespmem:v0+s23+$0xFFFFFF10 ss:$0x1], $0xffff;
	v28 =	vadd.f32 v11, v18;
	v29 =	vadd.f32 v17, v29  }
0x100: {  	s24 =	simm.s32 $0xA00;
	v25 =	vld.idx.msk [tilespmem:v0+s23+$0xFFFFFF20 ss:$0x1], $0xffff;
	v18 =	vimm.f32 $0.0e+00;
	v17 =	vimm.f32 $0.0e+00;
	v11 =	vimm.f32 $0.0e+00  }
.LBB2_11:
0x101: {  	p0 =	sne.s32 s24, $0x2800;
	v30 =	vld.idx.msk [tilespmem:v0+s23+$0xFFFFFF30 ss:$0x1], $0xffff;
	v21 =	vadd.f32 v21, v26;
	v22 =	vadd.f32 v22, v27  }
0x102: {  	v26 =	vld.idx.msk [tilespmem:v0+s23+$0xFFFFFFA0 ss:$0x1], $0xffff;
	v13 =	vadd.f32 v13, v28;
	v16 =	vadd.f32 v16, v29  }
0x103: {  	v27 =	vld.idx.msk [tilespmem:v0+s23+$0xFFFFFFB0 ss:$0x1], $0xffff;
	v10 =	vadd.f32 v10, v21;
	v14 =	vadd.f32 v14, v22  }
0x104: {  	v21 =	vld.idx.msk [tilespmem:v0+s23+$0x20 ss:$0x1], $0xffff;
	v28 =	vadd.f32 v5, v13;
	v29 =	vadd.f32 v6, v16  }
0x105: {  	v13 =	vld.idx.msk [tilespmem:v0+s23+$0x30 ss:$0x1], $0xffff;
	v31 =	vadd.f32 v7, v10;
	v32 =	vadd.f32 v8, v14  }
0x106: {  	v5 =	vadd.f32 v23, v9;
	v6 =	vadd.f32 v24, v18;
	v9 =	vld.idx.msk [tilespmem:v0+s23+$0xA0 ss:$0x1], $0xffff  }
0x107: {  	v7 =	vadd.f32 v25, v17;
	v8 =	vadd.f32 v30, v11;
	v10 =	vld.idx.msk [tilespmem:v0+s23+$0xB0 ss:$0x1], $0xffff  }
0x108: {  	v11 =	vadd.f32 v19, v5;
	v6 =	vadd.f32 v20, v6;
	v14 =	vld.idx.msk [tilespmem:v0+s23+$0x120 ss:$0x1], $0xffff  }
0x109: {  	v7 =	vadd.f32 v26, v7;
	v8 =	vadd.f32 v27, v8;
	v16 =	vld.idx.msk [tilespmem:v0+s23+$0x130 ss:$0x1], $0xffff;
	s23 =	sshra.s32 s24, $0x2  }
0x10a: {  	v11 =	vadd.f32 v15, v11;
	v12 =	vadd.f32 v12, v6;
	v5 =	vld.idx.msk [tilespmem:v0+s23+$0xC0 ss:$0x1], $0xffff  }
0x10b: {  	v15 =	vadd.f32 v21, v7;
	v13 =	vadd.f32 v13, v8;
	v6 =	vld.idx.msk [tilespmem:v0+s23+$0xD0 ss:$0x1], $0xffff  }
0x10c: {  	v3 =	vadd.f32 v3, v11;
	v4 =	vadd.f32 v4, v12;
	v7 =	vld.idx.msk [tilespmem:v0+s23+$0xE0 ss:$0x1], $0xffff  }
0x10d: {  	v11 =	vadd.f32 v9, v15;
	v10 =	vadd.f32 v10, v13;
	v8 =	vld.idx.msk [tilespmem:v0+s23+$0xF0 ss:$0x1], $0xffff  }
0x10e: {  	v9 =	vadd.f32 v1, v3;
	v18 =	vadd.f32 v2, v4;
	v1 =	vld.idx.msk [tilespmem:v0+s23+$0x100 ss:$0x1], $0xffff  }
0x10f: {  	v17 =	vadd.f32 v14, v11;
	v11 =	vadd.f32 v16, v10;
	v2 =	vld.idx.msk [tilespmem:v0+s23+$0x110 ss:$0x1], $0xffff  }
0x110: {  	v13 =	vld.idx.msk [tilespmem:v0+s23+$0x40 ss:$0x1], $0xffff  }
0x111: {  	v16 =	vld.idx.msk [tilespmem:v0+s23+$0x50 ss:$0x1], $0xffff  }
0x112: {  	v10 =	vld.idx.msk [tilespmem:v0+s23+$0x60 ss:$0x1], $0xffff  }
0x113: {  	v14 =	vld.idx.msk [tilespmem:v0+s23+$0x70 ss:$0x1], $0xffff  }
0x114: {  	v3 =	vld.idx.msk [tilespmem:v0+s23+$0x80 ss:$0x1], $0xffff  }
0x115: {  	v4 =	vld.idx.msk [tilespmem:v0+s23+$0x90 ss:$0x1], $0xffff  }
0x116: {  	v30 =	vld.idx.msk [tilespmem:v0+s23+$0xFFFFFFC0 ss:$0x1], $0xffff  }
0x117: {  	v33 =	vld.idx.msk [tilespmem:v0+s23+$0xFFFFFFD0 ss:$0x1], $0xffff  }
0x118: {  	v21 =	vld.idx.msk [tilespmem:v0+s23+$0xFFFFFFE0 ss:$0x1], $0xffff  }
0x119: {  	v22 =	vld.idx.msk [tilespmem:v0+s23+$0xFFFFFFF0 ss:$0x1], $0xffff  }
0x11a: {  	v24 =	vld.idx.msk [tilespmem:v0+s23+$0xFFFFFF40 ss:$0x1], $0xffff  }
0x11b: {  	v25 =	vld.idx.msk [tilespmem:v0+s23+$0xFFFFFF50 ss:$0x1], $0xffff  }
0x11c: {  	v19 =	vld.idx.msk [tilespmem:v0+s23+$0xFFFFFEC0 ss:$0x1], $0xffff  }
0x11d: {  	v20 =	vld.idx.msk [tilespmem:v0+s23+$0xFFFFFED0 ss:$0x1], $0xffff  }
0x11e: {  	v23 =	vld.idx.msk [tilespmem:v0+s23+$0xFFFFFEE0 ss:$0x1], $0xffff  }
0x11f: {  	v26 =	vld.idx.msk [tilespmem:v0+s23+$0xFFFFFEF0 ss:$0x1], $0xffff  }
0x120: {  	v27 =	vld.idx.msk [tilespmem:v0+s23+$0xFFFFFF60 ss:$0x1], $0xffff  }
0x121: {  	v34 =	vld.idx.msk [tilespmem:v0+s23+$0xFFFFFF70 ss:$0x1], $0xffff  }
0x122: {  	v15 =	vld.idx.msk [tilespmem:v0+s23+$0x0 ss:$0x1], $0xffff  }
0x123: {  	v12 =	vld.idx.msk [tilespmem:v0+s23+$0x10 ss:$0x1], $0xffff  }
.Ltmp4:
0x124: {  	v28 =	vadd.f32 v19, v28;
	v29 =	vadd.f32 v20, v29;
	v19 =	vld.idx.msk [tilespmem:v0+s23+$0xFFFFFF80 ss:$0x1], $0xffff;
	(pc) =	sbr.rel @p0 .LBB2_11-.Ltmp4, $4  }
0x125: {  	v31 =	vadd.f32 v23, v31;
	v32 =	vadd.f32 v26, v32;
	v20 =	vld.idx.msk [tilespmem:v0+s23+$0xFFFFFF90 ss:$0x1], $0xffff  }
0x126: {  	v28 =	vadd.f32 v24, v28;
	v29 =	vadd.f32 v25, v29;
	v23 =	vld.idx.msk [tilespmem:v0+s23+$0xFFFFFF00 ss:$0x1], $0xffff  }
0x127: {  	v26 =	vadd.f32 v27, v31;
	v27 =	vadd.f32 v34, v32;
	v24 =	vld.idx.msk [tilespmem:v0+s23+$0xFFFFFF10 ss:$0x1], $0xffff  }
0x128: {  	s24 =	sadd.s32 $0xA00, s24;
	v28 =	vadd.f32 v30, v28;
	v29 =	vadd.f32 v33, v29;
	v25 =	vld.idx.msk [tilespmem:v0+s23+$0xFFFFFF20 ss:$0x1], $0xffff  }
0x129: {  	_ =	sdelay $0x1  }
0x12a: {  	v21 =	vadd.f32 v21, v26;
	v22 =	vadd.f32 v22, v27  }
0x12b: {  	v13 =	vadd.f32 v13, v28;
	v16 =	vadd.f32 v16, v29  }
0x12c: {  	v49 =	vld.idx.msk [tilespmem:v0+s23+$0xFFFFFF30 ss:$0x1], $0xffff;
	v10 =	vadd.f32 v10, v21;
	v14 =	vadd.f32 v14, v22  }
0x12d: {  	v50 =	vld.idx.msk [tilespmem:v0+s23+$0xFFFFFFA0 ss:$0x1], $0xffff;
	v9 =	vadd.f32 v23, v9;
	v5 =	vadd.f32 v5, v13  }
0x12e: {  	v51 =	vld.idx.msk [tilespmem:v0+s23+$0xFFFFFFB0 ss:$0x1], $0xffff;
	v6 =	vadd.f32 v6, v16;
	v53 =	vadd.f32 v24, v18  }
0x12f: {  	v52 =	vld.idx.msk [tilespmem:v0+s23+$0x20 ss:$0x1], $0xffff;
	v7 =	vadd.f32 v7, v10;
	v8 =	vadd.f32 v8, v14  }
0x130: {  	v54 =	vld.idx.msk [tilespmem:v0+s23+$0x30 ss:$0x1], $0xffff;
	v17 =	vadd.f32 v25, v17;
	v9 =	vadd.f32 v19, v9  }
0x131: {  	v55 =	vld.idx.msk [tilespmem:v0+s23+$0xA0 ss:$0x1], $0xffff;
	v11 =	vadd.f32 v49, v11;
	v14 =	vadd.f32 v20, v53  }
0x132: {  	v56 =	vld.idx.msk [tilespmem:v0+s23+$0xB0 ss:$0x1], $0xffff;
	v17 =	vadd.f32 v50, v17;
	v9 =	vadd.f32 v15, v9  }
0x133: {  	v57 =	vld.idx.msk [tilespmem:v0+s23+$0x120 ss:$0x1], $0xffff;
	v11 =	vadd.f32 v51, v11;
	v12 =	vadd.f32 v12, v14  }
0x134: {  	v58 =	vld.idx.msk [tilespmem:v0+s23+$0x130 ss:$0x1], $0xffff;
	v10 =	vadd.f32 v52, v17;
	v3 =	vadd.f32 v3, v9  }
0x135: {  	v59 =	vadd.f32 v54, v11;
	v4 =	vadd.f32 v4, v12  }
0x136: {  	v10 =	vadd.f32 v55, v10;
	v1 =	vadd.f32 v1, v3  }
0x137: {  	v60 =	vadd.f32 v56, v59;
	v2 =	vadd.f32 v2, v4  }
0x138: {  	v61 =	vadd.f32 v57, v10;
	v1 =	vadd.f32 v1, v5  }
0x139: {  	s31 =	sshll.u32 s21, $0x6;
	s21 =	sadd.s32 $0x1, s21;
	v0 =	vadd.f32 v58, v60;
	v2 =	vadd.f32 v2, v6  }
0x13a: {  	p0 =	sne.s32 s21, $0x10;
	v1 =	vmul.f32 $1.999999960e-02, v1;
	v62 =	vadd.f32 v61, v7  }
.Ltmp5:
0x13b: {  	s23 =	sand.u32 $0x3FFFFFC0, s31;
	v2 =	vmul.f32 $1.999999960e-02, v2;
	v0 =	vadd.f32 v0, v8;
	(pc) =	sbr.rel @p0 .LBB2_10-.Ltmp5, $4  }
0x13c: {  	[tilespmem:s23+$0x1B100] =	vst v1;
	v63 =	vmul.f32 $1.999999960e-02, v62  }
0x13d: {  	[tilespmem:s23+$0x1B110] =	vst v2;
	v0 =	vmul.f32 $1.999999960e-02, v0  }
0x13e: {  	[tilespmem:s23+$0x1B120] =	vst v63  }
0x13f: {  	s22 =	sadd.s32 $0xC80, s22;
	[tilespmem:s23+$0x1B130] =	vst v0  }
0x140: {  	s21 =	simm.s32 $0x1900  }
0x141: {  	[tilespmem:s21], [sflag:$0x1] =	stream.indirect.gather [hbm4b:s3+s8], $0x40, s15, s8, $0xb8;
	[tilespmem:$0x1C900] =	vst v63  }
0x142: {  	_ =	swait.ge [sflag:s13], $0xC800  }
0x143: {  	[sflag:s13] =	ssyncset.done $0x0  }
0x144: {  	s22 =	simm.s32 $0x0;
	[sflag:s13] =	ssyncadd.s32 $0xFFFF3800  }
.LBB2_14:
0x145: {  	v0 =	vmov s21;
	_ =	sdelay $0x3  }
0x146: {  	s23 =	simm.s32 $0x0  }
0x147: {  	v5 =	vld.idx.msk [tilespmem:v0+s23+$0xCA00 ss:$0x1], $0xffff  }
0x148: {  	v6 =	vld.idx.msk [tilespmem:v0+s23+$0xCA10 ss:$0x1], $0xffff  }
0x149: {  	v7 =	vld.idx.msk [tilespmem:v0+s23+$0xCA20 ss:$0x1], $0xffff  }
0x14a: {  	v8 =	vld.idx.msk [tilespmem:v0+s23+$0xCA30 ss:$0x1], $0xffff  }
0x14b: {  	v1 =	vld.idx.msk [tilespmem:v0+s23+$0xCA40 ss:$0x1], $0xffff  }
0x14c: {  	v2 =	vld.idx.msk [tilespmem:v0+s23+$0xCA50 ss:$0x1], $0xffff  }
0x14d: {  	v13 =	vld.idx.msk [tilespmem:v0+s23+$0xC980 ss:$0x1], $0xffff  }
0x14e: {  	v16 =	vld.idx.msk [tilespmem:v0+s23+$0xC990 ss:$0x1], $0xffff  }
0x14f: {  	v10 =	vld.idx.msk [tilespmem:v0+s23+$0xC9A0 ss:$0x1], $0xffff  }
0x150: {  	v14 =	vld.idx.msk [tilespmem:v0+s23+$0xC9B0 ss:$0x1], $0xffff  }
0x151: {  	v3 =	vld.idx.msk [tilespmem:v0+s23+$0xC9C0 ss:$0x1], $0xffff  }
0x152: {  	v4 =	vld.idx.msk [tilespmem:v0+s23+$0xC9D0 ss:$0x1], $0xffff  }
0x153: {  	v11 =	vld.idx.msk [tilespmem:v0+s23+$0xC900 ss:$0x1], $0xffff  }
0x154: {  	v17 =	vld.idx.msk [tilespmem:v0+s23+$0xC910 ss:$0x1], $0xffff  }
0x155: {  	v21 =	vld.idx.msk [tilespmem:v0+s23+$0xC920 ss:$0x1], $0xffff  }
0x156: {  	v22 =	vld.idx.msk [tilespmem:v0+s23+$0xC930 ss:$0x1], $0xffff  }
0x157: {  	v18 =	vld.idx.msk [tilespmem:v0+s23+$0xC880 ss:$0x1], $0xffff  }
0x158: {  	v23 =	vld.idx.msk [tilespmem:v0+s23+$0xC890 ss:$0x1], $0xffff  }
0x159: {  	v19 =	vld.idx.msk [tilespmem:v0+s23+$0xC800 ss:$0x1], $0xffff  }
0x15a: {  	v20 =	vld.idx.msk [tilespmem:v0+s23+$0xC810 ss:$0x1], $0xffff  }
0x15b: {  	v24 =	vld.idx.msk [tilespmem:v0+s23+$0xC820 ss:$0x1], $0xffff  }
0x15c: {  	v25 =	vld.idx.msk [tilespmem:v0+s23+$0xC830 ss:$0x1], $0xffff  }
0x15d: {  	v26 =	vld.idx.msk [tilespmem:v0+s23+$0xC8A0 ss:$0x1], $0xffff  }
0x15e: {  	v27 =	vld.idx.msk [tilespmem:v0+s23+$0xC8B0 ss:$0x1], $0xffff  }
0x15f: {  	v9 =	vimm.f32 $0.0e+00;
	v15 =	vld.idx.msk [tilespmem:v0+s23+$0xC940 ss:$0x1], $0xffff  }
0x160: {  	v12 =	vld.idx.msk [tilespmem:v0+s23+$0xC950 ss:$0x1], $0xffff;
	v28 =	vadd.f32 v19, v9;
	v29 =	vadd.f32 v20, v9  }
0x161: {  	v19 =	vld.idx.msk [tilespmem:v0+s23+$0xC8C0 ss:$0x1], $0xffff;
	v24 =	vadd.f32 v24, v9;
	v25 =	vadd.f32 v25, v9  }
0x162: {  	v20 =	vld.idx.msk [tilespmem:v0+s23+$0xC8D0 ss:$0x1], $0xffff;
	v18 =	vadd.f32 v18, v28;
	v29 =	vadd.f32 v23, v29  }
0x163: {  	v23 =	vld.idx.msk [tilespmem:v0+s23+$0xC840 ss:$0x1], $0xffff;
	v26 =	vadd.f32 v26, v24;
	v27 =	vadd.f32 v27, v25  }
0x164: {  	v24 =	vld.idx.msk [tilespmem:v0+s23+$0xC850 ss:$0x1], $0xffff;
	v28 =	vadd.f32 v11, v18;
	v29 =	vadd.f32 v17, v29  }
0x165: {  	s24 =	simm.s32 $0xA00;
	v25 =	vld.idx.msk [tilespmem:v0+s23+$0xC860 ss:$0x1], $0xffff;
	v18 =	vimm.f32 $0.0e+00;
	v17 =	vimm.f32 $0.0e+00;
	v11 =	vimm.f32 $0.0e+00  }
.LBB2_15:
0x166: {  	p0 =	sne.s32 s24, $0x2800;
	v30 =	vld.idx.msk [tilespmem:v0+s23+$0xC870 ss:$0x1], $0xffff;
	v21 =	vadd.f32 v21, v26;
	v22 =	vadd.f32 v22, v27  }
0x167: {  	v26 =	vld.idx.msk [tilespmem:v0+s23+$0xC8E0 ss:$0x1], $0xffff;
	v13 =	vadd.f32 v13, v28;
	v16 =	vadd.f32 v16, v29  }
0x168: {  	v27 =	vld.idx.msk [tilespmem:v0+s23+$0xC8F0 ss:$0x1], $0xffff;
	v10 =	vadd.f32 v10, v21;
	v14 =	vadd.f32 v14, v22  }
0x169: {  	v21 =	vld.idx.msk [tilespmem:v0+s23+$0xC960 ss:$0x1], $0xffff;
	v28 =	vadd.f32 v5, v13;
	v29 =	vadd.f32 v6, v16  }
0x16a: {  	v13 =	vld.idx.msk [tilespmem:v0+s23+$0xC970 ss:$0x1], $0xffff;
	v31 =	vadd.f32 v7, v10;
	v32 =	vadd.f32 v8, v14  }
0x16b: {  	v5 =	vadd.f32 v23, v9;
	v6 =	vadd.f32 v24, v18;
	v9 =	vld.idx.msk [tilespmem:v0+s23+$0xC9E0 ss:$0x1], $0xffff  }
0x16c: {  	v7 =	vadd.f32 v25, v17;
	v8 =	vadd.f32 v30, v11;
	v10 =	vld.idx.msk [tilespmem:v0+s23+$0xC9F0 ss:$0x1], $0xffff  }
0x16d: {  	v11 =	vadd.f32 v19, v5;
	v6 =	vadd.f32 v20, v6;
	v14 =	vld.idx.msk [tilespmem:v0+s23+$0xCA60 ss:$0x1], $0xffff  }
0x16e: {  	v7 =	vadd.f32 v26, v7;
	v8 =	vadd.f32 v27, v8;
	v16 =	vld.idx.msk [tilespmem:v0+s23+$0xCA70 ss:$0x1], $0xffff;
	s23 =	sshra.s32 s24, $0x2  }
0x16f: {  	v11 =	vadd.f32 v15, v11;
	v12 =	vadd.f32 v12, v6;
	v5 =	vld.idx.msk [tilespmem:v0+s23+$0xCA00 ss:$0x1], $0xffff  }
0x170: {  	v15 =	vadd.f32 v21, v7;
	v13 =	vadd.f32 v13, v8;
	v6 =	vld.idx.msk [tilespmem:v0+s23+$0xCA10 ss:$0x1], $0xffff  }
0x171: {  	v3 =	vadd.f32 v3, v11;
	v4 =	vadd.f32 v4, v12;
	v7 =	vld.idx.msk [tilespmem:v0+s23+$0xCA20 ss:$0x1], $0xffff  }
0x172: {  	v11 =	vadd.f32 v9, v15;
	v10 =	vadd.f32 v10, v13;
	v8 =	vld.idx.msk [tilespmem:v0+s23+$0xCA30 ss:$0x1], $0xffff  }
0x173: {  	v9 =	vadd.f32 v1, v3;
	v18 =	vadd.f32 v2, v4;
	v1 =	vld.idx.msk [tilespmem:v0+s23+$0xCA40 ss:$0x1], $0xffff  }
0x174: {  	v17 =	vadd.f32 v14, v11;
	v11 =	vadd.f32 v16, v10;
	v2 =	vld.idx.msk [tilespmem:v0+s23+$0xCA50 ss:$0x1], $0xffff  }
0x175: {  	v13 =	vld.idx.msk [tilespmem:v0+s23+$0xC980 ss:$0x1], $0xffff  }
0x176: {  	v16 =	vld.idx.msk [tilespmem:v0+s23+$0xC990 ss:$0x1], $0xffff  }
0x177: {  	v10 =	vld.idx.msk [tilespmem:v0+s23+$0xC9A0 ss:$0x1], $0xffff  }
0x178: {  	v14 =	vld.idx.msk [tilespmem:v0+s23+$0xC9B0 ss:$0x1], $0xffff  }
0x179: {  	v3 =	vld.idx.msk [tilespmem:v0+s23+$0xC9C0 ss:$0x1], $0xffff  }
0x17a: {  	v4 =	vld.idx.msk [tilespmem:v0+s23+$0xC9D0 ss:$0x1], $0xffff  }
0x17b: {  	v30 =	vld.idx.msk [tilespmem:v0+s23+$0xC900 ss:$0x1], $0xffff  }
0x17c: {  	v33 =	vld.idx.msk [tilespmem:v0+s23+$0xC910 ss:$0x1], $0xffff  }
0x17d: {  	v21 =	vld.idx.msk [tilespmem:v0+s23+$0xC920 ss:$0x1], $0xffff  }
0x17e: {  	v22 =	vld.idx.msk [tilespmem:v0+s23+$0xC930 ss:$0x1], $0xffff  }
0x17f: {  	v24 =	vld.idx.msk [tilespmem:v0+s23+$0xC880 ss:$0x1], $0xffff  }
0x180: {  	v25 =	vld.idx.msk [tilespmem:v0+s23+$0xC890 ss:$0x1], $0xffff  }
0x181: {  	v19 =	vld.idx.msk [tilespmem:v0+s23+$0xC800 ss:$0x1], $0xffff  }
0x182: {  	v20 =	vld.idx.msk [tilespmem:v0+s23+$0xC810 ss:$0x1], $0xffff  }
0x183: {  	v23 =	vld.idx.msk [tilespmem:v0+s23+$0xC820 ss:$0x1], $0xffff  }
0x184: {  	v26 =	vld.idx.msk [tilespmem:v0+s23+$0xC830 ss:$0x1], $0xffff  }
0x185: {  	v27 =	vld.idx.msk [tilespmem:v0+s23+$0xC8A0 ss:$0x1], $0xffff  }
0x186: {  	v34 =	vld.idx.msk [tilespmem:v0+s23+$0xC8B0 ss:$0x1], $0xffff  }
0x187: {  	v15 =	vld.idx.msk [tilespmem:v0+s23+$0xC940 ss:$0x1], $0xffff  }
0x188: {  	v12 =	vld.idx.msk [tilespmem:v0+s23+$0xC950 ss:$0x1], $0xffff  }
.Ltmp6:
0x189: {  	v28 =	vadd.f32 v19, v28;
	v29 =	vadd.f32 v20, v29;
	v19 =	vld.idx.msk [tilespmem:v0+s23+$0xC8C0 ss:$0x1], $0xffff;
	(pc) =	sbr.rel @p0 .LBB2_15-.Ltmp6, $4  }
0x18a: {  	v31 =	vadd.f32 v23, v31;
	v32 =	vadd.f32 v26, v32;
	v20 =	vld.idx.msk [tilespmem:v0+s23+$0xC8D0 ss:$0x1], $0xffff  }
0x18b: {  	v28 =	vadd.f32 v24, v28;
	v29 =	vadd.f32 v25, v29;
	v23 =	vld.idx.msk [tilespmem:v0+s23+$0xC840 ss:$0x1], $0xffff  }
0x18c: {  	v26 =	vadd.f32 v27, v31;
	v27 =	vadd.f32 v34, v32;
	v24 =	vld.idx.msk [tilespmem:v0+s23+$0xC850 ss:$0x1], $0xffff  }
0x18d: {  	s24 =	sadd.s32 $0xA00, s24;
	v28 =	vadd.f32 v30, v28;
	v29 =	vadd.f32 v33, v29;
	v25 =	vld.idx.msk [tilespmem:v0+s23+$0xC860 ss:$0x1], $0xffff  }
0x18e: {  	_ =	sdelay $0x1  }
0x18f: {  	v21 =	vadd.f32 v21, v26;
	v22 =	vadd.f32 v22, v27  }
0x190: {  	v13 =	vadd.f32 v13, v28;
	v16 =	vadd.f32 v16, v29  }
0x191: {  	v49 =	vld.idx.msk [tilespmem:v0+s23+$0xC870 ss:$0x1], $0xffff;
	v10 =	vadd.f32 v10, v21;
	v14 =	vadd.f32 v14, v22  }
0x192: {  	v50 =	vld.idx.msk [tilespmem:v0+s23+$0xC8E0 ss:$0x1], $0xffff;
	v9 =	vadd.f32 v23, v9;
	v5 =	vadd.f32 v5, v13  }
0x193: {  	v51 =	vld.idx.msk [tilespmem:v0+s23+$0xC8F0 ss:$0x1], $0xffff;
	v6 =	vadd.f32 v6, v16;
	v53 =	vadd.f32 v24, v18  }
0x194: {  	v52 =	vld.idx.msk [tilespmem:v0+s23+$0xC960 ss:$0x1], $0xffff;
	v7 =	vadd.f32 v7, v10;
	v8 =	vadd.f32 v8, v14  }
0x195: {  	v54 =	vld.idx.msk [tilespmem:v0+s23+$0xC970 ss:$0x1], $0xffff;
	v17 =	vadd.f32 v25, v17;
	v9 =	vadd.f32 v19, v9  }
0x196: {  	v55 =	vld.idx.msk [tilespmem:v0+s23+$0xC9E0 ss:$0x1], $0xffff;
	v11 =	vadd.f32 v49, v11;
	v14 =	vadd.f32 v20, v53  }
0x197: {  	v56 =	vld.idx.msk [tilespmem:v0+s23+$0xC9F0 ss:$0x1], $0xffff;
	v17 =	vadd.f32 v50, v17;
	v9 =	vadd.f32 v15, v9  }
0x198: {  	v57 =	vld.idx.msk [tilespmem:v0+s23+$0xCA60 ss:$0x1], $0xffff;
	v11 =	vadd.f32 v51, v11;
	v12 =	vadd.f32 v12, v14  }
0x199: {  	v58 =	vld.idx.msk [tilespmem:v0+s23+$0xCA70 ss:$0x1], $0xffff;
	v10 =	vadd.f32 v52, v17;
	v3 =	vadd.f32 v3, v9  }
0x19a: {  	v59 =	vadd.f32 v54, v11;
	v4 =	vadd.f32 v4, v12  }
0x19b: {  	v10 =	vadd.f32 v55, v10;
	v1 =	vadd.f32 v1, v3  }
0x19c: {  	v60 =	vadd.f32 v56, v59;
	v2 =	vadd.f32 v2, v4  }
0x19d: {  	v61 =	vadd.f32 v57, v10;
	v1 =	vadd.f32 v1, v5  }
0x19e: {  	s31 =	sshll.u32 s22, $0x6;
	s22 =	sadd.s32 $0x1, s22;
	v0 =	vadd.f32 v58, v60;
	v2 =	vadd.f32 v2, v6  }
0x19f: {  	p0 =	sne.s32 s22, $0x10;
	v1 =	vmul.f32 $1.999999960e-02, v1;
	v62 =	vadd.f32 v61, v7  }
.Ltmp7:
0x1a0: {  	s23 =	sand.u32 $0x3FFFFFC0, s31;
	v2 =	vmul.f32 $1.999999960e-02, v2;
	v0 =	vadd.f32 v0, v8;
	(pc) =	sbr.rel @p0 .LBB2_14-.Ltmp7, $4  }
0x1a1: {  	[tilespmem:s23+$0x1B500] =	vst v1;
	v63 =	vmul.f32 $1.999999960e-02, v62  }
0x1a2: {  	[tilespmem:s23+$0x1B510] =	vst v2;
	v0 =	vmul.f32 $1.999999960e-02, v0  }
0x1a3: {  	[tilespmem:s23+$0x1B520] =	vst v63  }
0x1a4: {  	s21 =	sadd.s32 $0xC80, s21;
	[tilespmem:s23+$0x1B530] =	vst v0  }
0x1a5: {  	[tilespmem:s10], [sflag:$0x2] =	stream.indirect.gather [hbm4b:s3+s8], $0x40, s16, s8, $0xb8;
	[tilespmem:$0x1C900] =	vst v63  }
0x1a6: {  	_ =	swait.ge [sflag:s11], $0xC800  }
0x1a7: {  	[sflag:s11] =	ssyncset.done $0x0  }
0x1a8: {  	s21 =	simm.s32 $0x0;
	s22 =	simm.s32 $0x1A40;
	[sflag:s11] =	ssyncadd.s32 $0xFFFF3800  }
.LBB2_18:
0x1a9: {  	v0 =	vmov s22;
	_ =	sdelay $0x3  }
0x1aa: {  	s23 =	simm.s32 $0x0  }
0x1ab: {  	v5 =	vld.idx.msk [tilespmem:v0+s23+$0xC0 ss:$0x1], $0xffff  }
0x1ac: {  	v6 =	vld.idx.msk [tilespmem:v0+s23+$0xD0 ss:$0x1], $0xffff  }
0x1ad: {  	v7 =	vld.idx.msk [tilespmem:v0+s23+$0xE0 ss:$0x1], $0xffff  }
0x1ae: {  	v8 =	vld.idx.msk [tilespmem:v0+s23+$0xF0 ss:$0x1], $0xffff  }
0x1af: {  	v1 =	vld.idx.msk [tilespmem:v0+s23+$0x100 ss:$0x1], $0xffff  }
0x1b0: {  	v2 =	vld.idx.msk [tilespmem:v0+s23+$0x110 ss:$0x1], $0xffff  }
0x1b1: {  	v13 =	vld.idx.msk [tilespmem:v0+s23+$0x40 ss:$0x1], $0xffff  }
0x1b2: {  	v16 =	vld.idx.msk [tilespmem:v0+s23+$0x50 ss:$0x1], $0xffff  }
0x1b3: {  	v10 =	vld.idx.msk [tilespmem:v0+s23+$0x60 ss:$0x1], $0xffff  }
0x1b4: {  	v14 =	vld.idx.msk [tilespmem:v0+s23+$0x70 ss:$0x1], $0xffff  }
0x1b5: {  	v3 =	vld.idx.msk [tilespmem:v0+s23+$0x80 ss:$0x1], $0xffff  }
0x1b6: {  	v4 =	vld.idx.msk [tilespmem:v0+s23+$0x90 ss:$0x1], $0xffff  }
0x1b7: {  	v11 =	vld.idx.msk [tilespmem:v0+s23+$0xFFFFFFC0 ss:$0x1], $0xffff  }
0x1b8: {  	v17 =	vld.idx.msk [tilespmem:v0+s23+$0xFFFFFFD0 ss:$0x1], $0xffff  }
0x1b9: {  	v21 =	vld.idx.msk [tilespmem:v0+s23+$0xFFFFFFE0 ss:$0x1], $0xffff  }
0x1ba: {  	v22 =	vld.idx.msk [tilespmem:v0+s23+$0xFFFFFFF0 ss:$0x1], $0xffff  }
0x1bb: {  	v18 =	vld.idx.msk [tilespmem:v0+s23+$0xFFFFFF40 ss:$0x1], $0xffff  }
0x1bc: {  	v23 =	vld.idx.msk [tilespmem:v0+s23+$0xFFFFFF50 ss:$0x1], $0xffff  }
0x1bd: {  	v19 =	vld.idx.msk [tilespmem:v0+s23+$0xFFFFFEC0 ss:$0x1], $0xffff  }
0x1be: {  	v20 =	vld.idx.msk [tilespmem:v0+s23+$0xFFFFFED0 ss:$0x1], $0xffff  }
0x1bf: {  	v24 =	vld.idx.msk [tilespmem:v0+s23+$0xFFFFFEE0 ss:$0x1], $0xffff  }
0x1c0: {  	v25 =	vld.idx.msk [tilespmem:v0+s23+$0xFFFFFEF0 ss:$0x1], $0xffff  }
0x1c1: {  	v26 =	vld.idx.msk [tilespmem:v0+s23+$0xFFFFFF60 ss:$0x1], $0xffff  }
0x1c2: {  	v27 =	vld.idx.msk [tilespmem:v0+s23+$0xFFFFFF70 ss:$0x1], $0xffff  }
0x1c3: {  	v9 =	vimm.f32 $0.0e+00;
	v15 =	vld.idx.msk [tilespmem:v0+s23+$0x0 ss:$0x1], $0xffff  }
0x1c4: {  	v12 =	vld.idx.msk [tilespmem:v0+s23+$0x10 ss:$0x1], $0xffff;
	v28 =	vadd.f32 v19, v9;
	v29 =	vadd.f32 v20, v9  }
0x1c5: {  	v19 =	vld.idx.msk [tilespmem:v0+s23+$0xFFFFFF80 ss:$0x1], $0xffff;
	v24 =	vadd.f32 v24, v9;
	v25 =	vadd.f32 v25, v9  }
0x1c6: {  	v20 =	vld.idx.msk [tilespmem:v0+s23+$0xFFFFFF90 ss:$0x1], $0xffff;
	v18 =	vadd.f32 v18, v28;
	v29 =	vadd.f32 v23, v29  }
0x1c7: {  	v23 =	vld.idx.msk [tilespmem:v0+s23+$0xFFFFFF00 ss:$0x1], $0xffff;
	v26 =	vadd.f32 v26, v24;
	v27 =	vadd.f32 v27, v25  }
0x1c8: {  	v24 =	vld.idx.msk [tilespmem:v0+s23+$0xFFFFFF10 ss:$0x1], $0xffff;
	v28 =	vadd.f32 v11, v18;
	v29 =	vadd.f32 v17, v29  }
0x1c9: {  	s24 =	simm.s32 $0xA00;
	v25 =	vld.idx.msk [tilespmem:v0+s23+$0xFFFFFF20 ss:$0x1], $0xffff;
	v18 =	vimm.f32 $0.0e+00;
	v17 =	vimm.f32 $0.0e+00;
	v11 =	vimm.f32 $0.0e+00  }
.LBB2_19:
0x1ca: {  	p0 =	sne.s32 s24, $0x2800;
	v30 =	vld.idx.msk [tilespmem:v0+s23+$0xFFFFFF30 ss:$0x1], $0xffff;
	v21 =	vadd.f32 v21, v26;
	v22 =	vadd.f32 v22, v27  }
0x1cb: {  	v26 =	vld.idx.msk [tilespmem:v0+s23+$0xFFFFFFA0 ss:$0x1], $0xffff;
	v13 =	vadd.f32 v13, v28;
	v16 =	vadd.f32 v16, v29  }
0x1cc: {  	v27 =	vld.idx.msk [tilespmem:v0+s23+$0xFFFFFFB0 ss:$0x1], $0xffff;
	v10 =	vadd.f32 v10, v21;
	v14 =	vadd.f32 v14, v22  }
0x1cd: {  	v21 =	vld.idx.msk [tilespmem:v0+s23+$0x20 ss:$0x1], $0xffff;
	v28 =	vadd.f32 v5, v13;
	v29 =	vadd.f32 v6, v16  }
0x1ce: {  	v13 =	vld.idx.msk [tilespmem:v0+s23+$0x30 ss:$0x1], $0xffff;
	v31 =	vadd.f32 v7, v10;
	v32 =	vadd.f32 v8, v14  }
0x1cf: {  	v5 =	vadd.f32 v23, v9;
	v6 =	vadd.f32 v24, v18;
	v9 =	vld.idx.msk [tilespmem:v0+s23+$0xA0 ss:$0x1], $0xffff  }
0x1d0: {  	v7 =	vadd.f32 v25, v17;
	v8 =	vadd.f32 v30, v11;
	v10 =	vld.idx.msk [tilespmem:v0+s23+$0xB0 ss:$0x1], $0xffff  }
0x1d1: {  	v11 =	vadd.f32 v19, v5;
	v6 =	vadd.f32 v20, v6;
	v14 =	vld.idx.msk [tilespmem:v0+s23+$0x120 ss:$0x1], $0xffff  }
0x1d2: {  	v7 =	vadd.f32 v26, v7;
	v8 =	vadd.f32 v27, v8;
	v16 =	vld.idx.msk [tilespmem:v0+s23+$0x130 ss:$0x1], $0xffff;
	s23 =	sshra.s32 s24, $0x2  }
0x1d3: {  	v11 =	vadd.f32 v15, v11;
	v12 =	vadd.f32 v12, v6;
	v5 =	vld.idx.msk [tilespmem:v0+s23+$0xC0 ss:$0x1], $0xffff  }
0x1d4: {  	v15 =	vadd.f32 v21, v7;
	v13 =	vadd.f32 v13, v8;
	v6 =	vld.idx.msk [tilespmem:v0+s23+$0xD0 ss:$0x1], $0xffff  }
0x1d5: {  	v3 =	vadd.f32 v3, v11;
	v4 =	vadd.f32 v4, v12;
	v7 =	vld.idx.msk [tilespmem:v0+s23+$0xE0 ss:$0x1], $0xffff  }
0x1d6: {  	v11 =	vadd.f32 v9, v15;
	v10 =	vadd.f32 v10, v13;
	v8 =	vld.idx.msk [tilespmem:v0+s23+$0xF0 ss:$0x1], $0xffff  }
0x1d7: {  	v9 =	vadd.f32 v1, v3;
	v18 =	vadd.f32 v2, v4;
	v1 =	vld.idx.msk [tilespmem:v0+s23+$0x100 ss:$0x1], $0xffff  }
0x1d8: {  	v17 =	vadd.f32 v14, v11;
	v11 =	vadd.f32 v16, v10;
	v2 =	vld.idx.msk [tilespmem:v0+s23+$0x110 ss:$0x1], $0xffff  }
0x1d9: {  	v13 =	vld.idx.msk [tilespmem:v0+s23+$0x40 ss:$0x1], $0xffff  }
0x1da: {  	v16 =	vld.idx.msk [tilespmem:v0+s23+$0x50 ss:$0x1], $0xffff  }
0x1db: {  	v10 =	vld.idx.msk [tilespmem:v0+s23+$0x60 ss:$0x1], $0xffff  }
0x1dc: {  	v14 =	vld.idx.msk [tilespmem:v0+s23+$0x70 ss:$0x1], $0xffff  }
0x1dd: {  	v3 =	vld.idx.msk [tilespmem:v0+s23+$0x80 ss:$0x1], $0xffff  }
0x1de: {  	v4 =	vld.idx.msk [tilespmem:v0+s23+$0x90 ss:$0x1], $0xffff  }
0x1df: {  	v30 =	vld.idx.msk [tilespmem:v0+s23+$0xFFFFFFC0 ss:$0x1], $0xffff  }
0x1e0: {  	v33 =	vld.idx.msk [tilespmem:v0+s23+$0xFFFFFFD0 ss:$0x1], $0xffff  }
0x1e1: {  	v21 =	vld.idx.msk [tilespmem:v0+s23+$0xFFFFFFE0 ss:$0x1], $0xffff  }
0x1e2: {  	v22 =	vld.idx.msk [tilespmem:v0+s23+$0xFFFFFFF0 ss:$0x1], $0xffff  }
0x1e3: {  	v24 =	vld.idx.msk [tilespmem:v0+s23+$0xFFFFFF40 ss:$0x1], $0xffff  }
0x1e4: {  	v25 =	vld.idx.msk [tilespmem:v0+s23+$0xFFFFFF50 ss:$0x1], $0xffff  }
0x1e5: {  	v19 =	vld.idx.msk [tilespmem:v0+s23+$0xFFFFFEC0 ss:$0x1], $0xffff  }
0x1e6: {  	v20 =	vld.idx.msk [tilespmem:v0+s23+$0xFFFFFED0 ss:$0x1], $0xffff  }
0x1e7: {  	v23 =	vld.idx.msk [tilespmem:v0+s23+$0xFFFFFEE0 ss:$0x1], $0xffff  }
0x1e8: {  	v26 =	vld.idx.msk [tilespmem:v0+s23+$0xFFFFFEF0 ss:$0x1], $0xffff  }
0x1e9: {  	v27 =	vld.idx.msk [tilespmem:v0+s23+$0xFFFFFF60 ss:$0x1], $0xffff  }
0x1ea: {  	v34 =	vld.idx.msk [tilespmem:v0+s23+$0xFFFFFF70 ss:$0x1], $0xffff  }
0x1eb: {  	v15 =	vld.idx.msk [tilespmem:v0+s23+$0x0 ss:$0x1], $0xffff  }
0x1ec: {  	v12 =	vld.idx.msk [tilespmem:v0+s23+$0x10 ss:$0x1], $0xffff  }
.Ltmp8:
0x1ed: {  	v28 =	vadd.f32 v19, v28;
	v29 =	vadd.f32 v20, v29;
	v19 =	vld.idx.msk [tilespmem:v0+s23+$0xFFFFFF80 ss:$0x1], $0xffff;
	(pc) =	sbr.rel @p0 .LBB2_19-.Ltmp8, $4  }
0x1ee: {  	v31 =	vadd.f32 v23, v31;
	v32 =	vadd.f32 v26, v32;
	v20 =	vld.idx.msk [tilespmem:v0+s23+$0xFFFFFF90 ss:$0x1], $0xffff  }
0x1ef: {  	v28 =	vadd.f32 v24, v28;
	v29 =	vadd.f32 v25, v29;
	v23 =	vld.idx.msk [tilespmem:v0+s23+$0xFFFFFF00 ss:$0x1], $0xffff  }
0x1f0: {  	v26 =	vadd.f32 v27, v31;
	v27 =	vadd.f32 v34, v32;
	v24 =	vld.idx.msk [tilespmem:v0+s23+$0xFFFFFF10 ss:$0x1], $0xffff  }
0x1f1: {  	s24 =	sadd.s32 $0xA00, s24;
	v28 =	vadd.f32 v30, v28;
	v29 =	vadd.f32 v33, v29;
	v25 =	vld.idx.msk [tilespmem:v0+s23+$0xFFFFFF20 ss:$0x1], $0xffff  }
0x1f2: {  	_ =	sdelay $0x1  }
0x1f3: {  	v21 =	vadd.f32 v21, v26;
	v22 =	vadd.f32 v22, v27  }
0x1f4: {  	v13 =	vadd.f32 v13, v28;
	v16 =	vadd.f32 v16, v29  }
0x1f5: {  	v49 =	vld.idx.msk [tilespmem:v0+s23+$0xFFFFFF30 ss:$0x1], $0xffff;
	v10 =	vadd.f32 v10, v21;
	v14 =	vadd.f32 v14, v22  }
0x1f6: {  	v50 =	vld.idx.msk [tilespmem:v0+s23+$0xFFFFFFA0 ss:$0x1], $0xffff;
	v9 =	vadd.f32 v23, v9;
	v5 =	vadd.f32 v5, v13  }
0x1f7: {  	v51 =	vld.idx.msk [tilespmem:v0+s23+$0xFFFFFFB0 ss:$0x1], $0xffff;
	v6 =	vadd.f32 v6, v16;
	v53 =	vadd.f32 v24, v18  }
0x1f8: {  	v52 =	vld.idx.msk [tilespmem:v0+s23+$0x20 ss:$0x1], $0xffff;
	v7 =	vadd.f32 v7, v10;
	v8 =	vadd.f32 v8, v14  }
0x1f9: {  	v54 =	vld.idx.msk [tilespmem:v0+s23+$0x30 ss:$0x1], $0xffff;
	v17 =	vadd.f32 v25, v17;
	v9 =	vadd.f32 v19, v9  }
0x1fa: {  	v55 =	vld.idx.msk [tilespmem:v0+s23+$0xA0 ss:$0x1], $0xffff;
	v11 =	vadd.f32 v49, v11;
	v14 =	vadd.f32 v20, v53  }
0x1fb: {  	v56 =	vld.idx.msk [tilespmem:v0+s23+$0xB0 ss:$0x1], $0xffff;
	v17 =	vadd.f32 v50, v17;
	v9 =	vadd.f32 v15, v9  }
0x1fc: {  	v57 =	vld.idx.msk [tilespmem:v0+s23+$0x120 ss:$0x1], $0xffff;
	v11 =	vadd.f32 v51, v11;
	v12 =	vadd.f32 v12, v14  }
0x1fd: {  	v58 =	vld.idx.msk [tilespmem:v0+s23+$0x130 ss:$0x1], $0xffff;
	v10 =	vadd.f32 v52, v17;
	v3 =	vadd.f32 v3, v9  }
0x1fe: {  	v59 =	vadd.f32 v54, v11;
	v4 =	vadd.f32 v4, v12  }
0x1ff: {  	v10 =	vadd.f32 v55, v10;
	v1 =	vadd.f32 v1, v3  }
0x200: {  	v60 =	vadd.f32 v56, v59;
	v2 =	vadd.f32 v2, v4  }
0x201: {  	v61 =	vadd.f32 v57, v10;
	v1 =	vadd.f32 v1, v5  }
0x202: {  	s31 =	sshll.u32 s21, $0x6;
	s21 =	sadd.s32 $0x1, s21;
	v0 =	vadd.f32 v58, v60;
	v2 =	vadd.f32 v2, v6  }
0x203: {  	p0 =	sne.s32 s21, $0x10;
	v1 =	vmul.f32 $1.999999960e-02, v1;
	v62 =	vadd.f32 v61, v7  }
.Ltmp9:
0x204: {  	s23 =	sand.u32 $0x3FFFFFC0, s31;
	v2 =	vmul.f32 $1.999999960e-02, v2;
	v0 =	vadd.f32 v0, v8;
	(pc) =	sbr.rel @p0 .LBB2_18-.Ltmp9, $4  }
0x205: {  	[tilespmem:s23+$0x1B900] =	vst v1;
	v63 =	vmul.f32 $1.999999960e-02, v62  }
0x206: {  	[tilespmem:s23+$0x1B910] =	vst v2;
	v0 =	vmul.f32 $1.999999960e-02, v0  }
0x207: {  	[tilespmem:s23+$0x1B920] =	vst v63  }
0x208: {  	s22 =	sadd.s32 $0xC80, s22;
	[tilespmem:s23+$0x1B930] =	vst v0  }
0x209: {  	s21 =	simm.s32 $0x1900  }
0x20a: {  	[tilespmem:s21], [sflag:$0x1] =	stream.indirect.gather [hbm4b:s3+s8], $0x40, s17, s8, $0xb8;
	[tilespmem:$0x1C900] =	vst v63  }
0x20b: {  	_ =	swait.ge [sflag:s13], $0xC800  }
0x20c: {  	[sflag:s13] =	ssyncset.done $0x0  }
0x20d: {  	s22 =	simm.s32 $0x0;
	[sflag:s13] =	ssyncadd.s32 $0xFFFF3800  }
.LBB2_22:
0x20e: {  	v0 =	vmov s21;
	_ =	sdelay $0x3  }
0x20f: {  	s23 =	simm.s32 $0x0  }
0x210: {  	v5 =	vld.idx.msk [tilespmem:v0+s23+$0xCA00 ss:$0x1], $0xffff  }
0x211: {  	v6 =	vld.idx.msk [tilespmem:v0+s23+$0xCA10 ss:$0x1], $0xffff  }
0x212: {  	v7 =	vld.idx.msk [tilespmem:v0+s23+$0xCA20 ss:$0x1], $0xffff  }
0x213: {  	v8 =	vld.idx.msk [tilespmem:v0+s23+$0xCA30 ss:$0x1], $0xffff  }
0x214: {  	v1 =	vld.idx.msk [tilespmem:v0+s23+$0xCA40 ss:$0x1], $0xffff  }
0x215: {  	v2 =	vld.idx.msk [tilespmem:v0+s23+$0xCA50 ss:$0x1], $0xffff  }
0x216: {  	v13 =	vld.idx.msk [tilespmem:v0+s23+$0xC980 ss:$0x1], $0xffff  }
0x217: {  	v16 =	vld.idx.msk [tilespmem:v0+s23+$0xC990 ss:$0x1], $0xffff  }
0x218: {  	v10 =	vld.idx.msk [tilespmem:v0+s23+$0xC9A0 ss:$0x1], $0xffff  }
0x219: {  	v14 =	vld.idx.msk [tilespmem:v0+s23+$0xC9B0 ss:$0x1], $0xffff  }
0x21a: {  	v3 =	vld.idx.msk [tilespmem:v0+s23+$0xC9C0 ss:$0x1], $0xffff  }
0x21b: {  	v4 =	vld.idx.msk [tilespmem:v0+s23+$0xC9D0 ss:$0x1], $0xffff  }
0x21c: {  	v11 =	vld.idx.msk [tilespmem:v0+s23+$0xC900 ss:$0x1], $0xffff  }
0x21d: {  	v17 =	vld.idx.msk [tilespmem:v0+s23+$0xC910 ss:$0x1], $0xffff  }
0x21e: {  	v21 =	vld.idx.msk [tilespmem:v0+s23+$0xC920 ss:$0x1], $0xffff  }
0x21f: {  	v22 =	vld.idx.msk [tilespmem:v0+s23+$0xC930 ss:$0x1], $0xffff  }
0x220: {  	v18 =	vld.idx.msk [tilespmem:v0+s23+$0xC880 ss:$0x1], $0xffff  }
0x221: {  	v23 =	vld.idx.msk [tilespmem:v0+s23+$0xC890 ss:$0x1], $0xffff  }
0x222: {  	v19 =	vld.idx.msk [tilespmem:v0+s23+$0xC800 ss:$0x1], $0xffff  }
0x223: {  	v20 =	vld.idx.msk [tilespmem:v0+s23+$0xC810 ss:$0x1], $0xffff  }
0x224: {  	v24 =	vld.idx.msk [tilespmem:v0+s23+$0xC820 ss:$0x1], $0xffff  }
0x225: {  	v25 =	vld.idx.msk [tilespmem:v0+s23+$0xC830 ss:$0x1], $0xffff  }
0x226: {  	v26 =	vld.idx.msk [tilespmem:v0+s23+$0xC8A0 ss:$0x1], $0xffff  }
0x227: {  	v27 =	vld.idx.msk [tilespmem:v0+s23+$0xC8B0 ss:$0x1], $0xffff  }
0x228: {  	v9 =	vimm.f32 $0.0e+00;
	v15 =	vld.idx.msk [tilespmem:v0+s23+$0xC940 ss:$0x1], $0xffff  }
0x229: {  	v12 =	vld.idx.msk [tilespmem:v0+s23+$0xC950 ss:$0x1], $0xffff;
	v28 =	vadd.f32 v19, v9;
	v29 =	vadd.f32 v20, v9  }
0x22a: {  	v19 =	vld.idx.msk [tilespmem:v0+s23+$0xC8C0 ss:$0x1], $0xffff;
	v24 =	vadd.f32 v24, v9;
	v25 =	vadd.f32 v25, v9  }
0x22b: {  	v20 =	vld.idx.msk [tilespmem:v0+s23+$0xC8D0 ss:$0x1], $0xffff;
	v18 =	vadd.f32 v18, v28;
	v29 =	vadd.f32 v23, v29  }
0x22c: {  	v23 =	vld.idx.msk [tilespmem:v0+s23+$0xC840 ss:$0x1], $0xffff;
	v26 =	vadd.f32 v26, v24;
	v27 =	vadd.f32 v27, v25  }
0x22d: {  	v24 =	vld.idx.msk [tilespmem:v0+s23+$0xC850 ss:$0x1], $0xffff;
	v28 =	vadd.f32 v11, v18;
	v29 =	vadd.f32 v17, v29  }
0x22e: {  	s24 =	simm.s32 $0xA00;
	v25 =	vld.idx.msk [tilespmem:v0+s23+$0xC860 ss:$0x1], $0xffff;
	v18 =	vimm.f32 $0.0e+00;
	v17 =	vimm.f32 $0.0e+00;
	v11 =	vimm.f32 $0.0e+00  }
.LBB2_23:
0x22f: {  	p0 =	sne.s32 s24, $0x2800;
	v30 =	vld.idx.msk [tilespmem:v0+s23+$0xC870 ss:$0x1], $0xffff;
	v21 =	vadd.f32 v21, v26;
	v22 =	vadd.f32 v22, v27  }
0x230: {  	v26 =	vld.idx.msk [tilespmem:v0+s23+$0xC8E0 ss:$0x1], $0xffff;
	v13 =	vadd.f32 v13, v28;
	v16 =	vadd.f32 v16, v29  }
0x231: {  	v27 =	vld.idx.msk [tilespmem:v0+s23+$0xC8F0 ss:$0x1], $0xffff;
	v10 =	vadd.f32 v10, v21;
	v14 =	vadd.f32 v14, v22  }
0x232: {  	v21 =	vld.idx.msk [tilespmem:v0+s23+$0xC960 ss:$0x1], $0xffff;
	v28 =	vadd.f32 v5, v13;
	v29 =	vadd.f32 v6, v16  }
0x233: {  	v13 =	vld.idx.msk [tilespmem:v0+s23+$0xC970 ss:$0x1], $0xffff;
	v31 =	vadd.f32 v7, v10;
	v32 =	vadd.f32 v8, v14  }
0x234: {  	v5 =	vadd.f32 v23, v9;
	v6 =	vadd.f32 v24, v18;
	v9 =	vld.idx.msk [tilespmem:v0+s23+$0xC9E0 ss:$0x1], $0xffff  }
0x235: {  	v7 =	vadd.f32 v25, v17;
	v8 =	vadd.f32 v30, v11;
	v10 =	vld.idx.msk [tilespmem:v0+s23+$0xC9F0 ss:$0x1], $0xffff  }
0x236: {  	v11 =	vadd.f32 v19, v5;
	v6 =	vadd.f32 v20, v6;
	v14 =	vld.idx.msk [tilespmem:v0+s23+$0xCA60 ss:$0x1], $0xffff  }
0x237: {  	v7 =	vadd.f32 v26, v7;
	v8 =	vadd.f32 v27, v8;
	v16 =	vld.idx.msk [tilespmem:v0+s23+$0xCA70 ss:$0x1], $0xffff;
	s23 =	sshra.s32 s24, $0x2  }
0x238: {  	v11 =	vadd.f32 v15, v11;
	v12 =	vadd.f32 v12, v6;
	v5 =	vld.idx.msk [tilespmem:v0+s23+$0xCA00 ss:$0x1], $0xffff  }
0x239: {  	v15 =	vadd.f32 v21, v7;
	v13 =	vadd.f32 v13, v8;
	v6 =	vld.idx.msk [tilespmem:v0+s23+$0xCA10 ss:$0x1], $0xffff  }
0x23a: {  	v3 =	vadd.f32 v3, v11;
	v4 =	vadd.f32 v4, v12;
	v7 =	vld.idx.msk [tilespmem:v0+s23+$0xCA20 ss:$0x1], $0xffff  }
0x23b: {  	v11 =	vadd.f32 v9, v15;
	v10 =	vadd.f32 v10, v13;
	v8 =	vld.idx.msk [tilespmem:v0+s23+$0xCA30 ss:$0x1], $0xffff  }
0x23c: {  	v9 =	vadd.f32 v1, v3;
	v18 =	vadd.f32 v2, v4;
	v1 =	vld.idx.msk [tilespmem:v0+s23+$0xCA40 ss:$0x1], $0xffff  }
0x23d: {  	v17 =	vadd.f32 v14, v11;
	v11 =	vadd.f32 v16, v10;
	v2 =	vld.idx.msk [tilespmem:v0+s23+$0xCA50 ss:$0x1], $0xffff  }
0x23e: {  	v13 =	vld.idx.msk [tilespmem:v0+s23+$0xC980 ss:$0x1], $0xffff  }
0x23f: {  	v16 =	vld.idx.msk [tilespmem:v0+s23+$0xC990 ss:$0x1], $0xffff  }
0x240: {  	v10 =	vld.idx.msk [tilespmem:v0+s23+$0xC9A0 ss:$0x1], $0xffff  }
0x241: {  	v14 =	vld.idx.msk [tilespmem:v0+s23+$0xC9B0 ss:$0x1], $0xffff  }
0x242: {  	v3 =	vld.idx.msk [tilespmem:v0+s23+$0xC9C0 ss:$0x1], $0xffff  }
0x243: {  	v4 =	vld.idx.msk [tilespmem:v0+s23+$0xC9D0 ss:$0x1], $0xffff  }
0x244: {  	v30 =	vld.idx.msk [tilespmem:v0+s23+$0xC900 ss:$0x1], $0xffff  }
0x245: {  	v33 =	vld.idx.msk [tilespmem:v0+s23+$0xC910 ss:$0x1], $0xffff  }
0x246: {  	v21 =	vld.idx.msk [tilespmem:v0+s23+$0xC920 ss:$0x1], $0xffff  }
0x247: {  	v22 =	vld.idx.msk [tilespmem:v0+s23+$0xC930 ss:$0x1], $0xffff  }
0x248: {  	v24 =	vld.idx.msk [tilespmem:v0+s23+$0xC880 ss:$0x1], $0xffff  }
0x249: {  	v25 =	vld.idx.msk [tilespmem:v0+s23+$0xC890 ss:$0x1], $0xffff  }
0x24a: {  	v19 =	vld.idx.msk [tilespmem:v0+s23+$0xC800 ss:$0x1], $0xffff  }
0x24b: {  	v20 =	vld.idx.msk [tilespmem:v0+s23+$0xC810 ss:$0x1], $0xffff  }
0x24c: {  	v23 =	vld.idx.msk [tilespmem:v0+s23+$0xC820 ss:$0x1], $0xffff  }
0x24d: {  	v26 =	vld.idx.msk [tilespmem:v0+s23+$0xC830 ss:$0x1], $0xffff  }
0x24e: {  	v27 =	vld.idx.msk [tilespmem:v0+s23+$0xC8A0 ss:$0x1], $0xffff  }
0x24f: {  	v34 =	vld.idx.msk [tilespmem:v0+s23+$0xC8B0 ss:$0x1], $0xffff  }
0x250: {  	v15 =	vld.idx.msk [tilespmem:v0+s23+$0xC940 ss:$0x1], $0xffff  }
0x251: {  	v12 =	vld.idx.msk [tilespmem:v0+s23+$0xC950 ss:$0x1], $0xffff  }
.Ltmp10:
0x252: {  	v28 =	vadd.f32 v19, v28;
	v29 =	vadd.f32 v20, v29;
	v19 =	vld.idx.msk [tilespmem:v0+s23+$0xC8C0 ss:$0x1], $0xffff;
	(pc) =	sbr.rel @p0 .LBB2_23-.Ltmp10, $4  }
0x253: {  	v31 =	vadd.f32 v23, v31;
	v32 =	vadd.f32 v26, v32;
	v20 =	vld.idx.msk [tilespmem:v0+s23+$0xC8D0 ss:$0x1], $0xffff  }
0x254: {  	v28 =	vadd.f32 v24, v28;
	v29 =	vadd.f32 v25, v29;
	v23 =	vld.idx.msk [tilespmem:v0+s23+$0xC840 ss:$0x1], $0xffff  }
0x255: {  	v26 =	vadd.f32 v27, v31;
	v27 =	vadd.f32 v34, v32;
	v24 =	vld.idx.msk [tilespmem:v0+s23+$0xC850 ss:$0x1], $0xffff  }
0x256: {  	s24 =	sadd.s32 $0xA00, s24;
	v28 =	vadd.f32 v30, v28;
	v29 =	vadd.f32 v33, v29;
	v25 =	vld.idx.msk [tilespmem:v0+s23+$0xC860 ss:$0x1], $0xffff  }
0x257: {  	_ =	sdelay $0x1  }
0x258: {  	v21 =	vadd.f32 v21, v26;
	v22 =	vadd.f32 v22, v27  }
0x259: {  	v13 =	vadd.f32 v13, v28;
	v16 =	vadd.f32 v16, v29  }
0x25a: {  	v49 =	vld.idx.msk [tilespmem:v0+s23+$0xC870 ss:$0x1], $0xffff;
	v10 =	vadd.f32 v10, v21;
	v14 =	vadd.f32 v14, v22  }
0x25b: {  	v50 =	vld.idx.msk [tilespmem:v0+s23+$0xC8E0 ss:$0x1], $0xffff;
	v9 =	vadd.f32 v23, v9;
	v5 =	vadd.f32 v5, v13  }
0x25c: {  	v51 =	vld.idx.msk [tilespmem:v0+s23+$0xC8F0 ss:$0x1], $0xffff;
	v6 =	vadd.f32 v6, v16;
	v53 =	vadd.f32 v24, v18  }
0x25d: {  	v52 =	vld.idx.msk [tilespmem:v0+s23+$0xC960 ss:$0x1], $0xffff;
	v7 =	vadd.f32 v7, v10;
	v8 =	vadd.f32 v8, v14  }
0x25e: {  	v54 =	vld.idx.msk [tilespmem:v0+s23+$0xC970 ss:$0x1], $0xffff;
	v17 =	vadd.f32 v25, v17;
	v9 =	vadd.f32 v19, v9  }
0x25f: {  	v55 =	vld.idx.msk [tilespmem:v0+s23+$0xC9E0 ss:$0x1], $0xffff;
	v11 =	vadd.f32 v49, v11;
	v14 =	vadd.f32 v20, v53  }
0x260: {  	v56 =	vld.idx.msk [tilespmem:v0+s23+$0xC9F0 ss:$0x1], $0xffff;
	v17 =	vadd.f32 v50, v17;
	v9 =	vadd.f32 v15, v9  }
0x261: {  	v57 =	vld.idx.msk [tilespmem:v0+s23+$0xCA60 ss:$0x1], $0xffff;
	v11 =	vadd.f32 v51, v11;
	v12 =	vadd.f32 v12, v14  }
0x262: {  	v58 =	vld.idx.msk [tilespmem:v0+s23+$0xCA70 ss:$0x1], $0xffff;
	v10 =	vadd.f32 v52, v17;
	v3 =	vadd.f32 v3, v9  }
0x263: {  	v59 =	vadd.f32 v54, v11;
	v4 =	vadd.f32 v4, v12  }
0x264: {  	v10 =	vadd.f32 v55, v10;
	v1 =	vadd.f32 v1, v3  }
0x265: {  	v60 =	vadd.f32 v56, v59;
	v2 =	vadd.f32 v2, v4  }
0x266: {  	v61 =	vadd.f32 v57, v10;
	v1 =	vadd.f32 v1, v5  }
0x267: {  	s31 =	sshll.u32 s22, $0x6;
	s22 =	sadd.s32 $0x1, s22;
	v0 =	vadd.f32 v58, v60;
	v2 =	vadd.f32 v2, v6  }
0x268: {  	p0 =	sne.s32 s22, $0x10;
	v1 =	vmul.f32 $1.999999960e-02, v1;
	v62 =	vadd.f32 v61, v7  }
.Ltmp11:
0x269: {  	s23 =	sand.u32 $0x3FFFFFC0, s31;
	v2 =	vmul.f32 $1.999999960e-02, v2;
	v0 =	vadd.f32 v0, v8;
	(pc) =	sbr.rel @p0 .LBB2_22-.Ltmp11, $4  }
0x26a: {  	[tilespmem:s23+$0x1BD00] =	vst v1;
	v63 =	vmul.f32 $1.999999960e-02, v62  }
0x26b: {  	[tilespmem:s23+$0x1BD10] =	vst v2;
	v0 =	vmul.f32 $1.999999960e-02, v0  }
0x26c: {  	[tilespmem:s23+$0x1BD20] =	vst v63  }
0x26d: {  	s21 =	sadd.s32 $0xC80, s21;
	[tilespmem:s23+$0x1BD30] =	vst v0  }
0x26e: {  	[tilespmem:s10], [sflag:$0x2] =	stream.indirect.gather [hbm4b:s3+s8], $0x40, s18, s8, $0xb8;
	[tilespmem:$0x1C900] =	vst v63  }
0x26f: {  	_ =	swait.ge [sflag:s11], $0xC800  }
0x270: {  	[sflag:s11] =	ssyncset.done $0x0  }
0x271: {  	s21 =	simm.s32 $0x0;
	s22 =	simm.s32 $0x1A40;
	[sflag:s11] =	ssyncadd.s32 $0xFFFF3800  }
.LBB2_26:
0x272: {  	v0 =	vmov s22;
	_ =	sdelay $0x3  }
0x273: {  	s23 =	simm.s32 $0x0  }
0x274: {  	v5 =	vld.idx.msk [tilespmem:v0+s23+$0xC0 ss:$0x1], $0xffff  }
0x275: {  	v6 =	vld.idx.msk [tilespmem:v0+s23+$0xD0 ss:$0x1], $0xffff  }
0x276: {  	v7 =	vld.idx.msk [tilespmem:v0+s23+$0xE0 ss:$0x1], $0xffff  }
0x277: {  	v8 =	vld.idx.msk [tilespmem:v0+s23+$0xF0 ss:$0x1], $0xffff  }
0x278: {  	v1 =	vld.idx.msk [tilespmem:v0+s23+$0x100 ss:$0x1], $0xffff  }
0x279: {  	v2 =	vld.idx.msk [tilespmem:v0+s23+$0x110 ss:$0x1], $0xffff  }
0x27a: {  	v13 =	vld.idx.msk [tilespmem:v0+s23+$0x40 ss:$0x1], $0xffff  }
0x27b: {  	v16 =	vld.idx.msk [tilespmem:v0+s23+$0x50 ss:$0x1], $0xffff  }
0x27c: {  	v10 =	vld.idx.msk [tilespmem:v0+s23+$0x60 ss:$0x1], $0xffff  }
0x27d: {  	v14 =	vld.idx.msk [tilespmem:v0+s23+$0x70 ss:$0x1], $0xffff  }
0x27e: {  	v3 =	vld.idx.msk [tilespmem:v0+s23+$0x80 ss:$0x1], $0xffff  }
0x27f: {  	v4 =	vld.idx.msk [tilespmem:v0+s23+$0x90 ss:$0x1], $0xffff  }
0x280: {  	v11 =	vld.idx.msk [tilespmem:v0+s23+$0xFFFFFFC0 ss:$0x1], $0xffff  }
0x281: {  	v17 =	vld.idx.msk [tilespmem:v0+s23+$0xFFFFFFD0 ss:$0x1], $0xffff  }
0x282: {  	v21 =	vld.idx.msk [tilespmem:v0+s23+$0xFFFFFFE0 ss:$0x1], $0xffff  }
0x283: {  	v22 =	vld.idx.msk [tilespmem:v0+s23+$0xFFFFFFF0 ss:$0x1], $0xffff  }
0x284: {  	v18 =	vld.idx.msk [tilespmem:v0+s23+$0xFFFFFF40 ss:$0x1], $0xffff  }
0x285: {  	v23 =	vld.idx.msk [tilespmem:v0+s23+$0xFFFFFF50 ss:$0x1], $0xffff  }
0x286: {  	v19 =	vld.idx.msk [tilespmem:v0+s23+$0xFFFFFEC0 ss:$0x1], $0xffff  }
0x287: {  	v20 =	vld.idx.msk [tilespmem:v0+s23+$0xFFFFFED0 ss:$0x1], $0xffff  }
0x288: {  	v24 =	vld.idx.msk [tilespmem:v0+s23+$0xFFFFFEE0 ss:$0x1], $0xffff  }
0x289: {  	v25 =	vld.idx.msk [tilespmem:v0+s23+$0xFFFFFEF0 ss:$0x1], $0xffff  }
0x28a: {  	v26 =	vld.idx.msk [tilespmem:v0+s23+$0xFFFFFF60 ss:$0x1], $0xffff  }
0x28b: {  	v27 =	vld.idx.msk [tilespmem:v0+s23+$0xFFFFFF70 ss:$0x1], $0xffff  }
0x28c: {  	v9 =	vimm.f32 $0.0e+00;
	v15 =	vld.idx.msk [tilespmem:v0+s23+$0x0 ss:$0x1], $0xffff  }
0x28d: {  	v12 =	vld.idx.msk [tilespmem:v0+s23+$0x10 ss:$0x1], $0xffff;
	v28 =	vadd.f32 v19, v9;
	v29 =	vadd.f32 v20, v9  }
0x28e: {  	v19 =	vld.idx.msk [tilespmem:v0+s23+$0xFFFFFF80 ss:$0x1], $0xffff;
	v24 =	vadd.f32 v24, v9;
	v25 =	vadd.f32 v25, v9  }
0x28f: {  	v20 =	vld.idx.msk [tilespmem:v0+s23+$0xFFFFFF90 ss:$0x1], $0xffff;
	v18 =	vadd.f32 v18, v28;
	v29 =	vadd.f32 v23, v29  }
0x290: {  	v23 =	vld.idx.msk [tilespmem:v0+s23+$0xFFFFFF00 ss:$0x1], $0xffff;
	v26 =	vadd.f32 v26, v24;
	v27 =	vadd.f32 v27, v25  }
0x291: {  	v24 =	vld.idx.msk [tilespmem:v0+s23+$0xFFFFFF10 ss:$0x1], $0xffff;
	v28 =	vadd.f32 v11, v18;
	v29 =	vadd.f32 v17, v29  }
0x292: {  	s24 =	simm.s32 $0xA00;
	v25 =	vld.idx.msk [tilespmem:v0+s23+$0xFFFFFF20 ss:$0x1], $0xffff;
	v18 =	vimm.f32 $0.0e+00;
	v17 =	vimm.f32 $0.0e+00;
	v11 =	vimm.f32 $0.0e+00  }
.LBB2_27:
0x293: {  	p0 =	sne.s32 s24, $0x2800;
	v30 =	vld.idx.msk [tilespmem:v0+s23+$0xFFFFFF30 ss:$0x1], $0xffff;
	v21 =	vadd.f32 v21, v26;
	v22 =	vadd.f32 v22, v27  }
0x294: {  	v26 =	vld.idx.msk [tilespmem:v0+s23+$0xFFFFFFA0 ss:$0x1], $0xffff;
	v13 =	vadd.f32 v13, v28;
	v16 =	vadd.f32 v16, v29  }
0x295: {  	v27 =	vld.idx.msk [tilespmem:v0+s23+$0xFFFFFFB0 ss:$0x1], $0xffff;
	v10 =	vadd.f32 v10, v21;
	v14 =	vadd.f32 v14, v22  }
0x296: {  	v21 =	vld.idx.msk [tilespmem:v0+s23+$0x20 ss:$0x1], $0xffff;
	v28 =	vadd.f32 v5, v13;
	v29 =	vadd.f32 v6, v16  }
0x297: {  	v13 =	vld.idx.msk [tilespmem:v0+s23+$0x30 ss:$0x1], $0xffff;
	v31 =	vadd.f32 v7, v10;
	v32 =	vadd.f32 v8, v14  }
0x298: {  	v5 =	vadd.f32 v23, v9;
	v6 =	vadd.f32 v24, v18;
	v9 =	vld.idx.msk [tilespmem:v0+s23+$0xA0 ss:$0x1], $0xffff  }
0x299: {  	v7 =	vadd.f32 v25, v17;
	v8 =	vadd.f32 v30, v11;
	v10 =	vld.idx.msk [tilespmem:v0+s23+$0xB0 ss:$0x1], $0xffff  }
0x29a: {  	v11 =	vadd.f32 v19, v5;
	v6 =	vadd.f32 v20, v6;
	v14 =	vld.idx.msk [tilespmem:v0+s23+$0x120 ss:$0x1], $0xffff  }
0x29b: {  	v7 =	vadd.f32 v26, v7;
	v8 =	vadd.f32 v27, v8;
	v16 =	vld.idx.msk [tilespmem:v0+s23+$0x130 ss:$0x1], $0xffff;
	s23 =	sshra.s32 s24, $0x2  }
0x29c: {  	v11 =	vadd.f32 v15, v11;
	v12 =	vadd.f32 v12, v6;
	v5 =	vld.idx.msk [tilespmem:v0+s23+$0xC0 ss:$0x1], $0xffff  }
0x29d: {  	v15 =	vadd.f32 v21, v7;
	v13 =	vadd.f32 v13, v8;
	v6 =	vld.idx.msk [tilespmem:v0+s23+$0xD0 ss:$0x1], $0xffff  }
0x29e: {  	v3 =	vadd.f32 v3, v11;
	v4 =	vadd.f32 v4, v12;
	v7 =	vld.idx.msk [tilespmem:v0+s23+$0xE0 ss:$0x1], $0xffff  }
0x29f: {  	v11 =	vadd.f32 v9, v15;
	v10 =	vadd.f32 v10, v13;
	v8 =	vld.idx.msk [tilespmem:v0+s23+$0xF0 ss:$0x1], $0xffff  }
0x2a0: {  	v9 =	vadd.f32 v1, v3;
	v18 =	vadd.f32 v2, v4;
	v1 =	vld.idx.msk [tilespmem:v0+s23+$0x100 ss:$0x1], $0xffff  }
0x2a1: {  	v17 =	vadd.f32 v14, v11;
	v11 =	vadd.f32 v16, v10;
	v2 =	vld.idx.msk [tilespmem:v0+s23+$0x110 ss:$0x1], $0xffff  }
0x2a2: {  	v13 =	vld.idx.msk [tilespmem:v0+s23+$0x40 ss:$0x1], $0xffff  }
0x2a3: {  	v16 =	vld.idx.msk [tilespmem:v0+s23+$0x50 ss:$0x1], $0xffff  }
0x2a4: {  	v10 =	vld.idx.msk [tilespmem:v0+s23+$0x60 ss:$0x1], $0xffff  }
0x2a5: {  	v14 =	vld.idx.msk [tilespmem:v0+s23+$0x70 ss:$0x1], $0xffff  }
0x2a6: {  	v3 =	vld.idx.msk [tilespmem:v0+s23+$0x80 ss:$0x1], $0xffff  }
0x2a7: {  	v4 =	vld.idx.msk [tilespmem:v0+s23+$0x90 ss:$0x1], $0xffff  }
0x2a8: {  	v30 =	vld.idx.msk [tilespmem:v0+s23+$0xFFFFFFC0 ss:$0x1], $0xffff  }
0x2a9: {  	v33 =	vld.idx.msk [tilespmem:v0+s23+$0xFFFFFFD0 ss:$0x1], $0xffff  }
0x2aa: {  	v21 =	vld.idx.msk [tilespmem:v0+s23+$0xFFFFFFE0 ss:$0x1], $0xffff  }
0x2ab: {  	v22 =	vld.idx.msk [tilespmem:v0+s23+$0xFFFFFFF0 ss:$0x1], $0xffff  }
0x2ac: {  	v24 =	vld.idx.msk [tilespmem:v0+s23+$0xFFFFFF40 ss:$0x1], $0xffff  }
0x2ad: {  	v25 =	vld.idx.msk [tilespmem:v0+s23+$0xFFFFFF50 ss:$0x1], $0xffff  }
0x2ae: {  	v19 =	vld.idx.msk [tilespmem:v0+s23+$0xFFFFFEC0 ss:$0x1], $0xffff  }
0x2af: {  	v20 =	vld.idx.msk [tilespmem:v0+s23+$0xFFFFFED0 ss:$0x1], $0xffff  }
0x2b0: {  	v23 =	vld.idx.msk [tilespmem:v0+s23+$0xFFFFFEE0 ss:$0x1], $0xffff  }
0x2b1: {  	v26 =	vld.idx.msk [tilespmem:v0+s23+$0xFFFFFEF0 ss:$0x1], $0xffff  }
0x2b2: {  	v27 =	vld.idx.msk [tilespmem:v0+s23+$0xFFFFFF60 ss:$0x1], $0xffff  }
0x2b3: {  	v34 =	vld.idx.msk [tilespmem:v0+s23+$0xFFFFFF70 ss:$0x1], $0xffff  }
0x2b4: {  	v15 =	vld.idx.msk [tilespmem:v0+s23+$0x0 ss:$0x1], $0xffff  }
0x2b5: {  	v12 =	vld.idx.msk [tilespmem:v0+s23+$0x10 ss:$0x1], $0xffff  }
.Ltmp12:
0x2b6: {  	v28 =	vadd.f32 v19, v28;
	v29 =	vadd.f32 v20, v29;
	v19 =	vld.idx.msk [tilespmem:v0+s23+$0xFFFFFF80 ss:$0x1], $0xffff;
	(pc) =	sbr.rel @p0 .LBB2_27-.Ltmp12, $4  }
0x2b7: {  	v31 =	vadd.f32 v23, v31;
	v32 =	vadd.f32 v26, v32;
	v20 =	vld.idx.msk [tilespmem:v0+s23+$0xFFFFFF90 ss:$0x1], $0xffff  }
0x2b8: {  	v28 =	vadd.f32 v24, v28;
	v29 =	vadd.f32 v25, v29;
	v23 =	vld.idx.msk [tilespmem:v0+s23+$0xFFFFFF00 ss:$0x1], $0xffff  }
0x2b9: {  	v26 =	vadd.f32 v27, v31;
	v27 =	vadd.f32 v34, v32;
	v24 =	vld.idx.msk [tilespmem:v0+s23+$0xFFFFFF10 ss:$0x1], $0xffff  }
0x2ba: {  	s24 =	sadd.s32 $0xA00, s24;
	v28 =	vadd.f32 v30, v28;
	v29 =	vadd.f32 v33, v29;
	v25 =	vld.idx.msk [tilespmem:v0+s23+$0xFFFFFF20 ss:$0x1], $0xffff  }
0x2bb: {  	_ =	sdelay $0x1  }
0x2bc: {  	v21 =	vadd.f32 v21, v26;
	v22 =	vadd.f32 v22, v27  }
0x2bd: {  	v13 =	vadd.f32 v13, v28;
	v16 =	vadd.f32 v16, v29  }
0x2be: {  	v49 =	vld.idx.msk [tilespmem:v0+s23+$0xFFFFFF30 ss:$0x1], $0xffff;
	v10 =	vadd.f32 v10, v21;
	v14 =	vadd.f32 v14, v22  }
0x2bf: {  	v50 =	vld.idx.msk [tilespmem:v0+s23+$0xFFFFFFA0 ss:$0x1], $0xffff;
	v9 =	vadd.f32 v23, v9;
	v5 =	vadd.f32 v5, v13  }
0x2c0: {  	v51 =	vld.idx.msk [tilespmem:v0+s23+$0xFFFFFFB0 ss:$0x1], $0xffff;
	v6 =	vadd.f32 v6, v16;
	v53 =	vadd.f32 v24, v18  }
0x2c1: {  	v52 =	vld.idx.msk [tilespmem:v0+s23+$0x20 ss:$0x1], $0xffff;
	v7 =	vadd.f32 v7, v10;
	v8 =	vadd.f32 v8, v14  }
0x2c2: {  	v54 =	vld.idx.msk [tilespmem:v0+s23+$0x30 ss:$0x1], $0xffff;
	v17 =	vadd.f32 v25, v17;
	v9 =	vadd.f32 v19, v9  }
0x2c3: {  	v55 =	vld.idx.msk [tilespmem:v0+s23+$0xA0 ss:$0x1], $0xffff;
	v11 =	vadd.f32 v49, v11;
	v14 =	vadd.f32 v20, v53  }
0x2c4: {  	v56 =	vld.idx.msk [tilespmem:v0+s23+$0xB0 ss:$0x1], $0xffff;
	v17 =	vadd.f32 v50, v17;
	v9 =	vadd.f32 v15, v9  }
0x2c5: {  	v57 =	vld.idx.msk [tilespmem:v0+s23+$0x120 ss:$0x1], $0xffff;
	v11 =	vadd.f32 v51, v11;
	v12 =	vadd.f32 v12, v14  }
0x2c6: {  	v58 =	vld.idx.msk [tilespmem:v0+s23+$0x130 ss:$0x1], $0xffff;
	v10 =	vadd.f32 v52, v17;
	v3 =	vadd.f32 v3, v9  }
0x2c7: {  	v59 =	vadd.f32 v54, v11;
	v4 =	vadd.f32 v4, v12  }
0x2c8: {  	v10 =	vadd.f32 v55, v10;
	v1 =	vadd.f32 v1, v3  }
0x2c9: {  	v60 =	vadd.f32 v56, v59;
	v2 =	vadd.f32 v2, v4  }
0x2ca: {  	v61 =	vadd.f32 v57, v10;
	v1 =	vadd.f32 v1, v5  }
0x2cb: {  	s31 =	sshll.u32 s21, $0x6;
	s21 =	sadd.s32 $0x1, s21;
	v0 =	vadd.f32 v58, v60;
	v2 =	vadd.f32 v2, v6  }
0x2cc: {  	p0 =	sne.s32 s21, $0x10;
	v1 =	vmul.f32 $1.999999960e-02, v1;
	v62 =	vadd.f32 v61, v7  }
.Ltmp13:
0x2cd: {  	s23 =	sand.u32 $0x3FFFFFC0, s31;
	v2 =	vmul.f32 $1.999999960e-02, v2;
	v0 =	vadd.f32 v0, v8;
	(pc) =	sbr.rel @p0 .LBB2_26-.Ltmp13, $4  }
0x2ce: {  	[tilespmem:s23+$0x1C100] =	vst v1;
	v63 =	vmul.f32 $1.999999960e-02, v62  }
0x2cf: {  	[tilespmem:s23+$0x1C110] =	vst v2;
	v0 =	vmul.f32 $1.999999960e-02, v0  }
0x2d0: {  	[tilespmem:s23+$0x1C120] =	vst v63  }
0x2d1: {  	s22 =	sadd.s32 $0xC80, s22;
	[tilespmem:s23+$0x1C130] =	vst v0  }
0x2d2: {  	_ =	swait.ge [sflag:s13], $0xC800  }
0x2d3: {  	[sflag:s13] =	ssyncset.done $0x0  }
0x2d4: {  	s21 =	simm.s32 $0x0;
	s22 =	simm.s32 $0x1900;
	[sflag:s13] =	ssyncadd.s32 $0xFFFF3800  }
.LBB2_30:
0x2d5: {  	v0 =	vmov s22;
	_ =	sdelay $0x3  }
0x2d6: {  	s23 =	simm.s32 $0x0  }
0x2d7: {  	v5 =	vld.idx.msk [tilespmem:v0+s23+$0xCA00 ss:$0x1], $0xffff  }
0x2d8: {  	v6 =	vld.idx.msk [tilespmem:v0+s23+$0xCA10 ss:$0x1], $0xffff  }
0x2d9: {  	v7 =	vld.idx.msk [tilespmem:v0+s23+$0xCA20 ss:$0x1], $0xffff  }
0x2da: {  	v8 =	vld.idx.msk [tilespmem:v0+s23+$0xCA30 ss:$0x1], $0xffff  }
0x2db: {  	v1 =	vld.idx.msk [tilespmem:v0+s23+$0xCA40 ss:$0x1], $0xffff  }
0x2dc: {  	v2 =	vld.idx.msk [tilespmem:v0+s23+$0xCA50 ss:$0x1], $0xffff  }
0x2dd: {  	v13 =	vld.idx.msk [tilespmem:v0+s23+$0xC980 ss:$0x1], $0xffff  }
0x2de: {  	v16 =	vld.idx.msk [tilespmem:v0+s23+$0xC990 ss:$0x1], $0xffff  }
0x2df: {  	v10 =	vld.idx.msk [tilespmem:v0+s23+$0xC9A0 ss:$0x1], $0xffff  }
0x2e0: {  	v14 =	vld.idx.msk [tilespmem:v0+s23+$0xC9B0 ss:$0x1], $0xffff  }
0x2e1: {  	v3 =	vld.idx.msk [tilespmem:v0+s23+$0xC9C0 ss:$0x1], $0xffff  }
0x2e2: {  	v4 =	vld.idx.msk [tilespmem:v0+s23+$0xC9D0 ss:$0x1], $0xffff  }
0x2e3: {  	v11 =	vld.idx.msk [tilespmem:v0+s23+$0xC900 ss:$0x1], $0xffff  }
0x2e4: {  	v17 =	vld.idx.msk [tilespmem:v0+s23+$0xC910 ss:$0x1], $0xffff  }
0x2e5: {  	v21 =	vld.idx.msk [tilespmem:v0+s23+$0xC920 ss:$0x1], $0xffff  }
0x2e6: {  	v22 =	vld.idx.msk [tilespmem:v0+s23+$0xC930 ss:$0x1], $0xffff  }
0x2e7: {  	v18 =	vld.idx.msk [tilespmem:v0+s23+$0xC880 ss:$0x1], $0xffff  }
0x2e8: {  	v23 =	vld.idx.msk [tilespmem:v0+s23+$0xC890 ss:$0x1], $0xffff  }
0x2e9: {  	v19 =	vld.idx.msk [tilespmem:v0+s23+$0xC800 ss:$0x1], $0xffff  }
0x2ea: {  	v20 =	vld.idx.msk [tilespmem:v0+s23+$0xC810 ss:$0x1], $0xffff  }
0x2eb: {  	v24 =	vld.idx.msk [tilespmem:v0+s23+$0xC820 ss:$0x1], $0xffff  }
0x2ec: {  	v25 =	vld.idx.msk [tilespmem:v0+s23+$0xC830 ss:$0x1], $0xffff  }
0x2ed: {  	v26 =	vld.idx.msk [tilespmem:v0+s23+$0xC8A0 ss:$0x1], $0xffff  }
0x2ee: {  	v27 =	vld.idx.msk [tilespmem:v0+s23+$0xC8B0 ss:$0x1], $0xffff  }
0x2ef: {  	v9 =	vimm.f32 $0.0e+00;
	v15 =	vld.idx.msk [tilespmem:v0+s23+$0xC940 ss:$0x1], $0xffff  }
0x2f0: {  	v12 =	vld.idx.msk [tilespmem:v0+s23+$0xC950 ss:$0x1], $0xffff;
	v28 =	vadd.f32 v19, v9;
	v29 =	vadd.f32 v20, v9  }
0x2f1: {  	v19 =	vld.idx.msk [tilespmem:v0+s23+$0xC8C0 ss:$0x1], $0xffff;
	v24 =	vadd.f32 v24, v9;
	v25 =	vadd.f32 v25, v9  }
0x2f2: {  	v20 =	vld.idx.msk [tilespmem:v0+s23+$0xC8D0 ss:$0x1], $0xffff;
	v18 =	vadd.f32 v18, v28;
	v29 =	vadd.f32 v23, v29  }
0x2f3: {  	v23 =	vld.idx.msk [tilespmem:v0+s23+$0xC840 ss:$0x1], $0xffff;
	v26 =	vadd.f32 v26, v24;
	v27 =	vadd.f32 v27, v25  }
0x2f4: {  	v24 =	vld.idx.msk [tilespmem:v0+s23+$0xC850 ss:$0x1], $0xffff;
	v28 =	vadd.f32 v11, v18;
	v29 =	vadd.f32 v17, v29  }
0x2f5: {  	s24 =	simm.s32 $0xA00;
	v25 =	vld.idx.msk [tilespmem:v0+s23+$0xC860 ss:$0x1], $0xffff;
	v18 =	vimm.f32 $0.0e+00;
	v17 =	vimm.f32 $0.0e+00;
	v11 =	vimm.f32 $0.0e+00  }
.LBB2_31:
0x2f6: {  	p0 =	sne.s32 s24, $0x2800;
	v30 =	vld.idx.msk [tilespmem:v0+s23+$0xC870 ss:$0x1], $0xffff;
	v21 =	vadd.f32 v21, v26;
	v22 =	vadd.f32 v22, v27  }
0x2f7: {  	v26 =	vld.idx.msk [tilespmem:v0+s23+$0xC8E0 ss:$0x1], $0xffff;
	v13 =	vadd.f32 v13, v28;
	v16 =	vadd.f32 v16, v29  }
0x2f8: {  	v27 =	vld.idx.msk [tilespmem:v0+s23+$0xC8F0 ss:$0x1], $0xffff;
	v10 =	vadd.f32 v10, v21;
	v14 =	vadd.f32 v14, v22  }
0x2f9: {  	v21 =	vld.idx.msk [tilespmem:v0+s23+$0xC960 ss:$0x1], $0xffff;
	v28 =	vadd.f32 v5, v13;
	v29 =	vadd.f32 v6, v16  }
0x2fa: {  	v13 =	vld.idx.msk [tilespmem:v0+s23+$0xC970 ss:$0x1], $0xffff;
	v31 =	vadd.f32 v7, v10;
	v32 =	vadd.f32 v8, v14  }
0x2fb: {  	v5 =	vadd.f32 v23, v9;
	v6 =	vadd.f32 v24, v18;
	v9 =	vld.idx.msk [tilespmem:v0+s23+$0xC9E0 ss:$0x1], $0xffff  }
0x2fc: {  	v7 =	vadd.f32 v25, v17;
	v8 =	vadd.f32 v30, v11;
	v10 =	vld.idx.msk [tilespmem:v0+s23+$0xC9F0 ss:$0x1], $0xffff  }
0x2fd: {  	v11 =	vadd.f32 v19, v5;
	v6 =	vadd.f32 v20, v6;
	v14 =	vld.idx.msk [tilespmem:v0+s23+$0xCA60 ss:$0x1], $0xffff  }
0x2fe: {  	v7 =	vadd.f32 v26, v7;
	v8 =	vadd.f32 v27, v8;
	v16 =	vld.idx.msk [tilespmem:v0+s23+$0xCA70 ss:$0x1], $0xffff;
	s23 =	sshra.s32 s24, $0x2  }
0x2ff: {  	v11 =	vadd.f32 v15, v11;
	v12 =	vadd.f32 v12, v6;
	v5 =	vld.idx.msk [tilespmem:v0+s23+$0xCA00 ss:$0x1], $0xffff  }
0x300: {  	v15 =	vadd.f32 v21, v7;
	v13 =	vadd.f32 v13, v8;
	v6 =	vld.idx.msk [tilespmem:v0+s23+$0xCA10 ss:$0x1], $0xffff  }
0x301: {  	v3 =	vadd.f32 v3, v11;
	v4 =	vadd.f32 v4, v12;
	v7 =	vld.idx.msk [tilespmem:v0+s23+$0xCA20 ss:$0x1], $0xffff  }
0x302: {  	v11 =	vadd.f32 v9, v15;
	v10 =	vadd.f32 v10, v13;
	v8 =	vld.idx.msk [tilespmem:v0+s23+$0xCA30 ss:$0x1], $0xffff  }
0x303: {  	v9 =	vadd.f32 v1, v3;
	v18 =	vadd.f32 v2, v4;
	v1 =	vld.idx.msk [tilespmem:v0+s23+$0xCA40 ss:$0x1], $0xffff  }
0x304: {  	v17 =	vadd.f32 v14, v11;
	v11 =	vadd.f32 v16, v10;
	v2 =	vld.idx.msk [tilespmem:v0+s23+$0xCA50 ss:$0x1], $0xffff  }
0x305: {  	v13 =	vld.idx.msk [tilespmem:v0+s23+$0xC980 ss:$0x1], $0xffff  }
0x306: {  	v16 =	vld.idx.msk [tilespmem:v0+s23+$0xC990 ss:$0x1], $0xffff  }
0x307: {  	v10 =	vld.idx.msk [tilespmem:v0+s23+$0xC9A0 ss:$0x1], $0xffff  }
0x308: {  	v14 =	vld.idx.msk [tilespmem:v0+s23+$0xC9B0 ss:$0x1], $0xffff  }
0x309: {  	v3 =	vld.idx.msk [tilespmem:v0+s23+$0xC9C0 ss:$0x1], $0xffff  }
0x30a: {  	v4 =	vld.idx.msk [tilespmem:v0+s23+$0xC9D0 ss:$0x1], $0xffff  }
0x30b: {  	v30 =	vld.idx.msk [tilespmem:v0+s23+$0xC900 ss:$0x1], $0xffff  }
0x30c: {  	v33 =	vld.idx.msk [tilespmem:v0+s23+$0xC910 ss:$0x1], $0xffff  }
0x30d: {  	v21 =	vld.idx.msk [tilespmem:v0+s23+$0xC920 ss:$0x1], $0xffff  }
0x30e: {  	v22 =	vld.idx.msk [tilespmem:v0+s23+$0xC930 ss:$0x1], $0xffff  }
0x30f: {  	v24 =	vld.idx.msk [tilespmem:v0+s23+$0xC880 ss:$0x1], $0xffff  }
0x310: {  	v25 =	vld.idx.msk [tilespmem:v0+s23+$0xC890 ss:$0x1], $0xffff  }
0x311: {  	v19 =	vld.idx.msk [tilespmem:v0+s23+$0xC800 ss:$0x1], $0xffff  }
0x312: {  	v20 =	vld.idx.msk [tilespmem:v0+s23+$0xC810 ss:$0x1], $0xffff  }
0x313: {  	v23 =	vld.idx.msk [tilespmem:v0+s23+$0xC820 ss:$0x1], $0xffff  }
0x314: {  	v26 =	vld.idx.msk [tilespmem:v0+s23+$0xC830 ss:$0x1], $0xffff  }
0x315: {  	v27 =	vld.idx.msk [tilespmem:v0+s23+$0xC8A0 ss:$0x1], $0xffff  }
0x316: {  	v34 =	vld.idx.msk [tilespmem:v0+s23+$0xC8B0 ss:$0x1], $0xffff  }
0x317: {  	v15 =	vld.idx.msk [tilespmem:v0+s23+$0xC940 ss:$0x1], $0xffff  }
0x318: {  	v12 =	vld.idx.msk [tilespmem:v0+s23+$0xC950 ss:$0x1], $0xffff  }
.Ltmp14:
0x319: {  	v28 =	vadd.f32 v19, v28;
	v29 =	vadd.f32 v20, v29;
	v19 =	vld.idx.msk [tilespmem:v0+s23+$0xC8C0 ss:$0x1], $0xffff;
	(pc) =	sbr.rel @p0 .LBB2_31-.Ltmp14, $4  }
0x31a: {  	v31 =	vadd.f32 v23, v31;
	v32 =	vadd.f32 v26, v32;
	v20 =	vld.idx.msk [tilespmem:v0+s23+$0xC8D0 ss:$0x1], $0xffff  }
0x31b: {  	v28 =	vadd.f32 v24, v28;
	v29 =	vadd.f32 v25, v29;
	v23 =	vld.idx.msk [tilespmem:v0+s23+$0xC840 ss:$0x1], $0xffff  }
0x31c: {  	v26 =	vadd.f32 v27, v31;
	v27 =	vadd.f32 v34, v32;
	v24 =	vld.idx.msk [tilespmem:v0+s23+$0xC850 ss:$0x1], $0xffff  }
0x31d: {  	s24 =	sadd.s32 $0xA00, s24;
	v28 =	vadd.f32 v30, v28;
	v29 =	vadd.f32 v33, v29;
	v25 =	vld.idx.msk [tilespmem:v0+s23+$0xC860 ss:$0x1], $0xffff  }
0x31e: {  	_ =	sdelay $0x1  }
0x31f: {  	v21 =	vadd.f32 v21, v26;
	v22 =	vadd.f32 v22, v27  }
0x320: {  	v13 =	vadd.f32 v13, v28;
	v16 =	vadd.f32 v16, v29  }
0x321: {  	v49 =	vld.idx.msk [tilespmem:v0+s23+$0xC870 ss:$0x1], $0xffff;
	v10 =	vadd.f32 v10, v21;
	v14 =	vadd.f32 v14, v22  }
0x322: {  	v50 =	vld.idx.msk [tilespmem:v0+s23+$0xC8E0 ss:$0x1], $0xffff;
	v9 =	vadd.f32 v23, v9;
	v5 =	vadd.f32 v5, v13  }
0x323: {  	v51 =	vld.idx.msk [tilespmem:v0+s23+$0xC8F0 ss:$0x1], $0xffff;
	v6 =	vadd.f32 v6, v16;
	v53 =	vadd.f32 v24, v18  }
0x324: {  	v52 =	vld.idx.msk [tilespmem:v0+s23+$0xC960 ss:$0x1], $0xffff;
	v7 =	vadd.f32 v7, v10;
	v8 =	vadd.f32 v8, v14  }
0x325: {  	v54 =	vld.idx.msk [tilespmem:v0+s23+$0xC970 ss:$0x1], $0xffff;
	v17 =	vadd.f32 v25, v17;
	v9 =	vadd.f32 v19, v9  }
0x326: {  	v55 =	vld.idx.msk [tilespmem:v0+s23+$0xC9E0 ss:$0x1], $0xffff;
	v11 =	vadd.f32 v49, v11;
	v14 =	vadd.f32 v20, v53  }
0x327: {  	v56 =	vld.idx.msk [tilespmem:v0+s23+$0xC9F0 ss:$0x1], $0xffff;
	v17 =	vadd.f32 v50, v17;
	v9 =	vadd.f32 v15, v9  }
0x328: {  	v57 =	vld.idx.msk [tilespmem:v0+s23+$0xCA60 ss:$0x1], $0xffff;
	v11 =	vadd.f32 v51, v11;
	v12 =	vadd.f32 v12, v14  }
0x329: {  	v58 =	vld.idx.msk [tilespmem:v0+s23+$0xCA70 ss:$0x1], $0xffff;
	v10 =	vadd.f32 v52, v17;
	v3 =	vadd.f32 v3, v9  }
0x32a: {  	v59 =	vadd.f32 v54, v11;
	v4 =	vadd.f32 v4, v12  }
0x32b: {  	v10 =	vadd.f32 v55, v10;
	v1 =	vadd.f32 v1, v3  }
0x32c: {  	v60 =	vadd.f32 v56, v59;
	v2 =	vadd.f32 v2, v4  }
0x32d: {  	v61 =	vadd.f32 v57, v10;
	v1 =	vadd.f32 v1, v5  }
0x32e: {  	s31 =	sshll.u32 s21, $0x6;
	s21 =	sadd.s32 $0x1, s21;
	v0 =	vadd.f32 v58, v60;
	v2 =	vadd.f32 v2, v6  }
0x32f: {  	p0 =	sne.s32 s21, $0x10;
	v1 =	vmul.f32 $1.999999960e-02, v1;
	v62 =	vadd.f32 v61, v7  }
.Ltmp15:
0x330: {  	s23 =	sand.u32 $0x3FFFFFC0, s31;
	v2 =	vmul.f32 $1.999999960e-02, v2;
	v0 =	vadd.f32 v0, v8;
	(pc) =	sbr.rel @p0 .LBB2_30-.Ltmp15, $4  }
0x331: {  	[tilespmem:s23+$0x1C500] =	vst v1;
	v63 =	vmul.f32 $1.999999960e-02, v62  }
0x332: {  	[tilespmem:s23+$0x1C510] =	vst v2;
	v0 =	vmul.f32 $1.999999960e-02, v0  }
0x333: {  	[tilespmem:s23+$0x1C520] =	vst v63  }
0x334: {  	s22 =	sadd.s32 $0xC80, s22;
	[tilespmem:s23+$0x1C530] =	vst v0  }
0x335: {  	s20 =	sadd.s32 $0x1, s20  }
0x336: {  	p0 =	sne.s32 s20, s6  }
.Ltmp16:
0x337: {  	_ = 	snop;
	(pc) =	sbr.rel @p0 .LBB2_1-.Ltmp16, $4  }
0x338: {  	[hbm4b:s5+s2] =	stream.linear.scatter [tilespmem:s19], [sflag:$0x3], $0x2000, $0x38;
	[tilespmem:$0x1C900] =	vst v63  }
0x339: {  	_ =	swait.ge [sflag:s7], $0x2000  }
0x33a: {  	[sflag:s7] =	ssyncset.done $0x0  }
0x33b: {  	[sflag:s7] =	ssyncadd.s32 $0xFFFFE000  }
0x33c: {  	_ =	sfence.sel $0x180000  }
0x33d: {  	[bflag:$0x0] =	sbarrier.arrive $0xFFFF  }
0x33e: {  	p0 =	sne.s32 s0, $0x0;
	_ =	strace $0x90000047  }
0x33f: {  	s0 =	sadd.s32 @!p0 $0x100000, s1;
	[bflag:$0x2] =	sbarrier.arrive $0xFFFF  }
0x340: {  	[sflag:s0] =	ssyncadd.tile.s32 @!p0 $0x1;
	_ =	shalt  }
.Lfunc_end2:
_tile_overlayer_lowered:
.L_overlay_start_2:
0x341: {  	(tag) =	ssettag $0x2  }
0x342: {  	s0 =	rddreg [dreg:$0x0];
	s2 =	stileid.u32  }
0x343: {  	s1 =	rddreg [dreg:$0x1];
	p0 =	sne.s32 s2, $0x0  }
0x344: {  	s3 =	rddreg [dreg:$0x2];
	[bflag:$0x3] =	sbarrier.arrive $0xFFFF;
	s2 =	simm.s32 @!p0 $0x1C03  }
0x345: {  	[timem:s3], [sflag:s2] =	dma.local @!p0 [hbm:s0], s1  }
0x346: {  	s0 =	simm.s32 @!p0 $0x3  }
0x347: {  	_ =	swait.ge @!p0 [sflag:s0], s1  }
0x348: {  	s1 =	ssub.s32 @!p0 $0x0, s1;
	[sflag:s0] =	ssyncset.done @!p0 $0x0  }
0x349: {  	[sflag:s0] =	ssyncadd.s32 @!p0 s1  }
0x34a: {  	[bflag:$0x3] =	sbarrier.arrive $0xFFFF  }
0x34b: {  	_ =	shalt  }

</sc_bundles>
